<compile_context>
chip_gen: v7x
topology: tpu7x:2x2x1
jax: 0.10.2.dev20260603
libtpu: 0.0.44.dev20260713+nightly
codegen_flags: <defaults>
</compile_context>

<pallas_src>
import functools

import jax
import jax.numpy as jnp
from jax import lax
from jax.experimental import pallas as pl
from jax.experimental.pallas import tpu as pltpu
from jax.experimental.pallas import tpu_sc as plsc

N_NODES = 10000
N_EDGES = 320000
D = 128
DH = D // 2

NC, NS = 2, 16
CH = 128
EPT = 20480
NCHUNK = EPT // CH
E_PAD = EPT * NS
R = 10240
RPT = R // NS



NBUF = 4


def _sc_body(with_count, *refs):
    if with_count:
        (tab_hbm, src_hbm, dst_hbm, z64, z16, o16,
         agg_hbm, cnt_hbm,
         acc_sh, cnt_sh, src_v, dst_v, b0, b1, b2, b3, onesb, cbuf,
         g0, g1, g2, g3, s0, s1, s2, s3, csem) = refs
    else:
        (tab_hbm, src_hbm, dst_hbm, z64,
         agg_hbm,
         acc_sh, src_v, dst_v, b0, b1, b2, b3,
         g0, g1, g2, g3, s0, s1, s2, s3) = refs
    bufs = (b0, b1, b2, b3)
    gsem = (g0, g1, g2, g3)
    ssem = (s0, s1, s2, s3)

    cid = lax.axis_index("c")
    sid = lax.axis_index("s")
    row0 = sid * RPT

    pltpu.sync_copy(z64, bufs[0])
    for k in range(RPT // CH):
        pltpu.sync_copy(bufs[0], acc_sh.at[pl.ds(row0 + k * CH, CH)])
    if with_count:
        pltpu.sync_copy(z16, cbuf)
        for k in range(RPT // CH):
            pltpu.sync_copy(cbuf, cnt_sh.at[pl.ds(row0 + k * CH, CH)])
        pltpu.sync_copy(o16, onesb)

    pltpu.sync_copy(src_hbm.at[cid, sid], src_v)
    pltpu.sync_copy(dst_hbm.at[sid], dst_v)

    plsc.subcore_barrier()

    def count_scatter(j):
        if with_count:
            @pl.when((j < NCHUNK // 2) == (cid == 0))
            def _():
                pltpu.async_copy(onesb, cnt_sh.at[dst_v.at[j]], csem,
                                 add=True)

    for b in range(NBUF):
        pltpu.async_copy(tab_hbm.at[src_v.at[b]], bufs[b], gsem[b])

    NR = NCHUNK // NBUF

    def round_body(g, carry):
        for b in range(NBUF):
            j = g * NBUF + b
            pltpu.make_async_copy(
                tab_hbm.at[src_v.at[j]], bufs[b], gsem[b]).wait()
            pltpu.async_copy(bufs[b], acc_sh.at[dst_v.at[j]], ssem[b],
                             add=True)
            count_scatter(j)
        for b in range(NBUF):
            j = g * NBUF + b
            pltpu.make_async_copy(
                bufs[b], acc_sh.at[dst_v.at[j]], ssem[b]).wait()
            pltpu.async_copy(tab_hbm.at[src_v.at[j + NBUF]], bufs[b],
                             gsem[b])
        return carry

    lax.fori_loop(0, NR - 1, round_body, 0)
    for b in range(NBUF):
        j = (NR - 1) * NBUF + b
        pltpu.make_async_copy(
            tab_hbm.at[src_v.at[j]], bufs[b], gsem[b]).wait()
        pltpu.async_copy(bufs[b], acc_sh.at[dst_v.at[j]], ssem[b], add=True)
        count_scatter(j)
    for b in range(NBUF):
        j = (NR - 1) * NBUF + b
        pltpu.make_async_copy(
            bufs[b], acc_sh.at[dst_v.at[j]], ssem[b]).wait()
    if with_count:
        def drain(i, carry):
            pltpu.make_async_copy(
                onesb, cnt_sh.at[dst_v.at[0]], csem).wait()
            return carry
        lax.fori_loop(0, NCHUNK // 2, drain, 0)

    plsc.subcore_barrier()

    nwb = RPT // CH
    for k in range(nwb):
        b = k % NBUF
        r = row0 + k * CH
        if k >= NBUF:
            rp = row0 + (k - NBUF) * CH
            pltpu.make_async_copy(
                bufs[b], agg_hbm.at[pl.ds(rp, CH), cid], gsem[b]).wait()
        pltpu.sync_copy(acc_sh.at[pl.ds(r, CH)], bufs[b])
        pltpu.async_copy(bufs[b], agg_hbm.at[pl.ds(r, CH), cid], gsem[b])
    for k in range(max(0, nwb - NBUF), nwb):
        b = k % NBUF
        r = row0 + k * CH
        pltpu.make_async_copy(
            bufs[b], agg_hbm.at[pl.ds(r, CH), cid], gsem[b]).wait()
    if with_count:
        for k in range(RPT // CH):
            r = row0 + k * CH
            pltpu.sync_copy(cnt_sh.at[pl.ds(r, CH)], cbuf)
            pltpu.sync_copy(cbuf, cnt_hbm.at[cid, pl.ds(r, CH)])


def _make_sc_pass(with_count):
    mesh = plsc.VectorSubcoreMesh(core_axis_name="c", subcore_axis_name="s")
    out_type = [jax.ShapeDtypeStruct((R, NC, DH), jnp.float32)]
    scratch = [
        pltpu.VMEM_SHARED((R, DH), jnp.float32),
    ]
    if with_count:
        out_type.append(jax.ShapeDtypeStruct((NC, R, 16), jnp.float32))
        scratch.append(pltpu.VMEM_SHARED((R, 16), jnp.float32))
    scratch += [
        pltpu.VMEM((NCHUNK, CH), jnp.int32),
        pltpu.VMEM((NCHUNK, CH), jnp.int32),
    ]
    scratch += [pltpu.VMEM((CH, DH), jnp.float32)] * NBUF
    if with_count:
        scratch += [
            pltpu.VMEM((CH, 16), jnp.float32),
            pltpu.VMEM((CH, 16), jnp.float32),
        ]
    scratch += [pltpu.SemaphoreType.DMA] * (2 * NBUF)
    if with_count:
        scratch += [pltpu.SemaphoreType.DMA]
    return pl.kernel(
        functools.partial(_sc_body, with_count),
        out_type=out_type,
        mesh=mesh,
        scratch_types=scratch,
        compiler_params=pltpu.CompilerParams(use_tc_tiling_on_sc=False),
    )


CH2 = 64
NCHUNK2 = 318
EPT2 = CH2 * NCHUNK2
E_PAD2 = EPT2 * NS


def _sc_body2(tab2_hbm, src_hbm, dst_hbm, z2,
              agg_hbm,
              tab_sh, acc_sh, src_v, dst_v, b0, b1,
              g0, g1, s0, s1):
    bufs = (b0, b1)
    gsem = (g0, g1)
    ssem = (s0, s1)

    cid = lax.axis_index("c")
    sid = lax.axis_index("s")
    row0 = sid * RPT

    pltpu.sync_copy(z2, bufs[0])
    for k in range(RPT // CH2):
        pltpu.sync_copy(bufs[0], acc_sh.at[pl.ds(row0 + k * CH2, CH2)])
    for k in range(RPT // CH2):
        r = row0 + k * CH2
        pltpu.sync_copy(tab2_hbm.at[cid, pl.ds(r, CH2)], bufs[1])
        pltpu.sync_copy(bufs[1], tab_sh.at[pl.ds(r, CH2)])

    pltpu.sync_copy(src_hbm.at[sid], src_v)
    pltpu.sync_copy(dst_hbm.at[sid], dst_v)

    plsc.subcore_barrier()

    for b in range(2):
        pltpu.async_copy(tab_sh.at[src_v.at[b]], bufs[b], gsem[b])

    NR = NCHUNK2 // 2

    def round_body(g, carry):
        for b in range(2):
            j = 2 * g + b
            pltpu.make_async_copy(
                tab_sh.at[src_v.at[j]], bufs[b], gsem[b]).wait()
            pltpu.async_copy(bufs[b], acc_sh.at[dst_v.at[j]], ssem[b],
                             add=True)
        for b in range(2):
            j = 2 * g + b
            pltpu.make_async_copy(
                bufs[b], acc_sh.at[dst_v.at[j]], ssem[b]).wait()
            pltpu.async_copy(tab_sh.at[src_v.at[j + 2]], bufs[b], gsem[b])
        return carry

    lax.fori_loop(0, NR - 1, round_body, 0)
    for b in range(2):
        j = (NR - 1) * 2 + b
        pltpu.make_async_copy(
            tab_sh.at[src_v.at[j]], bufs[b], gsem[b]).wait()
        pltpu.async_copy(bufs[b], acc_sh.at[dst_v.at[j]], ssem[b], add=True)
    for b in range(2):
        j = (NR - 1) * 2 + b
        pltpu.make_async_copy(
            bufs[b], acc_sh.at[dst_v.at[j]], ssem[b]).wait()

    plsc.subcore_barrier()

    nwb = RPT // CH2
    for k in range(nwb):
        b = k % 2
        r = row0 + k * CH2
        if k >= 2:
            rp = row0 + (k - 2) * CH2
            pltpu.make_async_copy(
                bufs[b], agg_hbm.at[pl.ds(rp, CH2), cid], gsem[b]).wait()
        pltpu.sync_copy(acc_sh.at[pl.ds(r, CH2)], bufs[b])
        pltpu.async_copy(bufs[b], agg_hbm.at[pl.ds(r, CH2), cid], gsem[b])
    for k in range(nwb - 2, nwb):
        b = k % 2
        r = row0 + k * CH2
        pltpu.make_async_copy(
            bufs[b], agg_hbm.at[pl.ds(r, CH2), cid], gsem[b]).wait()


def _make_sc_pass2():
    mesh = plsc.VectorSubcoreMesh(core_axis_name="c", subcore_axis_name="s")
    return pl.kernel(
        _sc_body2,
        out_type=[jax.ShapeDtypeStruct((R, NC, DH), jnp.float32)],
        mesh=mesh,
        scratch_types=[
            pltpu.VMEM_SHARED((R, DH), jnp.float32),
            pltpu.VMEM_SHARED((R, DH), jnp.float32),
            pltpu.VMEM((NCHUNK2, CH2), jnp.int32),
            pltpu.VMEM((NCHUNK2, CH2), jnp.int32),
            pltpu.VMEM((CH2, DH), jnp.float32),
            pltpu.VMEM((CH2, DH), jnp.float32),
            pltpu.SemaphoreType.DMA, pltpu.SemaphoreType.DMA,
            pltpu.SemaphoreType.DMA, pltpu.SemaphoreType.DMA,
        ],
        compiler_params=pltpu.CompilerParams(use_tc_tiling_on_sc=False),
    )



def _tc_layer_body(agg_ref, cnt_ref, x_ref, wl_ref, wr_ref, b_ref,
                   o_ref, os_ref):
    c = cnt_ref[0, :, 0] + cnt_ref[1, :, 0]
    mean = agg_ref[...] / jnp.maximum(c, 1.0)[:, None]
    h = (jnp.dot(mean, wl_ref[...], preferred_element_type=jnp.float32)
         + jnp.dot(x_ref[...], wr_ref[...], preferred_element_type=jnp.float32)
         + b_ref[...])
    h = jnp.maximum(h, 0.0)
    o_ref[...] = h
    os_ref[0] = h[:, :DH]
    os_ref[1] = h[:, DH:]


def _tc_layer(agg, cnt, x, wl, wr, b):
    blk = 640
    return pl.pallas_call(
        _tc_layer_body,
        grid=(R // blk,),
        in_specs=[
            pl.BlockSpec((blk, D), lambda i: (i, 0)),
            pl.BlockSpec((NC, blk, 16), lambda i: (0, i, 0)),
            pl.BlockSpec((blk, D), lambda i: (i, 0)),
            pl.BlockSpec((D, D), lambda i: (0, 0)),
            pl.BlockSpec((D, D), lambda i: (0, 0)),
            pl.BlockSpec((1, D), lambda i: (0, 0)),
        ],
        out_specs=[
            pl.BlockSpec((blk, D), lambda i: (i, 0)),
            pl.BlockSpec((NC, blk, DH), lambda i: (0, i, 0)),
        ],
        out_shape=[
            jax.ShapeDtypeStruct((R, D), jnp.float32),
            jax.ShapeDtypeStruct((NC, R, DH), jnp.float32),
        ],
    )(agg, cnt, x, wl, wr, b)


def _tc_final_body(agg_ref, cnt_ref, h_ref, wl_ref, wr_ref, b_ref,
                   wf_ref, bf_ref, o_ref):
    c = cnt_ref[0, :, 0] + cnt_ref[1, :, 0]
    mean = agg_ref[...] / jnp.maximum(c, 1.0)[:, None]
    h2 = (jnp.dot(mean, wl_ref[...], preferred_element_type=jnp.float32)
          + jnp.dot(h_ref[...], wr_ref[...], preferred_element_type=jnp.float32)
          + b_ref[...])
    h2 = jnp.maximum(h2, 0.0)
    o_ref[...] = (jnp.dot(h2, wf_ref[...], preferred_element_type=jnp.float32)
                  + bf_ref[...])


def _tc_final(agg, cnt, h, wl, wr, b, wf_pad, bf_pad):
    blk = 640
    return pl.pallas_call(
        _tc_final_body,
        grid=(R // blk,),
        in_specs=[
            pl.BlockSpec((blk, D), lambda i: (i, 0)),
            pl.BlockSpec((NC, blk, 16), lambda i: (0, i, 0)),
            pl.BlockSpec((blk, D), lambda i: (i, 0)),
            pl.BlockSpec((D, D), lambda i: (0, 0)),
            pl.BlockSpec((D, D), lambda i: (0, 0)),
            pl.BlockSpec((1, D), lambda i: (0, 0)),
            pl.BlockSpec((D, D), lambda i: (0, 0)),
            pl.BlockSpec((1, D), lambda i: (0, 0)),
        ],
        out_specs=pl.BlockSpec((blk, D), lambda i: (i, 0)),
        out_shape=jax.ShapeDtypeStruct((R, D), jnp.float32),
    )(agg, cnt, h, wl, wr, b, wf_pad, bf_pad)



def kernel(x, edge_index, Wl1, Wr1, b1, Wl2, Wr2, b2, Wfc, bfc):
    src = edge_index[0].astype(jnp.int32)
    dst = edge_index[1].astype(jnp.int32)
    npad = E_PAD - N_EDGES
    pad_ar = jnp.arange(npad, dtype=jnp.int32)
    src_p = jnp.concatenate(
        [src, pad_ar % N_NODES]).reshape(NS, NCHUNK, CH)
    dst_p = jnp.concatenate(
        [dst, N_NODES + pad_ar % (R - N_NODES)]).reshape(NS, NCHUNK, CH)
    src2 = jnp.stack([2 * src_p, 2 * src_p + 1])
    xp = jnp.zeros((R, D), jnp.float32).at[:N_NODES].set(x)

    z64 = jnp.zeros((CH, DH), jnp.float32)
    z16 = jnp.zeros((CH, 16), jnp.float32)
    o16 = jnp.ones((CH, 16), jnp.float32)

    npad2 = E_PAD2 - N_EDGES
    pad_ar2 = jnp.arange(npad2, dtype=jnp.int32)
    srcp2 = jnp.concatenate(
        [src, pad_ar2 % N_NODES]).reshape(NS, NCHUNK2, CH2)
    dstp2 = jnp.concatenate(
        [dst, N_NODES + pad_ar2 % (R - N_NODES)]).reshape(NS, NCHUNK2, CH2)
    z2 = jnp.zeros((CH2, DH), jnp.float32)

    sc1 = _make_sc_pass(True)
    sc2 = _make_sc_pass2()

    agg1, cnt = sc1(xp.reshape(2 * R, DH), src2, dst_p, z64, z16, o16)
    h, h_split = _tc_layer(agg1.reshape(R, D), cnt, xp, Wl1, Wr1,
                           b1.reshape(1, D))
    (agg2,) = sc2(h_split, srcp2, dstp2, z2)

    wf_pad = jnp.zeros((D, D), jnp.float32).at[:, :1].set(Wfc)
    bf_pad = jnp.broadcast_to(bfc.reshape(1, 1), (1, D))
    outp = _tc_final(agg2.reshape(R, D), cnt, h, Wl2, Wr2, b2.reshape(1, D),
                     wf_pad, bf_pad)
    return outp[:N_NODES, :1]

# --- scband reference (transcript-rebuilt; emitter-appended) ---
"""Pipeline reference for scband-graph-sage-model-54863912239933 (READ-ONLY COPY).

The authoritative reference and input builder live on the scoring server;
editing this copy changes nothing except your own understanding.
"""

import jax, jax.numpy as jnp
import numpy as np

N_NODES = 10000
N_EDGES = 320000
D_IN = 128
HIDDEN = [128, 128]
D_OUT = 1


def setup_inputs(seed: int = 0) -> dict:
    key = jax.random.key(seed)
    ks = jax.random.split(key, 16)
    x = jax.random.normal(ks[0], (N_NODES, D_IN), dtype=jnp.float32)
    edge_index = jax.random.randint(ks[1], (2, N_EDGES), 0, N_NODES, dtype=jnp.int64)
    # SAGEConv params: lin_l (applied to aggregated neighbors, with bias) and lin_r (root)
    s1 = 1.0 / np.sqrt(D_IN)
    Wl1 = jax.random.normal(ks[2], (D_IN, HIDDEN[0]), dtype=jnp.float32) * s1
    Wr1 = jax.random.normal(ks[3], (D_IN, HIDDEN[0]), dtype=jnp.float32) * s1
    b1 = jnp.zeros((HIDDEN[0],), dtype=jnp.float32)
    s2 = 1.0 / np.sqrt(HIDDEN[0])
    Wl2 = jax.random.normal(ks[4], (HIDDEN[0], HIDDEN[1]), dtype=jnp.float32) * s2
    Wr2 = jax.random.normal(ks[5], (HIDDEN[0], HIDDEN[1]), dtype=jnp.float32) * s2
    b2 = jnp.zeros((HIDDEN[1],), dtype=jnp.float32)
    s3 = 1.0 / np.sqrt(HIDDEN[1])
    Wfc = jax.random.normal(ks[6], (HIDDEN[1], D_OUT), dtype=jnp.float32) * s3
    bfc = jnp.zeros((D_OUT,), dtype=jnp.float32)
    return {"x": x, "edge_index": edge_index, "Wl1": Wl1, "Wr1": Wr1, "b1": b1,
            "Wl2": Wl2, "Wr2": Wr2, "b2": b2, "Wfc": Wfc, "bfc": bfc}


def _sage_conv(x, src, dst, Wl, Wr, b):
    # mean aggregation of source-node features onto destination nodes
    msgs = jnp.take(x, src, axis=0)                                   # gather [E, d]
    agg = jax.ops.segment_sum(msgs, dst, num_segments=N_NODES)        # scatter-add
    cnt = jax.ops.segment_sum(jnp.ones((msgs.shape[0],), dtype=x.dtype), dst, num_segments=N_NODES)
    mean = agg / jnp.clip(cnt, 1.0, None)[:, None]
    return mean @ Wl + x @ Wr + b


def reference(x, edge_index, Wl1, Wr1, b1, Wl2, Wr2, b2, Wfc, bfc):
    src = edge_index[0]
    dst = edge_index[1]
    h = _sage_conv(x, src, dst, Wl1, Wr1, b1)
    h = jax.nn.relu(h)
    # dropout p=0.0 -> identity
    h = _sage_conv(h, src, dst, Wl2, Wr2, b2)
    h = jax.nn.relu(h)
    out = h @ Wfc + bfc
    return out

if __name__ == "__main__":
    import jax
    _d = setup_inputs()
    print(jax.jit(kernel)(*tuple(_d.values())))

</pallas_src>

<mosaic_0001>
#map = affine_map<(d0, d1) -> (0, 0, 0)>
#map1 = affine_map<(d0, d1) -> (0, 0)>
module attributes {stable_mosaic.version = 14 : i64} {
  func.func @_sc_body2(%arg0: i32, %arg1: i32, %arg2: memref<2x10240x64xf32, #tpu.memory_space<hbm>>, %arg3: memref<16x318x64xi32, #tpu.memory_space<hbm>>, %arg4: memref<16x318x64xi32, #tpu.memory_space<hbm>>, %arg5: memref<64x64xf32, #tpu.memory_space<hbm>>, %arg6: memref<10240x2x64xf32, #tpu.memory_space<hbm>>, %arg7: memref<10240x64xf32, #tpu.memory_space<vmem_shared>>, %arg8: memref<10240x64xf32, #tpu.memory_space<vmem_shared>>, %arg9: memref<318x64xi32, #tpu.memory_space<vmem>>, %arg10: memref<318x64xi32, #tpu.memory_space<vmem>>, %arg11: memref<64x64xf32, #tpu.memory_space<vmem>>, %arg12: memref<64x64xf32, #tpu.memory_space<vmem>>, %arg13: memref<!tpu.dma_semaphore, #tpu.memory_space<semaphore_mem>>, %arg14: memref<!tpu.dma_semaphore, #tpu.memory_space<semaphore_mem>>, %arg15: memref<!tpu.dma_semaphore, #tpu.memory_space<semaphore_mem>>, %arg16: memref<!tpu.dma_semaphore, #tpu.memory_space<semaphore_mem>>) attributes {dimension_semantics = [#tpu.dimension_semantics<core_parallel>, #tpu.dimension_semantics<subcore_parallel>], iteration_bounds = array<i64: 2, 16>, scalar_prefetch = 0 : i64, scratch_operands = 10 : i64, tpu.core_type = #tpu.core_type<sc_vector_subcore>, window_params = [{transform_indices = #map}, {transform_indices = #map}, {transform_indices = #map}, {transform_indices = #map1}, {transform_indices = #map}]} {
    %mul3A = arith.constant 640 : i32
    %mul3A_0 = arith.muli %arg1, %mul3A : i32
    "tpu.region"() ({
      %run_scoped3A = tpu.sem_alloc : memref<!tpu.dma_semaphore, #tpu.memory_space<semaphore_mem>>
      tpu.enqueue_dma source(%arg5 : memref<64x64xf32, #tpu.memory_space<hbm>>) target(%arg11 : memref<64x64xf32, #tpu.memory_space<vmem>>) target_semaphore(%run_scoped3A : memref<!tpu.dma_semaphore, #tpu.memory_space<semaphore_mem>>)
      tpu.wait_dma2 semaphore(%run_scoped3A : memref<!tpu.dma_semaphore, #tpu.memory_space<semaphore_mem>>) src(%arg5 : memref<64x64xf32, #tpu.memory_space<hbm>>) dst(%arg11 : memref<64x64xf32, #tpu.memory_space<vmem>>)
      tpu.yield
    }) : () -> ()
    %add3A = arith.constant 0 : i32
    %add3A_1 = arith.addi %mul3A_0, %add3A : i32
    "tpu.region"() ({
      %run_scoped3A = tpu.sem_alloc : memref<!tpu.dma_semaphore, #tpu.memory_space<semaphore_mem>>
      %dma_start3A_260 = arith.constant 0 : i32
      %dma_start3A_261 = tpu.memref_slice %arg8[%add3A_1, %dma_start3A_260] : memref<10240x64xf32, #tpu.memory_space<vmem_shared>> -> memref<64x64xf32, #tpu.memory_space<vmem_shared>>
      %dma_start3A_262 = arith.constant 0 : i32
      %dma_start3A_263 = tpu.memref_slice %arg8[%add3A_1, %dma_start3A_262] : memref<10240x64xf32, #tpu.memory_space<vmem_shared>> -> memref<64x64xf32, #tpu.memory_space<vmem_shared>>
      tpu.enqueue_dma source(%arg11 : memref<64x64xf32, #tpu.memory_space<vmem>>) target(%dma_start3A_263 : memref<64x64xf32, #tpu.memory_space<vmem_shared>>) target_semaphore(%run_scoped3A : memref<!tpu.dma_semaphore, #tpu.memory_space<semaphore_mem>>)
      %dma_wait3A_264 = arith.constant 0 : i32
      %dma_wait3A_265 = tpu.memref_slice %arg8[%add3A_1, %dma_wait3A_264] : memref<10240x64xf32, #tpu.memory_space<vmem_shared>> -> memref<64x64xf32, #tpu.memory_space<vmem_shared>>
      %dma_wait3A_266 = arith.constant 0 : i32
      %dma_wait3A_267 = tpu.memref_slice %arg8[%add3A_1, %dma_wait3A_266] : memref<10240x64xf32, #tpu.memory_space<vmem_shared>> -> memref<64x64xf32, #tpu.memory_space<vmem_shared>>
      tpu.wait_dma2 semaphore(%run_scoped3A : memref<!tpu.dma_semaphore, #tpu.memory_space<semaphore_mem>>) src(%arg11 : memref<64x64xf32, #tpu.memory_space<vmem>>) dst(%dma_wait3A_267 : memref<64x64xf32, #tpu.memory_space<vmem_shared>>)
      tpu.yield
    }) : () -> ()
    %add3A_2 = arith.constant 64 : i32
    %add3A_3 = arith.addi %mul3A_0, %add3A_2 : i32
    "tpu.region"() ({
      %run_scoped3A = tpu.sem_alloc : memref<!tpu.dma_semaphore, #tpu.memory_space<semaphore_mem>>
      %dma_start3A_260 = arith.constant 0 : i32
      %dma_start3A_261 = tpu.memref_slice %arg8[%add3A_3, %dma_start3A_260] : memref<10240x64xf32, #tpu.memory_space<vmem_shared>> -> memref<64x64xf32, #tpu.memory_space<vmem_shared>>
      %dma_start3A_262 = arith.constant 0 : i32
      %dma_start3A_263 = tpu.memref_slice %arg8[%add3A_3, %dma_start3A_262] : memref<10240x64xf32, #tpu.memory_space<vmem_shared>> -> memref<64x64xf32, #tpu.memory_space<vmem_shared>>
      tpu.enqueue_dma source(%arg11 : memref<64x64xf32, #tpu.memory_space<vmem>>) target(%dma_start3A_263 : memref<64x64xf32, #tpu.memory_space<vmem_shared>>) target_semaphore(%run_scoped3A : memref<!tpu.dma_semaphore, #tpu.memory_space<semaphore_mem>>)
      %dma_wait3A_264 = arith.constant 0 : i32
      %dma_wait3A_265 = tpu.memref_slice %arg8[%add3A_3, %dma_wait3A_264] : memref<10240x64xf32, #tpu.memory_space<vmem_shared>> -> memref<64x64xf32, #tpu.memory_space<vmem_shared>>
      %dma_wait3A_266 = arith.constant 0 : i32
      %dma_wait3A_267 = tpu.memref_slice %arg8[%add3A_3, %dma_wait3A_266] : memref<10240x64xf32, #tpu.memory_space<vmem_shared>> -> memref<64x64xf32, #tpu.memory_space<vmem_shared>>
      tpu.wait_dma2 semaphore(%run_scoped3A : memref<!tpu.dma_semaphore, #tpu.memory_space<semaphore_mem>>) src(%arg11 : memref<64x64xf32, #tpu.memory_space<vmem>>) dst(%dma_wait3A_267 : memref<64x64xf32, #tpu.memory_space<vmem_shared>>)
      tpu.yield
    }) : () -> ()
    %add3A_4 = arith.constant 128 : i32
    %add3A_5 = arith.addi %mul3A_0, %add3A_4 : i32
    "tpu.region"() ({
      %run_scoped3A = tpu.sem_alloc : memref<!tpu.dma_semaphore, #tpu.memory_space<semaphore_mem>>
      %dma_start3A_260 = arith.constant 0 : i32
      %dma_start3A_261 = tpu.memref_slice %arg8[%add3A_5, %dma_start3A_260] : memref<10240x64xf32, #tpu.memory_space<vmem_shared>> -> memref<64x64xf32, #tpu.memory_space<vmem_shared>>
      %dma_start3A_262 = arith.constant 0 : i32
      %dma_start3A_263 = tpu.memref_slice %arg8[%add3A_5, %dma_start3A_262] : memref<10240x64xf32, #tpu.memory_space<vmem_shared>> -> memref<64x64xf32, #tpu.memory_space<vmem_shared>>
      tpu.enqueue_dma source(%arg11 : memref<64x64xf32, #tpu.memory_space<vmem>>) target(%dma_start3A_263 : memref<64x64xf32, #tpu.memory_space<vmem_shared>>) target_semaphore(%run_scoped3A : memref<!tpu.dma_semaphore, #tpu.memory_space<semaphore_mem>>)
      %dma_wait3A_264 = arith.constant 0 : i32
      %dma_wait3A_265 = tpu.memref_slice %arg8[%add3A_5, %dma_wait3A_264] : memref<10240x64xf32, #tpu.memory_space<vmem_shared>> -> memref<64x64xf32, #tpu.memory_space<vmem_shared>>
      %dma_wait3A_266 = arith.constant 0 : i32
      %dma_wait3A_267 = tpu.memref_slice %arg8[%add3A_5, %dma_wait3A_266] : memref<10240x64xf32, #tpu.memory_space<vmem_shared>> -> memref<64x64xf32, #tpu.memory_space<vmem_shared>>
      tpu.wait_dma2 semaphore(%run_scoped3A : memref<!tpu.dma_semaphore, #tpu.memory_space<semaphore_mem>>) src(%arg11 : memref<64x64xf32, #tpu.memory_space<vmem>>) dst(%dma_wait3A_267 : memref<64x64xf32, #tpu.memory_space<vmem_shared>>)
      tpu.yield
    }) : () -> ()
    %add3A_6 = arith.constant 192 : i32
    %add3A_7 = arith.addi %mul3A_0, %add3A_6 : i32
    "tpu.region"() ({
      %run_scoped3A = tpu.sem_alloc : memref<!tpu.dma_semaphore, #tpu.memory_space<semaphore_mem>>
      %dma_start3A_260 = arith.constant 0 : i32
      %dma_start3A_261 = tpu.memref_slice %arg8[%add3A_7, %dma_start3A_260] : memref<10240x64xf32, #tpu.memory_space<vmem_shared>> -> memref<64x64xf32, #tpu.memory_space<vmem_shared>>
      %dma_start3A_262 = arith.constant 0 : i32
      %dma_start3A_263 = tpu.memref_slice %arg8[%add3A_7, %dma_start3A_262] : memref<10240x64xf32, #tpu.memory_space<vmem_shared>> -> memref<64x64xf32, #tpu.memory_space<vmem_shared>>
      tpu.enqueue_dma source(%arg11 : memref<64x64xf32, #tpu.memory_space<vmem>>) target(%dma_start3A_263 : memref<64x64xf32, #tpu.memory_space<vmem_shared>>) target_semaphore(%run_scoped3A : memref<!tpu.dma_semaphore, #tpu.memory_space<semaphore_mem>>)
      %dma_wait3A_264 = arith.constant 0 : i32
      %dma_wait3A_265 = tpu.memref_slice %arg8[%add3A_7, %dma_wait3A_264] : memref<10240x64xf32, #tpu.memory_space<vmem_shared>> -> memref<64x64xf32, #tpu.memory_space<vmem_shared>>
      %dma_wait3A_266 = arith.constant 0 : i32
      %dma_wait3A_267 = tpu.memref_slice %arg8[%add3A_7, %dma_wait3A_266] : memref<10240x64xf32, #tpu.memory_space<vmem_shared>> -> memref<64x64xf32, #tpu.memory_space<vmem_shared>>
      tpu.wait_dma2 semaphore(%run_scoped3A : memref<!tpu.dma_semaphore, #tpu.memory_space<semaphore_mem>>) src(%arg11 : memref<64x64xf32, #tpu.memory_space<vmem>>) dst(%dma_wait3A_267 : memref<64x64xf32, #tpu.memory_space<vmem_shared>>)
      tpu.yield
    }) : () -> ()
    %add3A_8 = arith.constant 256 : i32
    %add3A_9 = arith.addi %mul3A_0, %add3A_8 : i32
    "tpu.region"() ({
      %run_scoped3A = tpu.sem_alloc : memref<!tpu.dma_semaphore, #tpu.memory_space<semaphore_mem>>
      %dma_start3A_260 = arith.constant 0 : i32
      %dma_start3A_261 = tpu.memref_slice %arg8[%add3A_9, %dma_start3A_260] : memref<10240x64xf32, #tpu.memory_space<vmem_shared>> -> memref<64x64xf32, #tpu.memory_space<vmem_shared>>
      %dma_start3A_262 = arith.constant 0 : i32
      %dma_start3A_263 = tpu.memref_slice %arg8[%add3A_9, %dma_start3A_262] : memref<10240x64xf32, #tpu.memory_space<vmem_shared>> -> memref<64x64xf32, #tpu.memory_space<vmem_shared>>
      tpu.enqueue_dma source(%arg11 : memref<64x64xf32, #tpu.memory_space<vmem>>) target(%dma_start3A_263 : memref<64x64xf32, #tpu.memory_space<vmem_shared>>) target_semaphore(%run_scoped3A : memref<!tpu.dma_semaphore, #tpu.memory_space<semaphore_mem>>)
      %dma_wait3A_264 = arith.constant 0 : i32
      %dma_wait3A_265 = tpu.memref_slice %arg8[%add3A_9, %dma_wait3A_264] : memref<10240x64xf32, #tpu.memory_space<vmem_shared>> -> memref<64x64xf32, #tpu.memory_space<vmem_shared>>
      %dma_wait3A_266 = arith.constant 0 : i32
      %dma_wait3A_267 = tpu.memref_slice %arg8[%add3A_9, %dma_wait3A_266] : memref<10240x64xf32, #tpu.memory_space<vmem_shared>> -> memref<64x64xf32, #tpu.memory_space<vmem_shared>>
      tpu.wait_dma2 semaphore(%run_scoped3A : memref<!tpu.dma_semaphore, #tpu.memory_space<semaphore_mem>>) src(%arg11 : memref<64x64xf32, #tpu.memory_space<vmem>>) dst(%dma_wait3A_267 : memref<64x64xf32, #tpu.memory_space<vmem_shared>>)
      tpu.yield
    }) : () -> ()
    %add3A_10 = arith.constant 320 : i32
    %add3A_11 = arith.addi %mul3A_0, %add3A_10 : i32
    "tpu.region"() ({
      %run_scoped3A = tpu.sem_alloc : memref<!tpu.dma_semaphore, #tpu.memory_space<semaphore_mem>>
      %dma_start3A_260 = arith.constant 0 : i32
      %dma_start3A_261 = tpu.memref_slice %arg8[%add3A_11, %dma_start3A_260] : memref<10240x64xf32, #tpu.memory_space<vmem_shared>> -> memref<64x64xf32, #tpu.memory_space<vmem_shared>>
      %dma_start3A_262 = arith.constant 0 : i32
      %dma_start3A_263 = tpu.memref_slice %arg8[%add3A_11, %dma_start3A_262] : memref<10240x64xf32, #tpu.memory_space<vmem_shared>> -> memref<64x64xf32, #tpu.memory_space<vmem_shared>>
      tpu.enqueue_dma source(%arg11 : memref<64x64xf32, #tpu.memory_space<vmem>>) target(%dma_start3A_263 : memref<64x64xf32, #tpu.memory_space<vmem_shared>>) target_semaphore(%run_scoped3A : memref<!tpu.dma_semaphore, #tpu.memory_space<semaphore_mem>>)
      %dma_wait3A_264 = arith.constant 0 : i32
      %dma_wait3A_265 = tpu.memref_slice %arg8[%add3A_11, %dma_wait3A_264] : memref<10240x64xf32, #tpu.memory_space<vmem_shared>> -> memref<64x64xf32, #tpu.memory_space<vmem_shared>>
      %dma_wait3A_266 = arith.constant 0 : i32
      %dma_wait3A_267 = tpu.memref_slice %arg8[%add3A_11, %dma_wait3A_266] : memref<10240x64xf32, #tpu.memory_space<vmem_shared>> -> memref<64x64xf32, #tpu.memory_space<vmem_shared>>
      tpu.wait_dma2 semaphore(%run_scoped3A : memref<!tpu.dma_semaphore, #tpu.memory_space<semaphore_mem>>) src(%arg11 : memref<64x64xf32, #tpu.memory_space<vmem>>) dst(%dma_wait3A_267 : memref<64x64xf32, #tpu.memory_space<vmem_shared>>)
      tpu.yield
    }) : () -> ()
    %add3A_12 = arith.constant 384 : i32
    %add3A_13 = arith.addi %mul3A_0, %add3A_12 : i32
    "tpu.region"() ({
      %run_scoped3A = tpu.sem_alloc : memref<!tpu.dma_semaphore, #tpu.memory_space<semaphore_mem>>
      %dma_start3A_260 = arith.constant 0 : i32
      %dma_start3A_261 = tpu.memref_slice %arg8[%add3A_13, %dma_start3A_260] : memref<10240x64xf32, #tpu.memory_space<vmem_shared>> -> memref<64x64xf32, #tpu.memory_space<vmem_shared>>
      %dma_start3A_262 = arith.constant 0 : i32
      %dma_start3A_263 = tpu.memref_slice %arg8[%add3A_13, %dma_start3A_262] : memref<10240x64xf32, #tpu.memory_space<vmem_shared>> -> memref<64x64xf32, #tpu.memory_space<vmem_shared>>
      tpu.enqueue_dma source(%arg11 : memref<64x64xf32, #tpu.memory_space<vmem>>) target(%dma_start3A_263 : memref<64x64xf32, #tpu.memory_space<vmem_shared>>) target_semaphore(%run_scoped3A : memref<!tpu.dma_semaphore, #tpu.memory_space<semaphore_mem>>)
      %dma_wait3A_264 = arith.constant 0 : i32
      %dma_wait3A_265 = tpu.memref_slice %arg8[%add3A_13, %dma_wait3A_264] : memref<10240x64xf32, #tpu.memory_space<vmem_shared>> -> memref<64x64xf32, #tpu.memory_space<vmem_shared>>
      %dma_wait3A_266 = arith.constant 0 : i32
      %dma_wait3A_267 = tpu.memref_slice %arg8[%add3A_13, %dma_wait3A_266] : memref<10240x64xf32, #tpu.memory_space<vmem_shared>> -> memref<64x64xf32, #tpu.memory_space<vmem_shared>>
      tpu.wait_dma2 semaphore(%run_scoped3A : memref<!tpu.dma_semaphore, #tpu.memory_space<semaphore_mem>>) src(%arg11 : memref<64x64xf32, #tpu.memory_space<vmem>>) dst(%dma_wait3A_267 : memref<64x64xf32, #tpu.memory_space<vmem_shared>>)
      tpu.yield
    }) : () -> ()
    %add3A_14 = arith.constant 448 : i32
    %add3A_15 = arith.addi %mul3A_0, %add3A_14 : i32
    "tpu.region"() ({
      %run_scoped3A = tpu.sem_alloc : memref<!tpu.dma_semaphore, #tpu.memory_space<semaphore_mem>>
      %dma_start3A_260 = arith.constant 0 : i32
      %dma_start3A_261 = tpu.memref_slice %arg8[%add3A_15, %dma_start3A_260] : memref<10240x64xf32, #tpu.memory_space<vmem_shared>> -> memref<64x64xf32, #tpu.memory_space<vmem_shared>>
      %dma_start3A_262 = arith.constant 0 : i32
      %dma_start3A_263 = tpu.memref_slice %arg8[%add3A_15, %dma_start3A_262] : memref<10240x64xf32, #tpu.memory_space<vmem_shared>> -> memref<64x64xf32, #tpu.memory_space<vmem_shared>>
      tpu.enqueue_dma source(%arg11 : memref<64x64xf32, #tpu.memory_space<vmem>>) target(%dma_start3A_263 : memref<64x64xf32, #tpu.memory_space<vmem_shared>>) target_semaphore(%run_scoped3A : memref<!tpu.dma_semaphore, #tpu.memory_space<semaphore_mem>>)
      %dma_wait3A_264 = arith.constant 0 : i32
      %dma_wait3A_265 = tpu.memref_slice %arg8[%add3A_15, %dma_wait3A_264] : memref<10240x64xf32, #tpu.memory_space<vmem_shared>> -> memref<64x64xf32, #tpu.memory_space<vmem_shared>>
      %dma_wait3A_266 = arith.constant 0 : i32
      %dma_wait3A_267 = tpu.memref_slice %arg8[%add3A_15, %dma_wait3A_266] : memref<10240x64xf32, #tpu.memory_space<vmem_shared>> -> memref<64x64xf32, #tpu.memory_space<vmem_shared>>
      tpu.wait_dma2 semaphore(%run_scoped3A : memref<!tpu.dma_semaphore, #tpu.memory_space<semaphore_mem>>) src(%arg11 : memref<64x64xf32, #tpu.memory_space<vmem>>) dst(%dma_wait3A_267 : memref<64x64xf32, #tpu.memory_space<vmem_shared>>)
      tpu.yield
    }) : () -> ()
    %add3A_16 = arith.constant 512 : i32
    %add3A_17 = arith.addi %mul3A_0, %add3A_16 : i32
    "tpu.region"() ({
      %run_scoped3A = tpu.sem_alloc : memref<!tpu.dma_semaphore, #tpu.memory_space<semaphore_mem>>
      %dma_start3A_260 = arith.constant 0 : i32
      %dma_start3A_261 = tpu.memref_slice %arg8[%add3A_17, %dma_start3A_260] : memref<10240x64xf32, #tpu.memory_space<vmem_shared>> -> memref<64x64xf32, #tpu.memory_space<vmem_shared>>
      %dma_start3A_262 = arith.constant 0 : i32
      %dma_start3A_263 = tpu.memref_slice %arg8[%add3A_17, %dma_start3A_262] : memref<10240x64xf32, #tpu.memory_space<vmem_shared>> -> memref<64x64xf32, #tpu.memory_space<vmem_shared>>
      tpu.enqueue_dma source(%arg11 : memref<64x64xf32, #tpu.memory_space<vmem>>) target(%dma_start3A_263 : memref<64x64xf32, #tpu.memory_space<vmem_shared>>) target_semaphore(%run_scoped3A : memref<!tpu.dma_semaphore, #tpu.memory_space<semaphore_mem>>)
      %dma_wait3A_264 = arith.constant 0 : i32
      %dma_wait3A_265 = tpu.memref_slice %arg8[%add3A_17, %dma_wait3A_264] : memref<10240x64xf32, #tpu.memory_space<vmem_shared>> -> memref<64x64xf32, #tpu.memory_space<vmem_shared>>
      %dma_wait3A_266 = arith.constant 0 : i32
      %dma_wait3A_267 = tpu.memref_slice %arg8[%add3A_17, %dma_wait3A_266] : memref<10240x64xf32, #tpu.memory_space<vmem_shared>> -> memref<64x64xf32, #tpu.memory_space<vmem_shared>>
      tpu.wait_dma2 semaphore(%run_scoped3A : memref<!tpu.dma_semaphore, #tpu.memory_space<semaphore_mem>>) src(%arg11 : memref<64x64xf32, #tpu.memory_space<vmem>>) dst(%dma_wait3A_267 : memref<64x64xf32, #tpu.memory_space<vmem_shared>>)
      tpu.yield
    }) : () -> ()
    %add3A_18 = arith.constant 576 : i32
    %add3A_19 = arith.addi %mul3A_0, %add3A_18 : i32
    "tpu.region"() ({
      %run_scoped3A = tpu.sem_alloc : memref<!tpu.dma_semaphore, #tpu.memory_space<semaphore_mem>>
      %dma_start3A_260 = arith.constant 0 : i32
      %dma_start3A_261 = tpu.memref_slice %arg8[%add3A_19, %dma_start3A_260] : memref<10240x64xf32, #tpu.memory_space<vmem_shared>> -> memref<64x64xf32, #tpu.memory_space<vmem_shared>>
      %dma_start3A_262 = arith.constant 0 : i32
      %dma_start3A_263 = tpu.memref_slice %arg8[%add3A_19, %dma_start3A_262] : memref<10240x64xf32, #tpu.memory_space<vmem_shared>> -> memref<64x64xf32, #tpu.memory_space<vmem_shared>>
      tpu.enqueue_dma source(%arg11 : memref<64x64xf32, #tpu.memory_space<vmem>>) target(%dma_start3A_263 : memref<64x64xf32, #tpu.memory_space<vmem_shared>>) target_semaphore(%run_scoped3A : memref<!tpu.dma_semaphore, #tpu.memory_space<semaphore_mem>>)
      %dma_wait3A_264 = arith.constant 0 : i32
      %dma_wait3A_265 = tpu.memref_slice %arg8[%add3A_19, %dma_wait3A_264] : memref<10240x64xf32, #tpu.memory_space<vmem_shared>> -> memref<64x64xf32, #tpu.memory_space<vmem_shared>>
      %dma_wait3A_266 = arith.constant 0 : i32
      %dma_wait3A_267 = tpu.memref_slice %arg8[%add3A_19, %dma_wait3A_266] : memref<10240x64xf32, #tpu.memory_space<vmem_shared>> -> memref<64x64xf32, #tpu.memory_space<vmem_shared>>
      tpu.wait_dma2 semaphore(%run_scoped3A : memref<!tpu.dma_semaphore, #tpu.memory_space<semaphore_mem>>) src(%arg11 : memref<64x64xf32, #tpu.memory_space<vmem>>) dst(%dma_wait3A_267 : memref<64x64xf32, #tpu.memory_space<vmem_shared>>)
      tpu.yield
    }) : () -> ()
    %add3A_20 = arith.constant 0 : i32
    %add3A_21 = arith.addi %mul3A_0, %add3A_20 : i32
    "tpu.region"() ({
      %run_scoped3A = tpu.sem_alloc : memref<!tpu.dma_semaphore, #tpu.memory_space<semaphore_mem>>
      %dma_start3A_260 = arith.constant 0 : i32
      %dma_start3A_261 = tpu.memref_slice %arg2[%arg0, %add3A_21, %dma_start3A_260] : memref<2x10240x64xf32, #tpu.memory_space<hbm>> -> memref<1x64x64xf32, #tpu.memory_space<hbm>>
      %dma_start3A_262 = tpu.memref_squeeze %dma_start3A_261 : memref<1x64x64xf32, #tpu.memory_space<hbm>> -> memref<64x64xf32, #tpu.memory_space<hbm>>
      %dma_start3A_263 = arith.constant 0 : i32
      %dma_start3A_264 = tpu.memref_slice %arg2[%arg0, %add3A_21, %dma_start3A_263] : memref<2x10240x64xf32, #tpu.memory_space<hbm>> -> memref<1x64x64xf32, #tpu.memory_space<hbm>>
      %dma_start3A_265 = tpu.memref_squeeze %dma_start3A_264 : memref<1x64x64xf32, #tpu.memory_space<hbm>> -> memref<64x64xf32, #tpu.memory_space<hbm>>
      tpu.enqueue_dma source(%dma_start3A_265 : memref<64x64xf32, #tpu.memory_space<hbm>>) target(%arg12 : memref<64x64xf32, #tpu.memory_space<vmem>>) target_semaphore(%run_scoped3A : memref<!tpu.dma_semaphore, #tpu.memory_space<semaphore_mem>>)
      %dma_wait3A_266 = arith.constant 0 : i32
      %dma_wait3A_267 = tpu.memref_slice %arg2[%arg0, %add3A_21, %dma_wait3A_266] : memref<2x10240x64xf32, #tpu.memory_space<hbm>> -> memref<1x64x64xf32, #tpu.memory_space<hbm>>
      %dma_wait3A_268 = tpu.memref_squeeze %dma_wait3A_267 : memref<1x64x64xf32, #tpu.memory_space<hbm>> -> memref<64x64xf32, #tpu.memory_space<hbm>>
      %dma_wait3A_269 = arith.constant 0 : i32
      %dma_wait3A_270 = tpu.memref_slice %arg2[%arg0, %add3A_21, %dma_wait3A_269] : memref<2x10240x64xf32, #tpu.memory_space<hbm>> -> memref<1x64x64xf32, #tpu.memory_space<hbm>>
      %dma_wait3A_271 = tpu.memref_squeeze %dma_wait3A_270 : memref<1x64x64xf32, #tpu.memory_space<hbm>> -> memref<64x64xf32, #tpu.memory_space<hbm>>
      tpu.wait_dma2 semaphore(%run_scoped3A : memref<!tpu.dma_semaphore, #tpu.memory_space<semaphore_mem>>) src(%dma_wait3A_271 : memref<64x64xf32, #tpu.memory_space<hbm>>) dst(%arg12 : memref<64x64xf32, #tpu.memory_space<vmem>>)
      tpu.yield
    }) : () -> ()
    "tpu.region"() ({
      %run_scoped3A = tpu.sem_alloc : memref<!tpu.dma_semaphore, #tpu.memory_space<semaphore_mem>>
      %dma_start3A_260 = arith.constant 0 : i32
      %dma_start3A_261 = tpu.memref_slice %arg7[%add3A_21, %dma_start3A_260] : memref<10240x64xf32, #tpu.memory_space<vmem_shared>> -> memref<64x64xf32, #tpu.memory_space<vmem_shared>>
      %dma_start3A_262 = arith.constant 0 : i32
      %dma_start3A_263 = tpu.memref_slice %arg7[%add3A_21, %dma_start3A_262] : memref<10240x64xf32, #tpu.memory_space<vmem_shared>> -> memref<64x64xf32, #tpu.memory_space<vmem_shared>>
      tpu.enqueue_dma source(%arg12 : memref<64x64xf32, #tpu.memory_space<vmem>>) target(%dma_start3A_263 : memref<64x64xf32, #tpu.memory_space<vmem_shared>>) target_semaphore(%run_scoped3A : memref<!tpu.dma_semaphore, #tpu.memory_space<semaphore_mem>>)
      %dma_wait3A_264 = arith.constant 0 : i32
      %dma_wait3A_265 = tpu.memref_slice %arg7[%add3A_21, %dma_wait3A_264] : memref<10240x64xf32, #tpu.memory_space<vmem_shared>> -> memref<64x64xf32, #tpu.memory_space<vmem_shared>>
      %dma_wait3A_266 = arith.constant 0 : i32
      %dma_wait3A_267 = tpu.memref_slice %arg7[%add3A_21, %dma_wait3A_266] : memref<10240x64xf32, #tpu.memory_space<vmem_shared>> -> memref<64x64xf32, #tpu.memory_space<vmem_shared>>
      tpu.wait_dma2 semaphore(%run_scoped3A : memref<!tpu.dma_semaphore, #tpu.memory_space<semaphore_mem>>) src(%arg12 : memref<64x64xf32, #tpu.memory_space<vmem>>) dst(%dma_wait3A_267 : memref<64x64xf32, #tpu.memory_space<vmem_shared>>)
      tpu.yield
    }) : () -> ()
    %add3A_22 = arith.constant 64 : i32
    %add3A_23 = arith.addi %mul3A_0, %add3A_22 : i32
    "tpu.region"() ({
      %run_scoped3A = tpu.sem_alloc : memref<!tpu.dma_semaphore, #tpu.memory_space<semaphore_mem>>
      %dma_start3A_260 = arith.constant 0 : i32
      %dma_start3A_261 = tpu.memref_slice %arg2[%arg0, %add3A_23, %dma_start3A_260] : memref<2x10240x64xf32, #tpu.memory_space<hbm>> -> memref<1x64x64xf32, #tpu.memory_space<hbm>>
      %dma_start3A_262 = tpu.memref_squeeze %dma_start3A_261 : memref<1x64x64xf32, #tpu.memory_space<hbm>> -> memref<64x64xf32, #tpu.memory_space<hbm>>
      %dma_start3A_263 = arith.constant 0 : i32
      %dma_start3A_264 = tpu.memref_slice %arg2[%arg0, %add3A_23, %dma_start3A_263] : memref<2x10240x64xf32, #tpu.memory_space<hbm>> -> memref<1x64x64xf32, #tpu.memory_space<hbm>>
      %dma_start3A_265 = tpu.memref_squeeze %dma_start3A_264 : memref<1x64x64xf32, #tpu.memory_space<hbm>> -> memref<64x64xf32, #tpu.memory_space<hbm>>
      tpu.enqueue_dma source(%dma_start3A_265 : memref<64x64xf32, #tpu.memory_space<hbm>>) target(%arg12 : memref<64x64xf32, #tpu.memory_space<vmem>>) target_semaphore(%run_scoped3A : memref<!tpu.dma_semaphore, #tpu.memory_space<semaphore_mem>>)
      %dma_wait3A_266 = arith.constant 0 : i32
      %dma_wait3A_267 = tpu.memref_slice %arg2[%arg0, %add3A_23, %dma_wait3A_266] : memref<2x10240x64xf32, #tpu.memory_space<hbm>> -> memref<1x64x64xf32, #tpu.memory_space<hbm>>
      %dma_wait3A_268 = tpu.memref_squeeze %dma_wait3A_267 : memref<1x64x64xf32, #tpu.memory_space<hbm>> -> memref<64x64xf32, #tpu.memory_space<hbm>>
      %dma_wait3A_269 = arith.constant 0 : i32
      %dma_wait3A_270 = tpu.memref_slice %arg2[%arg0, %add3A_23, %dma_wait3A_269] : memref<2x10240x64xf32, #tpu.memory_space<hbm>> -> memref<1x64x64xf32, #tpu.memory_space<hbm>>
      %dma_wait3A_271 = tpu.memref_squeeze %dma_wait3A_270 : memref<1x64x64xf32, #tpu.memory_space<hbm>> -> memref<64x64xf32, #tpu.memory_space<hbm>>
      tpu.wait_dma2 semaphore(%run_scoped3A : memref<!tpu.dma_semaphore, #tpu.memory_space<semaphore_mem>>) src(%dma_wait3A_271 : memref<64x64xf32, #tpu.memory_space<hbm>>) dst(%arg12 : memref<64x64xf32, #tpu.memory_space<vmem>>)
      tpu.yield
    }) : () -> ()
    "tpu.region"() ({
      %run_scoped3A = tpu.sem_alloc : memref<!tpu.dma_semaphore, #tpu.memory_space<semaphore_mem>>
      %dma_start3A_260 = arith.constant 0 : i32
      %dma_start3A_261 = tpu.memref_slice %arg7[%add3A_23, %dma_start3A_260] : memref<10240x64xf32, #tpu.memory_space<vmem_shared>> -> memref<64x64xf32, #tpu.memory_space<vmem_shared>>
      %dma_start3A_262 = arith.constant 0 : i32
      %dma_start3A_263 = tpu.memref_slice %arg7[%add3A_23, %dma_start3A_262] : memref<10240x64xf32, #tpu.memory_space<vmem_shared>> -> memref<64x64xf32, #tpu.memory_space<vmem_shared>>
      tpu.enqueue_dma source(%arg12 : memref<64x64xf32, #tpu.memory_space<vmem>>) target(%dma_start3A_263 : memref<64x64xf32, #tpu.memory_space<vmem_shared>>) target_semaphore(%run_scoped3A : memref<!tpu.dma_semaphore, #tpu.memory_space<semaphore_mem>>)
      %dma_wait3A_264 = arith.constant 0 : i32
      %dma_wait3A_265 = tpu.memref_slice %arg7[%add3A_23, %dma_wait3A_264] : memref<10240x64xf32, #tpu.memory_space<vmem_shared>> -> memref<64x64xf32, #tpu.memory_space<vmem_shared>>
      %dma_wait3A_266 = arith.constant 0 : i32
      %dma_wait3A_267 = tpu.memref_slice %arg7[%add3A_23, %dma_wait3A_266] : memref<10240x64xf32, #tpu.memory_space<vmem_shared>> -> memref<64x64xf32, #tpu.memory_space<vmem_shared>>
      tpu.wait_dma2 semaphore(%run_scoped3A : memref<!tpu.dma_semaphore, #tpu.memory_space<semaphore_mem>>) src(%arg12 : memref<64x64xf32, #tpu.memory_space<vmem>>) dst(%dma_wait3A_267 : memref<64x64xf32, #tpu.memory_space<vmem_shared>>)
      tpu.yield
    }) : () -> ()
    %add3A_24 = arith.constant 128 : i32
    %add3A_25 = arith.addi %mul3A_0, %add3A_24 : i32
    "tpu.region"() ({
      %run_scoped3A = tpu.sem_alloc : memref<!tpu.dma_semaphore, #tpu.memory_space<semaphore_mem>>
      %dma_start3A_260 = arith.constant 0 : i32
      %dma_start3A_261 = tpu.memref_slice %arg2[%arg0, %add3A_25, %dma_start3A_260] : memref<2x10240x64xf32, #tpu.memory_space<hbm>> -> memref<1x64x64xf32, #tpu.memory_space<hbm>>
      %dma_start3A_262 = tpu.memref_squeeze %dma_start3A_261 : memref<1x64x64xf32, #tpu.memory_space<hbm>> -> memref<64x64xf32, #tpu.memory_space<hbm>>
      %dma_start3A_263 = arith.constant 0 : i32
      %dma_start3A_264 = tpu.memref_slice %arg2[%arg0, %add3A_25, %dma_start3A_263] : memref<2x10240x64xf32, #tpu.memory_space<hbm>> -> memref<1x64x64xf32, #tpu.memory_space<hbm>>
      %dma_start3A_265 = tpu.memref_squeeze %dma_start3A_264 : memref<1x64x64xf32, #tpu.memory_space<hbm>> -> memref<64x64xf32, #tpu.memory_space<hbm>>
      tpu.enqueue_dma source(%dma_start3A_265 : memref<64x64xf32, #tpu.memory_space<hbm>>) target(%arg12 : memref<64x64xf32, #tpu.memory_space<vmem>>) target_semaphore(%run_scoped3A : memref<!tpu.dma_semaphore, #tpu.memory_space<semaphore_mem>>)
      %dma_wait3A_266 = arith.constant 0 : i32
      %dma_wait3A_267 = tpu.memref_slice %arg2[%arg0, %add3A_25, %dma_wait3A_266] : memref<2x10240x64xf32, #tpu.memory_space<hbm>> -> memref<1x64x64xf32, #tpu.memory_space<hbm>>
      %dma_wait3A_268 = tpu.memref_squeeze %dma_wait3A_267 : memref<1x64x64xf32, #tpu.memory_space<hbm>> -> memref<64x64xf32, #tpu.memory_space<hbm>>
      %dma_wait3A_269 = arith.constant 0 : i32
      %dma_wait3A_270 = tpu.memref_slice %arg2[%arg0, %add3A_25, %dma_wait3A_269] : memref<2x10240x64xf32, #tpu.memory_space<hbm>> -> memref<1x64x64xf32, #tpu.memory_space<hbm>>
      %dma_wait3A_271 = tpu.memref_squeeze %dma_wait3A_270 : memref<1x64x64xf32, #tpu.memory_space<hbm>> -> memref<64x64xf32, #tpu.memory_space<hbm>>
      tpu.wait_dma2 semaphore(%run_scoped3A : memref<!tpu.dma_semaphore, #tpu.memory_space<semaphore_mem>>) src(%dma_wait3A_271 : memref<64x64xf32, #tpu.memory_space<hbm>>) dst(%arg12 : memref<64x64xf32, #tpu.memory_space<vmem>>)
      tpu.yield
    }) : () -> ()
    "tpu.region"() ({
      %run_scoped3A = tpu.sem_alloc : memref<!tpu.dma_semaphore, #tpu.memory_space<semaphore_mem>>
      %dma_start3A_260 = arith.constant 0 : i32
      %dma_start3A_261 = tpu.memref_slice %arg7[%add3A_25, %dma_start3A_260] : memref<10240x64xf32, #tpu.memory_space<vmem_shared>> -> memref<64x64xf32, #tpu.memory_space<vmem_shared>>
      %dma_start3A_262 = arith.constant 0 : i32
      %dma_start3A_263 = tpu.memref_slice %arg7[%add3A_25, %dma_start3A_262] : memref<10240x64xf32, #tpu.memory_space<vmem_shared>> -> memref<64x64xf32, #tpu.memory_space<vmem_shared>>
      tpu.enqueue_dma source(%arg12 : memref<64x64xf32, #tpu.memory_space<vmem>>) target(%dma_start3A_263 : memref<64x64xf32, #tpu.memory_space<vmem_shared>>) target_semaphore(%run_scoped3A : memref<!tpu.dma_semaphore, #tpu.memory_space<semaphore_mem>>)
      %dma_wait3A_264 = arith.constant 0 : i32
      %dma_wait3A_265 = tpu.memref_slice %arg7[%add3A_25, %dma_wait3A_264] : memref<10240x64xf32, #tpu.memory_space<vmem_shared>> -> memref<64x64xf32, #tpu.memory_space<vmem_shared>>
      %dma_wait3A_266 = arith.constant 0 : i32
      %dma_wait3A_267 = tpu.memref_slice %arg7[%add3A_25, %dma_wait3A_266] : memref<10240x64xf32, #tpu.memory_space<vmem_shared>> -> memref<64x64xf32, #tpu.memory_space<vmem_shared>>
      tpu.wait_dma2 semaphore(%run_scoped3A : memref<!tpu.dma_semaphore, #tpu.memory_space<semaphore_mem>>) src(%arg12 : memref<64x64xf32, #tpu.memory_space<vmem>>) dst(%dma_wait3A_267 : memref<64x64xf32, #tpu.memory_space<vmem_shared>>)
      tpu.yield
    }) : () -> ()
    %add3A_26 = arith.constant 192 : i32
    %add3A_27 = arith.addi %mul3A_0, %add3A_26 : i32
    "tpu.region"() ({
      %run_scoped3A = tpu.sem_alloc : memref<!tpu.dma_semaphore, #tpu.memory_space<semaphore_mem>>
      %dma_start3A_260 = arith.constant 0 : i32
      %dma_start3A_261 = tpu.memref_slice %arg2[%arg0, %add3A_27, %dma_start3A_260] : memref<2x10240x64xf32, #tpu.memory_space<hbm>> -> memref<1x64x64xf32, #tpu.memory_space<hbm>>
      %dma_start3A_262 = tpu.memref_squeeze %dma_start3A_261 : memref<1x64x64xf32, #tpu.memory_space<hbm>> -> memref<64x64xf32, #tpu.memory_space<hbm>>
      %dma_start3A_263 = arith.constant 0 : i32
      %dma_start3A_264 = tpu.memref_slice %arg2[%arg0, %add3A_27, %dma_start3A_263] : memref<2x10240x64xf32, #tpu.memory_space<hbm>> -> memref<1x64x64xf32, #tpu.memory_space<hbm>>
      %dma_start3A_265 = tpu.memref_squeeze %dma_start3A_264 : memref<1x64x64xf32, #tpu.memory_space<hbm>> -> memref<64x64xf32, #tpu.memory_space<hbm>>
      tpu.enqueue_dma source(%dma_start3A_265 : memref<64x64xf32, #tpu.memory_space<hbm>>) target(%arg12 : memref<64x64xf32, #tpu.memory_space<vmem>>) target_semaphore(%run_scoped3A : memref<!tpu.dma_semaphore, #tpu.memory_space<semaphore_mem>>)
      %dma_wait3A_266 = arith.constant 0 : i32
      %dma_wait3A_267 = tpu.memref_slice %arg2[%arg0, %add3A_27, %dma_wait3A_266] : memref<2x10240x64xf32, #tpu.memory_space<hbm>> -> memref<1x64x64xf32, #tpu.memory_space<hbm>>
      %dma_wait3A_268 = tpu.memref_squeeze %dma_wait3A_267 : memref<1x64x64xf32, #tpu.memory_space<hbm>> -> memref<64x64xf32, #tpu.memory_space<hbm>>
      %dma_wait3A_269 = arith.constant 0 : i32
      %dma_wait3A_270 = tpu.memref_slice %arg2[%arg0, %add3A_27, %dma_wait3A_269] : memref<2x10240x64xf32, #tpu.memory_space<hbm>> -> memref<1x64x64xf32, #tpu.memory_space<hbm>>
      %dma_wait3A_271 = tpu.memref_squeeze %dma_wait3A_270 : memref<1x64x64xf32, #tpu.memory_space<hbm>> -> memref<64x64xf32, #tpu.memory_space<hbm>>
      tpu.wait_dma2 semaphore(%run_scoped3A : memref<!tpu.dma_semaphore, #tpu.memory_space<semaphore_mem>>) src(%dma_wait3A_271 : memref<64x64xf32, #tpu.memory_space<hbm>>) dst(%arg12 : memref<64x64xf32, #tpu.memory_space<vmem>>)
      tpu.yield
    }) : () -> ()
    "tpu.region"() ({
      %run_scoped3A = tpu.sem_alloc : memref<!tpu.dma_semaphore, #tpu.memory_space<semaphore_mem>>
      %dma_start3A_260 = arith.constant 0 : i32
      %dma_start3A_261 = tpu.memref_slice %arg7[%add3A_27, %dma_start3A_260] : memref<10240x64xf32, #tpu.memory_space<vmem_shared>> -> memref<64x64xf32, #tpu.memory_space<vmem_shared>>
      %dma_start3A_262 = arith.constant 0 : i32
      %dma_start3A_263 = tpu.memref_slice %arg7[%add3A_27, %dma_start3A_262] : memref<10240x64xf32, #tpu.memory_space<vmem_shared>> -> memref<64x64xf32, #tpu.memory_space<vmem_shared>>
      tpu.enqueue_dma source(%arg12 : memref<64x64xf32, #tpu.memory_space<vmem>>) target(%dma_start3A_263 : memref<64x64xf32, #tpu.memory_space<vmem_shared>>) target_semaphore(%run_scoped3A : memref<!tpu.dma_semaphore, #tpu.memory_space<semaphore_mem>>)
      %dma_wait3A_264 = arith.constant 0 : i32
      %dma_wait3A_265 = tpu.memref_slice %arg7[%add3A_27, %dma_wait3A_264] : memref<10240x64xf32, #tpu.memory_space<vmem_shared>> -> memref<64x64xf32, #tpu.memory_space<vmem_shared>>
      %dma_wait3A_266 = arith.constant 0 : i32
      %dma_wait3A_267 = tpu.memref_slice %arg7[%add3A_27, %dma_wait3A_266] : memref<10240x64xf32, #tpu.memory_space<vmem_shared>> -> memref<64x64xf32, #tpu.memory_space<vmem_shared>>
      tpu.wait_dma2 semaphore(%run_scoped3A : memref<!tpu.dma_semaphore, #tpu.memory_space<semaphore_mem>>) src(%arg12 : memref<64x64xf32, #tpu.memory_space<vmem>>) dst(%dma_wait3A_267 : memref<64x64xf32, #tpu.memory_space<vmem_shared>>)
      tpu.yield
    }) : () -> ()
    %add3A_28 = arith.constant 256 : i32
    %add3A_29 = arith.addi %mul3A_0, %add3A_28 : i32
    "tpu.region"() ({
      %run_scoped3A = tpu.sem_alloc : memref<!tpu.dma_semaphore, #tpu.memory_space<semaphore_mem>>
      %dma_start3A_260 = arith.constant 0 : i32
      %dma_start3A_261 = tpu.memref_slice %arg2[%arg0, %add3A_29, %dma_start3A_260] : memref<2x10240x64xf32, #tpu.memory_space<hbm>> -> memref<1x64x64xf32, #tpu.memory_space<hbm>>
      %dma_start3A_262 = tpu.memref_squeeze %dma_start3A_261 : memref<1x64x64xf32, #tpu.memory_space<hbm>> -> memref<64x64xf32, #tpu.memory_space<hbm>>
      %dma_start3A_263 = arith.constant 0 : i32
      %dma_start3A_264 = tpu.memref_slice %arg2[%arg0, %add3A_29, %dma_start3A_263] : memref<2x10240x64xf32, #tpu.memory_space<hbm>> -> memref<1x64x64xf32, #tpu.memory_space<hbm>>
      %dma_start3A_265 = tpu.memref_squeeze %dma_start3A_264 : memref<1x64x64xf32, #tpu.memory_space<hbm>> -> memref<64x64xf32, #tpu.memory_space<hbm>>
      tpu.enqueue_dma source(%dma_start3A_265 : memref<64x64xf32, #tpu.memory_space<hbm>>) target(%arg12 : memref<64x64xf32, #tpu.memory_space<vmem>>) target_semaphore(%run_scoped3A : memref<!tpu.dma_semaphore, #tpu.memory_space<semaphore_mem>>)
      %dma_wait3A_266 = arith.constant 0 : i32
      %dma_wait3A_267 = tpu.memref_slice %arg2[%arg0, %add3A_29, %dma_wait3A_266] : memref<2x10240x64xf32, #tpu.memory_space<hbm>> -> memref<1x64x64xf32, #tpu.memory_space<hbm>>
      %dma_wait3A_268 = tpu.memref_squeeze %dma_wait3A_267 : memref<1x64x64xf32, #tpu.memory_space<hbm>> -> memref<64x64xf32, #tpu.memory_space<hbm>>
      %dma_wait3A_269 = arith.constant 0 : i32
      %dma_wait3A_270 = tpu.memref_slice %arg2[%arg0, %add3A_29, %dma_wait3A_269] : memref<2x10240x64xf32, #tpu.memory_space<hbm>> -> memref<1x64x64xf32, #tpu.memory_space<hbm>>
      %dma_wait3A_271 = tpu.memref_squeeze %dma_wait3A_270 : memref<1x64x64xf32, #tpu.memory_space<hbm>> -> memref<64x64xf32, #tpu.memory_space<hbm>>
      tpu.wait_dma2 semaphore(%run_scoped3A : memref<!tpu.dma_semaphore, #tpu.memory_space<semaphore_mem>>) src(%dma_wait3A_271 : memref<64x64xf32, #tpu.memory_space<hbm>>) dst(%arg12 : memref<64x64xf32, #tpu.memory_space<vmem>>)
      tpu.yield
    }) : () -> ()
    "tpu.region"() ({
      %run_scoped3A = tpu.sem_alloc : memref<!tpu.dma_semaphore, #tpu.memory_space<semaphore_mem>>
      %dma_start3A_260 = arith.constant 0 : i32
      %dma_start3A_261 = tpu.memref_slice %arg7[%add3A_29, %dma_start3A_260] : memref<10240x64xf32, #tpu.memory_space<vmem_shared>> -> memref<64x64xf32, #tpu.memory_space<vmem_shared>>
      %dma_start3A_262 = arith.constant 0 : i32
      %dma_start3A_263 = tpu.memref_slice %arg7[%add3A_29, %dma_start3A_262] : memref<10240x64xf32, #tpu.memory_space<vmem_shared>> -> memref<64x64xf32, #tpu.memory_space<vmem_shared>>
      tpu.enqueue_dma source(%arg12 : memref<64x64xf32, #tpu.memory_space<vmem>>) target(%dma_start3A_263 : memref<64x64xf32, #tpu.memory_space<vmem_shared>>) target_semaphore(%run_scoped3A : memref<!tpu.dma_semaphore, #tpu.memory_space<semaphore_mem>>)
      %dma_wait3A_264 = arith.constant 0 : i32
      %dma_wait3A_265 = tpu.memref_slice %arg7[%add3A_29, %dma_wait3A_264] : memref<10240x64xf32, #tpu.memory_space<vmem_shared>> -> memref<64x64xf32, #tpu.memory_space<vmem_shared>>
      %dma_wait3A_266 = arith.constant 0 : i32
      %dma_wait3A_267 = tpu.memref_slice %arg7[%add3A_29, %dma_wait3A_266] : memref<10240x64xf32, #tpu.memory_space<vmem_shared>> -> memref<64x64xf32, #tpu.memory_space<vmem_shared>>
      tpu.wait_dma2 semaphore(%run_scoped3A : memref<!tpu.dma_semaphore, #tpu.memory_space<semaphore_mem>>) src(%arg12 : memref<64x64xf32, #tpu.memory_space<vmem>>) dst(%dma_wait3A_267 : memref<64x64xf32, #tpu.memory_space<vmem_shared>>)
      tpu.yield
    }) : () -> ()
    %add3A_30 = arith.constant 320 : i32
    %add3A_31 = arith.addi %mul3A_0, %add3A_30 : i32
    "tpu.region"() ({
      %run_scoped3A = tpu.sem_alloc : memref<!tpu.dma_semaphore, #tpu.memory_space<semaphore_mem>>
      %dma_start3A_260 = arith.constant 0 : i32
      %dma_start3A_261 = tpu.memref_slice %arg2[%arg0, %add3A_31, %dma_start3A_260] : memref<2x10240x64xf32, #tpu.memory_space<hbm>> -> memref<1x64x64xf32, #tpu.memory_space<hbm>>
      %dma_start3A_262 = tpu.memref_squeeze %dma_start3A_261 : memref<1x64x64xf32, #tpu.memory_space<hbm>> -> memref<64x64xf32, #tpu.memory_space<hbm>>
      %dma_start3A_263 = arith.constant 0 : i32
      %dma_start3A_264 = tpu.memref_slice %arg2[%arg0, %add3A_31, %dma_start3A_263] : memref<2x10240x64xf32, #tpu.memory_space<hbm>> -> memref<1x64x64xf32, #tpu.memory_space<hbm>>
      %dma_start3A_265 = tpu.memref_squeeze %dma_start3A_264 : memref<1x64x64xf32, #tpu.memory_space<hbm>> -> memref<64x64xf32, #tpu.memory_space<hbm>>
      tpu.enqueue_dma source(%dma_start3A_265 : memref<64x64xf32, #tpu.memory_space<hbm>>) target(%arg12 : memref<64x64xf32, #tpu.memory_space<vmem>>) target_semaphore(%run_scoped3A : memref<!tpu.dma_semaphore, #tpu.memory_space<semaphore_mem>>)
      %dma_wait3A_266 = arith.constant 0 : i32
      %dma_wait3A_267 = tpu.memref_slice %arg2[%arg0, %add3A_31, %dma_wait3A_266] : memref<2x10240x64xf32, #tpu.memory_space<hbm>> -> memref<1x64x64xf32, #tpu.memory_space<hbm>>
      %dma_wait3A_268 = tpu.memref_squeeze %dma_wait3A_267 : memref<1x64x64xf32, #tpu.memory_space<hbm>> -> memref<64x64xf32, #tpu.memory_space<hbm>>
      %dma_wait3A_269 = arith.constant 0 : i32
      %dma_wait3A_270 = tpu.memref_slice %arg2[%arg0, %add3A_31, %dma_wait3A_269] : memref<2x10240x64xf32, #tpu.memory_space<hbm>> -> memref<1x64x64xf32, #tpu.memory_space<hbm>>
      %dma_wait3A_271 = tpu.memref_squeeze %dma_wait3A_270 : memref<1x64x64xf32, #tpu.memory_space<hbm>> -> memref<64x64xf32, #tpu.memory_space<hbm>>
      tpu.wait_dma2 semaphore(%run_scoped3A : memref<!tpu.dma_semaphore, #tpu.memory_space<semaphore_mem>>) src(%dma_wait3A_271 : memref<64x64xf32, #tpu.memory_space<hbm>>) dst(%arg12 : memref<64x64xf32, #tpu.memory_space<vmem>>)
      tpu.yield
    }) : () -> ()
    "tpu.region"() ({
      %run_scoped3A = tpu.sem_alloc : memref<!tpu.dma_semaphore, #tpu.memory_space<semaphore_mem>>
      %dma_start3A_260 = arith.constant 0 : i32
      %dma_start3A_261 = tpu.memref_slice %arg7[%add3A_31, %dma_start3A_260] : memref<10240x64xf32, #tpu.memory_space<vmem_shared>> -> memref<64x64xf32, #tpu.memory_space<vmem_shared>>
      %dma_start3A_262 = arith.constant 0 : i32
      %dma_start3A_263 = tpu.memref_slice %arg7[%add3A_31, %dma_start3A_262] : memref<10240x64xf32, #tpu.memory_space<vmem_shared>> -> memref<64x64xf32, #tpu.memory_space<vmem_shared>>
      tpu.enqueue_dma source(%arg12 : memref<64x64xf32, #tpu.memory_space<vmem>>) target(%dma_start3A_263 : memref<64x64xf32, #tpu.memory_space<vmem_shared>>) target_semaphore(%run_scoped3A : memref<!tpu.dma_semaphore, #tpu.memory_space<semaphore_mem>>)
      %dma_wait3A_264 = arith.constant 0 : i32
      %dma_wait3A_265 = tpu.memref_slice %arg7[%add3A_31, %dma_wait3A_264] : memref<10240x64xf32, #tpu.memory_space<vmem_shared>> -> memref<64x64xf32, #tpu.memory_space<vmem_shared>>
      %dma_wait3A_266 = arith.constant 0 : i32
      %dma_wait3A_267 = tpu.memref_slice %arg7[%add3A_31, %dma_wait3A_266] : memref<10240x64xf32, #tpu.memory_space<vmem_shared>> -> memref<64x64xf32, #tpu.memory_space<vmem_shared>>
      tpu.wait_dma2 semaphore(%run_scoped3A : memref<!tpu.dma_semaphore, #tpu.memory_space<semaphore_mem>>) src(%arg12 : memref<64x64xf32, #tpu.memory_space<vmem>>) dst(%dma_wait3A_267 : memref<64x64xf32, #tpu.memory_space<vmem_shared>>)
      tpu.yield
    }) : () -> ()
    %add3A_32 = arith.constant 384 : i32
    %add3A_33 = arith.addi %mul3A_0, %add3A_32 : i32
    "tpu.region"() ({
      %run_scoped3A = tpu.sem_alloc : memref<!tpu.dma_semaphore, #tpu.memory_space<semaphore_mem>>
      %dma_start3A_260 = arith.constant 0 : i32
      %dma_start3A_261 = tpu.memref_slice %arg2[%arg0, %add3A_33, %dma_start3A_260] : memref<2x10240x64xf32, #tpu.memory_space<hbm>> -> memref<1x64x64xf32, #tpu.memory_space<hbm>>
      %dma_start3A_262 = tpu.memref_squeeze %dma_start3A_261 : memref<1x64x64xf32, #tpu.memory_space<hbm>> -> memref<64x64xf32, #tpu.memory_space<hbm>>
      %dma_start3A_263 = arith.constant 0 : i32
      %dma_start3A_264 = tpu.memref_slice %arg2[%arg0, %add3A_33, %dma_start3A_263] : memref<2x10240x64xf32, #tpu.memory_space<hbm>> -> memref<1x64x64xf32, #tpu.memory_space<hbm>>
      %dma_start3A_265 = tpu.memref_squeeze %dma_start3A_264 : memref<1x64x64xf32, #tpu.memory_space<hbm>> -> memref<64x64xf32, #tpu.memory_space<hbm>>
      tpu.enqueue_dma source(%dma_start3A_265 : memref<64x64xf32, #tpu.memory_space<hbm>>) target(%arg12 : memref<64x64xf32, #tpu.memory_space<vmem>>) target_semaphore(%run_scoped3A : memref<!tpu.dma_semaphore, #tpu.memory_space<semaphore_mem>>)
      %dma_wait3A_266 = arith.constant 0 : i32
      %dma_wait3A_267 = tpu.memref_slice %arg2[%arg0, %add3A_33, %dma_wait3A_266] : memref<2x10240x64xf32, #tpu.memory_space<hbm>> -> memref<1x64x64xf32, #tpu.memory_space<hbm>>
      %dma_wait3A_268 = tpu.memref_squeeze %dma_wait3A_267 : memref<1x64x64xf32, #tpu.memory_space<hbm>> -> memref<64x64xf32, #tpu.memory_space<hbm>>
      %dma_wait3A_269 = arith.constant 0 : i32
      %dma_wait3A_270 = tpu.memref_slice %arg2[%arg0, %add3A_33, %dma_wait3A_269] : memref<2x10240x64xf32, #tpu.memory_space<hbm>> -> memref<1x64x64xf32, #tpu.memory_space<hbm>>
      %dma_wait3A_271 = tpu.memref_squeeze %dma_wait3A_270 : memref<1x64x64xf32, #tpu.memory_space<hbm>> -> memref<64x64xf32, #tpu.memory_space<hbm>>
      tpu.wait_dma2 semaphore(%run_scoped3A : memref<!tpu.dma_semaphore, #tpu.memory_space<semaphore_mem>>) src(%dma_wait3A_271 : memref<64x64xf32, #tpu.memory_space<hbm>>) dst(%arg12 : memref<64x64xf32, #tpu.memory_space<vmem>>)
      tpu.yield
    }) : () -> ()
    "tpu.region"() ({
      %run_scoped3A = tpu.sem_alloc : memref<!tpu.dma_semaphore, #tpu.memory_space<semaphore_mem>>
      %dma_start3A_260 = arith.constant 0 : i32
      %dma_start3A_261 = tpu.memref_slice %arg7[%add3A_33, %dma_start3A_260] : memref<10240x64xf32, #tpu.memory_space<vmem_shared>> -> memref<64x64xf32, #tpu.memory_space<vmem_shared>>
      %dma_start3A_262 = arith.constant 0 : i32
      %dma_start3A_263 = tpu.memref_slice %arg7[%add3A_33, %dma_start3A_262] : memref<10240x64xf32, #tpu.memory_space<vmem_shared>> -> memref<64x64xf32, #tpu.memory_space<vmem_shared>>
      tpu.enqueue_dma source(%arg12 : memref<64x64xf32, #tpu.memory_space<vmem>>) target(%dma_start3A_263 : memref<64x64xf32, #tpu.memory_space<vmem_shared>>) target_semaphore(%run_scoped3A : memref<!tpu.dma_semaphore, #tpu.memory_space<semaphore_mem>>)
      %dma_wait3A_264 = arith.constant 0 : i32
      %dma_wait3A_265 = tpu.memref_slice %arg7[%add3A_33, %dma_wait3A_264] : memref<10240x64xf32, #tpu.memory_space<vmem_shared>> -> memref<64x64xf32, #tpu.memory_space<vmem_shared>>
      %dma_wait3A_266 = arith.constant 0 : i32
      %dma_wait3A_267 = tpu.memref_slice %arg7[%add3A_33, %dma_wait3A_266] : memref<10240x64xf32, #tpu.memory_space<vmem_shared>> -> memref<64x64xf32, #tpu.memory_space<vmem_shared>>
      tpu.wait_dma2 semaphore(%run_scoped3A : memref<!tpu.dma_semaphore, #tpu.memory_space<semaphore_mem>>) src(%arg12 : memref<64x64xf32, #tpu.memory_space<vmem>>) dst(%dma_wait3A_267 : memref<64x64xf32, #tpu.memory_space<vmem_shared>>)
      tpu.yield
    }) : () -> ()
    %add3A_34 = arith.constant 448 : i32
    %add3A_35 = arith.addi %mul3A_0, %add3A_34 : i32
    "tpu.region"() ({
      %run_scoped3A = tpu.sem_alloc : memref<!tpu.dma_semaphore, #tpu.memory_space<semaphore_mem>>
      %dma_start3A_260 = arith.constant 0 : i32
      %dma_start3A_261 = tpu.memref_slice %arg2[%arg0, %add3A_35, %dma_start3A_260] : memref<2x10240x64xf32, #tpu.memory_space<hbm>> -> memref<1x64x64xf32, #tpu.memory_space<hbm>>
      %dma_start3A_262 = tpu.memref_squeeze %dma_start3A_261 : memref<1x64x64xf32, #tpu.memory_space<hbm>> -> memref<64x64xf32, #tpu.memory_space<hbm>>
      %dma_start3A_263 = arith.constant 0 : i32
      %dma_start3A_264 = tpu.memref_slice %arg2[%arg0, %add3A_35, %dma_start3A_263] : memref<2x10240x64xf32, #tpu.memory_space<hbm>> -> memref<1x64x64xf32, #tpu.memory_space<hbm>>
      %dma_start3A_265 = tpu.memref_squeeze %dma_start3A_264 : memref<1x64x64xf32, #tpu.memory_space<hbm>> -> memref<64x64xf32, #tpu.memory_space<hbm>>
      tpu.enqueue_dma source(%dma_start3A_265 : memref<64x64xf32, #tpu.memory_space<hbm>>) target(%arg12 : memref<64x64xf32, #tpu.memory_space<vmem>>) target_semaphore(%run_scoped3A : memref<!tpu.dma_semaphore, #tpu.memory_space<semaphore_mem>>)
      %dma_wait3A_266 = arith.constant 0 : i32
      %dma_wait3A_267 = tpu.memref_slice %arg2[%arg0, %add3A_35, %dma_wait3A_266] : memref<2x10240x64xf32, #tpu.memory_space<hbm>> -> memref<1x64x64xf32, #tpu.memory_space<hbm>>
      %dma_wait3A_268 = tpu.memref_squeeze %dma_wait3A_267 : memref<1x64x64xf32, #tpu.memory_space<hbm>> -> memref<64x64xf32, #tpu.memory_space<hbm>>
      %dma_wait3A_269 = arith.constant 0 : i32
      %dma_wait3A_270 = tpu.memref_slice %arg2[%arg0, %add3A_35, %dma_wait3A_269] : memref<2x10240x64xf32, #tpu.memory_space<hbm>> -> memref<1x64x64xf32, #tpu.memory_space<hbm>>
      %dma_wait3A_271 = tpu.memref_squeeze %dma_wait3A_270 : memref<1x64x64xf32, #tpu.memory_space<hbm>> -> memref<64x64xf32, #tpu.memory_space<hbm>>
      tpu.wait_dma2 semaphore(%run_scoped3A : memref<!tpu.dma_semaphore, #tpu.memory_space<semaphore_mem>>) src(%dma_wait3A_271 : memref<64x64xf32, #tpu.memory_space<hbm>>) dst(%arg12 : memref<64x64xf32, #tpu.memory_space<vmem>>)
      tpu.yield
    }) : () -> ()
    "tpu.region"() ({
      %run_scoped3A = tpu.sem_alloc : memref<!tpu.dma_semaphore, #tpu.memory_space<semaphore_mem>>
      %dma_start3A_260 = arith.constant 0 : i32
      %dma_start3A_261 = tpu.memref_slice %arg7[%add3A_35, %dma_start3A_260] : memref<10240x64xf32, #tpu.memory_space<vmem_shared>> -> memref<64x64xf32, #tpu.memory_space<vmem_shared>>
      %dma_start3A_262 = arith.constant 0 : i32
      %dma_start3A_263 = tpu.memref_slice %arg7[%add3A_35, %dma_start3A_262] : memref<10240x64xf32, #tpu.memory_space<vmem_shared>> -> memref<64x64xf32, #tpu.memory_space<vmem_shared>>
      tpu.enqueue_dma source(%arg12 : memref<64x64xf32, #tpu.memory_space<vmem>>) target(%dma_start3A_263 : memref<64x64xf32, #tpu.memory_space<vmem_shared>>) target_semaphore(%run_scoped3A : memref<!tpu.dma_semaphore, #tpu.memory_space<semaphore_mem>>)
      %dma_wait3A_264 = arith.constant 0 : i32
      %dma_wait3A_265 = tpu.memref_slice %arg7[%add3A_35, %dma_wait3A_264] : memref<10240x64xf32, #tpu.memory_space<vmem_shared>> -> memref<64x64xf32, #tpu.memory_space<vmem_shared>>
      %dma_wait3A_266 = arith.constant 0 : i32
      %dma_wait3A_267 = tpu.memref_slice %arg7[%add3A_35, %dma_wait3A_266] : memref<10240x64xf32, #tpu.memory_space<vmem_shared>> -> memref<64x64xf32, #tpu.memory_space<vmem_shared>>
      tpu.wait_dma2 semaphore(%run_scoped3A : memref<!tpu.dma_semaphore, #tpu.memory_space<semaphore_mem>>) src(%arg12 : memref<64x64xf32, #tpu.memory_space<vmem>>) dst(%dma_wait3A_267 : memref<64x64xf32, #tpu.memory_space<vmem_shared>>)
      tpu.yield
    }) : () -> ()
    %add3A_36 = arith.constant 512 : i32
    %add3A_37 = arith.addi %mul3A_0, %add3A_36 : i32
    "tpu.region"() ({
      %run_scoped3A = tpu.sem_alloc : memref<!tpu.dma_semaphore, #tpu.memory_space<semaphore_mem>>
      %dma_start3A_260 = arith.constant 0 : i32
      %dma_start3A_261 = tpu.memref_slice %arg2[%arg0, %add3A_37, %dma_start3A_260] : memref<2x10240x64xf32, #tpu.memory_space<hbm>> -> memref<1x64x64xf32, #tpu.memory_space<hbm>>
      %dma_start3A_262 = tpu.memref_squeeze %dma_start3A_261 : memref<1x64x64xf32, #tpu.memory_space<hbm>> -> memref<64x64xf32, #tpu.memory_space<hbm>>
      %dma_start3A_263 = arith.constant 0 : i32
      %dma_start3A_264 = tpu.memref_slice %arg2[%arg0, %add3A_37, %dma_start3A_263] : memref<2x10240x64xf32, #tpu.memory_space<hbm>> -> memref<1x64x64xf32, #tpu.memory_space<hbm>>
      %dma_start3A_265 = tpu.memref_squeeze %dma_start3A_264 : memref<1x64x64xf32, #tpu.memory_space<hbm>> -> memref<64x64xf32, #tpu.memory_space<hbm>>
      tpu.enqueue_dma source(%dma_start3A_265 : memref<64x64xf32, #tpu.memory_space<hbm>>) target(%arg12 : memref<64x64xf32, #tpu.memory_space<vmem>>) target_semaphore(%run_scoped3A : memref<!tpu.dma_semaphore, #tpu.memory_space<semaphore_mem>>)
      %dma_wait3A_266 = arith.constant 0 : i32
      %dma_wait3A_267 = tpu.memref_slice %arg2[%arg0, %add3A_37, %dma_wait3A_266] : memref<2x10240x64xf32, #tpu.memory_space<hbm>> -> memref<1x64x64xf32, #tpu.memory_space<hbm>>
      %dma_wait3A_268 = tpu.memref_squeeze %dma_wait3A_267 : memref<1x64x64xf32, #tpu.memory_space<hbm>> -> memref<64x64xf32, #tpu.memory_space<hbm>>
      %dma_wait3A_269 = arith.constant 0 : i32
      %dma_wait3A_270 = tpu.memref_slice %arg2[%arg0, %add3A_37, %dma_wait3A_269] : memref<2x10240x64xf32, #tpu.memory_space<hbm>> -> memref<1x64x64xf32, #tpu.memory_space<hbm>>
      %dma_wait3A_271 = tpu.memref_squeeze %dma_wait3A_270 : memref<1x64x64xf32, #tpu.memory_space<hbm>> -> memref<64x64xf32, #tpu.memory_space<hbm>>
      tpu.wait_dma2 semaphore(%run_scoped3A : memref<!tpu.dma_semaphore, #tpu.memory_space<semaphore_mem>>) src(%dma_wait3A_271 : memref<64x64xf32, #tpu.memory_space<hbm>>) dst(%arg12 : memref<64x64xf32, #tpu.memory_space<vmem>>)
      tpu.yield
    }) : () -> ()
    "tpu.region"() ({
      %run_scoped3A = tpu.sem_alloc : memref<!tpu.dma_semaphore, #tpu.memory_space<semaphore_mem>>
      %dma_start3A_260 = arith.constant 0 : i32
      %dma_start3A_261 = tpu.memref_slice %arg7[%add3A_37, %dma_start3A_260] : memref<10240x64xf32, #tpu.memory_space<vmem_shared>> -> memref<64x64xf32, #tpu.memory_space<vmem_shared>>
      %dma_start3A_262 = arith.constant 0 : i32
      %dma_start3A_263 = tpu.memref_slice %arg7[%add3A_37, %dma_start3A_262] : memref<10240x64xf32, #tpu.memory_space<vmem_shared>> -> memref<64x64xf32, #tpu.memory_space<vmem_shared>>
      tpu.enqueue_dma source(%arg12 : memref<64x64xf32, #tpu.memory_space<vmem>>) target(%dma_start3A_263 : memref<64x64xf32, #tpu.memory_space<vmem_shared>>) target_semaphore(%run_scoped3A : memref<!tpu.dma_semaphore, #tpu.memory_space<semaphore_mem>>)
      %dma_wait3A_264 = arith.constant 0 : i32
      %dma_wait3A_265 = tpu.memref_slice %arg7[%add3A_37, %dma_wait3A_264] : memref<10240x64xf32, #tpu.memory_space<vmem_shared>> -> memref<64x64xf32, #tpu.memory_space<vmem_shared>>
      %dma_wait3A_266 = arith.constant 0 : i32
      %dma_wait3A_267 = tpu.memref_slice %arg7[%add3A_37, %dma_wait3A_266] : memref<10240x64xf32, #tpu.memory_space<vmem_shared>> -> memref<64x64xf32, #tpu.memory_space<vmem_shared>>
      tpu.wait_dma2 semaphore(%run_scoped3A : memref<!tpu.dma_semaphore, #tpu.memory_space<semaphore_mem>>) src(%arg12 : memref<64x64xf32, #tpu.memory_space<vmem>>) dst(%dma_wait3A_267 : memref<64x64xf32, #tpu.memory_space<vmem_shared>>)
      tpu.yield
    }) : () -> ()
    %add3A_38 = arith.constant 576 : i32
    %add3A_39 = arith.addi %mul3A_0, %add3A_38 : i32
    "tpu.region"() ({
      %run_scoped3A = tpu.sem_alloc : memref<!tpu.dma_semaphore, #tpu.memory_space<semaphore_mem>>
      %dma_start3A_260 = arith.constant 0 : i32
      %dma_start3A_261 = tpu.memref_slice %arg2[%arg0, %add3A_39, %dma_start3A_260] : memref<2x10240x64xf32, #tpu.memory_space<hbm>> -> memref<1x64x64xf32, #tpu.memory_space<hbm>>
      %dma_start3A_262 = tpu.memref_squeeze %dma_start3A_261 : memref<1x64x64xf32, #tpu.memory_space<hbm>> -> memref<64x64xf32, #tpu.memory_space<hbm>>
      %dma_start3A_263 = arith.constant 0 : i32
      %dma_start3A_264 = tpu.memref_slice %arg2[%arg0, %add3A_39, %dma_start3A_263] : memref<2x10240x64xf32, #tpu.memory_space<hbm>> -> memref<1x64x64xf32, #tpu.memory_space<hbm>>
      %dma_start3A_265 = tpu.memref_squeeze %dma_start3A_264 : memref<1x64x64xf32, #tpu.memory_space<hbm>> -> memref<64x64xf32, #tpu.memory_space<hbm>>
      tpu.enqueue_dma source(%dma_start3A_265 : memref<64x64xf32, #tpu.memory_space<hbm>>) target(%arg12 : memref<64x64xf32, #tpu.memory_space<vmem>>) target_semaphore(%run_scoped3A : memref<!tpu.dma_semaphore, #tpu.memory_space<semaphore_mem>>)
      %dma_wait3A_266 = arith.constant 0 : i32
      %dma_wait3A_267 = tpu.memref_slice %arg2[%arg0, %add3A_39, %dma_wait3A_266] : memref<2x10240x64xf32, #tpu.memory_space<hbm>> -> memref<1x64x64xf32, #tpu.memory_space<hbm>>
      %dma_wait3A_268 = tpu.memref_squeeze %dma_wait3A_267 : memref<1x64x64xf32, #tpu.memory_space<hbm>> -> memref<64x64xf32, #tpu.memory_space<hbm>>
      %dma_wait3A_269 = arith.constant 0 : i32
      %dma_wait3A_270 = tpu.memref_slice %arg2[%arg0, %add3A_39, %dma_wait3A_269] : memref<2x10240x64xf32, #tpu.memory_space<hbm>> -> memref<1x64x64xf32, #tpu.memory_space<hbm>>
      %dma_wait3A_271 = tpu.memref_squeeze %dma_wait3A_270 : memref<1x64x64xf32, #tpu.memory_space<hbm>> -> memref<64x64xf32, #tpu.memory_space<hbm>>
      tpu.wait_dma2 semaphore(%run_scoped3A : memref<!tpu.dma_semaphore, #tpu.memory_space<semaphore_mem>>) src(%dma_wait3A_271 : memref<64x64xf32, #tpu.memory_space<hbm>>) dst(%arg12 : memref<64x64xf32, #tpu.memory_space<vmem>>)
      tpu.yield
    }) : () -> ()
    "tpu.region"() ({
      %run_scoped3A = tpu.sem_alloc : memref<!tpu.dma_semaphore, #tpu.memory_space<semaphore_mem>>
      %dma_start3A_260 = arith.constant 0 : i32
      %dma_start3A_261 = tpu.memref_slice %arg7[%add3A_39, %dma_start3A_260] : memref<10240x64xf32, #tpu.memory_space<vmem_shared>> -> memref<64x64xf32, #tpu.memory_space<vmem_shared>>
      %dma_start3A_262 = arith.constant 0 : i32
      %dma_start3A_263 = tpu.memref_slice %arg7[%add3A_39, %dma_start3A_262] : memref<10240x64xf32, #tpu.memory_space<vmem_shared>> -> memref<64x64xf32, #tpu.memory_space<vmem_shared>>
      tpu.enqueue_dma source(%arg12 : memref<64x64xf32, #tpu.memory_space<vmem>>) target(%dma_start3A_263 : memref<64x64xf32, #tpu.memory_space<vmem_shared>>) target_semaphore(%run_scoped3A : memref<!tpu.dma_semaphore, #tpu.memory_space<semaphore_mem>>)
      %dma_wait3A_264 = arith.constant 0 : i32
      %dma_wait3A_265 = tpu.memref_slice %arg7[%add3A_39, %dma_wait3A_264] : memref<10240x64xf32, #tpu.memory_space<vmem_shared>> -> memref<64x64xf32, #tpu.memory_space<vmem_shared>>
      %dma_wait3A_266 = arith.constant 0 : i32
      %dma_wait3A_267 = tpu.memref_slice %arg7[%add3A_39, %dma_wait3A_266] : memref<10240x64xf32, #tpu.memory_space<vmem_shared>> -> memref<64x64xf32, #tpu.memory_space<vmem_shared>>
      tpu.wait_dma2 semaphore(%run_scoped3A : memref<!tpu.dma_semaphore, #tpu.memory_space<semaphore_mem>>) src(%arg12 : memref<64x64xf32, #tpu.memory_space<vmem>>) dst(%dma_wait3A_267 : memref<64x64xf32, #tpu.memory_space<vmem_shared>>)
      tpu.yield
    }) : () -> ()
    "tpu.region"() ({
      %run_scoped3A = tpu.sem_alloc : memref<!tpu.dma_semaphore, #tpu.memory_space<semaphore_mem>>
      %dma_start3A_260 = arith.constant 0 : i32
      %dma_start3A_261 = arith.constant 0 : i32
      %dma_start3A_262 = tpu.memref_slice %arg3[%arg1, %dma_start3A_260, %dma_start3A_261] : memref<16x318x64xi32, #tpu.memory_space<hbm>> -> memref<1x318x64xi32, #tpu.memory_space<hbm>>
      %dma_start3A_263 = tpu.memref_squeeze %dma_start3A_262 : memref<1x318x64xi32, #tpu.memory_space<hbm>> -> memref<318x64xi32, #tpu.memory_space<hbm>>
      %dma_start3A_264 = arith.constant 0 : i32
      %dma_start3A_265 = arith.constant 0 : i32
      %dma_start3A_266 = tpu.memref_slice %arg3[%arg1, %dma_start3A_264, %dma_start3A_265] : memref<16x318x64xi32, #tpu.memory_space<hbm>> -> memref<1x318x64xi32, #tpu.memory_space<hbm>>
      %dma_start3A_267 = tpu.memref_squeeze %dma_start3A_266 : memref<1x318x64xi32, #tpu.memory_space<hbm>> -> memref<318x64xi32, #tpu.memory_space<hbm>>
      tpu.enqueue_dma source(%dma_start3A_267 : memref<318x64xi32, #tpu.memory_space<hbm>>) target(%arg9 : memref<318x64xi32, #tpu.memory_space<vmem>>) target_semaphore(%run_scoped3A : memref<!tpu.dma_semaphore, #tpu.memory_space<semaphore_mem>>)
      %dma_wait3A_268 = arith.constant 0 : i32
      %dma_wait3A_269 = arith.constant 0 : i32
      %dma_wait3A_270 = tpu.memref_slice %arg3[%arg1, %dma_wait3A_268, %dma_wait3A_269] : memref<16x318x64xi32, #tpu.memory_space<hbm>> -> memref<1x318x64xi32, #tpu.memory_space<hbm>>
      %dma_wait3A_271 = tpu.memref_squeeze %dma_wait3A_270 : memref<1x318x64xi32, #tpu.memory_space<hbm>> -> memref<318x64xi32, #tpu.memory_space<hbm>>
      %dma_wait3A_272 = arith.constant 0 : i32
      %dma_wait3A_273 = arith.constant 0 : i32
      %dma_wait3A_274 = tpu.memref_slice %arg3[%arg1, %dma_wait3A_272, %dma_wait3A_273] : memref<16x318x64xi32, #tpu.memory_space<hbm>> -> memref<1x318x64xi32, #tpu.memory_space<hbm>>
      %dma_wait3A_275 = tpu.memref_squeeze %dma_wait3A_274 : memref<1x318x64xi32, #tpu.memory_space<hbm>> -> memref<318x64xi32, #tpu.memory_space<hbm>>
      tpu.wait_dma2 semaphore(%run_scoped3A : memref<!tpu.dma_semaphore, #tpu.memory_space<semaphore_mem>>) src(%dma_wait3A_275 : memref<318x64xi32, #tpu.memory_space<hbm>>) dst(%arg9 : memref<318x64xi32, #tpu.memory_space<vmem>>)
      tpu.yield
    }) : () -> ()
    "tpu.region"() ({
      %run_scoped3A = tpu.sem_alloc : memref<!tpu.dma_semaphore, #tpu.memory_space<semaphore_mem>>
      %dma_start3A_260 = arith.constant 0 : i32
      %dma_start3A_261 = arith.constant 0 : i32
      %dma_start3A_262 = tpu.memref_slice %arg4[%arg1, %dma_start3A_260, %dma_start3A_261] : memref<16x318x64xi32, #tpu.memory_space<hbm>> -> memref<1x318x64xi32, #tpu.memory_space<hbm>>
      %dma_start3A_263 = tpu.memref_squeeze %dma_start3A_262 : memref<1x318x64xi32, #tpu.memory_space<hbm>> -> memref<318x64xi32, #tpu.memory_space<hbm>>
      %dma_start3A_264 = arith.constant 0 : i32
      %dma_start3A_265 = arith.constant 0 : i32
      %dma_start3A_266 = tpu.memref_slice %arg4[%arg1, %dma_start3A_264, %dma_start3A_265] : memref<16x318x64xi32, #tpu.memory_space<hbm>> -> memref<1x318x64xi32, #tpu.memory_space<hbm>>
      %dma_start3A_267 = tpu.memref_squeeze %dma_start3A_266 : memref<1x318x64xi32, #tpu.memory_space<hbm>> -> memref<318x64xi32, #tpu.memory_space<hbm>>
      tpu.enqueue_dma source(%dma_start3A_267 : memref<318x64xi32, #tpu.memory_space<hbm>>) target(%arg10 : memref<318x64xi32, #tpu.memory_space<vmem>>) target_semaphore(%run_scoped3A : memref<!tpu.dma_semaphore, #tpu.memory_space<semaphore_mem>>)
      %dma_wait3A_268 = arith.constant 0 : i32
      %dma_wait3A_269 = arith.constant 0 : i32
      %dma_wait3A_270 = tpu.memref_slice %arg4[%arg1, %dma_wait3A_268, %dma_wait3A_269] : memref<16x318x64xi32, #tpu.memory_space<hbm>> -> memref<1x318x64xi32, #tpu.memory_space<hbm>>
      %dma_wait3A_271 = tpu.memref_squeeze %dma_wait3A_270 : memref<1x318x64xi32, #tpu.memory_space<hbm>> -> memref<318x64xi32, #tpu.memory_space<hbm>>
      %dma_wait3A_272 = arith.constant 0 : i32
      %dma_wait3A_273 = arith.constant 0 : i32
      %dma_wait3A_274 = tpu.memref_slice %arg4[%arg1, %dma_wait3A_272, %dma_wait3A_273] : memref<16x318x64xi32, #tpu.memory_space<hbm>> -> memref<1x318x64xi32, #tpu.memory_space<hbm>>
      %dma_wait3A_275 = tpu.memref_squeeze %dma_wait3A_274 : memref<1x318x64xi32, #tpu.memory_space<hbm>> -> memref<318x64xi32, #tpu.memory_space<hbm>>
      tpu.wait_dma2 semaphore(%run_scoped3A : memref<!tpu.dma_semaphore, #tpu.memory_space<semaphore_mem>>) src(%dma_wait3A_275 : memref<318x64xi32, #tpu.memory_space<hbm>>) dst(%arg10 : memref<318x64xi32, #tpu.memory_space<vmem>>)
      tpu.yield
    }) : () -> ()
    %barrier3A = arith.constant 0 : index
    tpu.barrier barrier_id(%barrier3A)
    %dma_start3A = arith.constant 0 : i32
    %dma_start3A_40 = arith.constant 0 : i32
    %dma_start3A_41 = tpu.memref_slice %arg9[%dma_start3A, %dma_start3A_40] : memref<318x64xi32, #tpu.memory_space<vmem>> -> memref<1x64xi32, #tpu.memory_space<vmem>>
    %dma_start3A_42 = tpu.memref_squeeze %dma_start3A_41 : memref<1x64xi32, #tpu.memory_space<vmem>> -> memref<64xi32, #tpu.memory_space<vmem>>
    %dma_start3A_43 = arith.constant 0 : i32
    %dma_start3A_44 = arith.constant 0 : i32
    %dma_start3A_45 = tpu.memref_slice %arg7[%dma_start3A_43, %dma_start3A_44] : memref<10240x64xf32, #tpu.memory_space<vmem_shared>> -> memref<10240x64xf32, #tpu.memory_space<vmem_shared>>
    tpu.enqueue_indirect_dma source(%dma_start3A_45 : memref<10240x64xf32, #tpu.memory_space<vmem_shared>>) target(%arg11 : memref<64x64xf32, #tpu.memory_space<vmem>>) offsets(%dma_start3A_42 : memref<64xi32, #tpu.memory_space<vmem>>) semaphore(%arg13 : memref<!tpu.dma_semaphore, #tpu.memory_space<semaphore_mem>>)
    %dma_start3A_46 = arith.constant 1 : i32
    %dma_start3A_47 = arith.constant 0 : i32
    %dma_start3A_48 = tpu.memref_slice %arg9[%dma_start3A_46, %dma_start3A_47] : memref<318x64xi32, #tpu.memory_space<vmem>> -> memref<1x64xi32, #tpu.memory_space<vmem>>
    %dma_start3A_49 = tpu.memref_squeeze %dma_start3A_48 : memref<1x64xi32, #tpu.memory_space<vmem>> -> memref<64xi32, #tpu.memory_space<vmem>>
    %dma_start3A_50 = arith.constant 0 : i32
    %dma_start3A_51 = arith.constant 0 : i32
    %dma_start3A_52 = tpu.memref_slice %arg7[%dma_start3A_50, %dma_start3A_51] : memref<10240x64xf32, #tpu.memory_space<vmem_shared>> -> memref<10240x64xf32, #tpu.memory_space<vmem_shared>>
    tpu.enqueue_indirect_dma source(%dma_start3A_52 : memref<10240x64xf32, #tpu.memory_space<vmem_shared>>) target(%arg12 : memref<64x64xf32, #tpu.memory_space<vmem>>) offsets(%dma_start3A_49 : memref<64xi32, #tpu.memory_space<vmem>>) semaphore(%arg14 : memref<!tpu.dma_semaphore, #tpu.memory_space<semaphore_mem>>)
    %scan3A = arith.constant 0 : i32
    %scan3A_53 = arith.constant 0 : i32
    %scan3A_54 = arith.constant 158 : i32
    %scan3A_55 = arith.addi %scan3A_53, %scan3A_54 : i32
    %scan3A_56 = arith.constant 1 : i32
    scf.for %scan3A_260 = %scan3A_53 to %scan3A_55 step %scan3A_56  : i32 {
      %mul3A_261 = arith.constant 2 : i32
      %mul3A_262 = arith.muli %mul3A_261, %scan3A_260 : i32
      %add3A_263 = arith.constant 0 : i32
      %add3A_264 = arith.addi %mul3A_262, %add3A_263 : i32
      %dma_wait3A_265 = arith.constant 0 : i32
      %dma_wait3A_266 = tpu.memref_slice %arg9[%add3A_264, %dma_wait3A_265] : memref<318x64xi32, #tpu.memory_space<vmem>> -> memref<1x64xi32, #tpu.memory_space<vmem>>
      %dma_wait3A_267 = tpu.memref_squeeze %dma_wait3A_266 : memref<1x64xi32, #tpu.memory_space<vmem>> -> memref<64xi32, #tpu.memory_space<vmem>>
      %dma_wait3A_268 = arith.constant 0 : i32
      %dma_wait3A_269 = arith.constant 0 : i32
      %dma_wait3A_270 = tpu.memref_slice %arg7[%dma_wait3A_268, %dma_wait3A_269] : memref<10240x64xf32, #tpu.memory_space<vmem_shared>> -> memref<10240x64xf32, #tpu.memory_space<vmem_shared>>
      tpu.wait_indirect_dma semaphore(%arg13 : memref<!tpu.dma_semaphore, #tpu.memory_space<semaphore_mem>>) src(%dma_wait3A_270 : memref<10240x64xf32, #tpu.memory_space<vmem_shared>>) dst(%arg11 : memref<64x64xf32, #tpu.memory_space<vmem>>)
      %dma_start3A_271 = arith.constant 0 : i32
      %dma_start3A_272 = tpu.memref_slice %arg10[%add3A_264, %dma_start3A_271] : memref<318x64xi32, #tpu.memory_space<vmem>> -> memref<1x64xi32, #tpu.memory_space<vmem>>
      %dma_start3A_273 = tpu.memref_squeeze %dma_start3A_272 : memref<1x64xi32, #tpu.memory_space<vmem>> -> memref<64xi32, #tpu.memory_space<vmem>>
      %dma_start3A_274 = arith.constant 0 : i32
      %dma_start3A_275 = arith.constant 0 : i32
      %dma_start3A_276 = tpu.memref_slice %arg8[%dma_start3A_274, %dma_start3A_275] : memref<10240x64xf32, #tpu.memory_space<vmem_shared>> -> memref<10240x64xf32, #tpu.memory_space<vmem_shared>>
      tpu.enqueue_indirect_dma source(%arg11 : memref<64x64xf32, #tpu.memory_space<vmem>>) target(%dma_start3A_276 : memref<10240x64xf32, #tpu.memory_space<vmem_shared>>) offsets(%dma_start3A_273 : memref<64xi32, #tpu.memory_space<vmem>>) semaphore(%arg15 : memref<!tpu.dma_semaphore, #tpu.memory_space<semaphore_mem>>) {add = true}
      %mul3A_277 = arith.constant 2 : i32
      %mul3A_278 = arith.muli %mul3A_277, %scan3A_260 : i32
      %add3A_279 = arith.constant 1 : i32
      %add3A_280 = arith.addi %mul3A_278, %add3A_279 : i32
      %dma_wait3A_281 = arith.constant 0 : i32
      %dma_wait3A_282 = tpu.memref_slice %arg9[%add3A_280, %dma_wait3A_281] : memref<318x64xi32, #tpu.memory_space<vmem>> -> memref<1x64xi32, #tpu.memory_space<vmem>>
      %dma_wait3A_283 = tpu.memref_squeeze %dma_wait3A_282 : memref<1x64xi32, #tpu.memory_space<vmem>> -> memref<64xi32, #tpu.memory_space<vmem>>
      %dma_wait3A_284 = arith.constant 0 : i32
      %dma_wait3A_285 = arith.constant 0 : i32
      %dma_wait3A_286 = tpu.memref_slice %arg7[%dma_wait3A_284, %dma_wait3A_285] : memref<10240x64xf32, #tpu.memory_space<vmem_shared>> -> memref<10240x64xf32, #tpu.memory_space<vmem_shared>>
      tpu.wait_indirect_dma semaphore(%arg14 : memref<!tpu.dma_semaphore, #tpu.memory_space<semaphore_mem>>) src(%dma_wait3A_286 : memref<10240x64xf32, #tpu.memory_space<vmem_shared>>) dst(%arg12 : memref<64x64xf32, #tpu.memory_space<vmem>>)
      %dma_start3A_287 = arith.constant 0 : i32
      %dma_start3A_288 = tpu.memref_slice %arg10[%add3A_280, %dma_start3A_287] : memref<318x64xi32, #tpu.memory_space<vmem>> -> memref<1x64xi32, #tpu.memory_space<vmem>>
      %dma_start3A_289 = tpu.memref_squeeze %dma_start3A_288 : memref<1x64xi32, #tpu.memory_space<vmem>> -> memref<64xi32, #tpu.memory_space<vmem>>
      %dma_start3A_290 = arith.constant 0 : i32
      %dma_start3A_291 = arith.constant 0 : i32
      %dma_start3A_292 = tpu.memref_slice %arg8[%dma_start3A_290, %dma_start3A_291] : memref<10240x64xf32, #tpu.memory_space<vmem_shared>> -> memref<10240x64xf32, #tpu.memory_space<vmem_shared>>
      tpu.enqueue_indirect_dma source(%arg12 : memref<64x64xf32, #tpu.memory_space<vmem>>) target(%dma_start3A_292 : memref<10240x64xf32, #tpu.memory_space<vmem_shared>>) offsets(%dma_start3A_289 : memref<64xi32, #tpu.memory_space<vmem>>) semaphore(%arg16 : memref<!tpu.dma_semaphore, #tpu.memory_space<semaphore_mem>>) {add = true}
      %mul3A_293 = arith.constant 2 : i32
      %mul3A_294 = arith.muli %mul3A_293, %scan3A_260 : i32
      %add3A_295 = arith.constant 0 : i32
      %add3A_296 = arith.addi %mul3A_294, %add3A_295 : i32
      %dma_wait3A_297 = arith.constant 0 : i32
      %dma_wait3A_298 = tpu.memref_slice %arg10[%add3A_296, %dma_wait3A_297] : memref<318x64xi32, #tpu.memory_space<vmem>> -> memref<1x64xi32, #tpu.memory_space<vmem>>
      %dma_wait3A_299 = tpu.memref_squeeze %dma_wait3A_298 : memref<1x64xi32, #tpu.memory_space<vmem>> -> memref<64xi32, #tpu.memory_space<vmem>>
      %dma_wait3A_300 = arith.constant 0 : i32
      %dma_wait3A_301 = arith.constant 0 : i32
      %dma_wait3A_302 = tpu.memref_slice %arg8[%dma_wait3A_300, %dma_wait3A_301] : memref<10240x64xf32, #tpu.memory_space<vmem_shared>> -> memref<10240x64xf32, #tpu.memory_space<vmem_shared>>
      tpu.wait_indirect_dma semaphore(%arg15 : memref<!tpu.dma_semaphore, #tpu.memory_space<semaphore_mem>>) src(%arg11 : memref<64x64xf32, #tpu.memory_space<vmem>>) dst(%dma_wait3A_302 : memref<10240x64xf32, #tpu.memory_space<vmem_shared>>)
      %add3A_303 = arith.constant 2 : i32
      %add3A_304 = arith.addi %add3A_296, %add3A_303 : i32
      %dma_start3A_305 = arith.constant 0 : i32
      %dma_start3A_306 = tpu.memref_slice %arg9[%add3A_304, %dma_start3A_305] : memref<318x64xi32, #tpu.memory_space<vmem>> -> memref<1x64xi32, #tpu.memory_space<vmem>>
      %dma_start3A_307 = tpu.memref_squeeze %dma_start3A_306 : memref<1x64xi32, #tpu.memory_space<vmem>> -> memref<64xi32, #tpu.memory_space<vmem>>
      %dma_start3A_308 = arith.constant 0 : i32
      %dma_start3A_309 = arith.constant 0 : i32
      %dma_start3A_310 = tpu.memref_slice %arg7[%dma_start3A_308, %dma_start3A_309] : memref<10240x64xf32, #tpu.memory_space<vmem_shared>> -> memref<10240x64xf32, #tpu.memory_space<vmem_shared>>
      tpu.enqueue_indirect_dma source(%dma_start3A_310 : memref<10240x64xf32, #tpu.memory_space<vmem_shared>>) target(%arg11 : memref<64x64xf32, #tpu.memory_space<vmem>>) offsets(%dma_start3A_307 : memref<64xi32, #tpu.memory_space<vmem>>) semaphore(%arg13 : memref<!tpu.dma_semaphore, #tpu.memory_space<semaphore_mem>>)
      %mul3A_311 = arith.constant 2 : i32
      %mul3A_312 = arith.muli %mul3A_311, %scan3A_260 : i32
      %add3A_313 = arith.constant 1 : i32
      %add3A_314 = arith.addi %mul3A_312, %add3A_313 : i32
      %dma_wait3A_315 = arith.constant 0 : i32
      %dma_wait3A_316 = tpu.memref_slice %arg10[%add3A_314, %dma_wait3A_315] : memref<318x64xi32, #tpu.memory_space<vmem>> -> memref<1x64xi32, #tpu.memory_space<vmem>>
      %dma_wait3A_317 = tpu.memref_squeeze %dma_wait3A_316 : memref<1x64xi32, #tpu.memory_space<vmem>> -> memref<64xi32, #tpu.memory_space<vmem>>
      %dma_wait3A_318 = arith.constant 0 : i32
      %dma_wait3A_319 = arith.constant 0 : i32
      %dma_wait3A_320 = tpu.memref_slice %arg8[%dma_wait3A_318, %dma_wait3A_319] : memref<10240x64xf32, #tpu.memory_space<vmem_shared>> -> memref<10240x64xf32, #tpu.memory_space<vmem_shared>>
      tpu.wait_indirect_dma semaphore(%arg16 : memref<!tpu.dma_semaphore, #tpu.memory_space<semaphore_mem>>) src(%arg12 : memref<64x64xf32, #tpu.memory_space<vmem>>) dst(%dma_wait3A_320 : memref<10240x64xf32, #tpu.memory_space<vmem_shared>>)
      %add3A_321 = arith.constant 2 : i32
      %add3A_322 = arith.addi %add3A_314, %add3A_321 : i32
      %dma_start3A_323 = arith.constant 0 : i32
      %dma_start3A_324 = tpu.memref_slice %arg9[%add3A_322, %dma_start3A_323] : memref<318x64xi32, #tpu.memory_space<vmem>> -> memref<1x64xi32, #tpu.memory_space<vmem>>
      %dma_start3A_325 = tpu.memref_squeeze %dma_start3A_324 : memref<1x64xi32, #tpu.memory_space<vmem>> -> memref<64xi32, #tpu.memory_space<vmem>>
      %dma_start3A_326 = arith.constant 0 : i32
      %dma_start3A_327 = arith.constant 0 : i32
      %dma_start3A_328 = tpu.memref_slice %arg7[%dma_start3A_326, %dma_start3A_327] : memref<10240x64xf32, #tpu.memory_space<vmem_shared>> -> memref<10240x64xf32, #tpu.memory_space<vmem_shared>>
      tpu.enqueue_indirect_dma source(%dma_start3A_328 : memref<10240x64xf32, #tpu.memory_space<vmem_shared>>) target(%arg12 : memref<64x64xf32, #tpu.memory_space<vmem>>) offsets(%dma_start3A_325 : memref<64xi32, #tpu.memory_space<vmem>>) semaphore(%arg14 : memref<!tpu.dma_semaphore, #tpu.memory_space<semaphore_mem>>)
    }
    %scan3A_57 = arith.constant 158 : i32
    %dma_wait3A = arith.constant 316 : i32
    %dma_wait3A_58 = arith.constant 0 : i32
    %dma_wait3A_59 = tpu.memref_slice %arg9[%dma_wait3A, %dma_wait3A_58] : memref<318x64xi32, #tpu.memory_space<vmem>> -> memref<1x64xi32, #tpu.memory_space<vmem>>
    %dma_wait3A_60 = tpu.memref_squeeze %dma_wait3A_59 : memref<1x64xi32, #tpu.memory_space<vmem>> -> memref<64xi32, #tpu.memory_space<vmem>>
    %dma_wait3A_61 = arith.constant 0 : i32
    %dma_wait3A_62 = arith.constant 0 : i32
    %dma_wait3A_63 = tpu.memref_slice %arg7[%dma_wait3A_61, %dma_wait3A_62] : memref<10240x64xf32, #tpu.memory_space<vmem_shared>> -> memref<10240x64xf32, #tpu.memory_space<vmem_shared>>
    tpu.wait_indirect_dma semaphore(%arg13 : memref<!tpu.dma_semaphore, #tpu.memory_space<semaphore_mem>>) src(%dma_wait3A_63 : memref<10240x64xf32, #tpu.memory_space<vmem_shared>>) dst(%arg11 : memref<64x64xf32, #tpu.memory_space<vmem>>)
    %dma_start3A_64 = arith.constant 316 : i32
    %dma_start3A_65 = arith.constant 0 : i32
    %dma_start3A_66 = tpu.memref_slice %arg10[%dma_start3A_64, %dma_start3A_65] : memref<318x64xi32, #tpu.memory_space<vmem>> -> memref<1x64xi32, #tpu.memory_space<vmem>>
    %dma_start3A_67 = tpu.memref_squeeze %dma_start3A_66 : memref<1x64xi32, #tpu.memory_space<vmem>> -> memref<64xi32, #tpu.memory_space<vmem>>
    %dma_start3A_68 = arith.constant 0 : i32
    %dma_start3A_69 = arith.constant 0 : i32
    %dma_start3A_70 = tpu.memref_slice %arg8[%dma_start3A_68, %dma_start3A_69] : memref<10240x64xf32, #tpu.memory_space<vmem_shared>> -> memref<10240x64xf32, #tpu.memory_space<vmem_shared>>
    tpu.enqueue_indirect_dma source(%arg11 : memref<64x64xf32, #tpu.memory_space<vmem>>) target(%dma_start3A_70 : memref<10240x64xf32, #tpu.memory_space<vmem_shared>>) offsets(%dma_start3A_67 : memref<64xi32, #tpu.memory_space<vmem>>) semaphore(%arg15 : memref<!tpu.dma_semaphore, #tpu.memory_space<semaphore_mem>>) {add = true}
    %dma_wait3A_71 = arith.constant 317 : i32
    %dma_wait3A_72 = arith.constant 0 : i32
    %dma_wait3A_73 = tpu.memref_slice %arg9[%dma_wait3A_71, %dma_wait3A_72] : memref<318x64xi32, #tpu.memory_space<vmem>> -> memref<1x64xi32, #tpu.memory_space<vmem>>
    %dma_wait3A_74 = tpu.memref_squeeze %dma_wait3A_73 : memref<1x64xi32, #tpu.memory_space<vmem>> -> memref<64xi32, #tpu.memory_space<vmem>>
    %dma_wait3A_75 = arith.constant 0 : i32
    %dma_wait3A_76 = arith.constant 0 : i32
    %dma_wait3A_77 = tpu.memref_slice %arg7[%dma_wait3A_75, %dma_wait3A_76] : memref<10240x64xf32, #tpu.memory_space<vmem_shared>> -> memref<10240x64xf32, #tpu.memory_space<vmem_shared>>
    tpu.wait_indirect_dma semaphore(%arg14 : memref<!tpu.dma_semaphore, #tpu.memory_space<semaphore_mem>>) src(%dma_wait3A_77 : memref<10240x64xf32, #tpu.memory_space<vmem_shared>>) dst(%arg12 : memref<64x64xf32, #tpu.memory_space<vmem>>)
    %dma_start3A_78 = arith.constant 317 : i32
    %dma_start3A_79 = arith.constant 0 : i32
    %dma_start3A_80 = tpu.memref_slice %arg10[%dma_start3A_78, %dma_start3A_79] : memref<318x64xi32, #tpu.memory_space<vmem>> -> memref<1x64xi32, #tpu.memory_space<vmem>>
    %dma_start3A_81 = tpu.memref_squeeze %dma_start3A_80 : memref<1x64xi32, #tpu.memory_space<vmem>> -> memref<64xi32, #tpu.memory_space<vmem>>
    %dma_start3A_82 = arith.constant 0 : i32
    %dma_start3A_83 = arith.constant 0 : i32
    %dma_start3A_84 = tpu.memref_slice %arg8[%dma_start3A_82, %dma_start3A_83] : memref<10240x64xf32, #tpu.memory_space<vmem_shared>> -> memref<10240x64xf32, #tpu.memory_space<vmem_shared>>
    tpu.enqueue_indirect_dma source(%arg12 : memref<64x64xf32, #tpu.memory_space<vmem>>) target(%dma_start3A_84 : memref<10240x64xf32, #tpu.memory_space<vmem_shared>>) offsets(%dma_start3A_81 : memref<64xi32, #tpu.memory_space<vmem>>) semaphore(%arg16 : memref<!tpu.dma_semaphore, #tpu.memory_space<semaphore_mem>>) {add = true}
    %dma_wait3A_85 = arith.constant 316 : i32
    %dma_wait3A_86 = arith.constant 0 : i32
    %dma_wait3A_87 = tpu.memref_slice %arg10[%dma_wait3A_85, %dma_wait3A_86] : memref<318x64xi32, #tpu.memory_space<vmem>> -> memref<1x64xi32, #tpu.memory_space<vmem>>
    %dma_wait3A_88 = tpu.memref_squeeze %dma_wait3A_87 : memref<1x64xi32, #tpu.memory_space<vmem>> -> memref<64xi32, #tpu.memory_space<vmem>>
    %dma_wait3A_89 = arith.constant 0 : i32
    %dma_wait3A_90 = arith.constant 0 : i32
    %dma_wait3A_91 = tpu.memref_slice %arg8[%dma_wait3A_89, %dma_wait3A_90] : memref<10240x64xf32, #tpu.memory_space<vmem_shared>> -> memref<10240x64xf32, #tpu.memory_space<vmem_shared>>
    tpu.wait_indirect_dma semaphore(%arg15 : memref<!tpu.dma_semaphore, #tpu.memory_space<semaphore_mem>>) src(%arg11 : memref<64x64xf32, #tpu.memory_space<vmem>>) dst(%dma_wait3A_91 : memref<10240x64xf32, #tpu.memory_space<vmem_shared>>)
    %dma_wait3A_92 = arith.constant 317 : i32
    %dma_wait3A_93 = arith.constant 0 : i32
    %dma_wait3A_94 = tpu.memref_slice %arg10[%dma_wait3A_92, %dma_wait3A_93] : memref<318x64xi32, #tpu.memory_space<vmem>> -> memref<1x64xi32, #tpu.memory_space<vmem>>
    %dma_wait3A_95 = tpu.memref_squeeze %dma_wait3A_94 : memref<1x64xi32, #tpu.memory_space<vmem>> -> memref<64xi32, #tpu.memory_space<vmem>>
    %dma_wait3A_96 = arith.constant 0 : i32
    %dma_wait3A_97 = arith.constant 0 : i32
    %dma_wait3A_98 = tpu.memref_slice %arg8[%dma_wait3A_96, %dma_wait3A_97] : memref<10240x64xf32, #tpu.memory_space<vmem_shared>> -> memref<10240x64xf32, #tpu.memory_space<vmem_shared>>
    tpu.wait_indirect_dma semaphore(%arg16 : memref<!tpu.dma_semaphore, #tpu.memory_space<semaphore_mem>>) src(%arg12 : memref<64x64xf32, #tpu.memory_space<vmem>>) dst(%dma_wait3A_98 : memref<10240x64xf32, #tpu.memory_space<vmem_shared>>)
    %barrier3A_99 = arith.constant 0 : index
    tpu.barrier barrier_id(%barrier3A_99)
    %add3A_100 = arith.constant 0 : i32
    %add3A_101 = arith.addi %mul3A_0, %add3A_100 : i32
    "tpu.region"() ({
      %run_scoped3A = tpu.sem_alloc : memref<!tpu.dma_semaphore, #tpu.memory_space<semaphore_mem>>
      %dma_start3A_260 = arith.constant 0 : i32
      %dma_start3A_261 = tpu.memref_slice %arg8[%add3A_101, %dma_start3A_260] : memref<10240x64xf32, #tpu.memory_space<vmem_shared>> -> memref<64x64xf32, #tpu.memory_space<vmem_shared>>
      %dma_start3A_262 = arith.constant 0 : i32
      %dma_start3A_263 = tpu.memref_slice %arg8[%add3A_101, %dma_start3A_262] : memref<10240x64xf32, #tpu.memory_space<vmem_shared>> -> memref<64x64xf32, #tpu.memory_space<vmem_shared>>
      tpu.enqueue_dma source(%dma_start3A_263 : memref<64x64xf32, #tpu.memory_space<vmem_shared>>) target(%arg11 : memref<64x64xf32, #tpu.memory_space<vmem>>) target_semaphore(%run_scoped3A : memref<!tpu.dma_semaphore, #tpu.memory_space<semaphore_mem>>)
      %dma_wait3A_264 = arith.constant 0 : i32
      %dma_wait3A_265 = tpu.memref_slice %arg8[%add3A_101, %dma_wait3A_264] : memref<10240x64xf32, #tpu.memory_space<vmem_shared>> -> memref<64x64xf32, #tpu.memory_space<vmem_shared>>
      %dma_wait3A_266 = arith.constant 0 : i32
      %dma_wait3A_267 = tpu.memref_slice %arg8[%add3A_101, %dma_wait3A_266] : memref<10240x64xf32, #tpu.memory_space<vmem_shared>> -> memref<64x64xf32, #tpu.memory_space<vmem_shared>>
      tpu.wait_dma2 semaphore(%run_scoped3A : memref<!tpu.dma_semaphore, #tpu.memory_space<semaphore_mem>>) src(%dma_wait3A_267 : memref<64x64xf32, #tpu.memory_space<vmem_shared>>) dst(%arg11 : memref<64x64xf32, #tpu.memory_space<vmem>>)
      tpu.yield
    }) : () -> ()
    %dma_start3A_102 = arith.constant 0 : i32
    %dma_start3A_103 = tpu.memref_slice %arg6[%add3A_101, %arg0, %dma_start3A_102] : memref<10240x2x64xf32, #tpu.memory_space<hbm>> -> memref<64x1x64xf32, #tpu.memory_space<hbm>>
    %dma_start3A_104 = tpu.memref_squeeze %dma_start3A_103 : memref<64x1x64xf32, #tpu.memory_space<hbm>> -> memref<64x64xf32, #tpu.memory_space<hbm>>
    %dma_start3A_105 = arith.constant 0 : i32
    %dma_start3A_106 = tpu.memref_slice %arg6[%add3A_101, %arg0, %dma_start3A_105] : memref<10240x2x64xf32, #tpu.memory_space<hbm>> -> memref<64x1x64xf32, #tpu.memory_space<hbm>>
    %dma_start3A_107 = tpu.memref_squeeze %dma_start3A_106 : memref<64x1x64xf32, #tpu.memory_space<hbm>> -> memref<64x64xf32, #tpu.memory_space<hbm>>
    tpu.enqueue_dma source(%arg11 : memref<64x64xf32, #tpu.memory_space<vmem>>) target(%dma_start3A_107 : memref<64x64xf32, #tpu.memory_space<hbm>>) target_semaphore(%arg13 : memref<!tpu.dma_semaphore, #tpu.memory_space<semaphore_mem>>)
    %add3A_108 = arith.constant 64 : i32
    %add3A_109 = arith.addi %mul3A_0, %add3A_108 : i32
    "tpu.region"() ({
      %run_scoped3A = tpu.sem_alloc : memref<!tpu.dma_semaphore, #tpu.memory_space<semaphore_mem>>
      %dma_start3A_260 = arith.constant 0 : i32
      %dma_start3A_261 = tpu.memref_slice %arg8[%add3A_109, %dma_start3A_260] : memref<10240x64xf32, #tpu.memory_space<vmem_shared>> -> memref<64x64xf32, #tpu.memory_space<vmem_shared>>
      %dma_start3A_262 = arith.constant 0 : i32
      %dma_start3A_263 = tpu.memref_slice %arg8[%add3A_109, %dma_start3A_262] : memref<10240x64xf32, #tpu.memory_space<vmem_shared>> -> memref<64x64xf32, #tpu.memory_space<vmem_shared>>
      tpu.enqueue_dma source(%dma_start3A_263 : memref<64x64xf32, #tpu.memory_space<vmem_shared>>) target(%arg12 : memref<64x64xf32, #tpu.memory_space<vmem>>) target_semaphore(%run_scoped3A : memref<!tpu.dma_semaphore, #tpu.memory_space<semaphore_mem>>)
      %dma_wait3A_264 = arith.constant 0 : i32
      %dma_wait3A_265 = tpu.memref_slice %arg8[%add3A_109, %dma_wait3A_264] : memref<10240x64xf32, #tpu.memory_space<vmem_shared>> -> memref<64x64xf32, #tpu.memory_space<vmem_shared>>
      %dma_wait3A_266 = arith.constant 0 : i32
      %dma_wait3A_267 = tpu.memref_slice %arg8[%add3A_109, %dma_wait3A_266] : memref<10240x64xf32, #tpu.memory_space<vmem_shared>> -> memref<64x64xf32, #tpu.memory_space<vmem_shared>>
      tpu.wait_dma2 semaphore(%run_scoped3A : memref<!tpu.dma_semaphore, #tpu.memory_space<semaphore_mem>>) src(%dma_wait3A_267 : memref<64x64xf32, #tpu.memory_space<vmem_shared>>) dst(%arg12 : memref<64x64xf32, #tpu.memory_space<vmem>>)
      tpu.yield
    }) : () -> ()
    %dma_start3A_110 = arith.constant 0 : i32
    %dma_start3A_111 = tpu.memref_slice %arg6[%add3A_109, %arg0, %dma_start3A_110] : memref<10240x2x64xf32, #tpu.memory_space<hbm>> -> memref<64x1x64xf32, #tpu.memory_space<hbm>>
    %dma_start3A_112 = tpu.memref_squeeze %dma_start3A_111 : memref<64x1x64xf32, #tpu.memory_space<hbm>> -> memref<64x64xf32, #tpu.memory_space<hbm>>
    %dma_start3A_113 = arith.constant 0 : i32
    %dma_start3A_114 = tpu.memref_slice %arg6[%add3A_109, %arg0, %dma_start3A_113] : memref<10240x2x64xf32, #tpu.memory_space<hbm>> -> memref<64x1x64xf32, #tpu.memory_space<hbm>>
    %dma_start3A_115 = tpu.memref_squeeze %dma_start3A_114 : memref<64x1x64xf32, #tpu.memory_space<hbm>> -> memref<64x64xf32, #tpu.memory_space<hbm>>
    tpu.enqueue_dma source(%arg12 : memref<64x64xf32, #tpu.memory_space<vmem>>) target(%dma_start3A_115 : memref<64x64xf32, #tpu.memory_space<hbm>>) target_semaphore(%arg14 : memref<!tpu.dma_semaphore, #tpu.memory_space<semaphore_mem>>)
    %add3A_116 = arith.constant 128 : i32
    %add3A_117 = arith.addi %mul3A_0, %add3A_116 : i32
    %add3A_118 = arith.constant 0 : i32
    %add3A_119 = arith.addi %mul3A_0, %add3A_118 : i32
    %dma_wait3A_120 = arith.constant 0 : i32
    %dma_wait3A_121 = tpu.memref_slice %arg6[%add3A_119, %arg0, %dma_wait3A_120] : memref<10240x2x64xf32, #tpu.memory_space<hbm>> -> memref<64x1x64xf32, #tpu.memory_space<hbm>>
    %dma_wait3A_122 = tpu.memref_squeeze %dma_wait3A_121 : memref<64x1x64xf32, #tpu.memory_space<hbm>> -> memref<64x64xf32, #tpu.memory_space<hbm>>
    %dma_wait3A_123 = arith.constant 0 : i32
    %dma_wait3A_124 = tpu.memref_slice %arg6[%add3A_119, %arg0, %dma_wait3A_123] : memref<10240x2x64xf32, #tpu.memory_space<hbm>> -> memref<64x1x64xf32, #tpu.memory_space<hbm>>
    %dma_wait3A_125 = tpu.memref_squeeze %dma_wait3A_124 : memref<64x1x64xf32, #tpu.memory_space<hbm>> -> memref<64x64xf32, #tpu.memory_space<hbm>>
    tpu.wait_dma2 semaphore(%arg13 : memref<!tpu.dma_semaphore, #tpu.memory_space<semaphore_mem>>) src(%arg11 : memref<64x64xf32, #tpu.memory_space<vmem>>) dst(%dma_wait3A_125 : memref<64x64xf32, #tpu.memory_space<hbm>>)
    "tpu.region"() ({
      %run_scoped3A = tpu.sem_alloc : memref<!tpu.dma_semaphore, #tpu.memory_space<semaphore_mem>>
      %dma_start3A_260 = arith.constant 0 : i32
      %dma_start3A_261 = tpu.memref_slice %arg8[%add3A_117, %dma_start3A_260] : memref<10240x64xf32, #tpu.memory_space<vmem_shared>> -> memref<64x64xf32, #tpu.memory_space<vmem_shared>>
      %dma_start3A_262 = arith.constant 0 : i32
      %dma_start3A_263 = tpu.memref_slice %arg8[%add3A_117, %dma_start3A_262] : memref<10240x64xf32, #tpu.memory_space<vmem_shared>> -> memref<64x64xf32, #tpu.memory_space<vmem_shared>>
      tpu.enqueue_dma source(%dma_start3A_263 : memref<64x64xf32, #tpu.memory_space<vmem_shared>>) target(%arg11 : memref<64x64xf32, #tpu.memory_space<vmem>>) target_semaphore(%run_scoped3A : memref<!tpu.dma_semaphore, #tpu.memory_space<semaphore_mem>>)
      %dma_wait3A_264 = arith.constant 0 : i32
      %dma_wait3A_265 = tpu.memref_slice %arg8[%add3A_117, %dma_wait3A_264] : memref<10240x64xf32, #tpu.memory_space<vmem_shared>> -> memref<64x64xf32, #tpu.memory_space<vmem_shared>>
      %dma_wait3A_266 = arith.constant 0 : i32
      %dma_wait3A_267 = tpu.memref_slice %arg8[%add3A_117, %dma_wait3A_266] : memref<10240x64xf32, #tpu.memory_space<vmem_shared>> -> memref<64x64xf32, #tpu.memory_space<vmem_shared>>
      tpu.wait_dma2 semaphore(%run_scoped3A : memref<!tpu.dma_semaphore, #tpu.memory_space<semaphore_mem>>) src(%dma_wait3A_267 : memref<64x64xf32, #tpu.memory_space<vmem_shared>>) dst(%arg11 : memref<64x64xf32, #tpu.memory_space<vmem>>)
      tpu.yield
    }) : () -> ()
    %dma_start3A_126 = arith.constant 0 : i32
    %dma_start3A_127 = tpu.memref_slice %arg6[%add3A_117, %arg0, %dma_start3A_126] : memref<10240x2x64xf32, #tpu.memory_space<hbm>> -> memref<64x1x64xf32, #tpu.memory_space<hbm>>
    %dma_start3A_128 = tpu.memref_squeeze %dma_start3A_127 : memref<64x1x64xf32, #tpu.memory_space<hbm>> -> memref<64x64xf32, #tpu.memory_space<hbm>>
    %dma_start3A_129 = arith.constant 0 : i32
    %dma_start3A_130 = tpu.memref_slice %arg6[%add3A_117, %arg0, %dma_start3A_129] : memref<10240x2x64xf32, #tpu.memory_space<hbm>> -> memref<64x1x64xf32, #tpu.memory_space<hbm>>
    %dma_start3A_131 = tpu.memref_squeeze %dma_start3A_130 : memref<64x1x64xf32, #tpu.memory_space<hbm>> -> memref<64x64xf32, #tpu.memory_space<hbm>>
    tpu.enqueue_dma source(%arg11 : memref<64x64xf32, #tpu.memory_space<vmem>>) target(%dma_start3A_131 : memref<64x64xf32, #tpu.memory_space<hbm>>) target_semaphore(%arg13 : memref<!tpu.dma_semaphore, #tpu.memory_space<semaphore_mem>>)
    %add3A_132 = arith.constant 192 : i32
    %add3A_133 = arith.addi %mul3A_0, %add3A_132 : i32
    %add3A_134 = arith.constant 64 : i32
    %add3A_135 = arith.addi %mul3A_0, %add3A_134 : i32
    %dma_wait3A_136 = arith.constant 0 : i32
    %dma_wait3A_137 = tpu.memref_slice %arg6[%add3A_135, %arg0, %dma_wait3A_136] : memref<10240x2x64xf32, #tpu.memory_space<hbm>> -> memref<64x1x64xf32, #tpu.memory_space<hbm>>
    %dma_wait3A_138 = tpu.memref_squeeze %dma_wait3A_137 : memref<64x1x64xf32, #tpu.memory_space<hbm>> -> memref<64x64xf32, #tpu.memory_space<hbm>>
    %dma_wait3A_139 = arith.constant 0 : i32
    %dma_wait3A_140 = tpu.memref_slice %arg6[%add3A_135, %arg0, %dma_wait3A_139] : memref<10240x2x64xf32, #tpu.memory_space<hbm>> -> memref<64x1x64xf32, #tpu.memory_space<hbm>>
    %dma_wait3A_141 = tpu.memref_squeeze %dma_wait3A_140 : memref<64x1x64xf32, #tpu.memory_space<hbm>> -> memref<64x64xf32, #tpu.memory_space<hbm>>
    tpu.wait_dma2 semaphore(%arg14 : memref<!tpu.dma_semaphore, #tpu.memory_space<semaphore_mem>>) src(%arg12 : memref<64x64xf32, #tpu.memory_space<vmem>>) dst(%dma_wait3A_141 : memref<64x64xf32, #tpu.memory_space<hbm>>)
    "tpu.region"() ({
      %run_scoped3A = tpu.sem_alloc : memref<!tpu.dma_semaphore, #tpu.memory_space<semaphore_mem>>
      %dma_start3A_260 = arith.constant 0 : i32
      %dma_start3A_261 = tpu.memref_slice %arg8[%add3A_133, %dma_start3A_260] : memref<10240x64xf32, #tpu.memory_space<vmem_shared>> -> memref<64x64xf32, #tpu.memory_space<vmem_shared>>
      %dma_start3A_262 = arith.constant 0 : i32
      %dma_start3A_263 = tpu.memref_slice %arg8[%add3A_133, %dma_start3A_262] : memref<10240x64xf32, #tpu.memory_space<vmem_shared>> -> memref<64x64xf32, #tpu.memory_space<vmem_shared>>
      tpu.enqueue_dma source(%dma_start3A_263 : memref<64x64xf32, #tpu.memory_space<vmem_shared>>) target(%arg12 : memref<64x64xf32, #tpu.memory_space<vmem>>) target_semaphore(%run_scoped3A : memref<!tpu.dma_semaphore, #tpu.memory_space<semaphore_mem>>)
      %dma_wait3A_264 = arith.constant 0 : i32
      %dma_wait3A_265 = tpu.memref_slice %arg8[%add3A_133, %dma_wait3A_264] : memref<10240x64xf32, #tpu.memory_space<vmem_shared>> -> memref<64x64xf32, #tpu.memory_space<vmem_shared>>
      %dma_wait3A_266 = arith.constant 0 : i32
      %dma_wait3A_267 = tpu.memref_slice %arg8[%add3A_133, %dma_wait3A_266] : memref<10240x64xf32, #tpu.memory_space<vmem_shared>> -> memref<64x64xf32, #tpu.memory_space<vmem_shared>>
      tpu.wait_dma2 semaphore(%run_scoped3A : memref<!tpu.dma_semaphore, #tpu.memory_space<semaphore_mem>>) src(%dma_wait3A_267 : memref<64x64xf32, #tpu.memory_space<vmem_shared>>) dst(%arg12 : memref<64x64xf32, #tpu.memory_space<vmem>>)
      tpu.yield
    }) : () -> ()
    %dma_start3A_142 = arith.constant 0 : i32
    %dma_start3A_143 = tpu.memref_slice %arg6[%add3A_133, %arg0, %dma_start3A_142] : memref<10240x2x64xf32, #tpu.memory_space<hbm>> -> memref<64x1x64xf32, #tpu.memory_space<hbm>>
    %dma_start3A_144 = tpu.memref_squeeze %dma_start3A_143 : memref<64x1x64xf32, #tpu.memory_space<hbm>> -> memref<64x64xf32, #tpu.memory_space<hbm>>
    %dma_start3A_145 = arith.constant 0 : i32
    %dma_start3A_146 = tpu.memref_slice %arg6[%add3A_133, %arg0, %dma_start3A_145] : memref<10240x2x64xf32, #tpu.memory_space<hbm>> -> memref<64x1x64xf32, #tpu.memory_space<hbm>>
    %dma_start3A_147 = tpu.memref_squeeze %dma_start3A_146 : memref<64x1x64xf32, #tpu.memory_space<hbm>> -> memref<64x64xf32, #tpu.memory_space<hbm>>
    tpu.enqueue_dma source(%arg12 : memref<64x64xf32, #tpu.memory_space<vmem>>) target(%dma_start3A_147 : memref<64x64xf32, #tpu.memory_space<hbm>>) target_semaphore(%arg14 : memref<!tpu.dma_semaphore, #tpu.memory_space<semaphore_mem>>)
    %add3A_148 = arith.constant 256 : i32
    %add3A_149 = arith.addi %mul3A_0, %add3A_148 : i32
    %add3A_150 = arith.constant 128 : i32
    %add3A_151 = arith.addi %mul3A_0, %add3A_150 : i32
    %dma_wait3A_152 = arith.constant 0 : i32
    %dma_wait3A_153 = tpu.memref_slice %arg6[%add3A_151, %arg0, %dma_wait3A_152] : memref<10240x2x64xf32, #tpu.memory_space<hbm>> -> memref<64x1x64xf32, #tpu.memory_space<hbm>>
    %dma_wait3A_154 = tpu.memref_squeeze %dma_wait3A_153 : memref<64x1x64xf32, #tpu.memory_space<hbm>> -> memref<64x64xf32, #tpu.memory_space<hbm>>
    %dma_wait3A_155 = arith.constant 0 : i32
    %dma_wait3A_156 = tpu.memref_slice %arg6[%add3A_151, %arg0, %dma_wait3A_155] : memref<10240x2x64xf32, #tpu.memory_space<hbm>> -> memref<64x1x64xf32, #tpu.memory_space<hbm>>
    %dma_wait3A_157 = tpu.memref_squeeze %dma_wait3A_156 : memref<64x1x64xf32, #tpu.memory_space<hbm>> -> memref<64x64xf32, #tpu.memory_space<hbm>>
    tpu.wait_dma2 semaphore(%arg13 : memref<!tpu.dma_semaphore, #tpu.memory_space<semaphore_mem>>) src(%arg11 : memref<64x64xf32, #tpu.memory_space<vmem>>) dst(%dma_wait3A_157 : memref<64x64xf32, #tpu.memory_space<hbm>>)
    "tpu.region"() ({
      %run_scoped3A = tpu.sem_alloc : memref<!tpu.dma_semaphore, #tpu.memory_space<semaphore_mem>>
      %dma_start3A_260 = arith.constant 0 : i32
      %dma_start3A_261 = tpu.memref_slice %arg8[%add3A_149, %dma_start3A_260] : memref<10240x64xf32, #tpu.memory_space<vmem_shared>> -> memref<64x64xf32, #tpu.memory_space<vmem_shared>>
      %dma_start3A_262 = arith.constant 0 : i32
      %dma_start3A_263 = tpu.memref_slice %arg8[%add3A_149, %dma_start3A_262] : memref<10240x64xf32, #tpu.memory_space<vmem_shared>> -> memref<64x64xf32, #tpu.memory_space<vmem_shared>>
      tpu.enqueue_dma source(%dma_start3A_263 : memref<64x64xf32, #tpu.memory_space<vmem_shared>>) target(%arg11 : memref<64x64xf32, #tpu.memory_space<vmem>>) target_semaphore(%run_scoped3A : memref<!tpu.dma_semaphore, #tpu.memory_space<semaphore_mem>>)
      %dma_wait3A_264 = arith.constant 0 : i32
      %dma_wait3A_265 = tpu.memref_slice %arg8[%add3A_149, %dma_wait3A_264] : memref<10240x64xf32, #tpu.memory_space<vmem_shared>> -> memref<64x64xf32, #tpu.memory_space<vmem_shared>>
      %dma_wait3A_266 = arith.constant 0 : i32
      %dma_wait3A_267 = tpu.memref_slice %arg8[%add3A_149, %dma_wait3A_266] : memref<10240x64xf32, #tpu.memory_space<vmem_shared>> -> memref<64x64xf32, #tpu.memory_space<vmem_shared>>
      tpu.wait_dma2 semaphore(%run_scoped3A : memref<!tpu.dma_semaphore, #tpu.memory_space<semaphore_mem>>) src(%dma_wait3A_267 : memref<64x64xf32, #tpu.memory_space<vmem_shared>>) dst(%arg11 : memref<64x64xf32, #tpu.memory_space<vmem>>)
      tpu.yield
    }) : () -> ()
    %dma_start3A_158 = arith.constant 0 : i32
    %dma_start3A_159 = tpu.memref_slice %arg6[%add3A_149, %arg0, %dma_start3A_158] : memref<10240x2x64xf32, #tpu.memory_space<hbm>> -> memref<64x1x64xf32, #tpu.memory_space<hbm>>
    %dma_start3A_160 = tpu.memref_squeeze %dma_start3A_159 : memref<64x1x64xf32, #tpu.memory_space<hbm>> -> memref<64x64xf32, #tpu.memory_space<hbm>>
    %dma_start3A_161 = arith.constant 0 : i32
    %dma_start3A_162 = tpu.memref_slice %arg6[%add3A_149, %arg0, %dma_start3A_161] : memref<10240x2x64xf32, #tpu.memory_space<hbm>> -> memref<64x1x64xf32, #tpu.memory_space<hbm>>
    %dma_start3A_163 = tpu.memref_squeeze %dma_start3A_162 : memref<64x1x64xf32, #tpu.memory_space<hbm>> -> memref<64x64xf32, #tpu.memory_space<hbm>>
    tpu.enqueue_dma source(%arg11 : memref<64x64xf32, #tpu.memory_space<vmem>>) target(%dma_start3A_163 : memref<64x64xf32, #tpu.memory_space<hbm>>) target_semaphore(%arg13 : memref<!tpu.dma_semaphore, #tpu.memory_space<semaphore_mem>>)
    %add3A_164 = arith.constant 320 : i32
    %add3A_165 = arith.addi %mul3A_0, %add3A_164 : i32
    %add3A_166 = arith.constant 192 : i32
    %add3A_167 = arith.addi %mul3A_0, %add3A_166 : i32
    %dma_wait3A_168 = arith.constant 0 : i32
    %dma_wait3A_169 = tpu.memref_slice %arg6[%add3A_167, %arg0, %dma_wait3A_168] : memref<10240x2x64xf32, #tpu.memory_space<hbm>> -> memref<64x1x64xf32, #tpu.memory_space<hbm>>
    %dma_wait3A_170 = tpu.memref_squeeze %dma_wait3A_169 : memref<64x1x64xf32, #tpu.memory_space<hbm>> -> memref<64x64xf32, #tpu.memory_space<hbm>>
    %dma_wait3A_171 = arith.constant 0 : i32
    %dma_wait3A_172 = tpu.memref_slice %arg6[%add3A_167, %arg0, %dma_wait3A_171] : memref<10240x2x64xf32, #tpu.memory_space<hbm>> -> memref<64x1x64xf32, #tpu.memory_space<hbm>>
    %dma_wait3A_173 = tpu.memref_squeeze %dma_wait3A_172 : memref<64x1x64xf32, #tpu.memory_space<hbm>> -> memref<64x64xf32, #tpu.memory_space<hbm>>
    tpu.wait_dma2 semaphore(%arg14 : memref<!tpu.dma_semaphore, #tpu.memory_space<semaphore_mem>>) src(%arg12 : memref<64x64xf32, #tpu.memory_space<vmem>>) dst(%dma_wait3A_173 : memref<64x64xf32, #tpu.memory_space<hbm>>)
    "tpu.region"() ({
      %run_scoped3A = tpu.sem_alloc : memref<!tpu.dma_semaphore, #tpu.memory_space<semaphore_mem>>
      %dma_start3A_260 = arith.constant 0 : i32
      %dma_start3A_261 = tpu.memref_slice %arg8[%add3A_165, %dma_start3A_260] : memref<10240x64xf32, #tpu.memory_space<vmem_shared>> -> memref<64x64xf32, #tpu.memory_space<vmem_shared>>
      %dma_start3A_262 = arith.constant 0 : i32
      %dma_start3A_263 = tpu.memref_slice %arg8[%add3A_165, %dma_start3A_262] : memref<10240x64xf32, #tpu.memory_space<vmem_shared>> -> memref<64x64xf32, #tpu.memory_space<vmem_shared>>
      tpu.enqueue_dma source(%dma_start3A_263 : memref<64x64xf32, #tpu.memory_space<vmem_shared>>) target(%arg12 : memref<64x64xf32, #tpu.memory_space<vmem>>) target_semaphore(%run_scoped3A : memref<!tpu.dma_semaphore, #tpu.memory_space<semaphore_mem>>)
      %dma_wait3A_264 = arith.constant 0 : i32
      %dma_wait3A_265 = tpu.memref_slice %arg8[%add3A_165, %dma_wait3A_264] : memref<10240x64xf32, #tpu.memory_space<vmem_shared>> -> memref<64x64xf32, #tpu.memory_space<vmem_shared>>
      %dma_wait3A_266 = arith.constant 0 : i32
      %dma_wait3A_267 = tpu.memref_slice %arg8[%add3A_165, %dma_wait3A_266] : memref<10240x64xf32, #tpu.memory_space<vmem_shared>> -> memref<64x64xf32, #tpu.memory_space<vmem_shared>>
      tpu.wait_dma2 semaphore(%run_scoped3A : memref<!tpu.dma_semaphore, #tpu.memory_space<semaphore_mem>>) src(%dma_wait3A_267 : memref<64x64xf32, #tpu.memory_space<vmem_shared>>) dst(%arg12 : memref<64x64xf32, #tpu.memory_space<vmem>>)
      tpu.yield
    }) : () -> ()
    %dma_start3A_174 = arith.constant 0 : i32
    %dma_start3A_175 = tpu.memref_slice %arg6[%add3A_165, %arg0, %dma_start3A_174] : memref<10240x2x64xf32, #tpu.memory_space<hbm>> -> memref<64x1x64xf32, #tpu.memory_space<hbm>>
    %dma_start3A_176 = tpu.memref_squeeze %dma_start3A_175 : memref<64x1x64xf32, #tpu.memory_space<hbm>> -> memref<64x64xf32, #tpu.memory_space<hbm>>
    %dma_start3A_177 = arith.constant 0 : i32
    %dma_start3A_178 = tpu.memref_slice %arg6[%add3A_165, %arg0, %dma_start3A_177] : memref<10240x2x64xf32, #tpu.memory_space<hbm>> -> memref<64x1x64xf32, #tpu.memory_space<hbm>>
    %dma_start3A_179 = tpu.memref_squeeze %dma_start3A_178 : memref<64x1x64xf32, #tpu.memory_space<hbm>> -> memref<64x64xf32, #tpu.memory_space<hbm>>
    tpu.enqueue_dma source(%arg12 : memref<64x64xf32, #tpu.memory_space<vmem>>) target(%dma_start3A_179 : memref<64x64xf32, #tpu.memory_space<hbm>>) target_semaphore(%arg14 : memref<!tpu.dma_semaphore, #tpu.memory_space<semaphore_mem>>)
    %add3A_180 = arith.constant 384 : i32
    %add3A_181 = arith.addi %mul3A_0, %add3A_180 : i32
    %add3A_182 = arith.constant 256 : i32
    %add3A_183 = arith.addi %mul3A_0, %add3A_182 : i32
    %dma_wait3A_184 = arith.constant 0 : i32
    %dma_wait3A_185 = tpu.memref_slice %arg6[%add3A_183, %arg0, %dma_wait3A_184] : memref<10240x2x64xf32, #tpu.memory_space<hbm>> -> memref<64x1x64xf32, #tpu.memory_space<hbm>>
    %dma_wait3A_186 = tpu.memref_squeeze %dma_wait3A_185 : memref<64x1x64xf32, #tpu.memory_space<hbm>> -> memref<64x64xf32, #tpu.memory_space<hbm>>
    %dma_wait3A_187 = arith.constant 0 : i32
    %dma_wait3A_188 = tpu.memref_slice %arg6[%add3A_183, %arg0, %dma_wait3A_187] : memref<10240x2x64xf32, #tpu.memory_space<hbm>> -> memref<64x1x64xf32, #tpu.memory_space<hbm>>
    %dma_wait3A_189 = tpu.memref_squeeze %dma_wait3A_188 : memref<64x1x64xf32, #tpu.memory_space<hbm>> -> memref<64x64xf32, #tpu.memory_space<hbm>>
    tpu.wait_dma2 semaphore(%arg13 : memref<!tpu.dma_semaphore, #tpu.memory_space<semaphore_mem>>) src(%arg11 : memref<64x64xf32, #tpu.memory_space<vmem>>) dst(%dma_wait3A_189 : memref<64x64xf32, #tpu.memory_space<hbm>>)
    "tpu.region"() ({
      %run_scoped3A = tpu.sem_alloc : memref<!tpu.dma_semaphore, #tpu.memory_space<semaphore_mem>>
      %dma_start3A_260 = arith.constant 0 : i32
      %dma_start3A_261 = tpu.memref_slice %arg8[%add3A_181, %dma_start3A_260] : memref<10240x64xf32, #tpu.memory_space<vmem_shared>> -> memref<64x64xf32, #tpu.memory_space<vmem_shared>>
      %dma_start3A_262 = arith.constant 0 : i32
      %dma_start3A_263 = tpu.memref_slice %arg8[%add3A_181, %dma_start3A_262] : memref<10240x64xf32, #tpu.memory_space<vmem_shared>> -> memref<64x64xf32, #tpu.memory_space<vmem_shared>>
      tpu.enqueue_dma source(%dma_start3A_263 : memref<64x64xf32, #tpu.memory_space<vmem_shared>>) target(%arg11 : memref<64x64xf32, #tpu.memory_space<vmem>>) target_semaphore(%run_scoped3A : memref<!tpu.dma_semaphore, #tpu.memory_space<semaphore_mem>>)
      %dma_wait3A_264 = arith.constant 0 : i32
      %dma_wait3A_265 = tpu.memref_slice %arg8[%add3A_181, %dma_wait3A_264] : memref<10240x64xf32, #tpu.memory_space<vmem_shared>> -> memref<64x64xf32, #tpu.memory_space<vmem_shared>>
      %dma_wait3A_266 = arith.constant 0 : i32
      %dma_wait3A_267 = tpu.memref_slice %arg8[%add3A_181, %dma_wait3A_266] : memref<10240x64xf32, #tpu.memory_space<vmem_shared>> -> memref<64x64xf32, #tpu.memory_space<vmem_shared>>
      tpu.wait_dma2 semaphore(%run_scoped3A : memref<!tpu.dma_semaphore, #tpu.memory_space<semaphore_mem>>) src(%dma_wait3A_267 : memref<64x64xf32, #tpu.memory_space<vmem_shared>>) dst(%arg11 : memref<64x64xf32, #tpu.memory_space<vmem>>)
      tpu.yield
    }) : () -> ()
    %dma_start3A_190 = arith.constant 0 : i32
    %dma_start3A_191 = tpu.memref_slice %arg6[%add3A_181, %arg0, %dma_start3A_190] : memref<10240x2x64xf32, #tpu.memory_space<hbm>> -> memref<64x1x64xf32, #tpu.memory_space<hbm>>
    %dma_start3A_192 = tpu.memref_squeeze %dma_start3A_191 : memref<64x1x64xf32, #tpu.memory_space<hbm>> -> memref<64x64xf32, #tpu.memory_space<hbm>>
    %dma_start3A_193 = arith.constant 0 : i32
    %dma_start3A_194 = tpu.memref_slice %arg6[%add3A_181, %arg0, %dma_start3A_193] : memref<10240x2x64xf32, #tpu.memory_space<hbm>> -> memref<64x1x64xf32, #tpu.memory_space<hbm>>
    %dma_start3A_195 = tpu.memref_squeeze %dma_start3A_194 : memref<64x1x64xf32, #tpu.memory_space<hbm>> -> memref<64x64xf32, #tpu.memory_space<hbm>>
    tpu.enqueue_dma source(%arg11 : memref<64x64xf32, #tpu.memory_space<vmem>>) target(%dma_start3A_195 : memref<64x64xf32, #tpu.memory_space<hbm>>) target_semaphore(%arg13 : memref<!tpu.dma_semaphore, #tpu.memory_space<semaphore_mem>>)
    %add3A_196 = arith.constant 448 : i32
    %add3A_197 = arith.addi %mul3A_0, %add3A_196 : i32
    %add3A_198 = arith.constant 320 : i32
    %add3A_199 = arith.addi %mul3A_0, %add3A_198 : i32
    %dma_wait3A_200 = arith.constant 0 : i32
    %dma_wait3A_201 = tpu.memref_slice %arg6[%add3A_199, %arg0, %dma_wait3A_200] : memref<10240x2x64xf32, #tpu.memory_space<hbm>> -> memref<64x1x64xf32, #tpu.memory_space<hbm>>
    %dma_wait3A_202 = tpu.memref_squeeze %dma_wait3A_201 : memref<64x1x64xf32, #tpu.memory_space<hbm>> -> memref<64x64xf32, #tpu.memory_space<hbm>>
    %dma_wait3A_203 = arith.constant 0 : i32
    %dma_wait3A_204 = tpu.memref_slice %arg6[%add3A_199, %arg0, %dma_wait3A_203] : memref<10240x2x64xf32, #tpu.memory_space<hbm>> -> memref<64x1x64xf32, #tpu.memory_space<hbm>>
    %dma_wait3A_205 = tpu.memref_squeeze %dma_wait3A_204 : memref<64x1x64xf32, #tpu.memory_space<hbm>> -> memref<64x64xf32, #tpu.memory_space<hbm>>
    tpu.wait_dma2 semaphore(%arg14 : memref<!tpu.dma_semaphore, #tpu.memory_space<semaphore_mem>>) src(%arg12 : memref<64x64xf32, #tpu.memory_space<vmem>>) dst(%dma_wait3A_205 : memref<64x64xf32, #tpu.memory_space<hbm>>)
    "tpu.region"() ({
      %run_scoped3A = tpu.sem_alloc : memref<!tpu.dma_semaphore, #tpu.memory_space<semaphore_mem>>
      %dma_start3A_260 = arith.constant 0 : i32
      %dma_start3A_261 = tpu.memref_slice %arg8[%add3A_197, %dma_start3A_260] : memref<10240x64xf32, #tpu.memory_space<vmem_shared>> -> memref<64x64xf32, #tpu.memory_space<vmem_shared>>
      %dma_start3A_262 = arith.constant 0 : i32
      %dma_start3A_263 = tpu.memref_slice %arg8[%add3A_197, %dma_start3A_262] : memref<10240x64xf32, #tpu.memory_space<vmem_shared>> -> memref<64x64xf32, #tpu.memory_space<vmem_shared>>
      tpu.enqueue_dma source(%dma_start3A_263 : memref<64x64xf32, #tpu.memory_space<vmem_shared>>) target(%arg12 : memref<64x64xf32, #tpu.memory_space<vmem>>) target_semaphore(%run_scoped3A : memref<!tpu.dma_semaphore, #tpu.memory_space<semaphore_mem>>)
      %dma_wait3A_264 = arith.constant 0 : i32
      %dma_wait3A_265 = tpu.memref_slice %arg8[%add3A_197, %dma_wait3A_264] : memref<10240x64xf32, #tpu.memory_space<vmem_shared>> -> memref<64x64xf32, #tpu.memory_space<vmem_shared>>
      %dma_wait3A_266 = arith.constant 0 : i32
      %dma_wait3A_267 = tpu.memref_slice %arg8[%add3A_197, %dma_wait3A_266] : memref<10240x64xf32, #tpu.memory_space<vmem_shared>> -> memref<64x64xf32, #tpu.memory_space<vmem_shared>>
      tpu.wait_dma2 semaphore(%run_scoped3A : memref<!tpu.dma_semaphore, #tpu.memory_space<semaphore_mem>>) src(%dma_wait3A_267 : memref<64x64xf32, #tpu.memory_space<vmem_shared>>) dst(%arg12 : memref<64x64xf32, #tpu.memory_space<vmem>>)
      tpu.yield
    }) : () -> ()
    %dma_start3A_206 = arith.constant 0 : i32
    %dma_start3A_207 = tpu.memref_slice %arg6[%add3A_197, %arg0, %dma_start3A_206] : memref<10240x2x64xf32, #tpu.memory_space<hbm>> -> memref<64x1x64xf32, #tpu.memory_space<hbm>>
    %dma_start3A_208 = tpu.memref_squeeze %dma_start3A_207 : memref<64x1x64xf32, #tpu.memory_space<hbm>> -> memref<64x64xf32, #tpu.memory_space<hbm>>
    %dma_start3A_209 = arith.constant 0 : i32
    %dma_start3A_210 = tpu.memref_slice %arg6[%add3A_197, %arg0, %dma_start3A_209] : memref<10240x2x64xf32, #tpu.memory_space<hbm>> -> memref<64x1x64xf32, #tpu.memory_space<hbm>>
    %dma_start3A_211 = tpu.memref_squeeze %dma_start3A_210 : memref<64x1x64xf32, #tpu.memory_space<hbm>> -> memref<64x64xf32, #tpu.memory_space<hbm>>
    tpu.enqueue_dma source(%arg12 : memref<64x64xf32, #tpu.memory_space<vmem>>) target(%dma_start3A_211 : memref<64x64xf32, #tpu.memory_space<hbm>>) target_semaphore(%arg14 : memref<!tpu.dma_semaphore, #tpu.memory_space<semaphore_mem>>)
    %add3A_212 = arith.constant 512 : i32
    %add3A_213 = arith.addi %mul3A_0, %add3A_212 : i32
    %add3A_214 = arith.constant 384 : i32
    %add3A_215 = arith.addi %mul3A_0, %add3A_214 : i32
    %dma_wait3A_216 = arith.constant 0 : i32
    %dma_wait3A_217 = tpu.memref_slice %arg6[%add3A_215, %arg0, %dma_wait3A_216] : memref<10240x2x64xf32, #tpu.memory_space<hbm>> -> memref<64x1x64xf32, #tpu.memory_space<hbm>>
    %dma_wait3A_218 = tpu.memref_squeeze %dma_wait3A_217 : memref<64x1x64xf32, #tpu.memory_space<hbm>> -> memref<64x64xf32, #tpu.memory_space<hbm>>
    %dma_wait3A_219 = arith.constant 0 : i32
    %dma_wait3A_220 = tpu.memref_slice %arg6[%add3A_215, %arg0, %dma_wait3A_219] : memref<10240x2x64xf32, #tpu.memory_space<hbm>> -> memref<64x1x64xf32, #tpu.memory_space<hbm>>
    %dma_wait3A_221 = tpu.memref_squeeze %dma_wait3A_220 : memref<64x1x64xf32, #tpu.memory_space<hbm>> -> memref<64x64xf32, #tpu.memory_space<hbm>>
    tpu.wait_dma2 semaphore(%arg13 : memref<!tpu.dma_semaphore, #tpu.memory_space<semaphore_mem>>) src(%arg11 : memref<64x64xf32, #tpu.memory_space<vmem>>) dst(%dma_wait3A_221 : memref<64x64xf32, #tpu.memory_space<hbm>>)
    "tpu.region"() ({
      %run_scoped3A = tpu.sem_alloc : memref<!tpu.dma_semaphore, #tpu.memory_space<semaphore_mem>>
      %dma_start3A_260 = arith.constant 0 : i32
      %dma_start3A_261 = tpu.memref_slice %arg8[%add3A_213, %dma_start3A_260] : memref<10240x64xf32, #tpu.memory_space<vmem_shared>> -> memref<64x64xf32, #tpu.memory_space<vmem_shared>>
      %dma_start3A_262 = arith.constant 0 : i32
      %dma_start3A_263 = tpu.memref_slice %arg8[%add3A_213, %dma_start3A_262] : memref<10240x64xf32, #tpu.memory_space<vmem_shared>> -> memref<64x64xf32, #tpu.memory_space<vmem_shared>>
      tpu.enqueue_dma source(%dma_start3A_263 : memref<64x64xf32, #tpu.memory_space<vmem_shared>>) target(%arg11 : memref<64x64xf32, #tpu.memory_space<vmem>>) target_semaphore(%run_scoped3A : memref<!tpu.dma_semaphore, #tpu.memory_space<semaphore_mem>>)
      %dma_wait3A_264 = arith.constant 0 : i32
      %dma_wait3A_265 = tpu.memref_slice %arg8[%add3A_213, %dma_wait3A_264] : memref<10240x64xf32, #tpu.memory_space<vmem_shared>> -> memref<64x64xf32, #tpu.memory_space<vmem_shared>>
      %dma_wait3A_266 = arith.constant 0 : i32
      %dma_wait3A_267 = tpu.memref_slice %arg8[%add3A_213, %dma_wait3A_266] : memref<10240x64xf32, #tpu.memory_space<vmem_shared>> -> memref<64x64xf32, #tpu.memory_space<vmem_shared>>
      tpu.wait_dma2 semaphore(%run_scoped3A : memref<!tpu.dma_semaphore, #tpu.memory_space<semaphore_mem>>) src(%dma_wait3A_267 : memref<64x64xf32, #tpu.memory_space<vmem_shared>>) dst(%arg11 : memref<64x64xf32, #tpu.memory_space<vmem>>)
      tpu.yield
    }) : () -> ()
    %dma_start3A_222 = arith.constant 0 : i32
    %dma_start3A_223 = tpu.memref_slice %arg6[%add3A_213, %arg0, %dma_start3A_222] : memref<10240x2x64xf32, #tpu.memory_space<hbm>> -> memref<64x1x64xf32, #tpu.memory_space<hbm>>
    %dma_start3A_224 = tpu.memref_squeeze %dma_start3A_223 : memref<64x1x64xf32, #tpu.memory_space<hbm>> -> memref<64x64xf32, #tpu.memory_space<hbm>>
    %dma_start3A_225 = arith.constant 0 : i32
    %dma_start3A_226 = tpu.memref_slice %arg6[%add3A_213, %arg0, %dma_start3A_225] : memref<10240x2x64xf32, #tpu.memory_space<hbm>> -> memref<64x1x64xf32, #tpu.memory_space<hbm>>
    %dma_start3A_227 = tpu.memref_squeeze %dma_start3A_226 : memref<64x1x64xf32, #tpu.memory_space<hbm>> -> memref<64x64xf32, #tpu.memory_space<hbm>>
    tpu.enqueue_dma source(%arg11 : memref<64x64xf32, #tpu.memory_space<vmem>>) target(%dma_start3A_227 : memref<64x64xf32, #tpu.memory_space<hbm>>) target_semaphore(%arg13 : memref<!tpu.dma_semaphore, #tpu.memory_space<semaphore_mem>>)
    %add3A_228 = arith.constant 576 : i32
    %add3A_229 = arith.addi %mul3A_0, %add3A_228 : i32
    %add3A_230 = arith.constant 448 : i32
    %add3A_231 = arith.addi %mul3A_0, %add3A_230 : i32
    %dma_wait3A_232 = arith.constant 0 : i32
    %dma_wait3A_233 = tpu.memref_slice %arg6[%add3A_231, %arg0, %dma_wait3A_232] : memref<10240x2x64xf32, #tpu.memory_space<hbm>> -> memref<64x1x64xf32, #tpu.memory_space<hbm>>
    %dma_wait3A_234 = tpu.memref_squeeze %dma_wait3A_233 : memref<64x1x64xf32, #tpu.memory_space<hbm>> -> memref<64x64xf32, #tpu.memory_space<hbm>>
    %dma_wait3A_235 = arith.constant 0 : i32
    %dma_wait3A_236 = tpu.memref_slice %arg6[%add3A_231, %arg0, %dma_wait3A_235] : memref<10240x2x64xf32, #tpu.memory_space<hbm>> -> memref<64x1x64xf32, #tpu.memory_space<hbm>>
    %dma_wait3A_237 = tpu.memref_squeeze %dma_wait3A_236 : memref<64x1x64xf32, #tpu.memory_space<hbm>> -> memref<64x64xf32, #tpu.memory_space<hbm>>
    tpu.wait_dma2 semaphore(%arg14 : memref<!tpu.dma_semaphore, #tpu.memory_space<semaphore_mem>>) src(%arg12 : memref<64x64xf32, #tpu.memory_space<vmem>>) dst(%dma_wait3A_237 : memref<64x64xf32, #tpu.memory_space<hbm>>)
    "tpu.region"() ({
      %run_scoped3A = tpu.sem_alloc : memref<!tpu.dma_semaphore, #tpu.memory_space<semaphore_mem>>
      %dma_start3A_260 = arith.constant 0 : i32
      %dma_start3A_261 = tpu.memref_slice %arg8[%add3A_229, %dma_start3A_260] : memref<10240x64xf32, #tpu.memory_space<vmem_shared>> -> memref<64x64xf32, #tpu.memory_space<vmem_shared>>
      %dma_start3A_262 = arith.constant 0 : i32
      %dma_start3A_263 = tpu.memref_slice %arg8[%add3A_229, %dma_start3A_262] : memref<10240x64xf32, #tpu.memory_space<vmem_shared>> -> memref<64x64xf32, #tpu.memory_space<vmem_shared>>
      tpu.enqueue_dma source(%dma_start3A_263 : memref<64x64xf32, #tpu.memory_space<vmem_shared>>) target(%arg12 : memref<64x64xf32, #tpu.memory_space<vmem>>) target_semaphore(%run_scoped3A : memref<!tpu.dma_semaphore, #tpu.memory_space<semaphore_mem>>)
      %dma_wait3A_264 = arith.constant 0 : i32
      %dma_wait3A_265 = tpu.memref_slice %arg8[%add3A_229, %dma_wait3A_264] : memref<10240x64xf32, #tpu.memory_space<vmem_shared>> -> memref<64x64xf32, #tpu.memory_space<vmem_shared>>
      %dma_wait3A_266 = arith.constant 0 : i32
      %dma_wait3A_267 = tpu.memref_slice %arg8[%add3A_229, %dma_wait3A_266] : memref<10240x64xf32, #tpu.memory_space<vmem_shared>> -> memref<64x64xf32, #tpu.memory_space<vmem_shared>>
      tpu.wait_dma2 semaphore(%run_scoped3A : memref<!tpu.dma_semaphore, #tpu.memory_space<semaphore_mem>>) src(%dma_wait3A_267 : memref<64x64xf32, #tpu.memory_space<vmem_shared>>) dst(%arg12 : memref<64x64xf32, #tpu.memory_space<vmem>>)
      tpu.yield
    }) : () -> ()
    %dma_start3A_238 = arith.constant 0 : i32
    %dma_start3A_239 = tpu.memref_slice %arg6[%add3A_229, %arg0, %dma_start3A_238] : memref<10240x2x64xf32, #tpu.memory_space<hbm>> -> memref<64x1x64xf32, #tpu.memory_space<hbm>>
    %dma_start3A_240 = tpu.memref_squeeze %dma_start3A_239 : memref<64x1x64xf32, #tpu.memory_space<hbm>> -> memref<64x64xf32, #tpu.memory_space<hbm>>
    %dma_start3A_241 = arith.constant 0 : i32
    %dma_start3A_242 = tpu.memref_slice %arg6[%add3A_229, %arg0, %dma_start3A_241] : memref<10240x2x64xf32, #tpu.memory_space<hbm>> -> memref<64x1x64xf32, #tpu.memory_space<hbm>>
    %dma_start3A_243 = tpu.memref_squeeze %dma_start3A_242 : memref<64x1x64xf32, #tpu.memory_space<hbm>> -> memref<64x64xf32, #tpu.memory_space<hbm>>
    tpu.enqueue_dma source(%arg12 : memref<64x64xf32, #tpu.memory_space<vmem>>) target(%dma_start3A_243 : memref<64x64xf32, #tpu.memory_space<hbm>>) target_semaphore(%arg14 : memref<!tpu.dma_semaphore, #tpu.memory_space<semaphore_mem>>)
    %add3A_244 = arith.constant 512 : i32
    %add3A_245 = arith.addi %mul3A_0, %add3A_244 : i32
    %dma_wait3A_246 = arith.constant 0 : i32
    %dma_wait3A_247 = tpu.memref_slice %arg6[%add3A_245, %arg0, %dma_wait3A_246] : memref<10240x2x64xf32, #tpu.memory_space<hbm>> -> memref<64x1x64xf32, #tpu.memory_space<hbm>>
    %dma_wait3A_248 = tpu.memref_squeeze %dma_wait3A_247 : memref<64x1x64xf32, #tpu.memory_space<hbm>> -> memref<64x64xf32, #tpu.memory_space<hbm>>
    %dma_wait3A_249 = arith.constant 0 : i32
    %dma_wait3A_250 = tpu.memref_slice %arg6[%add3A_245, %arg0, %dma_wait3A_249] : memref<10240x2x64xf32, #tpu.memory_space<hbm>> -> memref<64x1x64xf32, #tpu.memory_space<hbm>>
    %dma_wait3A_251 = tpu.memref_squeeze %dma_wait3A_250 : memref<64x1x64xf32, #tpu.memory_space<hbm>> -> memref<64x64xf32, #tpu.memory_space<hbm>>
    tpu.wait_dma2 semaphore(%arg13 : memref<!tpu.dma_semaphore, #tpu.memory_space<semaphore_mem>>) src(%arg11 : memref<64x64xf32, #tpu.memory_space<vmem>>) dst(%dma_wait3A_251 : memref<64x64xf32, #tpu.memory_space<hbm>>)
    %add3A_252 = arith.constant 576 : i32
    %add3A_253 = arith.addi %mul3A_0, %add3A_252 : i32
    %dma_wait3A_254 = arith.constant 0 : i32
    %dma_wait3A_255 = tpu.memref_slice %arg6[%add3A_253, %arg0, %dma_wait3A_254] : memref<10240x2x64xf32, #tpu.memory_space<hbm>> -> memref<64x1x64xf32, #tpu.memory_space<hbm>>
    %dma_wait3A_256 = tpu.memref_squeeze %dma_wait3A_255 : memref<64x1x64xf32, #tpu.memory_space<hbm>> -> memref<64x64xf32, #tpu.memory_space<hbm>>
    %dma_wait3A_257 = arith.constant 0 : i32
    %dma_wait3A_258 = tpu.memref_slice %arg6[%add3A_253, %arg0, %dma_wait3A_257] : memref<10240x2x64xf32, #tpu.memory_space<hbm>> -> memref<64x1x64xf32, #tpu.memory_space<hbm>>
    %dma_wait3A_259 = tpu.memref_squeeze %dma_wait3A_258 : memref<64x1x64xf32, #tpu.memory_space<hbm>> -> memref<64x64xf32, #tpu.memory_space<hbm>>
    tpu.wait_dma2 semaphore(%arg14 : memref<!tpu.dma_semaphore, #tpu.memory_space<semaphore_mem>>) src(%arg12 : memref<64x64xf32, #tpu.memory_space<vmem>>) dst(%dma_wait3A_259 : memref<64x64xf32, #tpu.memory_space<hbm>>)
    return
  }
}

#map = affine_map<(d0, d1) -> (0, 0)>
#map1 = affine_map<(d0, d1) -> (0, 0, 0, 0)>
#map2 = affine_map<(d0, d1) -> (0, 0, 0)>
module attributes {stable_mosaic.version = 14 : i64} {
  func.func @_sc_body(%arg0: i32, %arg1: i32, %arg2: memref<20480x64xf32, #tpu.memory_space<hbm>>, %arg3: memref<2x16x160x128xi32, #tpu.memory_space<hbm>>, %arg4: memref<16x160x128xi32, #tpu.memory_space<hbm>>, %arg5: memref<128x64xf32, #tpu.memory_space<hbm>>, %arg6: memref<128x16xf32, #tpu.memory_space<hbm>>, %arg7: memref<128x16xf32, #tpu.memory_space<hbm>>, %arg8: memref<10240x2x64xf32, #tpu.memory_space<hbm>>, %arg9: memref<2x10240x16xf32, #tpu.memory_space<hbm>>, %arg10: memref<10240x64xf32, #tpu.memory_space<vmem_shared>>, %arg11: memref<10240x16xf32, #tpu.memory_space<vmem_shared>>, %arg12: memref<160x128xi32, #tpu.memory_space<vmem>>, %arg13: memref<160x128xi32, #tpu.memory_space<vmem>>, %arg14: memref<128x64xf32, #tpu.memory_space<vmem>>, %arg15: memref<128x64xf32, #tpu.memory_space<vmem>>, %arg16: memref<128x64xf32, #tpu.memory_space<vmem>>, %arg17: memref<128x64xf32, #tpu.memory_space<vmem>>, %arg18: memref<128x16xf32, #tpu.memory_space<vmem>>, %arg19: memref<128x16xf32, #tpu.memory_space<vmem>>, %arg20: memref<!tpu.dma_semaphore, #tpu.memory_space<semaphore_mem>>, %arg21: memref<!tpu.dma_semaphore, #tpu.memory_space<semaphore_mem>>, %arg22: memref<!tpu.dma_semaphore, #tpu.memory_space<semaphore_mem>>, %arg23: memref<!tpu.dma_semaphore, #tpu.memory_space<semaphore_mem>>, %arg24: memref<!tpu.dma_semaphore, #tpu.memory_space<semaphore_mem>>, %arg25: memref<!tpu.dma_semaphore, #tpu.memory_space<semaphore_mem>>, %arg26: memref<!tpu.dma_semaphore, #tpu.memory_space<semaphore_mem>>, %arg27: memref<!tpu.dma_semaphore, #tpu.memory_space<semaphore_mem>>, %arg28: memref<!tpu.dma_semaphore, #tpu.memory_space<semaphore_mem>>) attributes {dimension_semantics = [#tpu.dimension_semantics<core_parallel>, #tpu.dimension_semantics<subcore_parallel>], iteration_bounds = array<i64: 2, 16>, scalar_prefetch = 0 : i64, scratch_operands = 19 : i64, tpu.core_type = #tpu.core_type<sc_vector_subcore>, window_params = [{transform_indices = #map}, {transform_indices = #map1}, {transform_indices = #map2}, {transform_indices = #map}, {transform_indices = #map}, {transform_indices = #map}, {transform_indices = #map2}, {transform_indices = #map2}]} {
    %mul3A = arith.constant 640 : i32
    %mul3A_0 = arith.muli %arg1, %mul3A : i32
    "tpu.region"() ({
      %run_scoped3A = tpu.sem_alloc : memref<!tpu.dma_semaphore, #tpu.memory_space<semaphore_mem>>
      tpu.enqueue_dma source(%arg5 : memref<128x64xf32, #tpu.memory_space<hbm>>) target(%arg14 : memref<128x64xf32, #tpu.memory_space<vmem>>) target_semaphore(%run_scoped3A : memref<!tpu.dma_semaphore, #tpu.memory_space<semaphore_mem>>)
      tpu.wait_dma2 semaphore(%run_scoped3A : memref<!tpu.dma_semaphore, #tpu.memory_space<semaphore_mem>>) src(%arg5 : memref<128x64xf32, #tpu.memory_space<hbm>>) dst(%arg14 : memref<128x64xf32, #tpu.memory_space<vmem>>)
      tpu.yield
    }) : () -> ()
    %add3A = arith.constant 0 : i32
    %add3A_1 = arith.addi %mul3A_0, %add3A : i32
    "tpu.region"() ({
      %run_scoped3A = tpu.sem_alloc : memref<!tpu.dma_semaphore, #tpu.memory_space<semaphore_mem>>
      %dma_start3A_265 = arith.constant 0 : i32
      %dma_start3A_266 = tpu.memref_slice %arg10[%add3A_1, %dma_start3A_265] : memref<10240x64xf32, #tpu.memory_space<vmem_shared>> -> memref<128x64xf32, #tpu.memory_space<vmem_shared>>
      %dma_start3A_267 = arith.constant 0 : i32
      %dma_start3A_268 = tpu.memref_slice %arg10[%add3A_1, %dma_start3A_267] : memref<10240x64xf32, #tpu.memory_space<vmem_shared>> -> memref<128x64xf32, #tpu.memory_space<vmem_shared>>
      tpu.enqueue_dma source(%arg14 : memref<128x64xf32, #tpu.memory_space<vmem>>) target(%dma_start3A_268 : memref<128x64xf32, #tpu.memory_space<vmem_shared>>) target_semaphore(%run_scoped3A : memref<!tpu.dma_semaphore, #tpu.memory_space<semaphore_mem>>)
      %dma_wait3A_269 = arith.constant 0 : i32
      %dma_wait3A_270 = tpu.memref_slice %arg10[%add3A_1, %dma_wait3A_269] : memref<10240x64xf32, #tpu.memory_space<vmem_shared>> -> memref<128x64xf32, #tpu.memory_space<vmem_shared>>
      %dma_wait3A_271 = arith.constant 0 : i32
      %dma_wait3A_272 = tpu.memref_slice %arg10[%add3A_1, %dma_wait3A_271] : memref<10240x64xf32, #tpu.memory_space<vmem_shared>> -> memref<128x64xf32, #tpu.memory_space<vmem_shared>>
      tpu.wait_dma2 semaphore(%run_scoped3A : memref<!tpu.dma_semaphore, #tpu.memory_space<semaphore_mem>>) src(%arg14 : memref<128x64xf32, #tpu.memory_space<vmem>>) dst(%dma_wait3A_272 : memref<128x64xf32, #tpu.memory_space<vmem_shared>>)
      tpu.yield
    }) : () -> ()
    %add3A_2 = arith.constant 128 : i32
    %add3A_3 = arith.addi %mul3A_0, %add3A_2 : i32
    "tpu.region"() ({
      %run_scoped3A = tpu.sem_alloc : memref<!tpu.dma_semaphore, #tpu.memory_space<semaphore_mem>>
      %dma_start3A_265 = arith.constant 0 : i32
      %dma_start3A_266 = tpu.memref_slice %arg10[%add3A_3, %dma_start3A_265] : memref<10240x64xf32, #tpu.memory_space<vmem_shared>> -> memref<128x64xf32, #tpu.memory_space<vmem_shared>>
      %dma_start3A_267 = arith.constant 0 : i32
      %dma_start3A_268 = tpu.memref_slice %arg10[%add3A_3, %dma_start3A_267] : memref<10240x64xf32, #tpu.memory_space<vmem_shared>> -> memref<128x64xf32, #tpu.memory_space<vmem_shared>>
      tpu.enqueue_dma source(%arg14 : memref<128x64xf32, #tpu.memory_space<vmem>>) target(%dma_start3A_268 : memref<128x64xf32, #tpu.memory_space<vmem_shared>>) target_semaphore(%run_scoped3A : memref<!tpu.dma_semaphore, #tpu.memory_space<semaphore_mem>>)
      %dma_wait3A_269 = arith.constant 0 : i32
      %dma_wait3A_270 = tpu.memref_slice %arg10[%add3A_3, %dma_wait3A_269] : memref<10240x64xf32, #tpu.memory_space<vmem_shared>> -> memref<128x64xf32, #tpu.memory_space<vmem_shared>>
      %dma_wait3A_271 = arith.constant 0 : i32
      %dma_wait3A_272 = tpu.memref_slice %arg10[%add3A_3, %dma_wait3A_271] : memref<10240x64xf32, #tpu.memory_space<vmem_shared>> -> memref<128x64xf32, #tpu.memory_space<vmem_shared>>
      tpu.wait_dma2 semaphore(%run_scoped3A : memref<!tpu.dma_semaphore, #tpu.memory_space<semaphore_mem>>) src(%arg14 : memref<128x64xf32, #tpu.memory_space<vmem>>) dst(%dma_wait3A_272 : memref<128x64xf32, #tpu.memory_space<vmem_shared>>)
      tpu.yield
    }) : () -> ()
    %add3A_4 = arith.constant 256 : i32
    %add3A_5 = arith.addi %mul3A_0, %add3A_4 : i32
    "tpu.region"() ({
      %run_scoped3A = tpu.sem_alloc : memref<!tpu.dma_semaphore, #tpu.memory_space<semaphore_mem>>
      %dma_start3A_265 = arith.constant 0 : i32
      %dma_start3A_266 = tpu.memref_slice %arg10[%add3A_5, %dma_start3A_265] : memref<10240x64xf32, #tpu.memory_space<vmem_shared>> -> memref<128x64xf32, #tpu.memory_space<vmem_shared>>
      %dma_start3A_267 = arith.constant 0 : i32
      %dma_start3A_268 = tpu.memref_slice %arg10[%add3A_5, %dma_start3A_267] : memref<10240x64xf32, #tpu.memory_space<vmem_shared>> -> memref<128x64xf32, #tpu.memory_space<vmem_shared>>
      tpu.enqueue_dma source(%arg14 : memref<128x64xf32, #tpu.memory_space<vmem>>) target(%dma_start3A_268 : memref<128x64xf32, #tpu.memory_space<vmem_shared>>) target_semaphore(%run_scoped3A : memref<!tpu.dma_semaphore, #tpu.memory_space<semaphore_mem>>)
      %dma_wait3A_269 = arith.constant 0 : i32
      %dma_wait3A_270 = tpu.memref_slice %arg10[%add3A_5, %dma_wait3A_269] : memref<10240x64xf32, #tpu.memory_space<vmem_shared>> -> memref<128x64xf32, #tpu.memory_space<vmem_shared>>
      %dma_wait3A_271 = arith.constant 0 : i32
      %dma_wait3A_272 = tpu.memref_slice %arg10[%add3A_5, %dma_wait3A_271] : memref<10240x64xf32, #tpu.memory_space<vmem_shared>> -> memref<128x64xf32, #tpu.memory_space<vmem_shared>>
      tpu.wait_dma2 semaphore(%run_scoped3A : memref<!tpu.dma_semaphore, #tpu.memory_space<semaphore_mem>>) src(%arg14 : memref<128x64xf32, #tpu.memory_space<vmem>>) dst(%dma_wait3A_272 : memref<128x64xf32, #tpu.memory_space<vmem_shared>>)
      tpu.yield
    }) : () -> ()
    %add3A_6 = arith.constant 384 : i32
    %add3A_7 = arith.addi %mul3A_0, %add3A_6 : i32
    "tpu.region"() ({
      %run_scoped3A = tpu.sem_alloc : memref<!tpu.dma_semaphore, #tpu.memory_space<semaphore_mem>>
      %dma_start3A_265 = arith.constant 0 : i32
      %dma_start3A_266 = tpu.memref_slice %arg10[%add3A_7, %dma_start3A_265] : memref<10240x64xf32, #tpu.memory_space<vmem_shared>> -> memref<128x64xf32, #tpu.memory_space<vmem_shared>>
      %dma_start3A_267 = arith.constant 0 : i32
      %dma_start3A_268 = tpu.memref_slice %arg10[%add3A_7, %dma_start3A_267] : memref<10240x64xf32, #tpu.memory_space<vmem_shared>> -> memref<128x64xf32, #tpu.memory_space<vmem_shared>>
      tpu.enqueue_dma source(%arg14 : memref<128x64xf32, #tpu.memory_space<vmem>>) target(%dma_start3A_268 : memref<128x64xf32, #tpu.memory_space<vmem_shared>>) target_semaphore(%run_scoped3A : memref<!tpu.dma_semaphore, #tpu.memory_space<semaphore_mem>>)
      %dma_wait3A_269 = arith.constant 0 : i32
      %dma_wait3A_270 = tpu.memref_slice %arg10[%add3A_7, %dma_wait3A_269] : memref<10240x64xf32, #tpu.memory_space<vmem_shared>> -> memref<128x64xf32, #tpu.memory_space<vmem_shared>>
      %dma_wait3A_271 = arith.constant 0 : i32
      %dma_wait3A_272 = tpu.memref_slice %arg10[%add3A_7, %dma_wait3A_271] : memref<10240x64xf32, #tpu.memory_space<vmem_shared>> -> memref<128x64xf32, #tpu.memory_space<vmem_shared>>
      tpu.wait_dma2 semaphore(%run_scoped3A : memref<!tpu.dma_semaphore, #tpu.memory_space<semaphore_mem>>) src(%arg14 : memref<128x64xf32, #tpu.memory_space<vmem>>) dst(%dma_wait3A_272 : memref<128x64xf32, #tpu.memory_space<vmem_shared>>)
      tpu.yield
    }) : () -> ()
    %add3A_8 = arith.constant 512 : i32
    %add3A_9 = arith.addi %mul3A_0, %add3A_8 : i32
    "tpu.region"() ({
      %run_scoped3A = tpu.sem_alloc : memref<!tpu.dma_semaphore, #tpu.memory_space<semaphore_mem>>
      %dma_start3A_265 = arith.constant 0 : i32
      %dma_start3A_266 = tpu.memref_slice %arg10[%add3A_9, %dma_start3A_265] : memref<10240x64xf32, #tpu.memory_space<vmem_shared>> -> memref<128x64xf32, #tpu.memory_space<vmem_shared>>
      %dma_start3A_267 = arith.constant 0 : i32
      %dma_start3A_268 = tpu.memref_slice %arg10[%add3A_9, %dma_start3A_267] : memref<10240x64xf32, #tpu.memory_space<vmem_shared>> -> memref<128x64xf32, #tpu.memory_space<vmem_shared>>
      tpu.enqueue_dma source(%arg14 : memref<128x64xf32, #tpu.memory_space<vmem>>) target(%dma_start3A_268 : memref<128x64xf32, #tpu.memory_space<vmem_shared>>) target_semaphore(%run_scoped3A : memref<!tpu.dma_semaphore, #tpu.memory_space<semaphore_mem>>)
      %dma_wait3A_269 = arith.constant 0 : i32
      %dma_wait3A_270 = tpu.memref_slice %arg10[%add3A_9, %dma_wait3A_269] : memref<10240x64xf32, #tpu.memory_space<vmem_shared>> -> memref<128x64xf32, #tpu.memory_space<vmem_shared>>
      %dma_wait3A_271 = arith.constant 0 : i32
      %dma_wait3A_272 = tpu.memref_slice %arg10[%add3A_9, %dma_wait3A_271] : memref<10240x64xf32, #tpu.memory_space<vmem_shared>> -> memref<128x64xf32, #tpu.memory_space<vmem_shared>>
      tpu.wait_dma2 semaphore(%run_scoped3A : memref<!tpu.dma_semaphore, #tpu.memory_space<semaphore_mem>>) src(%arg14 : memref<128x64xf32, #tpu.memory_space<vmem>>) dst(%dma_wait3A_272 : memref<128x64xf32, #tpu.memory_space<vmem_shared>>)
      tpu.yield
    }) : () -> ()
    "tpu.region"() ({
      %run_scoped3A = tpu.sem_alloc : memref<!tpu.dma_semaphore, #tpu.memory_space<semaphore_mem>>
      tpu.enqueue_dma source(%arg6 : memref<128x16xf32, #tpu.memory_space<hbm>>) target(%arg19 : memref<128x16xf32, #tpu.memory_space<vmem>>) target_semaphore(%run_scoped3A : memref<!tpu.dma_semaphore, #tpu.memory_space<semaphore_mem>>)
      tpu.wait_dma2 semaphore(%run_scoped3A : memref<!tpu.dma_semaphore, #tpu.memory_space<semaphore_mem>>) src(%arg6 : memref<128x16xf32, #tpu.memory_space<hbm>>) dst(%arg19 : memref<128x16xf32, #tpu.memory_space<vmem>>)
      tpu.yield
    }) : () -> ()
    %add3A_10 = arith.constant 0 : i32
    %add3A_11 = arith.addi %mul3A_0, %add3A_10 : i32
    "tpu.region"() ({
      %run_scoped3A = tpu.sem_alloc : memref<!tpu.dma_semaphore, #tpu.memory_space<semaphore_mem>>
      %dma_start3A_265 = arith.constant 0 : i32
      %dma_start3A_266 = tpu.memref_slice %arg11[%add3A_11, %dma_start3A_265] : memref<10240x16xf32, #tpu.memory_space<vmem_shared>> -> memref<128x16xf32, #tpu.memory_space<vmem_shared>>
      %dma_start3A_267 = arith.constant 0 : i32
      %dma_start3A_268 = tpu.memref_slice %arg11[%add3A_11, %dma_start3A_267] : memref<10240x16xf32, #tpu.memory_space<vmem_shared>> -> memref<128x16xf32, #tpu.memory_space<vmem_shared>>
      tpu.enqueue_dma source(%arg19 : memref<128x16xf32, #tpu.memory_space<vmem>>) target(%dma_start3A_268 : memref<128x16xf32, #tpu.memory_space<vmem_shared>>) target_semaphore(%run_scoped3A : memref<!tpu.dma_semaphore, #tpu.memory_space<semaphore_mem>>)
      %dma_wait3A_269 = arith.constant 0 : i32
      %dma_wait3A_270 = tpu.memref_slice %arg11[%add3A_11, %dma_wait3A_269] : memref<10240x16xf32, #tpu.memory_space<vmem_shared>> -> memref<128x16xf32, #tpu.memory_space<vmem_shared>>
      %dma_wait3A_271 = arith.constant 0 : i32
      %dma_wait3A_272 = tpu.memref_slice %arg11[%add3A_11, %dma_wait3A_271] : memref<10240x16xf32, #tpu.memory_space<vmem_shared>> -> memref<128x16xf32, #tpu.memory_space<vmem_shared>>
      tpu.wait_dma2 semaphore(%run_scoped3A : memref<!tpu.dma_semaphore, #tpu.memory_space<semaphore_mem>>) src(%arg19 : memref<128x16xf32, #tpu.memory_space<vmem>>) dst(%dma_wait3A_272 : memref<128x16xf32, #tpu.memory_space<vmem_shared>>)
      tpu.yield
    }) : () -> ()
    %add3A_12 = arith.constant 128 : i32
    %add3A_13 = arith.addi %mul3A_0, %add3A_12 : i32
    "tpu.region"() ({
      %run_scoped3A = tpu.sem_alloc : memref<!tpu.dma_semaphore, #tpu.memory_space<semaphore_mem>>
      %dma_start3A_265 = arith.constant 0 : i32
      %dma_start3A_266 = tpu.memref_slice %arg11[%add3A_13, %dma_start3A_265] : memref<10240x16xf32, #tpu.memory_space<vmem_shared>> -> memref<128x16xf32, #tpu.memory_space<vmem_shared>>
      %dma_start3A_267 = arith.constant 0 : i32
      %dma_start3A_268 = tpu.memref_slice %arg11[%add3A_13, %dma_start3A_267] : memref<10240x16xf32, #tpu.memory_space<vmem_shared>> -> memref<128x16xf32, #tpu.memory_space<vmem_shared>>
      tpu.enqueue_dma source(%arg19 : memref<128x16xf32, #tpu.memory_space<vmem>>) target(%dma_start3A_268 : memref<128x16xf32, #tpu.memory_space<vmem_shared>>) target_semaphore(%run_scoped3A : memref<!tpu.dma_semaphore, #tpu.memory_space<semaphore_mem>>)
      %dma_wait3A_269 = arith.constant 0 : i32
      %dma_wait3A_270 = tpu.memref_slice %arg11[%add3A_13, %dma_wait3A_269] : memref<10240x16xf32, #tpu.memory_space<vmem_shared>> -> memref<128x16xf32, #tpu.memory_space<vmem_shared>>
      %dma_wait3A_271 = arith.constant 0 : i32
      %dma_wait3A_272 = tpu.memref_slice %arg11[%add3A_13, %dma_wait3A_271] : memref<10240x16xf32, #tpu.memory_space<vmem_shared>> -> memref<128x16xf32, #tpu.memory_space<vmem_shared>>
      tpu.wait_dma2 semaphore(%run_scoped3A : memref<!tpu.dma_semaphore, #tpu.memory_space<semaphore_mem>>) src(%arg19 : memref<128x16xf32, #tpu.memory_space<vmem>>) dst(%dma_wait3A_272 : memref<128x16xf32, #tpu.memory_space<vmem_shared>>)
      tpu.yield
    }) : () -> ()
    %add3A_14 = arith.constant 256 : i32
    %add3A_15 = arith.addi %mul3A_0, %add3A_14 : i32
    "tpu.region"() ({
      %run_scoped3A = tpu.sem_alloc : memref<!tpu.dma_semaphore, #tpu.memory_space<semaphore_mem>>
      %dma_start3A_265 = arith.constant 0 : i32
      %dma_start3A_266 = tpu.memref_slice %arg11[%add3A_15, %dma_start3A_265] : memref<10240x16xf32, #tpu.memory_space<vmem_shared>> -> memref<128x16xf32, #tpu.memory_space<vmem_shared>>
      %dma_start3A_267 = arith.constant 0 : i32
      %dma_start3A_268 = tpu.memref_slice %arg11[%add3A_15, %dma_start3A_267] : memref<10240x16xf32, #tpu.memory_space<vmem_shared>> -> memref<128x16xf32, #tpu.memory_space<vmem_shared>>
      tpu.enqueue_dma source(%arg19 : memref<128x16xf32, #tpu.memory_space<vmem>>) target(%dma_start3A_268 : memref<128x16xf32, #tpu.memory_space<vmem_shared>>) target_semaphore(%run_scoped3A : memref<!tpu.dma_semaphore, #tpu.memory_space<semaphore_mem>>)
      %dma_wait3A_269 = arith.constant 0 : i32
      %dma_wait3A_270 = tpu.memref_slice %arg11[%add3A_15, %dma_wait3A_269] : memref<10240x16xf32, #tpu.memory_space<vmem_shared>> -> memref<128x16xf32, #tpu.memory_space<vmem_shared>>
      %dma_wait3A_271 = arith.constant 0 : i32
      %dma_wait3A_272 = tpu.memref_slice %arg11[%add3A_15, %dma_wait3A_271] : memref<10240x16xf32, #tpu.memory_space<vmem_shared>> -> memref<128x16xf32, #tpu.memory_space<vmem_shared>>
      tpu.wait_dma2 semaphore(%run_scoped3A : memref<!tpu.dma_semaphore, #tpu.memory_space<semaphore_mem>>) src(%arg19 : memref<128x16xf32, #tpu.memory_space<vmem>>) dst(%dma_wait3A_272 : memref<128x16xf32, #tpu.memory_space<vmem_shared>>)
      tpu.yield
    }) : () -> ()
    %add3A_16 = arith.constant 384 : i32
    %add3A_17 = arith.addi %mul3A_0, %add3A_16 : i32
    "tpu.region"() ({
      %run_scoped3A = tpu.sem_alloc : memref<!tpu.dma_semaphore, #tpu.memory_space<semaphore_mem>>
      %dma_start3A_265 = arith.constant 0 : i32
      %dma_start3A_266 = tpu.memref_slice %arg11[%add3A_17, %dma_start3A_265] : memref<10240x16xf32, #tpu.memory_space<vmem_shared>> -> memref<128x16xf32, #tpu.memory_space<vmem_shared>>
      %dma_start3A_267 = arith.constant 0 : i32
      %dma_start3A_268 = tpu.memref_slice %arg11[%add3A_17, %dma_start3A_267] : memref<10240x16xf32, #tpu.memory_space<vmem_shared>> -> memref<128x16xf32, #tpu.memory_space<vmem_shared>>
      tpu.enqueue_dma source(%arg19 : memref<128x16xf32, #tpu.memory_space<vmem>>) target(%dma_start3A_268 : memref<128x16xf32, #tpu.memory_space<vmem_shared>>) target_semaphore(%run_scoped3A : memref<!tpu.dma_semaphore, #tpu.memory_space<semaphore_mem>>)
      %dma_wait3A_269 = arith.constant 0 : i32
      %dma_wait3A_270 = tpu.memref_slice %arg11[%add3A_17, %dma_wait3A_269] : memref<10240x16xf32, #tpu.memory_space<vmem_shared>> -> memref<128x16xf32, #tpu.memory_space<vmem_shared>>
      %dma_wait3A_271 = arith.constant 0 : i32
      %dma_wait3A_272 = tpu.memref_slice %arg11[%add3A_17, %dma_wait3A_271] : memref<10240x16xf32, #tpu.memory_space<vmem_shared>> -> memref<128x16xf32, #tpu.memory_space<vmem_shared>>
      tpu.wait_dma2 semaphore(%run_scoped3A : memref<!tpu.dma_semaphore, #tpu.memory_space<semaphore_mem>>) src(%arg19 : memref<128x16xf32, #tpu.memory_space<vmem>>) dst(%dma_wait3A_272 : memref<128x16xf32, #tpu.memory_space<vmem_shared>>)
      tpu.yield
    }) : () -> ()
    %add3A_18 = arith.constant 512 : i32
    %add3A_19 = arith.addi %mul3A_0, %add3A_18 : i32
    "tpu.region"() ({
      %run_scoped3A = tpu.sem_alloc : memref<!tpu.dma_semaphore, #tpu.memory_space<semaphore_mem>>
      %dma_start3A_265 = arith.constant 0 : i32
      %dma_start3A_266 = tpu.memref_slice %arg11[%add3A_19, %dma_start3A_265] : memref<10240x16xf32, #tpu.memory_space<vmem_shared>> -> memref<128x16xf32, #tpu.memory_space<vmem_shared>>
      %dma_start3A_267 = arith.constant 0 : i32
      %dma_start3A_268 = tpu.memref_slice %arg11[%add3A_19, %dma_start3A_267] : memref<10240x16xf32, #tpu.memory_space<vmem_shared>> -> memref<128x16xf32, #tpu.memory_space<vmem_shared>>
      tpu.enqueue_dma source(%arg19 : memref<128x16xf32, #tpu.memory_space<vmem>>) target(%dma_start3A_268 : memref<128x16xf32, #tpu.memory_space<vmem_shared>>) target_semaphore(%run_scoped3A : memref<!tpu.dma_semaphore, #tpu.memory_space<semaphore_mem>>)
      %dma_wait3A_269 = arith.constant 0 : i32
      %dma_wait3A_270 = tpu.memref_slice %arg11[%add3A_19, %dma_wait3A_269] : memref<10240x16xf32, #tpu.memory_space<vmem_shared>> -> memref<128x16xf32, #tpu.memory_space<vmem_shared>>
      %dma_wait3A_271 = arith.constant 0 : i32
      %dma_wait3A_272 = tpu.memref_slice %arg11[%add3A_19, %dma_wait3A_271] : memref<10240x16xf32, #tpu.memory_space<vmem_shared>> -> memref<128x16xf32, #tpu.memory_space<vmem_shared>>
      tpu.wait_dma2 semaphore(%run_scoped3A : memref<!tpu.dma_semaphore, #tpu.memory_space<semaphore_mem>>) src(%arg19 : memref<128x16xf32, #tpu.memory_space<vmem>>) dst(%dma_wait3A_272 : memref<128x16xf32, #tpu.memory_space<vmem_shared>>)
      tpu.yield
    }) : () -> ()
    "tpu.region"() ({
      %run_scoped3A = tpu.sem_alloc : memref<!tpu.dma_semaphore, #tpu.memory_space<semaphore_mem>>
      tpu.enqueue_dma source(%arg7 : memref<128x16xf32, #tpu.memory_space<hbm>>) target(%arg18 : memref<128x16xf32, #tpu.memory_space<vmem>>) target_semaphore(%run_scoped3A : memref<!tpu.dma_semaphore, #tpu.memory_space<semaphore_mem>>)
      tpu.wait_dma2 semaphore(%run_scoped3A : memref<!tpu.dma_semaphore, #tpu.memory_space<semaphore_mem>>) src(%arg7 : memref<128x16xf32, #tpu.memory_space<hbm>>) dst(%arg18 : memref<128x16xf32, #tpu.memory_space<vmem>>)
      tpu.yield
    }) : () -> ()
    "tpu.region"() ({
      %run_scoped3A = tpu.sem_alloc : memref<!tpu.dma_semaphore, #tpu.memory_space<semaphore_mem>>
      %dma_start3A_265 = arith.constant 0 : i32
      %dma_start3A_266 = arith.constant 0 : i32
      %dma_start3A_267 = tpu.memref_slice %arg3[%arg0, %arg1, %dma_start3A_265, %dma_start3A_266] : memref<2x16x160x128xi32, #tpu.memory_space<hbm>> -> memref<1x1x160x128xi32, #tpu.memory_space<hbm>>
      %dma_start3A_268 = tpu.memref_squeeze %dma_start3A_267 : memref<1x1x160x128xi32, #tpu.memory_space<hbm>> -> memref<160x128xi32, #tpu.memory_space<hbm>>
      %dma_start3A_269 = arith.constant 0 : i32
      %dma_start3A_270 = arith.constant 0 : i32
      %dma_start3A_271 = tpu.memref_slice %arg3[%arg0, %arg1, %dma_start3A_269, %dma_start3A_270] : memref<2x16x160x128xi32, #tpu.memory_space<hbm>> -> memref<1x1x160x128xi32, #tpu.memory_space<hbm>>
      %dma_start3A_272 = tpu.memref_squeeze %dma_start3A_271 : memref<1x1x160x128xi32, #tpu.memory_space<hbm>> -> memref<160x128xi32, #tpu.memory_space<hbm>>
      tpu.enqueue_dma source(%dma_start3A_272 : memref<160x128xi32, #tpu.memory_space<hbm>>) target(%arg12 : memref<160x128xi32, #tpu.memory_space<vmem>>) target_semaphore(%run_scoped3A : memref<!tpu.dma_semaphore, #tpu.memory_space<semaphore_mem>>)
      %dma_wait3A_273 = arith.constant 0 : i32
      %dma_wait3A_274 = arith.constant 0 : i32
      %dma_wait3A_275 = tpu.memref_slice %arg3[%arg0, %arg1, %dma_wait3A_273, %dma_wait3A_274] : memref<2x16x160x128xi32, #tpu.memory_space<hbm>> -> memref<1x1x160x128xi32, #tpu.memory_space<hbm>>
      %dma_wait3A_276 = tpu.memref_squeeze %dma_wait3A_275 : memref<1x1x160x128xi32, #tpu.memory_space<hbm>> -> memref<160x128xi32, #tpu.memory_space<hbm>>
      %dma_wait3A_277 = arith.constant 0 : i32
      %dma_wait3A_278 = arith.constant 0 : i32
      %dma_wait3A_279 = tpu.memref_slice %arg3[%arg0, %arg1, %dma_wait3A_277, %dma_wait3A_278] : memref<2x16x160x128xi32, #tpu.memory_space<hbm>> -> memref<1x1x160x128xi32, #tpu.memory_space<hbm>>
      %dma_wait3A_280 = tpu.memref_squeeze %dma_wait3A_279 : memref<1x1x160x128xi32, #tpu.memory_space<hbm>> -> memref<160x128xi32, #tpu.memory_space<hbm>>
      tpu.wait_dma2 semaphore(%run_scoped3A : memref<!tpu.dma_semaphore, #tpu.memory_space<semaphore_mem>>) src(%dma_wait3A_280 : memref<160x128xi32, #tpu.memory_space<hbm>>) dst(%arg12 : memref<160x128xi32, #tpu.memory_space<vmem>>)
      tpu.yield
    }) : () -> ()
    "tpu.region"() ({
      %run_scoped3A = tpu.sem_alloc : memref<!tpu.dma_semaphore, #tpu.memory_space<semaphore_mem>>
      %dma_start3A_265 = arith.constant 0 : i32
      %dma_start3A_266 = arith.constant 0 : i32
      %dma_start3A_267 = tpu.memref_slice %arg4[%arg1, %dma_start3A_265, %dma_start3A_266] : memref<16x160x128xi32, #tpu.memory_space<hbm>> -> memref<1x160x128xi32, #tpu.memory_space<hbm>>
      %dma_start3A_268 = tpu.memref_squeeze %dma_start3A_267 : memref<1x160x128xi32, #tpu.memory_space<hbm>> -> memref<160x128xi32, #tpu.memory_space<hbm>>
      %dma_start3A_269 = arith.constant 0 : i32
      %dma_start3A_270 = arith.constant 0 : i32
      %dma_start3A_271 = tpu.memref_slice %arg4[%arg1, %dma_start3A_269, %dma_start3A_270] : memref<16x160x128xi32, #tpu.memory_space<hbm>> -> memref<1x160x128xi32, #tpu.memory_space<hbm>>
      %dma_start3A_272 = tpu.memref_squeeze %dma_start3A_271 : memref<1x160x128xi32, #tpu.memory_space<hbm>> -> memref<160x128xi32, #tpu.memory_space<hbm>>
      tpu.enqueue_dma source(%dma_start3A_272 : memref<160x128xi32, #tpu.memory_space<hbm>>) target(%arg13 : memref<160x128xi32, #tpu.memory_space<vmem>>) target_semaphore(%run_scoped3A : memref<!tpu.dma_semaphore, #tpu.memory_space<semaphore_mem>>)
      %dma_wait3A_273 = arith.constant 0 : i32
      %dma_wait3A_274 = arith.constant 0 : i32
      %dma_wait3A_275 = tpu.memref_slice %arg4[%arg1, %dma_wait3A_273, %dma_wait3A_274] : memref<16x160x128xi32, #tpu.memory_space<hbm>> -> memref<1x160x128xi32, #tpu.memory_space<hbm>>
      %dma_wait3A_276 = tpu.memref_squeeze %dma_wait3A_275 : memref<1x160x128xi32, #tpu.memory_space<hbm>> -> memref<160x128xi32, #tpu.memory_space<hbm>>
      %dma_wait3A_277 = arith.constant 0 : i32
      %dma_wait3A_278 = arith.constant 0 : i32
      %dma_wait3A_279 = tpu.memref_slice %arg4[%arg1, %dma_wait3A_277, %dma_wait3A_278] : memref<16x160x128xi32, #tpu.memory_space<hbm>> -> memref<1x160x128xi32, #tpu.memory_space<hbm>>
      %dma_wait3A_280 = tpu.memref_squeeze %dma_wait3A_279 : memref<1x160x128xi32, #tpu.memory_space<hbm>> -> memref<160x128xi32, #tpu.memory_space<hbm>>
      tpu.wait_dma2 semaphore(%run_scoped3A : memref<!tpu.dma_semaphore, #tpu.memory_space<semaphore_mem>>) src(%dma_wait3A_280 : memref<160x128xi32, #tpu.memory_space<hbm>>) dst(%arg13 : memref<160x128xi32, #tpu.memory_space<vmem>>)
      tpu.yield
    }) : () -> ()
    %barrier3A = arith.constant 0 : index
    tpu.barrier barrier_id(%barrier3A)
    %dma_start3A = arith.constant 0 : i32
    %dma_start3A_20 = arith.constant 0 : i32
    %dma_start3A_21 = tpu.memref_slice %arg12[%dma_start3A, %dma_start3A_20] : memref<160x128xi32, #tpu.memory_space<vmem>> -> memref<1x128xi32, #tpu.memory_space<vmem>>
    %dma_start3A_22 = tpu.memref_squeeze %dma_start3A_21 : memref<1x128xi32, #tpu.memory_space<vmem>> -> memref<128xi32, #tpu.memory_space<vmem>>
    %dma_start3A_23 = arith.constant 0 : i32
    %dma_start3A_24 = arith.constant 0 : i32
    %dma_start3A_25 = tpu.memref_slice %arg2[%dma_start3A_23, %dma_start3A_24] : memref<20480x64xf32, #tpu.memory_space<hbm>> -> memref<20480x64xf32, #tpu.memory_space<hbm>>
    tpu.enqueue_indirect_dma source(%dma_start3A_25 : memref<20480x64xf32, #tpu.memory_space<hbm>>) target(%arg14 : memref<128x64xf32, #tpu.memory_space<vmem>>) offsets(%dma_start3A_22 : memref<128xi32, #tpu.memory_space<vmem>>) semaphore(%arg20 : memref<!tpu.dma_semaphore, #tpu.memory_space<semaphore_mem>>)
    %dma_start3A_26 = arith.constant 1 : i32
    %dma_start3A_27 = arith.constant 0 : i32
    %dma_start3A_28 = tpu.memref_slice %arg12[%dma_start3A_26, %dma_start3A_27] : memref<160x128xi32, #tpu.memory_space<vmem>> -> memref<1x128xi32, #tpu.memory_space<vmem>>
    %dma_start3A_29 = tpu.memref_squeeze %dma_start3A_28 : memref<1x128xi32, #tpu.memory_space<vmem>> -> memref<128xi32, #tpu.memory_space<vmem>>
    %dma_start3A_30 = arith.constant 0 : i32
    %dma_start3A_31 = arith.constant 0 : i32
    %dma_start3A_32 = tpu.memref_slice %arg2[%dma_start3A_30, %dma_start3A_31] : memref<20480x64xf32, #tpu.memory_space<hbm>> -> memref<20480x64xf32, #tpu.memory_space<hbm>>
    tpu.enqueue_indirect_dma source(%dma_start3A_32 : memref<20480x64xf32, #tpu.memory_space<hbm>>) target(%arg15 : memref<128x64xf32, #tpu.memory_space<vmem>>) offsets(%dma_start3A_29 : memref<128xi32, #tpu.memory_space<vmem>>) semaphore(%arg21 : memref<!tpu.dma_semaphore, #tpu.memory_space<semaphore_mem>>)
    %dma_start3A_33 = arith.constant 2 : i32
    %dma_start3A_34 = arith.constant 0 : i32
    %dma_start3A_35 = tpu.memref_slice %arg12[%dma_start3A_33, %dma_start3A_34] : memref<160x128xi32, #tpu.memory_space<vmem>> -> memref<1x128xi32, #tpu.memory_space<vmem>>
    %dma_start3A_36 = tpu.memref_squeeze %dma_start3A_35 : memref<1x128xi32, #tpu.memory_space<vmem>> -> memref<128xi32, #tpu.memory_space<vmem>>
    %dma_start3A_37 = arith.constant 0 : i32
    %dma_start3A_38 = arith.constant 0 : i32
    %dma_start3A_39 = tpu.memref_slice %arg2[%dma_start3A_37, %dma_start3A_38] : memref<20480x64xf32, #tpu.memory_space<hbm>> -> memref<20480x64xf32, #tpu.memory_space<hbm>>
    tpu.enqueue_indirect_dma source(%dma_start3A_39 : memref<20480x64xf32, #tpu.memory_space<hbm>>) target(%arg16 : memref<128x64xf32, #tpu.memory_space<vmem>>) offsets(%dma_start3A_36 : memref<128xi32, #tpu.memory_space<vmem>>) semaphore(%arg22 : memref<!tpu.dma_semaphore, #tpu.memory_space<semaphore_mem>>)
    %dma_start3A_40 = arith.constant 3 : i32
    %dma_start3A_41 = arith.constant 0 : i32
    %dma_start3A_42 = tpu.memref_slice %arg12[%dma_start3A_40, %dma_start3A_41] : memref<160x128xi32, #tpu.memory_space<vmem>> -> memref<1x128xi32, #tpu.memory_space<vmem>>
    %dma_start3A_43 = tpu.memref_squeeze %dma_start3A_42 : memref<1x128xi32, #tpu.memory_space<vmem>> -> memref<128xi32, #tpu.memory_space<vmem>>
    %dma_start3A_44 = arith.constant 0 : i32
    %dma_start3A_45 = arith.constant 0 : i32
    %dma_start3A_46 = tpu.memref_slice %arg2[%dma_start3A_44, %dma_start3A_45] : memref<20480x64xf32, #tpu.memory_space<hbm>> -> memref<20480x64xf32, #tpu.memory_space<hbm>>
    tpu.enqueue_indirect_dma source(%dma_start3A_46 : memref<20480x64xf32, #tpu.memory_space<hbm>>) target(%arg17 : memref<128x64xf32, #tpu.memory_space<vmem>>) offsets(%dma_start3A_43 : memref<128xi32, #tpu.memory_space<vmem>>) semaphore(%arg23 : memref<!tpu.dma_semaphore, #tpu.memory_space<semaphore_mem>>)
    %scan3A = arith.constant 0 : i32
    %scan3A_47 = arith.constant 0 : i32
    %scan3A_48 = arith.constant 39 : i32
    %scan3A_49 = arith.addi %scan3A_47, %scan3A_48 : i32
    %scan3A_50 = arith.constant 1 : i32
    scf.for %scan3A_265 = %scan3A_47 to %scan3A_49 step %scan3A_50  : i32 {
      %mul3A_266 = arith.constant 4 : i32
      %mul3A_267 = arith.muli %scan3A_265, %mul3A_266 : i32
      %add3A_268 = arith.constant 0 : i32
      %add3A_269 = arith.addi %mul3A_267, %add3A_268 : i32
      %dma_wait3A_270 = arith.constant 0 : i32
      %dma_wait3A_271 = tpu.memref_slice %arg12[%add3A_269, %dma_wait3A_270] : memref<160x128xi32, #tpu.memory_space<vmem>> -> memref<1x128xi32, #tpu.memory_space<vmem>>
      %dma_wait3A_272 = tpu.memref_squeeze %dma_wait3A_271 : memref<1x128xi32, #tpu.memory_space<vmem>> -> memref<128xi32, #tpu.memory_space<vmem>>
      %dma_wait3A_273 = arith.constant 0 : i32
      %dma_wait3A_274 = arith.constant 0 : i32
      %dma_wait3A_275 = tpu.memref_slice %arg2[%dma_wait3A_273, %dma_wait3A_274] : memref<20480x64xf32, #tpu.memory_space<hbm>> -> memref<20480x64xf32, #tpu.memory_space<hbm>>
      tpu.wait_indirect_dma semaphore(%arg20 : memref<!tpu.dma_semaphore, #tpu.memory_space<semaphore_mem>>) src(%dma_wait3A_275 : memref<20480x64xf32, #tpu.memory_space<hbm>>) dst(%arg14 : memref<128x64xf32, #tpu.memory_space<vmem>>)
      %dma_start3A_276 = arith.constant 0 : i32
      %dma_start3A_277 = tpu.memref_slice %arg13[%add3A_269, %dma_start3A_276] : memref<160x128xi32, #tpu.memory_space<vmem>> -> memref<1x128xi32, #tpu.memory_space<vmem>>
      %dma_start3A_278 = tpu.memref_squeeze %dma_start3A_277 : memref<1x128xi32, #tpu.memory_space<vmem>> -> memref<128xi32, #tpu.memory_space<vmem>>
      %dma_start3A_279 = arith.constant 0 : i32
      %dma_start3A_280 = arith.constant 0 : i32
      %dma_start3A_281 = tpu.memref_slice %arg10[%dma_start3A_279, %dma_start3A_280] : memref<10240x64xf32, #tpu.memory_space<vmem_shared>> -> memref<10240x64xf32, #tpu.memory_space<vmem_shared>>
      tpu.enqueue_indirect_dma source(%arg14 : memref<128x64xf32, #tpu.memory_space<vmem>>) target(%dma_start3A_281 : memref<10240x64xf32, #tpu.memory_space<vmem_shared>>) offsets(%dma_start3A_278 : memref<128xi32, #tpu.memory_space<vmem>>) semaphore(%arg24 : memref<!tpu.dma_semaphore, #tpu.memory_space<semaphore_mem>>) {add = true}
      %lt3A = arith.constant 80 : i32
      %lt3A_282 = arith.cmpi slt, %add3A_269, %lt3A : i32
      %eq3A_283 = arith.constant 0 : i32
      %eq3A_284 = arith.cmpi eq, %arg0, %eq3A_283 : i32
      %eq3A_285 = arith.xori %lt3A_282, %eq3A_284 : i1
      %eq3A_286 = arith.constant true
      %eq3A_287 = arith.xori %eq3A_285, %eq3A_286 : i1
      %convert_element_type3A_288 = arith.extui %eq3A_287 : i1 to i32
      %cond3A_289 = arith.constant 0 : i32
      %cond3A_290 = arith.cmpi ne, %convert_element_type3A_288, %cond3A_289 : i32
      scf.if %cond3A_290 {
        %dma_start3A_441 = arith.constant 0 : i32
        %dma_start3A_442 = tpu.memref_slice %arg13[%add3A_269, %dma_start3A_441] : memref<160x128xi32, #tpu.memory_space<vmem>> -> memref<1x128xi32, #tpu.memory_space<vmem>>
        %dma_start3A_443 = tpu.memref_squeeze %dma_start3A_442 : memref<1x128xi32, #tpu.memory_space<vmem>> -> memref<128xi32, #tpu.memory_space<vmem>>
        %dma_start3A_444 = arith.constant 0 : i32
        %dma_start3A_445 = arith.constant 0 : i32
        %dma_start3A_446 = tpu.memref_slice %arg11[%dma_start3A_444, %dma_start3A_445] : memref<10240x16xf32, #tpu.memory_space<vmem_shared>> -> memref<10240x16xf32, #tpu.memory_space<vmem_shared>>
        tpu.enqueue_indirect_dma source(%arg18 : memref<128x16xf32, #tpu.memory_space<vmem>>) target(%dma_start3A_446 : memref<10240x16xf32, #tpu.memory_space<vmem_shared>>) offsets(%dma_start3A_443 : memref<128xi32, #tpu.memory_space<vmem>>) semaphore(%arg28 : memref<!tpu.dma_semaphore, #tpu.memory_space<semaphore_mem>>) {add = true}
      } else {
      }
      %mul3A_291 = arith.constant 4 : i32
      %mul3A_292 = arith.muli %scan3A_265, %mul3A_291 : i32
      %add3A_293 = arith.constant 1 : i32
      %add3A_294 = arith.addi %mul3A_292, %add3A_293 : i32
      %dma_wait3A_295 = arith.constant 0 : i32
      %dma_wait3A_296 = tpu.memref_slice %arg12[%add3A_294, %dma_wait3A_295] : memref<160x128xi32, #tpu.memory_space<vmem>> -> memref<1x128xi32, #tpu.memory_space<vmem>>
      %dma_wait3A_297 = tpu.memref_squeeze %dma_wait3A_296 : memref<1x128xi32, #tpu.memory_space<vmem>> -> memref<128xi32, #tpu.memory_space<vmem>>
      %dma_wait3A_298 = arith.constant 0 : i32
      %dma_wait3A_299 = arith.constant 0 : i32
      %dma_wait3A_300 = tpu.memref_slice %arg2[%dma_wait3A_298, %dma_wait3A_299] : memref<20480x64xf32, #tpu.memory_space<hbm>> -> memref<20480x64xf32, #tpu.memory_space<hbm>>
      tpu.wait_indirect_dma semaphore(%arg21 : memref<!tpu.dma_semaphore, #tpu.memory_space<semaphore_mem>>) src(%dma_wait3A_300 : memref<20480x64xf32, #tpu.memory_space<hbm>>) dst(%arg15 : memref<128x64xf32, #tpu.memory_space<vmem>>)
      %dma_start3A_301 = arith.constant 0 : i32
      %dma_start3A_302 = tpu.memref_slice %arg13[%add3A_294, %dma_start3A_301] : memref<160x128xi32, #tpu.memory_space<vmem>> -> memref<1x128xi32, #tpu.memory_space<vmem>>
      %dma_start3A_303 = tpu.memref_squeeze %dma_start3A_302 : memref<1x128xi32, #tpu.memory_space<vmem>> -> memref<128xi32, #tpu.memory_space<vmem>>
      %dma_start3A_304 = arith.constant 0 : i32
      %dma_start3A_305 = arith.constant 0 : i32
      %dma_start3A_306 = tpu.memref_slice %arg10[%dma_start3A_304, %dma_start3A_305] : memref<10240x64xf32, #tpu.memory_space<vmem_shared>> -> memref<10240x64xf32, #tpu.memory_space<vmem_shared>>
      tpu.enqueue_indirect_dma source(%arg15 : memref<128x64xf32, #tpu.memory_space<vmem>>) target(%dma_start3A_306 : memref<10240x64xf32, #tpu.memory_space<vmem_shared>>) offsets(%dma_start3A_303 : memref<128xi32, #tpu.memory_space<vmem>>) semaphore(%arg25 : memref<!tpu.dma_semaphore, #tpu.memory_space<semaphore_mem>>) {add = true}
      %lt3A_307 = arith.constant 80 : i32
      %lt3A_308 = arith.cmpi slt, %add3A_294, %lt3A_307 : i32
      %eq3A_309 = arith.constant 0 : i32
      %eq3A_310 = arith.cmpi eq, %arg0, %eq3A_309 : i32
      %eq3A_311 = arith.xori %lt3A_308, %eq3A_310 : i1
      %eq3A_312 = arith.constant true
      %eq3A_313 = arith.xori %eq3A_311, %eq3A_312 : i1
      %convert_element_type3A_314 = arith.extui %eq3A_313 : i1 to i32
      %cond3A_315 = arith.constant 0 : i32
      %cond3A_316 = arith.cmpi ne, %convert_element_type3A_314, %cond3A_315 : i32
      scf.if %cond3A_316 {
        %dma_start3A_441 = arith.constant 0 : i32
        %dma_start3A_442 = tpu.memref_slice %arg13[%add3A_294, %dma_start3A_441] : memref<160x128xi32, #tpu.memory_space<vmem>> -> memref<1x128xi32, #tpu.memory_space<vmem>>
        %dma_start3A_443 = tpu.memref_squeeze %dma_start3A_442 : memref<1x128xi32, #tpu.memory_space<vmem>> -> memref<128xi32, #tpu.memory_space<vmem>>
        %dma_start3A_444 = arith.constant 0 : i32
        %dma_start3A_445 = arith.constant 0 : i32
        %dma_start3A_446 = tpu.memref_slice %arg11[%dma_start3A_444, %dma_start3A_445] : memref<10240x16xf32, #tpu.memory_space<vmem_shared>> -> memref<10240x16xf32, #tpu.memory_space<vmem_shared>>
        tpu.enqueue_indirect_dma source(%arg18 : memref<128x16xf32, #tpu.memory_space<vmem>>) target(%dma_start3A_446 : memref<10240x16xf32, #tpu.memory_space<vmem_shared>>) offsets(%dma_start3A_443 : memref<128xi32, #tpu.memory_space<vmem>>) semaphore(%arg28 : memref<!tpu.dma_semaphore, #tpu.memory_space<semaphore_mem>>) {add = true}
      } else {
      }
      %mul3A_317 = arith.constant 4 : i32
      %mul3A_318 = arith.muli %scan3A_265, %mul3A_317 : i32
      %add3A_319 = arith.constant 2 : i32
      %add3A_320 = arith.addi %mul3A_318, %add3A_319 : i32
      %dma_wait3A_321 = arith.constant 0 : i32
      %dma_wait3A_322 = tpu.memref_slice %arg12[%add3A_320, %dma_wait3A_321] : memref<160x128xi32, #tpu.memory_space<vmem>> -> memref<1x128xi32, #tpu.memory_space<vmem>>
      %dma_wait3A_323 = tpu.memref_squeeze %dma_wait3A_322 : memref<1x128xi32, #tpu.memory_space<vmem>> -> memref<128xi32, #tpu.memory_space<vmem>>
      %dma_wait3A_324 = arith.constant 0 : i32
      %dma_wait3A_325 = arith.constant 0 : i32
      %dma_wait3A_326 = tpu.memref_slice %arg2[%dma_wait3A_324, %dma_wait3A_325] : memref<20480x64xf32, #tpu.memory_space<hbm>> -> memref<20480x64xf32, #tpu.memory_space<hbm>>
      tpu.wait_indirect_dma semaphore(%arg22 : memref<!tpu.dma_semaphore, #tpu.memory_space<semaphore_mem>>) src(%dma_wait3A_326 : memref<20480x64xf32, #tpu.memory_space<hbm>>) dst(%arg16 : memref<128x64xf32, #tpu.memory_space<vmem>>)
      %dma_start3A_327 = arith.constant 0 : i32
      %dma_start3A_328 = tpu.memref_slice %arg13[%add3A_320, %dma_start3A_327] : memref<160x128xi32, #tpu.memory_space<vmem>> -> memref<1x128xi32, #tpu.memory_space<vmem>>
      %dma_start3A_329 = tpu.memref_squeeze %dma_start3A_328 : memref<1x128xi32, #tpu.memory_space<vmem>> -> memref<128xi32, #tpu.memory_space<vmem>>
      %dma_start3A_330 = arith.constant 0 : i32
      %dma_start3A_331 = arith.constant 0 : i32
      %dma_start3A_332 = tpu.memref_slice %arg10[%dma_start3A_330, %dma_start3A_331] : memref<10240x64xf32, #tpu.memory_space<vmem_shared>> -> memref<10240x64xf32, #tpu.memory_space<vmem_shared>>
      tpu.enqueue_indirect_dma source(%arg16 : memref<128x64xf32, #tpu.memory_space<vmem>>) target(%dma_start3A_332 : memref<10240x64xf32, #tpu.memory_space<vmem_shared>>) offsets(%dma_start3A_329 : memref<128xi32, #tpu.memory_space<vmem>>) semaphore(%arg26 : memref<!tpu.dma_semaphore, #tpu.memory_space<semaphore_mem>>) {add = true}
      %lt3A_333 = arith.constant 80 : i32
      %lt3A_334 = arith.cmpi slt, %add3A_320, %lt3A_333 : i32
      %eq3A_335 = arith.constant 0 : i32
      %eq3A_336 = arith.cmpi eq, %arg0, %eq3A_335 : i32
      %eq3A_337 = arith.xori %lt3A_334, %eq3A_336 : i1
      %eq3A_338 = arith.constant true
      %eq3A_339 = arith.xori %eq3A_337, %eq3A_338 : i1
      %convert_element_type3A_340 = arith.extui %eq3A_339 : i1 to i32
      %cond3A_341 = arith.constant 0 : i32
      %cond3A_342 = arith.cmpi ne, %convert_element_type3A_340, %cond3A_341 : i32
      scf.if %cond3A_342 {
        %dma_start3A_441 = arith.constant 0 : i32
        %dma_start3A_442 = tpu.memref_slice %arg13[%add3A_320, %dma_start3A_441] : memref<160x128xi32, #tpu.memory_space<vmem>> -> memref<1x128xi32, #tpu.memory_space<vmem>>
        %dma_start3A_443 = tpu.memref_squeeze %dma_start3A_442 : memref<1x128xi32, #tpu.memory_space<vmem>> -> memref<128xi32, #tpu.memory_space<vmem>>
        %dma_start3A_444 = arith.constant 0 : i32
        %dma_start3A_445 = arith.constant 0 : i32
        %dma_start3A_446 = tpu.memref_slice %arg11[%dma_start3A_444, %dma_start3A_445] : memref<10240x16xf32, #tpu.memory_space<vmem_shared>> -> memref<10240x16xf32, #tpu.memory_space<vmem_shared>>
        tpu.enqueue_indirect_dma source(%arg18 : memref<128x16xf32, #tpu.memory_space<vmem>>) target(%dma_start3A_446 : memref<10240x16xf32, #tpu.memory_space<vmem_shared>>) offsets(%dma_start3A_443 : memref<128xi32, #tpu.memory_space<vmem>>) semaphore(%arg28 : memref<!tpu.dma_semaphore, #tpu.memory_space<semaphore_mem>>) {add = true}
      } else {
      }
      %mul3A_343 = arith.constant 4 : i32
      %mul3A_344 = arith.muli %scan3A_265, %mul3A_343 : i32
      %add3A_345 = arith.constant 3 : i32
      %add3A_346 = arith.addi %mul3A_344, %add3A_345 : i32
      %dma_wait3A_347 = arith.constant 0 : i32
      %dma_wait3A_348 = tpu.memref_slice %arg12[%add3A_346, %dma_wait3A_347] : memref<160x128xi32, #tpu.memory_space<vmem>> -> memref<1x128xi32, #tpu.memory_space<vmem>>
      %dma_wait3A_349 = tpu.memref_squeeze %dma_wait3A_348 : memref<1x128xi32, #tpu.memory_space<vmem>> -> memref<128xi32, #tpu.memory_space<vmem>>
      %dma_wait3A_350 = arith.constant 0 : i32
      %dma_wait3A_351 = arith.constant 0 : i32
      %dma_wait3A_352 = tpu.memref_slice %arg2[%dma_wait3A_350, %dma_wait3A_351] : memref<20480x64xf32, #tpu.memory_space<hbm>> -> memref<20480x64xf32, #tpu.memory_space<hbm>>
      tpu.wait_indirect_dma semaphore(%arg23 : memref<!tpu.dma_semaphore, #tpu.memory_space<semaphore_mem>>) src(%dma_wait3A_352 : memref<20480x64xf32, #tpu.memory_space<hbm>>) dst(%arg17 : memref<128x64xf32, #tpu.memory_space<vmem>>)
      %dma_start3A_353 = arith.constant 0 : i32
      %dma_start3A_354 = tpu.memref_slice %arg13[%add3A_346, %dma_start3A_353] : memref<160x128xi32, #tpu.memory_space<vmem>> -> memref<1x128xi32, #tpu.memory_space<vmem>>
      %dma_start3A_355 = tpu.memref_squeeze %dma_start3A_354 : memref<1x128xi32, #tpu.memory_space<vmem>> -> memref<128xi32, #tpu.memory_space<vmem>>
      %dma_start3A_356 = arith.constant 0 : i32
      %dma_start3A_357 = arith.constant 0 : i32
      %dma_start3A_358 = tpu.memref_slice %arg10[%dma_start3A_356, %dma_start3A_357] : memref<10240x64xf32, #tpu.memory_space<vmem_shared>> -> memref<10240x64xf32, #tpu.memory_space<vmem_shared>>
      tpu.enqueue_indirect_dma source(%arg17 : memref<128x64xf32, #tpu.memory_space<vmem>>) target(%dma_start3A_358 : memref<10240x64xf32, #tpu.memory_space<vmem_shared>>) offsets(%dma_start3A_355 : memref<128xi32, #tpu.memory_space<vmem>>) semaphore(%arg27 : memref<!tpu.dma_semaphore, #tpu.memory_space<semaphore_mem>>) {add = true}
      %lt3A_359 = arith.constant 80 : i32
      %lt3A_360 = arith.cmpi slt, %add3A_346, %lt3A_359 : i32
      %eq3A_361 = arith.constant 0 : i32
      %eq3A_362 = arith.cmpi eq, %arg0, %eq3A_361 : i32
      %eq3A_363 = arith.xori %lt3A_360, %eq3A_362 : i1
      %eq3A_364 = arith.constant true
      %eq3A_365 = arith.xori %eq3A_363, %eq3A_364 : i1
      %convert_element_type3A_366 = arith.extui %eq3A_365 : i1 to i32
      %cond3A_367 = arith.constant 0 : i32
      %cond3A_368 = arith.cmpi ne, %convert_element_type3A_366, %cond3A_367 : i32
      scf.if %cond3A_368 {
        %dma_start3A_441 = arith.constant 0 : i32
        %dma_start3A_442 = tpu.memref_slice %arg13[%add3A_346, %dma_start3A_441] : memref<160x128xi32, #tpu.memory_space<vmem>> -> memref<1x128xi32, #tpu.memory_space<vmem>>
        %dma_start3A_443 = tpu.memref_squeeze %dma_start3A_442 : memref<1x128xi32, #tpu.memory_space<vmem>> -> memref<128xi32, #tpu.memory_space<vmem>>
        %dma_start3A_444 = arith.constant 0 : i32
        %dma_start3A_445 = arith.constant 0 : i32
        %dma_start3A_446 = tpu.memref_slice %arg11[%dma_start3A_444, %dma_start3A_445] : memref<10240x16xf32, #tpu.memory_space<vmem_shared>> -> memref<10240x16xf32, #tpu.memory_space<vmem_shared>>
        tpu.enqueue_indirect_dma source(%arg18 : memref<128x16xf32, #tpu.memory_space<vmem>>) target(%dma_start3A_446 : memref<10240x16xf32, #tpu.memory_space<vmem_shared>>) offsets(%dma_start3A_443 : memref<128xi32, #tpu.memory_space<vmem>>) semaphore(%arg28 : memref<!tpu.dma_semaphore, #tpu.memory_space<semaphore_mem>>) {add = true}
      } else {
      }
      %mul3A_369 = arith.constant 4 : i32
      %mul3A_370 = arith.muli %scan3A_265, %mul3A_369 : i32
      %add3A_371 = arith.constant 0 : i32
      %add3A_372 = arith.addi %mul3A_370, %add3A_371 : i32
      %dma_wait3A_373 = arith.constant 0 : i32
      %dma_wait3A_374 = tpu.memref_slice %arg13[%add3A_372, %dma_wait3A_373] : memref<160x128xi32, #tpu.memory_space<vmem>> -> memref<1x128xi32, #tpu.memory_space<vmem>>
      %dma_wait3A_375 = tpu.memref_squeeze %dma_wait3A_374 : memref<1x128xi32, #tpu.memory_space<vmem>> -> memref<128xi32, #tpu.memory_space<vmem>>
      %dma_wait3A_376 = arith.constant 0 : i32
      %dma_wait3A_377 = arith.constant 0 : i32
      %dma_wait3A_378 = tpu.memref_slice %arg10[%dma_wait3A_376, %dma_wait3A_377] : memref<10240x64xf32, #tpu.memory_space<vmem_shared>> -> memref<10240x64xf32, #tpu.memory_space<vmem_shared>>
      tpu.wait_indirect_dma semaphore(%arg24 : memref<!tpu.dma_semaphore, #tpu.memory_space<semaphore_mem>>) src(%arg14 : memref<128x64xf32, #tpu.memory_space<vmem>>) dst(%dma_wait3A_378 : memref<10240x64xf32, #tpu.memory_space<vmem_shared>>)
      %add3A_379 = arith.constant 4 : i32
      %add3A_380 = arith.addi %add3A_372, %add3A_379 : i32
      %dma_start3A_381 = arith.constant 0 : i32
      %dma_start3A_382 = tpu.memref_slice %arg12[%add3A_380, %dma_start3A_381] : memref<160x128xi32, #tpu.memory_space<vmem>> -> memref<1x128xi32, #tpu.memory_space<vmem>>
      %dma_start3A_383 = tpu.memref_squeeze %dma_start3A_382 : memref<1x128xi32, #tpu.memory_space<vmem>> -> memref<128xi32, #tpu.memory_space<vmem>>
      %dma_start3A_384 = arith.constant 0 : i32
      %dma_start3A_385 = arith.constant 0 : i32
      %dma_start3A_386 = tpu.memref_slice %arg2[%dma_start3A_384, %dma_start3A_385] : memref<20480x64xf32, #tpu.memory_space<hbm>> -> memref<20480x64xf32, #tpu.memory_space<hbm>>
      tpu.enqueue_indirect_dma source(%dma_start3A_386 : memref<20480x64xf32, #tpu.memory_space<hbm>>) target(%arg14 : memref<128x64xf32, #tpu.memory_space<vmem>>) offsets(%dma_start3A_383 : memref<128xi32, #tpu.memory_space<vmem>>) semaphore(%arg20 : memref<!tpu.dma_semaphore, #tpu.memory_space<semaphore_mem>>)
      %mul3A_387 = arith.constant 4 : i32
      %mul3A_388 = arith.muli %scan3A_265, %mul3A_387 : i32
      %add3A_389 = arith.constant 1 : i32
      %add3A_390 = arith.addi %mul3A_388, %add3A_389 : i32
      %dma_wait3A_391 = arith.constant 0 : i32
      %dma_wait3A_392 = tpu.memref_slice %arg13[%add3A_390, %dma_wait3A_391] : memref<160x128xi32, #tpu.memory_space<vmem>> -> memref<1x128xi32, #tpu.memory_space<vmem>>
      %dma_wait3A_393 = tpu.memref_squeeze %dma_wait3A_392 : memref<1x128xi32, #tpu.memory_space<vmem>> -> memref<128xi32, #tpu.memory_space<vmem>>
      %dma_wait3A_394 = arith.constant 0 : i32
      %dma_wait3A_395 = arith.constant 0 : i32
      %dma_wait3A_396 = tpu.memref_slice %arg10[%dma_wait3A_394, %dma_wait3A_395] : memref<10240x64xf32, #tpu.memory_space<vmem_shared>> -> memref<10240x64xf32, #tpu.memory_space<vmem_shared>>
      tpu.wait_indirect_dma semaphore(%arg25 : memref<!tpu.dma_semaphore, #tpu.memory_space<semaphore_mem>>) src(%arg15 : memref<128x64xf32, #tpu.memory_space<vmem>>) dst(%dma_wait3A_396 : memref<10240x64xf32, #tpu.memory_space<vmem_shared>>)
      %add3A_397 = arith.constant 4 : i32
      %add3A_398 = arith.addi %add3A_390, %add3A_397 : i32
      %dma_start3A_399 = arith.constant 0 : i32
      %dma_start3A_400 = tpu.memref_slice %arg12[%add3A_398, %dma_start3A_399] : memref<160x128xi32, #tpu.memory_space<vmem>> -> memref<1x128xi32, #tpu.memory_space<vmem>>
      %dma_start3A_401 = tpu.memref_squeeze %dma_start3A_400 : memref<1x128xi32, #tpu.memory_space<vmem>> -> memref<128xi32, #tpu.memory_space<vmem>>
      %dma_start3A_402 = arith.constant 0 : i32
      %dma_start3A_403 = arith.constant 0 : i32
      %dma_start3A_404 = tpu.memref_slice %arg2[%dma_start3A_402, %dma_start3A_403] : memref<20480x64xf32, #tpu.memory_space<hbm>> -> memref<20480x64xf32, #tpu.memory_space<hbm>>
      tpu.enqueue_indirect_dma source(%dma_start3A_404 : memref<20480x64xf32, #tpu.memory_space<hbm>>) target(%arg15 : memref<128x64xf32, #tpu.memory_space<vmem>>) offsets(%dma_start3A_401 : memref<128xi32, #tpu.memory_space<vmem>>) semaphore(%arg21 : memref<!tpu.dma_semaphore, #tpu.memory_space<semaphore_mem>>)
      %mul3A_405 = arith.constant 4 : i32
      %mul3A_406 = arith.muli %scan3A_265, %mul3A_405 : i32
      %add3A_407 = arith.constant 2 : i32
      %add3A_408 = arith.addi %mul3A_406, %add3A_407 : i32
      %dma_wait3A_409 = arith.constant 0 : i32
      %dma_wait3A_410 = tpu.memref_slice %arg13[%add3A_408, %dma_wait3A_409] : memref<160x128xi32, #tpu.memory_space<vmem>> -> memref<1x128xi32, #tpu.memory_space<vmem>>
      %dma_wait3A_411 = tpu.memref_squeeze %dma_wait3A_410 : memref<1x128xi32, #tpu.memory_space<vmem>> -> memref<128xi32, #tpu.memory_space<vmem>>
      %dma_wait3A_412 = arith.constant 0 : i32
      %dma_wait3A_413 = arith.constant 0 : i32
      %dma_wait3A_414 = tpu.memref_slice %arg10[%dma_wait3A_412, %dma_wait3A_413] : memref<10240x64xf32, #tpu.memory_space<vmem_shared>> -> memref<10240x64xf32, #tpu.memory_space<vmem_shared>>
      tpu.wait_indirect_dma semaphore(%arg26 : memref<!tpu.dma_semaphore, #tpu.memory_space<semaphore_mem>>) src(%arg16 : memref<128x64xf32, #tpu.memory_space<vmem>>) dst(%dma_wait3A_414 : memref<10240x64xf32, #tpu.memory_space<vmem_shared>>)
      %add3A_415 = arith.constant 4 : i32
      %add3A_416 = arith.addi %add3A_408, %add3A_415 : i32
      %dma_start3A_417 = arith.constant 0 : i32
      %dma_start3A_418 = tpu.memref_slice %arg12[%add3A_416, %dma_start3A_417] : memref<160x128xi32, #tpu.memory_space<vmem>> -> memref<1x128xi32, #tpu.memory_space<vmem>>
      %dma_start3A_419 = tpu.memref_squeeze %dma_start3A_418 : memref<1x128xi32, #tpu.memory_space<vmem>> -> memref<128xi32, #tpu.memory_space<vmem>>
      %dma_start3A_420 = arith.constant 0 : i32
      %dma_start3A_421 = arith.constant 0 : i32
      %dma_start3A_422 = tpu.memref_slice %arg2[%dma_start3A_420, %dma_start3A_421] : memref<20480x64xf32, #tpu.memory_space<hbm>> -> memref<20480x64xf32, #tpu.memory_space<hbm>>
      tpu.enqueue_indirect_dma source(%dma_start3A_422 : memref<20480x64xf32, #tpu.memory_space<hbm>>) target(%arg16 : memref<128x64xf32, #tpu.memory_space<vmem>>) offsets(%dma_start3A_419 : memref<128xi32, #tpu.memory_space<vmem>>) semaphore(%arg22 : memref<!tpu.dma_semaphore, #tpu.memory_space<semaphore_mem>>)
      %mul3A_423 = arith.constant 4 : i32
      %mul3A_424 = arith.muli %scan3A_265, %mul3A_423 : i32
      %add3A_425 = arith.constant 3 : i32
      %add3A_426 = arith.addi %mul3A_424, %add3A_425 : i32
      %dma_wait3A_427 = arith.constant 0 : i32
      %dma_wait3A_428 = tpu.memref_slice %arg13[%add3A_426, %dma_wait3A_427] : memref<160x128xi32, #tpu.memory_space<vmem>> -> memref<1x128xi32, #tpu.memory_space<vmem>>
      %dma_wait3A_429 = tpu.memref_squeeze %dma_wait3A_428 : memref<1x128xi32, #tpu.memory_space<vmem>> -> memref<128xi32, #tpu.memory_space<vmem>>
      %dma_wait3A_430 = arith.constant 0 : i32
      %dma_wait3A_431 = arith.constant 0 : i32
      %dma_wait3A_432 = tpu.memref_slice %arg10[%dma_wait3A_430, %dma_wait3A_431] : memref<10240x64xf32, #tpu.memory_space<vmem_shared>> -> memref<10240x64xf32, #tpu.memory_space<vmem_shared>>
      tpu.wait_indirect_dma semaphore(%arg27 : memref<!tpu.dma_semaphore, #tpu.memory_space<semaphore_mem>>) src(%arg17 : memref<128x64xf32, #tpu.memory_space<vmem>>) dst(%dma_wait3A_432 : memref<10240x64xf32, #tpu.memory_space<vmem_shared>>)
      %add3A_433 = arith.constant 4 : i32
      %add3A_434 = arith.addi %add3A_426, %add3A_433 : i32
      %dma_start3A_435 = arith.constant 0 : i32
      %dma_start3A_436 = tpu.memref_slice %arg12[%add3A_434, %dma_start3A_435] : memref<160x128xi32, #tpu.memory_space<vmem>> -> memref<1x128xi32, #tpu.memory_space<vmem>>
      %dma_start3A_437 = tpu.memref_squeeze %dma_start3A_436 : memref<1x128xi32, #tpu.memory_space<vmem>> -> memref<128xi32, #tpu.memory_space<vmem>>
      %dma_start3A_438 = arith.constant 0 : i32
      %dma_start3A_439 = arith.constant 0 : i32
      %dma_start3A_440 = tpu.memref_slice %arg2[%dma_start3A_438, %dma_start3A_439] : memref<20480x64xf32, #tpu.memory_space<hbm>> -> memref<20480x64xf32, #tpu.memory_space<hbm>>
      tpu.enqueue_indirect_dma source(%dma_start3A_440 : memref<20480x64xf32, #tpu.memory_space<hbm>>) target(%arg17 : memref<128x64xf32, #tpu.memory_space<vmem>>) offsets(%dma_start3A_437 : memref<128xi32, #tpu.memory_space<vmem>>) semaphore(%arg23 : memref<!tpu.dma_semaphore, #tpu.memory_space<semaphore_mem>>)
    }
    %scan3A_51 = arith.constant 39 : i32
    %dma_wait3A = arith.constant 156 : i32
    %dma_wait3A_52 = arith.constant 0 : i32
    %dma_wait3A_53 = tpu.memref_slice %arg12[%dma_wait3A, %dma_wait3A_52] : memref<160x128xi32, #tpu.memory_space<vmem>> -> memref<1x128xi32, #tpu.memory_space<vmem>>
    %dma_wait3A_54 = tpu.memref_squeeze %dma_wait3A_53 : memref<1x128xi32, #tpu.memory_space<vmem>> -> memref<128xi32, #tpu.memory_space<vmem>>
    %dma_wait3A_55 = arith.constant 0 : i32
    %dma_wait3A_56 = arith.constant 0 : i32
    %dma_wait3A_57 = tpu.memref_slice %arg2[%dma_wait3A_55, %dma_wait3A_56] : memref<20480x64xf32, #tpu.memory_space<hbm>> -> memref<20480x64xf32, #tpu.memory_space<hbm>>
    tpu.wait_indirect_dma semaphore(%arg20 : memref<!tpu.dma_semaphore, #tpu.memory_space<semaphore_mem>>) src(%dma_wait3A_57 : memref<20480x64xf32, #tpu.memory_space<hbm>>) dst(%arg14 : memref<128x64xf32, #tpu.memory_space<vmem>>)
    %dma_start3A_58 = arith.constant 156 : i32
    %dma_start3A_59 = arith.constant 0 : i32
    %dma_start3A_60 = tpu.memref_slice %arg13[%dma_start3A_58, %dma_start3A_59] : memref<160x128xi32, #tpu.memory_space<vmem>> -> memref<1x128xi32, #tpu.memory_space<vmem>>
    %dma_start3A_61 = tpu.memref_squeeze %dma_start3A_60 : memref<1x128xi32, #tpu.memory_space<vmem>> -> memref<128xi32, #tpu.memory_space<vmem>>
    %dma_start3A_62 = arith.constant 0 : i32
    %dma_start3A_63 = arith.constant 0 : i32
    %dma_start3A_64 = tpu.memref_slice %arg10[%dma_start3A_62, %dma_start3A_63] : memref<10240x64xf32, #tpu.memory_space<vmem_shared>> -> memref<10240x64xf32, #tpu.memory_space<vmem_shared>>
    tpu.enqueue_indirect_dma source(%arg14 : memref<128x64xf32, #tpu.memory_space<vmem>>) target(%dma_start3A_64 : memref<10240x64xf32, #tpu.memory_space<vmem_shared>>) offsets(%dma_start3A_61 : memref<128xi32, #tpu.memory_space<vmem>>) semaphore(%arg24 : memref<!tpu.dma_semaphore, #tpu.memory_space<semaphore_mem>>) {add = true}
    %eq3A = arith.constant 0 : i32
    %eq3A_65 = arith.cmpi eq, %arg0, %eq3A : i32
    %eq3A_66 = arith.constant false
    %eq3A_67 = arith.xori %eq3A_65, %eq3A_66 : i1
    %eq3A_68 = arith.constant true
    %eq3A_69 = arith.xori %eq3A_67, %eq3A_68 : i1
    %convert_element_type3A = arith.extui %eq3A_69 : i1 to i32
    %cond3A = arith.constant 0 : i32
    %cond3A_70 = arith.cmpi ne, %convert_element_type3A, %cond3A : i32
    scf.if %cond3A_70 {
      %dma_start3A_265 = arith.constant 156 : i32
      %dma_start3A_266 = arith.constant 0 : i32
      %dma_start3A_267 = tpu.memref_slice %arg13[%dma_start3A_265, %dma_start3A_266] : memref<160x128xi32, #tpu.memory_space<vmem>> -> memref<1x128xi32, #tpu.memory_space<vmem>>
      %dma_start3A_268 = tpu.memref_squeeze %dma_start3A_267 : memref<1x128xi32, #tpu.memory_space<vmem>> -> memref<128xi32, #tpu.memory_space<vmem>>
      %dma_start3A_269 = arith.constant 0 : i32
      %dma_start3A_270 = arith.constant 0 : i32
      %dma_start3A_271 = tpu.memref_slice %arg11[%dma_start3A_269, %dma_start3A_270] : memref<10240x16xf32, #tpu.memory_space<vmem_shared>> -> memref<10240x16xf32, #tpu.memory_space<vmem_shared>>
      tpu.enqueue_indirect_dma source(%arg18 : memref<128x16xf32, #tpu.memory_space<vmem>>) target(%dma_start3A_271 : memref<10240x16xf32, #tpu.memory_space<vmem_shared>>) offsets(%dma_start3A_268 : memref<128xi32, #tpu.memory_space<vmem>>) semaphore(%arg28 : memref<!tpu.dma_semaphore, #tpu.memory_space<semaphore_mem>>) {add = true}
    } else {
    }
    %dma_wait3A_71 = arith.constant 157 : i32
    %dma_wait3A_72 = arith.constant 0 : i32
    %dma_wait3A_73 = tpu.memref_slice %arg12[%dma_wait3A_71, %dma_wait3A_72] : memref<160x128xi32, #tpu.memory_space<vmem>> -> memref<1x128xi32, #tpu.memory_space<vmem>>
    %dma_wait3A_74 = tpu.memref_squeeze %dma_wait3A_73 : memref<1x128xi32, #tpu.memory_space<vmem>> -> memref<128xi32, #tpu.memory_space<vmem>>
    %dma_wait3A_75 = arith.constant 0 : i32
    %dma_wait3A_76 = arith.constant 0 : i32
    %dma_wait3A_77 = tpu.memref_slice %arg2[%dma_wait3A_75, %dma_wait3A_76] : memref<20480x64xf32, #tpu.memory_space<hbm>> -> memref<20480x64xf32, #tpu.memory_space<hbm>>
    tpu.wait_indirect_dma semaphore(%arg21 : memref<!tpu.dma_semaphore, #tpu.memory_space<semaphore_mem>>) src(%dma_wait3A_77 : memref<20480x64xf32, #tpu.memory_space<hbm>>) dst(%arg15 : memref<128x64xf32, #tpu.memory_space<vmem>>)
    %dma_start3A_78 = arith.constant 157 : i32
    %dma_start3A_79 = arith.constant 0 : i32
    %dma_start3A_80 = tpu.memref_slice %arg13[%dma_start3A_78, %dma_start3A_79] : memref<160x128xi32, #tpu.memory_space<vmem>> -> memref<1x128xi32, #tpu.memory_space<vmem>>
    %dma_start3A_81 = tpu.memref_squeeze %dma_start3A_80 : memref<1x128xi32, #tpu.memory_space<vmem>> -> memref<128xi32, #tpu.memory_space<vmem>>
    %dma_start3A_82 = arith.constant 0 : i32
    %dma_start3A_83 = arith.constant 0 : i32
    %dma_start3A_84 = tpu.memref_slice %arg10[%dma_start3A_82, %dma_start3A_83] : memref<10240x64xf32, #tpu.memory_space<vmem_shared>> -> memref<10240x64xf32, #tpu.memory_space<vmem_shared>>
    tpu.enqueue_indirect_dma source(%arg15 : memref<128x64xf32, #tpu.memory_space<vmem>>) target(%dma_start3A_84 : memref<10240x64xf32, #tpu.memory_space<vmem_shared>>) offsets(%dma_start3A_81 : memref<128xi32, #tpu.memory_space<vmem>>) semaphore(%arg25 : memref<!tpu.dma_semaphore, #tpu.memory_space<semaphore_mem>>) {add = true}
    %eq3A_85 = arith.constant 0 : i32
    %eq3A_86 = arith.cmpi eq, %arg0, %eq3A_85 : i32
    %eq3A_87 = arith.constant false
    %eq3A_88 = arith.xori %eq3A_86, %eq3A_87 : i1
    %eq3A_89 = arith.constant true
    %eq3A_90 = arith.xori %eq3A_88, %eq3A_89 : i1
    %convert_element_type3A_91 = arith.extui %eq3A_90 : i1 to i32
    %cond3A_92 = arith.constant 0 : i32
    %cond3A_93 = arith.cmpi ne, %convert_element_type3A_91, %cond3A_92 : i32
    scf.if %cond3A_93 {
      %dma_start3A_265 = arith.constant 157 : i32
      %dma_start3A_266 = arith.constant 0 : i32
      %dma_start3A_267 = tpu.memref_slice %arg13[%dma_start3A_265, %dma_start3A_266] : memref<160x128xi32, #tpu.memory_space<vmem>> -> memref<1x128xi32, #tpu.memory_space<vmem>>
      %dma_start3A_268 = tpu.memref_squeeze %dma_start3A_267 : memref<1x128xi32, #tpu.memory_space<vmem>> -> memref<128xi32, #tpu.memory_space<vmem>>
      %dma_start3A_269 = arith.constant 0 : i32
      %dma_start3A_270 = arith.constant 0 : i32
      %dma_start3A_271 = tpu.memref_slice %arg11[%dma_start3A_269, %dma_start3A_270] : memref<10240x16xf32, #tpu.memory_space<vmem_shared>> -> memref<10240x16xf32, #tpu.memory_space<vmem_shared>>
      tpu.enqueue_indirect_dma source(%arg18 : memref<128x16xf32, #tpu.memory_space<vmem>>) target(%dma_start3A_271 : memref<10240x16xf32, #tpu.memory_space<vmem_shared>>) offsets(%dma_start3A_268 : memref<128xi32, #tpu.memory_space<vmem>>) semaphore(%arg28 : memref<!tpu.dma_semaphore, #tpu.memory_space<semaphore_mem>>) {add = true}
    } else {
    }
    %dma_wait3A_94 = arith.constant 158 : i32
    %dma_wait3A_95 = arith.constant 0 : i32
    %dma_wait3A_96 = tpu.memref_slice %arg12[%dma_wait3A_94, %dma_wait3A_95] : memref<160x128xi32, #tpu.memory_space<vmem>> -> memref<1x128xi32, #tpu.memory_space<vmem>>
    %dma_wait3A_97 = tpu.memref_squeeze %dma_wait3A_96 : memref<1x128xi32, #tpu.memory_space<vmem>> -> memref<128xi32, #tpu.memory_space<vmem>>
    %dma_wait3A_98 = arith.constant 0 : i32
    %dma_wait3A_99 = arith.constant 0 : i32
    %dma_wait3A_100 = tpu.memref_slice %arg2[%dma_wait3A_98, %dma_wait3A_99] : memref<20480x64xf32, #tpu.memory_space<hbm>> -> memref<20480x64xf32, #tpu.memory_space<hbm>>
    tpu.wait_indirect_dma semaphore(%arg22 : memref<!tpu.dma_semaphore, #tpu.memory_space<semaphore_mem>>) src(%dma_wait3A_100 : memref<20480x64xf32, #tpu.memory_space<hbm>>) dst(%arg16 : memref<128x64xf32, #tpu.memory_space<vmem>>)
    %dma_start3A_101 = arith.constant 158 : i32
    %dma_start3A_102 = arith.constant 0 : i32
    %dma_start3A_103 = tpu.memref_slice %arg13[%dma_start3A_101, %dma_start3A_102] : memref<160x128xi32, #tpu.memory_space<vmem>> -> memref<1x128xi32, #tpu.memory_space<vmem>>
    %dma_start3A_104 = tpu.memref_squeeze %dma_start3A_103 : memref<1x128xi32, #tpu.memory_space<vmem>> -> memref<128xi32, #tpu.memory_space<vmem>>
    %dma_start3A_105 = arith.constant 0 : i32
    %dma_start3A_106 = arith.constant 0 : i32
    %dma_start3A_107 = tpu.memref_slice %arg10[%dma_start3A_105, %dma_start3A_106] : memref<10240x64xf32, #tpu.memory_space<vmem_shared>> -> memref<10240x64xf32, #tpu.memory_space<vmem_shared>>
    tpu.enqueue_indirect_dma source(%arg16 : memref<128x64xf32, #tpu.memory_space<vmem>>) target(%dma_start3A_107 : memref<10240x64xf32, #tpu.memory_space<vmem_shared>>) offsets(%dma_start3A_104 : memref<128xi32, #tpu.memory_space<vmem>>) semaphore(%arg26 : memref<!tpu.dma_semaphore, #tpu.memory_space<semaphore_mem>>) {add = true}
    %eq3A_108 = arith.constant 0 : i32
    %eq3A_109 = arith.cmpi eq, %arg0, %eq3A_108 : i32
    %eq3A_110 = arith.constant false
    %eq3A_111 = arith.xori %eq3A_109, %eq3A_110 : i1
    %eq3A_112 = arith.constant true
    %eq3A_113 = arith.xori %eq3A_111, %eq3A_112 : i1
    %convert_element_type3A_114 = arith.extui %eq3A_113 : i1 to i32
    %cond3A_115 = arith.constant 0 : i32
    %cond3A_116 = arith.cmpi ne, %convert_element_type3A_114, %cond3A_115 : i32
    scf.if %cond3A_116 {
      %dma_start3A_265 = arith.constant 158 : i32
      %dma_start3A_266 = arith.constant 0 : i32
      %dma_start3A_267 = tpu.memref_slice %arg13[%dma_start3A_265, %dma_start3A_266] : memref<160x128xi32, #tpu.memory_space<vmem>> -> memref<1x128xi32, #tpu.memory_space<vmem>>
      %dma_start3A_268 = tpu.memref_squeeze %dma_start3A_267 : memref<1x128xi32, #tpu.memory_space<vmem>> -> memref<128xi32, #tpu.memory_space<vmem>>
      %dma_start3A_269 = arith.constant 0 : i32
      %dma_start3A_270 = arith.constant 0 : i32
      %dma_start3A_271 = tpu.memref_slice %arg11[%dma_start3A_269, %dma_start3A_270] : memref<10240x16xf32, #tpu.memory_space<vmem_shared>> -> memref<10240x16xf32, #tpu.memory_space<vmem_shared>>
      tpu.enqueue_indirect_dma source(%arg18 : memref<128x16xf32, #tpu.memory_space<vmem>>) target(%dma_start3A_271 : memref<10240x16xf32, #tpu.memory_space<vmem_shared>>) offsets(%dma_start3A_268 : memref<128xi32, #tpu.memory_space<vmem>>) semaphore(%arg28 : memref<!tpu.dma_semaphore, #tpu.memory_space<semaphore_mem>>) {add = true}
    } else {
    }
    %dma_wait3A_117 = arith.constant 159 : i32
    %dma_wait3A_118 = arith.constant 0 : i32
    %dma_wait3A_119 = tpu.memref_slice %arg12[%dma_wait3A_117, %dma_wait3A_118] : memref<160x128xi32, #tpu.memory_space<vmem>> -> memref<1x128xi32, #tpu.memory_space<vmem>>
    %dma_wait3A_120 = tpu.memref_squeeze %dma_wait3A_119 : memref<1x128xi32, #tpu.memory_space<vmem>> -> memref<128xi32, #tpu.memory_space<vmem>>
    %dma_wait3A_121 = arith.constant 0 : i32
    %dma_wait3A_122 = arith.constant 0 : i32
    %dma_wait3A_123 = tpu.memref_slice %arg2[%dma_wait3A_121, %dma_wait3A_122] : memref<20480x64xf32, #tpu.memory_space<hbm>> -> memref<20480x64xf32, #tpu.memory_space<hbm>>
    tpu.wait_indirect_dma semaphore(%arg23 : memref<!tpu.dma_semaphore, #tpu.memory_space<semaphore_mem>>) src(%dma_wait3A_123 : memref<20480x64xf32, #tpu.memory_space<hbm>>) dst(%arg17 : memref<128x64xf32, #tpu.memory_space<vmem>>)
    %dma_start3A_124 = arith.constant 159 : i32
    %dma_start3A_125 = arith.constant 0 : i32
    %dma_start3A_126 = tpu.memref_slice %arg13[%dma_start3A_124, %dma_start3A_125] : memref<160x128xi32, #tpu.memory_space<vmem>> -> memref<1x128xi32, #tpu.memory_space<vmem>>
    %dma_start3A_127 = tpu.memref_squeeze %dma_start3A_126 : memref<1x128xi32, #tpu.memory_space<vmem>> -> memref<128xi32, #tpu.memory_space<vmem>>
    %dma_start3A_128 = arith.constant 0 : i32
    %dma_start3A_129 = arith.constant 0 : i32
    %dma_start3A_130 = tpu.memref_slice %arg10[%dma_start3A_128, %dma_start3A_129] : memref<10240x64xf32, #tpu.memory_space<vmem_shared>> -> memref<10240x64xf32, #tpu.memory_space<vmem_shared>>
    tpu.enqueue_indirect_dma source(%arg17 : memref<128x64xf32, #tpu.memory_space<vmem>>) target(%dma_start3A_130 : memref<10240x64xf32, #tpu.memory_space<vmem_shared>>) offsets(%dma_start3A_127 : memref<128xi32, #tpu.memory_space<vmem>>) semaphore(%arg27 : memref<!tpu.dma_semaphore, #tpu.memory_space<semaphore_mem>>) {add = true}
    %eq3A_131 = arith.constant 0 : i32
    %eq3A_132 = arith.cmpi eq, %arg0, %eq3A_131 : i32
    %eq3A_133 = arith.constant false
    %eq3A_134 = arith.xori %eq3A_132, %eq3A_133 : i1
    %eq3A_135 = arith.constant true
    %eq3A_136 = arith.xori %eq3A_134, %eq3A_135 : i1
    %convert_element_type3A_137 = arith.extui %eq3A_136 : i1 to i32
    %cond3A_138 = arith.constant 0 : i32
    %cond3A_139 = arith.cmpi ne, %convert_element_type3A_137, %cond3A_138 : i32
    scf.if %cond3A_139 {
      %dma_start3A_265 = arith.constant 159 : i32
      %dma_start3A_266 = arith.constant 0 : i32
      %dma_start3A_267 = tpu.memref_slice %arg13[%dma_start3A_265, %dma_start3A_266] : memref<160x128xi32, #tpu.memory_space<vmem>> -> memref<1x128xi32, #tpu.memory_space<vmem>>
      %dma_start3A_268 = tpu.memref_squeeze %dma_start3A_267 : memref<1x128xi32, #tpu.memory_space<vmem>> -> memref<128xi32, #tpu.memory_space<vmem>>
      %dma_start3A_269 = arith.constant 0 : i32
      %dma_start3A_270 = arith.constant 0 : i32
      %dma_start3A_271 = tpu.memref_slice %arg11[%dma_start3A_269, %dma_start3A_270] : memref<10240x16xf32, #tpu.memory_space<vmem_shared>> -> memref<10240x16xf32, #tpu.memory_space<vmem_shared>>
      tpu.enqueue_indirect_dma source(%arg18 : memref<128x16xf32, #tpu.memory_space<vmem>>) target(%dma_start3A_271 : memref<10240x16xf32, #tpu.memory_space<vmem_shared>>) offsets(%dma_start3A_268 : memref<128xi32, #tpu.memory_space<vmem>>) semaphore(%arg28 : memref<!tpu.dma_semaphore, #tpu.memory_space<semaphore_mem>>) {add = true}
    } else {
    }
    %dma_wait3A_140 = arith.constant 156 : i32
    %dma_wait3A_141 = arith.constant 0 : i32
    %dma_wait3A_142 = tpu.memref_slice %arg13[%dma_wait3A_140, %dma_wait3A_141] : memref<160x128xi32, #tpu.memory_space<vmem>> -> memref<1x128xi32, #tpu.memory_space<vmem>>
    %dma_wait3A_143 = tpu.memref_squeeze %dma_wait3A_142 : memref<1x128xi32, #tpu.memory_space<vmem>> -> memref<128xi32, #tpu.memory_space<vmem>>
    %dma_wait3A_144 = arith.constant 0 : i32
    %dma_wait3A_145 = arith.constant 0 : i32
    %dma_wait3A_146 = tpu.memref_slice %arg10[%dma_wait3A_144, %dma_wait3A_145] : memref<10240x64xf32, #tpu.memory_space<vmem_shared>> -> memref<10240x64xf32, #tpu.memory_space<vmem_shared>>
    tpu.wait_indirect_dma semaphore(%arg24 : memref<!tpu.dma_semaphore, #tpu.memory_space<semaphore_mem>>) src(%arg14 : memref<128x64xf32, #tpu.memory_space<vmem>>) dst(%dma_wait3A_146 : memref<10240x64xf32, #tpu.memory_space<vmem_shared>>)
    %dma_wait3A_147 = arith.constant 157 : i32
    %dma_wait3A_148 = arith.constant 0 : i32
    %dma_wait3A_149 = tpu.memref_slice %arg13[%dma_wait3A_147, %dma_wait3A_148] : memref<160x128xi32, #tpu.memory_space<vmem>> -> memref<1x128xi32, #tpu.memory_space<vmem>>
    %dma_wait3A_150 = tpu.memref_squeeze %dma_wait3A_149 : memref<1x128xi32, #tpu.memory_space<vmem>> -> memref<128xi32, #tpu.memory_space<vmem>>
    %dma_wait3A_151 = arith.constant 0 : i32
    %dma_wait3A_152 = arith.constant 0 : i32
    %dma_wait3A_153 = tpu.memref_slice %arg10[%dma_wait3A_151, %dma_wait3A_152] : memref<10240x64xf32, #tpu.memory_space<vmem_shared>> -> memref<10240x64xf32, #tpu.memory_space<vmem_shared>>
    tpu.wait_indirect_dma semaphore(%arg25 : memref<!tpu.dma_semaphore, #tpu.memory_space<semaphore_mem>>) src(%arg15 : memref<128x64xf32, #tpu.memory_space<vmem>>) dst(%dma_wait3A_153 : memref<10240x64xf32, #tpu.memory_space<vmem_shared>>)
    %dma_wait3A_154 = arith.constant 158 : i32
    %dma_wait3A_155 = arith.constant 0 : i32
    %dma_wait3A_156 = tpu.memref_slice %arg13[%dma_wait3A_154, %dma_wait3A_155] : memref<160x128xi32, #tpu.memory_space<vmem>> -> memref<1x128xi32, #tpu.memory_space<vmem>>
    %dma_wait3A_157 = tpu.memref_squeeze %dma_wait3A_156 : memref<1x128xi32, #tpu.memory_space<vmem>> -> memref<128xi32, #tpu.memory_space<vmem>>
    %dma_wait3A_158 = arith.constant 0 : i32
    %dma_wait3A_159 = arith.constant 0 : i32
    %dma_wait3A_160 = tpu.memref_slice %arg10[%dma_wait3A_158, %dma_wait3A_159] : memref<10240x64xf32, #tpu.memory_space<vmem_shared>> -> memref<10240x64xf32, #tpu.memory_space<vmem_shared>>
    tpu.wait_indirect_dma semaphore(%arg26 : memref<!tpu.dma_semaphore, #tpu.memory_space<semaphore_mem>>) src(%arg16 : memref<128x64xf32, #tpu.memory_space<vmem>>) dst(%dma_wait3A_160 : memref<10240x64xf32, #tpu.memory_space<vmem_shared>>)
    %dma_wait3A_161 = arith.constant 159 : i32
    %dma_wait3A_162 = arith.constant 0 : i32
    %dma_wait3A_163 = tpu.memref_slice %arg13[%dma_wait3A_161, %dma_wait3A_162] : memref<160x128xi32, #tpu.memory_space<vmem>> -> memref<1x128xi32, #tpu.memory_space<vmem>>
    %dma_wait3A_164 = tpu.memref_squeeze %dma_wait3A_163 : memref<1x128xi32, #tpu.memory_space<vmem>> -> memref<128xi32, #tpu.memory_space<vmem>>
    %dma_wait3A_165 = arith.constant 0 : i32
    %dma_wait3A_166 = arith.constant 0 : i32
    %dma_wait3A_167 = tpu.memref_slice %arg10[%dma_wait3A_165, %dma_wait3A_166] : memref<10240x64xf32, #tpu.memory_space<vmem_shared>> -> memref<10240x64xf32, #tpu.memory_space<vmem_shared>>
    tpu.wait_indirect_dma semaphore(%arg27 : memref<!tpu.dma_semaphore, #tpu.memory_space<semaphore_mem>>) src(%arg17 : memref<128x64xf32, #tpu.memory_space<vmem>>) dst(%dma_wait3A_167 : memref<10240x64xf32, #tpu.memory_space<vmem_shared>>)
    %scan3A_168 = arith.constant 0 : i32
    %scan3A_169 = arith.constant 0 : i32
    %scan3A_170 = arith.constant 80 : i32
    %scan3A_171 = arith.addi %scan3A_169, %scan3A_170 : i32
    %scan3A_172 = arith.constant 1 : i32
    scf.for %scan3A_265 = %scan3A_169 to %scan3A_171 step %scan3A_172  : i32 {
      %dma_wait3A_266 = arith.constant 0 : i32
      %dma_wait3A_267 = arith.constant 0 : i32
      %dma_wait3A_268 = tpu.memref_slice %arg13[%dma_wait3A_266, %dma_wait3A_267] : memref<160x128xi32, #tpu.memory_space<vmem>> -> memref<1x128xi32, #tpu.memory_space<vmem>>
      %dma_wait3A_269 = tpu.memref_squeeze %dma_wait3A_268 : memref<1x128xi32, #tpu.memory_space<vmem>> -> memref<128xi32, #tpu.memory_space<vmem>>
      %dma_wait3A_270 = arith.constant 0 : i32
      %dma_wait3A_271 = arith.constant 0 : i32
      %dma_wait3A_272 = tpu.memref_slice %arg11[%dma_wait3A_270, %dma_wait3A_271] : memref<10240x16xf32, #tpu.memory_space<vmem_shared>> -> memref<10240x16xf32, #tpu.memory_space<vmem_shared>>
      tpu.wait_indirect_dma semaphore(%arg28 : memref<!tpu.dma_semaphore, #tpu.memory_space<semaphore_mem>>) src(%arg18 : memref<128x16xf32, #tpu.memory_space<vmem>>) dst(%dma_wait3A_272 : memref<10240x16xf32, #tpu.memory_space<vmem_shared>>)
    }
    %scan3A_173 = arith.constant 80 : i32
    %barrier3A_174 = arith.constant 0 : index
    tpu.barrier barrier_id(%barrier3A_174)
    %add3A_175 = arith.constant 0 : i32
    %add3A_176 = arith.addi %mul3A_0, %add3A_175 : i32
    "tpu.region"() ({
      %run_scoped3A = tpu.sem_alloc : memref<!tpu.dma_semaphore, #tpu.memory_space<semaphore_mem>>
      %dma_start3A_265 = arith.constant 0 : i32
      %dma_start3A_266 = tpu.memref_slice %arg10[%add3A_176, %dma_start3A_265] : memref<10240x64xf32, #tpu.memory_space<vmem_shared>> -> memref<128x64xf32, #tpu.memory_space<vmem_shared>>
      %dma_start3A_267 = arith.constant 0 : i32
      %dma_start3A_268 = tpu.memref_slice %arg10[%add3A_176, %dma_start3A_267] : memref<10240x64xf32, #tpu.memory_space<vmem_shared>> -> memref<128x64xf32, #tpu.memory_space<vmem_shared>>
      tpu.enqueue_dma source(%dma_start3A_268 : memref<128x64xf32, #tpu.memory_space<vmem_shared>>) target(%arg14 : memref<128x64xf32, #tpu.memory_space<vmem>>) target_semaphore(%run_scoped3A : memref<!tpu.dma_semaphore, #tpu.memory_space<semaphore_mem>>)
      %dma_wait3A_269 = arith.constant 0 : i32
      %dma_wait3A_270 = tpu.memref_slice %arg10[%add3A_176, %dma_wait3A_269] : memref<10240x64xf32, #tpu.memory_space<vmem_shared>> -> memref<128x64xf32, #tpu.memory_space<vmem_shared>>
      %dma_wait3A_271 = arith.constant 0 : i32
      %dma_wait3A_272 = tpu.memref_slice %arg10[%add3A_176, %dma_wait3A_271] : memref<10240x64xf32, #tpu.memory_space<vmem_shared>> -> memref<128x64xf32, #tpu.memory_space<vmem_shared>>
      tpu.wait_dma2 semaphore(%run_scoped3A : memref<!tpu.dma_semaphore, #tpu.memory_space<semaphore_mem>>) src(%dma_wait3A_272 : memref<128x64xf32, #tpu.memory_space<vmem_shared>>) dst(%arg14 : memref<128x64xf32, #tpu.memory_space<vmem>>)
      tpu.yield
    }) : () -> ()
    %dma_start3A_177 = arith.constant 0 : i32
    %dma_start3A_178 = tpu.memref_slice %arg8[%add3A_176, %arg0, %dma_start3A_177] : memref<10240x2x64xf32, #tpu.memory_space<hbm>> -> memref<128x1x64xf32, #tpu.memory_space<hbm>>
    %dma_start3A_179 = tpu.memref_squeeze %dma_start3A_178 : memref<128x1x64xf32, #tpu.memory_space<hbm>> -> memref<128x64xf32, #tpu.memory_space<hbm>>
    %dma_start3A_180 = arith.constant 0 : i32
    %dma_start3A_181 = tpu.memref_slice %arg8[%add3A_176, %arg0, %dma_start3A_180] : memref<10240x2x64xf32, #tpu.memory_space<hbm>> -> memref<128x1x64xf32, #tpu.memory_space<hbm>>
    %dma_start3A_182 = tpu.memref_squeeze %dma_start3A_181 : memref<128x1x64xf32, #tpu.memory_space<hbm>> -> memref<128x64xf32, #tpu.memory_space<hbm>>
    tpu.enqueue_dma source(%arg14 : memref<128x64xf32, #tpu.memory_space<vmem>>) target(%dma_start3A_182 : memref<128x64xf32, #tpu.memory_space<hbm>>) target_semaphore(%arg20 : memref<!tpu.dma_semaphore, #tpu.memory_space<semaphore_mem>>)
    %add3A_183 = arith.constant 128 : i32
    %add3A_184 = arith.addi %mul3A_0, %add3A_183 : i32
    "tpu.region"() ({
      %run_scoped3A = tpu.sem_alloc : memref<!tpu.dma_semaphore, #tpu.memory_space<semaphore_mem>>
      %dma_start3A_265 = arith.constant 0 : i32
      %dma_start3A_266 = tpu.memref_slice %arg10[%add3A_184, %dma_start3A_265] : memref<10240x64xf32, #tpu.memory_space<vmem_shared>> -> memref<128x64xf32, #tpu.memory_space<vmem_shared>>
      %dma_start3A_267 = arith.constant 0 : i32
      %dma_start3A_268 = tpu.memref_slice %arg10[%add3A_184, %dma_start3A_267] : memref<10240x64xf32, #tpu.memory_space<vmem_shared>> -> memref<128x64xf32, #tpu.memory_space<vmem_shared>>
      tpu.enqueue_dma source(%dma_start3A_268 : memref<128x64xf32, #tpu.memory_space<vmem_shared>>) target(%arg15 : memref<128x64xf32, #tpu.memory_space<vmem>>) target_semaphore(%run_scoped3A : memref<!tpu.dma_semaphore, #tpu.memory_space<semaphore_mem>>)
      %dma_wait3A_269 = arith.constant 0 : i32
      %dma_wait3A_270 = tpu.memref_slice %arg10[%add3A_184, %dma_wait3A_269] : memref<10240x64xf32, #tpu.memory_space<vmem_shared>> -> memref<128x64xf32, #tpu.memory_space<vmem_shared>>
      %dma_wait3A_271 = arith.constant 0 : i32
      %dma_wait3A_272 = tpu.memref_slice %arg10[%add3A_184, %dma_wait3A_271] : memref<10240x64xf32, #tpu.memory_space<vmem_shared>> -> memref<128x64xf32, #tpu.memory_space<vmem_shared>>
      tpu.wait_dma2 semaphore(%run_scoped3A : memref<!tpu.dma_semaphore, #tpu.memory_space<semaphore_mem>>) src(%dma_wait3A_272 : memref<128x64xf32, #tpu.memory_space<vmem_shared>>) dst(%arg15 : memref<128x64xf32, #tpu.memory_space<vmem>>)
      tpu.yield
    }) : () -> ()
    %dma_start3A_185 = arith.constant 0 : i32
    %dma_start3A_186 = tpu.memref_slice %arg8[%add3A_184, %arg0, %dma_start3A_185] : memref<10240x2x64xf32, #tpu.memory_space<hbm>> -> memref<128x1x64xf32, #tpu.memory_space<hbm>>
    %dma_start3A_187 = tpu.memref_squeeze %dma_start3A_186 : memref<128x1x64xf32, #tpu.memory_space<hbm>> -> memref<128x64xf32, #tpu.memory_space<hbm>>
    %dma_start3A_188 = arith.constant 0 : i32
    %dma_start3A_189 = tpu.memref_slice %arg8[%add3A_184, %arg0, %dma_start3A_188] : memref<10240x2x64xf32, #tpu.memory_space<hbm>> -> memref<128x1x64xf32, #tpu.memory_space<hbm>>
    %dma_start3A_190 = tpu.memref_squeeze %dma_start3A_189 : memref<128x1x64xf32, #tpu.memory_space<hbm>> -> memref<128x64xf32, #tpu.memory_space<hbm>>
    tpu.enqueue_dma source(%arg15 : memref<128x64xf32, #tpu.memory_space<vmem>>) target(%dma_start3A_190 : memref<128x64xf32, #tpu.memory_space<hbm>>) target_semaphore(%arg21 : memref<!tpu.dma_semaphore, #tpu.memory_space<semaphore_mem>>)
    %add3A_191 = arith.constant 256 : i32
    %add3A_192 = arith.addi %mul3A_0, %add3A_191 : i32
    "tpu.region"() ({
      %run_scoped3A = tpu.sem_alloc : memref<!tpu.dma_semaphore, #tpu.memory_space<semaphore_mem>>
      %dma_start3A_265 = arith.constant 0 : i32
      %dma_start3A_266 = tpu.memref_slice %arg10[%add3A_192, %dma_start3A_265] : memref<10240x64xf32, #tpu.memory_space<vmem_shared>> -> memref<128x64xf32, #tpu.memory_space<vmem_shared>>
      %dma_start3A_267 = arith.constant 0 : i32
      %dma_start3A_268 = tpu.memref_slice %arg10[%add3A_192, %dma_start3A_267] : memref<10240x64xf32, #tpu.memory_space<vmem_shared>> -> memref<128x64xf32, #tpu.memory_space<vmem_shared>>
      tpu.enqueue_dma source(%dma_start3A_268 : memref<128x64xf32, #tpu.memory_space<vmem_shared>>) target(%arg16 : memref<128x64xf32, #tpu.memory_space<vmem>>) target_semaphore(%run_scoped3A : memref<!tpu.dma_semaphore, #tpu.memory_space<semaphore_mem>>)
      %dma_wait3A_269 = arith.constant 0 : i32
      %dma_wait3A_270 = tpu.memref_slice %arg10[%add3A_192, %dma_wait3A_269] : memref<10240x64xf32, #tpu.memory_space<vmem_shared>> -> memref<128x64xf32, #tpu.memory_space<vmem_shared>>
      %dma_wait3A_271 = arith.constant 0 : i32
      %dma_wait3A_272 = tpu.memref_slice %arg10[%add3A_192, %dma_wait3A_271] : memref<10240x64xf32, #tpu.memory_space<vmem_shared>> -> memref<128x64xf32, #tpu.memory_space<vmem_shared>>
      tpu.wait_dma2 semaphore(%run_scoped3A : memref<!tpu.dma_semaphore, #tpu.memory_space<semaphore_mem>>) src(%dma_wait3A_272 : memref<128x64xf32, #tpu.memory_space<vmem_shared>>) dst(%arg16 : memref<128x64xf32, #tpu.memory_space<vmem>>)
      tpu.yield
    }) : () -> ()
    %dma_start3A_193 = arith.constant 0 : i32
    %dma_start3A_194 = tpu.memref_slice %arg8[%add3A_192, %arg0, %dma_start3A_193] : memref<10240x2x64xf32, #tpu.memory_space<hbm>> -> memref<128x1x64xf32, #tpu.memory_space<hbm>>
    %dma_start3A_195 = tpu.memref_squeeze %dma_start3A_194 : memref<128x1x64xf32, #tpu.memory_space<hbm>> -> memref<128x64xf32, #tpu.memory_space<hbm>>
    %dma_start3A_196 = arith.constant 0 : i32
    %dma_start3A_197 = tpu.memref_slice %arg8[%add3A_192, %arg0, %dma_start3A_196] : memref<10240x2x64xf32, #tpu.memory_space<hbm>> -> memref<128x1x64xf32, #tpu.memory_space<hbm>>
    %dma_start3A_198 = tpu.memref_squeeze %dma_start3A_197 : memref<128x1x64xf32, #tpu.memory_space<hbm>> -> memref<128x64xf32, #tpu.memory_space<hbm>>
    tpu.enqueue_dma source(%arg16 : memref<128x64xf32, #tpu.memory_space<vmem>>) target(%dma_start3A_198 : memref<128x64xf32, #tpu.memory_space<hbm>>) target_semaphore(%arg22 : memref<!tpu.dma_semaphore, #tpu.memory_space<semaphore_mem>>)
    %add3A_199 = arith.constant 384 : i32
    %add3A_200 = arith.addi %mul3A_0, %add3A_199 : i32
    "tpu.region"() ({
      %run_scoped3A = tpu.sem_alloc : memref<!tpu.dma_semaphore, #tpu.memory_space<semaphore_mem>>
      %dma_start3A_265 = arith.constant 0 : i32
      %dma_start3A_266 = tpu.memref_slice %arg10[%add3A_200, %dma_start3A_265] : memref<10240x64xf32, #tpu.memory_space<vmem_shared>> -> memref<128x64xf32, #tpu.memory_space<vmem_shared>>
      %dma_start3A_267 = arith.constant 0 : i32
      %dma_start3A_268 = tpu.memref_slice %arg10[%add3A_200, %dma_start3A_267] : memref<10240x64xf32, #tpu.memory_space<vmem_shared>> -> memref<128x64xf32, #tpu.memory_space<vmem_shared>>
      tpu.enqueue_dma source(%dma_start3A_268 : memref<128x64xf32, #tpu.memory_space<vmem_shared>>) target(%arg17 : memref<128x64xf32, #tpu.memory_space<vmem>>) target_semaphore(%run_scoped3A : memref<!tpu.dma_semaphore, #tpu.memory_space<semaphore_mem>>)
      %dma_wait3A_269 = arith.constant 0 : i32
      %dma_wait3A_270 = tpu.memref_slice %arg10[%add3A_200, %dma_wait3A_269] : memref<10240x64xf32, #tpu.memory_space<vmem_shared>> -> memref<128x64xf32, #tpu.memory_space<vmem_shared>>
      %dma_wait3A_271 = arith.constant 0 : i32
      %dma_wait3A_272 = tpu.memref_slice %arg10[%add3A_200, %dma_wait3A_271] : memref<10240x64xf32, #tpu.memory_space<vmem_shared>> -> memref<128x64xf32, #tpu.memory_space<vmem_shared>>
      tpu.wait_dma2 semaphore(%run_scoped3A : memref<!tpu.dma_semaphore, #tpu.memory_space<semaphore_mem>>) src(%dma_wait3A_272 : memref<128x64xf32, #tpu.memory_space<vmem_shared>>) dst(%arg17 : memref<128x64xf32, #tpu.memory_space<vmem>>)
      tpu.yield
    }) : () -> ()
    %dma_start3A_201 = arith.constant 0 : i32
    %dma_start3A_202 = tpu.memref_slice %arg8[%add3A_200, %arg0, %dma_start3A_201] : memref<10240x2x64xf32, #tpu.memory_space<hbm>> -> memref<128x1x64xf32, #tpu.memory_space<hbm>>
    %dma_start3A_203 = tpu.memref_squeeze %dma_start3A_202 : memref<128x1x64xf32, #tpu.memory_space<hbm>> -> memref<128x64xf32, #tpu.memory_space<hbm>>
    %dma_start3A_204 = arith.constant 0 : i32
    %dma_start3A_205 = tpu.memref_slice %arg8[%add3A_200, %arg0, %dma_start3A_204] : memref<10240x2x64xf32, #tpu.memory_space<hbm>> -> memref<128x1x64xf32, #tpu.memory_space<hbm>>
    %dma_start3A_206 = tpu.memref_squeeze %dma_start3A_205 : memref<128x1x64xf32, #tpu.memory_space<hbm>> -> memref<128x64xf32, #tpu.memory_space<hbm>>
    tpu.enqueue_dma source(%arg17 : memref<128x64xf32, #tpu.memory_space<vmem>>) target(%dma_start3A_206 : memref<128x64xf32, #tpu.memory_space<hbm>>) target_semaphore(%arg23 : memref<!tpu.dma_semaphore, #tpu.memory_space<semaphore_mem>>)
    %add3A_207 = arith.constant 512 : i32
    %add3A_208 = arith.addi %mul3A_0, %add3A_207 : i32
    %add3A_209 = arith.constant 0 : i32
    %add3A_210 = arith.addi %mul3A_0, %add3A_209 : i32
    %dma_wait3A_211 = arith.constant 0 : i32
    %dma_wait3A_212 = tpu.memref_slice %arg8[%add3A_210, %arg0, %dma_wait3A_211] : memref<10240x2x64xf32, #tpu.memory_space<hbm>> -> memref<128x1x64xf32, #tpu.memory_space<hbm>>
    %dma_wait3A_213 = tpu.memref_squeeze %dma_wait3A_212 : memref<128x1x64xf32, #tpu.memory_space<hbm>> -> memref<128x64xf32, #tpu.memory_space<hbm>>
    %dma_wait3A_214 = arith.constant 0 : i32
    %dma_wait3A_215 = tpu.memref_slice %arg8[%add3A_210, %arg0, %dma_wait3A_214] : memref<10240x2x64xf32, #tpu.memory_space<hbm>> -> memref<128x1x64xf32, #tpu.memory_space<hbm>>
    %dma_wait3A_216 = tpu.memref_squeeze %dma_wait3A_215 : memref<128x1x64xf32, #tpu.memory_space<hbm>> -> memref<128x64xf32, #tpu.memory_space<hbm>>
    tpu.wait_dma2 semaphore(%arg20 : memref<!tpu.dma_semaphore, #tpu.memory_space<semaphore_mem>>) src(%arg14 : memref<128x64xf32, #tpu.memory_space<vmem>>) dst(%dma_wait3A_216 : memref<128x64xf32, #tpu.memory_space<hbm>>)
    "tpu.region"() ({
      %run_scoped3A = tpu.sem_alloc : memref<!tpu.dma_semaphore, #tpu.memory_space<semaphore_mem>>
      %dma_start3A_265 = arith.constant 0 : i32
      %dma_start3A_266 = tpu.memref_slice %arg10[%add3A_208, %dma_start3A_265] : memref<10240x64xf32, #tpu.memory_space<vmem_shared>> -> memref<128x64xf32, #tpu.memory_space<vmem_shared>>
      %dma_start3A_267 = arith.constant 0 : i32
      %dma_start3A_268 = tpu.memref_slice %arg10[%add3A_208, %dma_start3A_267] : memref<10240x64xf32, #tpu.memory_space<vmem_shared>> -> memref<128x64xf32, #tpu.memory_space<vmem_shared>>
      tpu.enqueue_dma source(%dma_start3A_268 : memref<128x64xf32, #tpu.memory_space<vmem_shared>>) target(%arg14 : memref<128x64xf32, #tpu.memory_space<vmem>>) target_semaphore(%run_scoped3A : memref<!tpu.dma_semaphore, #tpu.memory_space<semaphore_mem>>)
      %dma_wait3A_269 = arith.constant 0 : i32
      %dma_wait3A_270 = tpu.memref_slice %arg10[%add3A_208, %dma_wait3A_269] : memref<10240x64xf32, #tpu.memory_space<vmem_shared>> -> memref<128x64xf32, #tpu.memory_space<vmem_shared>>
      %dma_wait3A_271 = arith.constant 0 : i32
      %dma_wait3A_272 = tpu.memref_slice %arg10[%add3A_208, %dma_wait3A_271] : memref<10240x64xf32, #tpu.memory_space<vmem_shared>> -> memref<128x64xf32, #tpu.memory_space<vmem_shared>>
      tpu.wait_dma2 semaphore(%run_scoped3A : memref<!tpu.dma_semaphore, #tpu.memory_space<semaphore_mem>>) src(%dma_wait3A_272 : memref<128x64xf32, #tpu.memory_space<vmem_shared>>) dst(%arg14 : memref<128x64xf32, #tpu.memory_space<vmem>>)
      tpu.yield
    }) : () -> ()
    %dma_start3A_217 = arith.constant 0 : i32
    %dma_start3A_218 = tpu.memref_slice %arg8[%add3A_208, %arg0, %dma_start3A_217] : memref<10240x2x64xf32, #tpu.memory_space<hbm>> -> memref<128x1x64xf32, #tpu.memory_space<hbm>>
    %dma_start3A_219 = tpu.memref_squeeze %dma_start3A_218 : memref<128x1x64xf32, #tpu.memory_space<hbm>> -> memref<128x64xf32, #tpu.memory_space<hbm>>
    %dma_start3A_220 = arith.constant 0 : i32
    %dma_start3A_221 = tpu.memref_slice %arg8[%add3A_208, %arg0, %dma_start3A_220] : memref<10240x2x64xf32, #tpu.memory_space<hbm>> -> memref<128x1x64xf32, #tpu.memory_space<hbm>>
    %dma_start3A_222 = tpu.memref_squeeze %dma_start3A_221 : memref<128x1x64xf32, #tpu.memory_space<hbm>> -> memref<128x64xf32, #tpu.memory_space<hbm>>
    tpu.enqueue_dma source(%arg14 : memref<128x64xf32, #tpu.memory_space<vmem>>) target(%dma_start3A_222 : memref<128x64xf32, #tpu.memory_space<hbm>>) target_semaphore(%arg20 : memref<!tpu.dma_semaphore, #tpu.memory_space<semaphore_mem>>)
    %add3A_223 = arith.constant 128 : i32
    %add3A_224 = arith.addi %mul3A_0, %add3A_223 : i32
    %dma_wait3A_225 = arith.constant 0 : i32
    %dma_wait3A_226 = tpu.memref_slice %arg8[%add3A_224, %arg0, %dma_wait3A_225] : memref<10240x2x64xf32, #tpu.memory_space<hbm>> -> memref<128x1x64xf32, #tpu.memory_space<hbm>>
    %dma_wait3A_227 = tpu.memref_squeeze %dma_wait3A_226 : memref<128x1x64xf32, #tpu.memory_space<hbm>> -> memref<128x64xf32, #tpu.memory_space<hbm>>
    %dma_wait3A_228 = arith.constant 0 : i32
    %dma_wait3A_229 = tpu.memref_slice %arg8[%add3A_224, %arg0, %dma_wait3A_228] : memref<10240x2x64xf32, #tpu.memory_space<hbm>> -> memref<128x1x64xf32, #tpu.memory_space<hbm>>
    %dma_wait3A_230 = tpu.memref_squeeze %dma_wait3A_229 : memref<128x1x64xf32, #tpu.memory_space<hbm>> -> memref<128x64xf32, #tpu.memory_space<hbm>>
    tpu.wait_dma2 semaphore(%arg21 : memref<!tpu.dma_semaphore, #tpu.memory_space<semaphore_mem>>) src(%arg15 : memref<128x64xf32, #tpu.memory_space<vmem>>) dst(%dma_wait3A_230 : memref<128x64xf32, #tpu.memory_space<hbm>>)
    %add3A_231 = arith.constant 256 : i32
    %add3A_232 = arith.addi %mul3A_0, %add3A_231 : i32
    %dma_wait3A_233 = arith.constant 0 : i32
    %dma_wait3A_234 = tpu.memref_slice %arg8[%add3A_232, %arg0, %dma_wait3A_233] : memref<10240x2x64xf32, #tpu.memory_space<hbm>> -> memref<128x1x64xf32, #tpu.memory_space<hbm>>
    %dma_wait3A_235 = tpu.memref_squeeze %dma_wait3A_234 : memref<128x1x64xf32, #tpu.memory_space<hbm>> -> memref<128x64xf32, #tpu.memory_space<hbm>>
    %dma_wait3A_236 = arith.constant 0 : i32
    %dma_wait3A_237 = tpu.memref_slice %arg8[%add3A_232, %arg0, %dma_wait3A_236] : memref<10240x2x64xf32, #tpu.memory_space<hbm>> -> memref<128x1x64xf32, #tpu.memory_space<hbm>>
    %dma_wait3A_238 = tpu.memref_squeeze %dma_wait3A_237 : memref<128x1x64xf32, #tpu.memory_space<hbm>> -> memref<128x64xf32, #tpu.memory_space<hbm>>
    tpu.wait_dma2 semaphore(%arg22 : memref<!tpu.dma_semaphore, #tpu.memory_space<semaphore_mem>>) src(%arg16 : memref<128x64xf32, #tpu.memory_space<vmem>>) dst(%dma_wait3A_238 : memref<128x64xf32, #tpu.memory_space<hbm>>)
    %add3A_239 = arith.constant 384 : i32
    %add3A_240 = arith.addi %mul3A_0, %add3A_239 : i32
    %dma_wait3A_241 = arith.constant 0 : i32
    %dma_wait3A_242 = tpu.memref_slice %arg8[%add3A_240, %arg0, %dma_wait3A_241] : memref<10240x2x64xf32, #tpu.memory_space<hbm>> -> memref<128x1x64xf32, #tpu.memory_space<hbm>>
    %dma_wait3A_243 = tpu.memref_squeeze %dma_wait3A_242 : memref<128x1x64xf32, #tpu.memory_space<hbm>> -> memref<128x64xf32, #tpu.memory_space<hbm>>
    %dma_wait3A_244 = arith.constant 0 : i32
    %dma_wait3A_245 = tpu.memref_slice %arg8[%add3A_240, %arg0, %dma_wait3A_244] : memref<10240x2x64xf32, #tpu.memory_space<hbm>> -> memref<128x1x64xf32, #tpu.memory_space<hbm>>
    %dma_wait3A_246 = tpu.memref_squeeze %dma_wait3A_245 : memref<128x1x64xf32, #tpu.memory_space<hbm>> -> memref<128x64xf32, #tpu.memory_space<hbm>>
    tpu.wait_dma2 semaphore(%arg23 : memref<!tpu.dma_semaphore, #tpu.memory_space<semaphore_mem>>) src(%arg17 : memref<128x64xf32, #tpu.memory_space<vmem>>) dst(%dma_wait3A_246 : memref<128x64xf32, #tpu.memory_space<hbm>>)
    %add3A_247 = arith.constant 512 : i32
    %add3A_248 = arith.addi %mul3A_0, %add3A_247 : i32
    %dma_wait3A_249 = arith.constant 0 : i32
    %dma_wait3A_250 = tpu.memref_slice %arg8[%add3A_248, %arg0, %dma_wait3A_249] : memref<10240x2x64xf32, #tpu.memory_space<hbm>> -> memref<128x1x64xf32, #tpu.memory_space<hbm>>
    %dma_wait3A_251 = tpu.memref_squeeze %dma_wait3A_250 : memref<128x1x64xf32, #tpu.memory_space<hbm>> -> memref<128x64xf32, #tpu.memory_space<hbm>>
    %dma_wait3A_252 = arith.constant 0 : i32
    %dma_wait3A_253 = tpu.memref_slice %arg8[%add3A_248, %arg0, %dma_wait3A_252] : memref<10240x2x64xf32, #tpu.memory_space<hbm>> -> memref<128x1x64xf32, #tpu.memory_space<hbm>>
    %dma_wait3A_254 = tpu.memref_squeeze %dma_wait3A_253 : memref<128x1x64xf32, #tpu.memory_space<hbm>> -> memref<128x64xf32, #tpu.memory_space<hbm>>
    tpu.wait_dma2 semaphore(%arg20 : memref<!tpu.dma_semaphore, #tpu.memory_space<semaphore_mem>>) src(%arg14 : memref<128x64xf32, #tpu.memory_space<vmem>>) dst(%dma_wait3A_254 : memref<128x64xf32, #tpu.memory_space<hbm>>)
    %add3A_255 = arith.constant 0 : i32
    %add3A_256 = arith.addi %mul3A_0, %add3A_255 : i32
    "tpu.region"() ({
      %run_scoped3A = tpu.sem_alloc : memref<!tpu.dma_semaphore, #tpu.memory_space<semaphore_mem>>
      %dma_start3A_265 = arith.constant 0 : i32
      %dma_start3A_266 = tpu.memref_slice %arg11[%add3A_256, %dma_start3A_265] : memref<10240x16xf32, #tpu.memory_space<vmem_shared>> -> memref<128x16xf32, #tpu.memory_space<vmem_shared>>
      %dma_start3A_267 = arith.constant 0 : i32
      %dma_start3A_268 = tpu.memref_slice %arg11[%add3A_256, %dma_start3A_267] : memref<10240x16xf32, #tpu.memory_space<vmem_shared>> -> memref<128x16xf32, #tpu.memory_space<vmem_shared>>
      tpu.enqueue_dma source(%dma_start3A_268 : memref<128x16xf32, #tpu.memory_space<vmem_shared>>) target(%arg19 : memref<128x16xf32, #tpu.memory_space<vmem>>) target_semaphore(%run_scoped3A : memref<!tpu.dma_semaphore, #tpu.memory_space<semaphore_mem>>)
      %dma_wait3A_269 = arith.constant 0 : i32
      %dma_wait3A_270 = tpu.memref_slice %arg11[%add3A_256, %dma_wait3A_269] : memref<10240x16xf32, #tpu.memory_space<vmem_shared>> -> memref<128x16xf32, #tpu.memory_space<vmem_shared>>
      %dma_wait3A_271 = arith.constant 0 : i32
      %dma_wait3A_272 = tpu.memref_slice %arg11[%add3A_256, %dma_wait3A_271] : memref<10240x16xf32, #tpu.memory_space<vmem_shared>> -> memref<128x16xf32, #tpu.memory_space<vmem_shared>>
      tpu.wait_dma2 semaphore(%run_scoped3A : memref<!tpu.dma_semaphore, #tpu.memory_space<semaphore_mem>>) src(%dma_wait3A_272 : memref<128x16xf32, #tpu.memory_space<vmem_shared>>) dst(%arg19 : memref<128x16xf32, #tpu.memory_space<vmem>>)
      tpu.yield
    }) : () -> ()
    "tpu.region"() ({
      %run_scoped3A = tpu.sem_alloc : memref<!tpu.dma_semaphore, #tpu.memory_space<semaphore_mem>>
      %dma_start3A_265 = arith.constant 0 : i32
      %dma_start3A_266 = tpu.memref_slice %arg9[%arg0, %add3A_256, %dma_start3A_265] : memref<2x10240x16xf32, #tpu.memory_space<hbm>> -> memref<1x128x16xf32, #tpu.memory_space<hbm>>
      %dma_start3A_267 = tpu.memref_squeeze %dma_start3A_266 : memref<1x128x16xf32, #tpu.memory_space<hbm>> -> memref<128x16xf32, #tpu.memory_space<hbm>>
      %dma_start3A_268 = arith.constant 0 : i32
      %dma_start3A_269 = tpu.memref_slice %arg9[%arg0, %add3A_256, %dma_start3A_268] : memref<2x10240x16xf32, #tpu.memory_space<hbm>> -> memref<1x128x16xf32, #tpu.memory_space<hbm>>
      %dma_start3A_270 = tpu.memref_squeeze %dma_start3A_269 : memref<1x128x16xf32, #tpu.memory_space<hbm>> -> memref<128x16xf32, #tpu.memory_space<hbm>>
      tpu.enqueue_dma source(%arg19 : memref<128x16xf32, #tpu.memory_space<vmem>>) target(%dma_start3A_270 : memref<128x16xf32, #tpu.memory_space<hbm>>) target_semaphore(%run_scoped3A : memref<!tpu.dma_semaphore, #tpu.memory_space<semaphore_mem>>)
      %dma_wait3A_271 = arith.constant 0 : i32
      %dma_wait3A_272 = tpu.memref_slice %arg9[%arg0, %add3A_256, %dma_wait3A_271] : memref<2x10240x16xf32, #tpu.memory_space<hbm>> -> memref<1x128x16xf32, #tpu.memory_space<hbm>>
      %dma_wait3A_273 = tpu.memref_squeeze %dma_wait3A_272 : memref<1x128x16xf32, #tpu.memory_space<hbm>> -> memref<128x16xf32, #tpu.memory_space<hbm>>
      %dma_wait3A_274 = arith.constant 0 : i32
      %dma_wait3A_275 = tpu.memref_slice %arg9[%arg0, %add3A_256, %dma_wait3A_274] : memref<2x10240x16xf32, #tpu.memory_space<hbm>> -> memref<1x128x16xf32, #tpu.memory_space<hbm>>
      %dma_wait3A_276 = tpu.memref_squeeze %dma_wait3A_275 : memref<1x128x16xf32, #tpu.memory_space<hbm>> -> memref<128x16xf32, #tpu.memory_space<hbm>>
      tpu.wait_dma2 semaphore(%run_scoped3A : memref<!tpu.dma_semaphore, #tpu.memory_space<semaphore_mem>>) src(%arg19 : memref<128x16xf32, #tpu.memory_space<vmem>>) dst(%dma_wait3A_276 : memref<128x16xf32, #tpu.memory_space<hbm>>)
      tpu.yield
    }) : () -> ()
    %add3A_257 = arith.constant 128 : i32
    %add3A_258 = arith.addi %mul3A_0, %add3A_257 : i32
    "tpu.region"() ({
      %run_scoped3A = tpu.sem_alloc : memref<!tpu.dma_semaphore, #tpu.memory_space<semaphore_mem>>
      %dma_start3A_265 = arith.constant 0 : i32
      %dma_start3A_266 = tpu.memref_slice %arg11[%add3A_258, %dma_start3A_265] : memref<10240x16xf32, #tpu.memory_space<vmem_shared>> -> memref<128x16xf32, #tpu.memory_space<vmem_shared>>
      %dma_start3A_267 = arith.constant 0 : i32
      %dma_start3A_268 = tpu.memref_slice %arg11[%add3A_258, %dma_start3A_267] : memref<10240x16xf32, #tpu.memory_space<vmem_shared>> -> memref<128x16xf32, #tpu.memory_space<vmem_shared>>
      tpu.enqueue_dma source(%dma_start3A_268 : memref<128x16xf32, #tpu.memory_space<vmem_shared>>) target(%arg19 : memref<128x16xf32, #tpu.memory_space<vmem>>) target_semaphore(%run_scoped3A : memref<!tpu.dma_semaphore, #tpu.memory_space<semaphore_mem>>)
      %dma_wait3A_269 = arith.constant 0 : i32
      %dma_wait3A_270 = tpu.memref_slice %arg11[%add3A_258, %dma_wait3A_269] : memref<10240x16xf32, #tpu.memory_space<vmem_shared>> -> memref<128x16xf32, #tpu.memory_space<vmem_shared>>
      %dma_wait3A_271 = arith.constant 0 : i32
      %dma_wait3A_272 = tpu.memref_slice %arg11[%add3A_258, %dma_wait3A_271] : memref<10240x16xf32, #tpu.memory_space<vmem_shared>> -> memref<128x16xf32, #tpu.memory_space<vmem_shared>>
      tpu.wait_dma2 semaphore(%run_scoped3A : memref<!tpu.dma_semaphore, #tpu.memory_space<semaphore_mem>>) src(%dma_wait3A_272 : memref<128x16xf32, #tpu.memory_space<vmem_shared>>) dst(%arg19 : memref<128x16xf32, #tpu.memory_space<vmem>>)
      tpu.yield
    }) : () -> ()
    "tpu.region"() ({
      %run_scoped3A = tpu.sem_alloc : memref<!tpu.dma_semaphore, #tpu.memory_space<semaphore_mem>>
      %dma_start3A_265 = arith.constant 0 : i32
      %dma_start3A_266 = tpu.memref_slice %arg9[%arg0, %add3A_258, %dma_start3A_265] : memref<2x10240x16xf32, #tpu.memory_space<hbm>> -> memref<1x128x16xf32, #tpu.memory_space<hbm>>
      %dma_start3A_267 = tpu.memref_squeeze %dma_start3A_266 : memref<1x128x16xf32, #tpu.memory_space<hbm>> -> memref<128x16xf32, #tpu.memory_space<hbm>>
      %dma_start3A_268 = arith.constant 0 : i32
      %dma_start3A_269 = tpu.memref_slice %arg9[%arg0, %add3A_258, %dma_start3A_268] : memref<2x10240x16xf32, #tpu.memory_space<hbm>> -> memref<1x128x16xf32, #tpu.memory_space<hbm>>
      %dma_start3A_270 = tpu.memref_squeeze %dma_start3A_269 : memref<1x128x16xf32, #tpu.memory_space<hbm>> -> memref<128x16xf32, #tpu.memory_space<hbm>>
      tpu.enqueue_dma source(%arg19 : memref<128x16xf32, #tpu.memory_space<vmem>>) target(%dma_start3A_270 : memref<128x16xf32, #tpu.memory_space<hbm>>) target_semaphore(%run_scoped3A : memref<!tpu.dma_semaphore, #tpu.memory_space<semaphore_mem>>)
      %dma_wait3A_271 = arith.constant 0 : i32
      %dma_wait3A_272 = tpu.memref_slice %arg9[%arg0, %add3A_258, %dma_wait3A_271] : memref<2x10240x16xf32, #tpu.memory_space<hbm>> -> memref<1x128x16xf32, #tpu.memory_space<hbm>>
      %dma_wait3A_273 = tpu.memref_squeeze %dma_wait3A_272 : memref<1x128x16xf32, #tpu.memory_space<hbm>> -> memref<128x16xf32, #tpu.memory_space<hbm>>
      %dma_wait3A_274 = arith.constant 0 : i32
      %dma_wait3A_275 = tpu.memref_slice %arg9[%arg0, %add3A_258, %dma_wait3A_274] : memref<2x10240x16xf32, #tpu.memory_space<hbm>> -> memref<1x128x16xf32, #tpu.memory_space<hbm>>
      %dma_wait3A_276 = tpu.memref_squeeze %dma_wait3A_275 : memref<1x128x16xf32, #tpu.memory_space<hbm>> -> memref<128x16xf32, #tpu.memory_space<hbm>>
      tpu.wait_dma2 semaphore(%run_scoped3A : memref<!tpu.dma_semaphore, #tpu.memory_space<semaphore_mem>>) src(%arg19 : memref<128x16xf32, #tpu.memory_space<vmem>>) dst(%dma_wait3A_276 : memref<128x16xf32, #tpu.memory_space<hbm>>)
      tpu.yield
    }) : () -> ()
    %add3A_259 = arith.constant 256 : i32
    %add3A_260 = arith.addi %mul3A_0, %add3A_259 : i32
    "tpu.region"() ({
      %run_scoped3A = tpu.sem_alloc : memref<!tpu.dma_semaphore, #tpu.memory_space<semaphore_mem>>
      %dma_start3A_265 = arith.constant 0 : i32
      %dma_start3A_266 = tpu.memref_slice %arg11[%add3A_260, %dma_start3A_265] : memref<10240x16xf32, #tpu.memory_space<vmem_shared>> -> memref<128x16xf32, #tpu.memory_space<vmem_shared>>
      %dma_start3A_267 = arith.constant 0 : i32
      %dma_start3A_268 = tpu.memref_slice %arg11[%add3A_260, %dma_start3A_267] : memref<10240x16xf32, #tpu.memory_space<vmem_shared>> -> memref<128x16xf32, #tpu.memory_space<vmem_shared>>
      tpu.enqueue_dma source(%dma_start3A_268 : memref<128x16xf32, #tpu.memory_space<vmem_shared>>) target(%arg19 : memref<128x16xf32, #tpu.memory_space<vmem>>) target_semaphore(%run_scoped3A : memref<!tpu.dma_semaphore, #tpu.memory_space<semaphore_mem>>)
      %dma_wait3A_269 = arith.constant 0 : i32
      %dma_wait3A_270 = tpu.memref_slice %arg11[%add3A_260, %dma_wait3A_269] : memref<10240x16xf32, #tpu.memory_space<vmem_shared>> -> memref<128x16xf32, #tpu.memory_space<vmem_shared>>
      %dma_wait3A_271 = arith.constant 0 : i32
      %dma_wait3A_272 = tpu.memref_slice %arg11[%add3A_260, %dma_wait3A_271] : memref<10240x16xf32, #tpu.memory_space<vmem_shared>> -> memref<128x16xf32, #tpu.memory_space<vmem_shared>>
      tpu.wait_dma2 semaphore(%run_scoped3A : memref<!tpu.dma_semaphore, #tpu.memory_space<semaphore_mem>>) src(%dma_wait3A_272 : memref<128x16xf32, #tpu.memory_space<vmem_shared>>) dst(%arg19 : memref<128x16xf32, #tpu.memory_space<vmem>>)
      tpu.yield
    }) : () -> ()
    "tpu.region"() ({
      %run_scoped3A = tpu.sem_alloc : memref<!tpu.dma_semaphore, #tpu.memory_space<semaphore_mem>>
      %dma_start3A_265 = arith.constant 0 : i32
      %dma_start3A_266 = tpu.memref_slice %arg9[%arg0, %add3A_260, %dma_start3A_265] : memref<2x10240x16xf32, #tpu.memory_space<hbm>> -> memref<1x128x16xf32, #tpu.memory_space<hbm>>
      %dma_start3A_267 = tpu.memref_squeeze %dma_start3A_266 : memref<1x128x16xf32, #tpu.memory_space<hbm>> -> memref<128x16xf32, #tpu.memory_space<hbm>>
      %dma_start3A_268 = arith.constant 0 : i32
      %dma_start3A_269 = tpu.memref_slice %arg9[%arg0, %add3A_260, %dma_start3A_268] : memref<2x10240x16xf32, #tpu.memory_space<hbm>> -> memref<1x128x16xf32, #tpu.memory_space<hbm>>
      %dma_start3A_270 = tpu.memref_squeeze %dma_start3A_269 : memref<1x128x16xf32, #tpu.memory_space<hbm>> -> memref<128x16xf32, #tpu.memory_space<hbm>>
      tpu.enqueue_dma source(%arg19 : memref<128x16xf32, #tpu.memory_space<vmem>>) target(%dma_start3A_270 : memref<128x16xf32, #tpu.memory_space<hbm>>) target_semaphore(%run_scoped3A : memref<!tpu.dma_semaphore, #tpu.memory_space<semaphore_mem>>)
      %dma_wait3A_271 = arith.constant 0 : i32
      %dma_wait3A_272 = tpu.memref_slice %arg9[%arg0, %add3A_260, %dma_wait3A_271] : memref<2x10240x16xf32, #tpu.memory_space<hbm>> -> memref<1x128x16xf32, #tpu.memory_space<hbm>>
      %dma_wait3A_273 = tpu.memref_squeeze %dma_wait3A_272 : memref<1x128x16xf32, #tpu.memory_space<hbm>> -> memref<128x16xf32, #tpu.memory_space<hbm>>
      %dma_wait3A_274 = arith.constant 0 : i32
      %dma_wait3A_275 = tpu.memref_slice %arg9[%arg0, %add3A_260, %dma_wait3A_274] : memref<2x10240x16xf32, #tpu.memory_space<hbm>> -> memref<1x128x16xf32, #tpu.memory_space<hbm>>
      %dma_wait3A_276 = tpu.memref_squeeze %dma_wait3A_275 : memref<1x128x16xf32, #tpu.memory_space<hbm>> -> memref<128x16xf32, #tpu.memory_space<hbm>>
      tpu.wait_dma2 semaphore(%run_scoped3A : memref<!tpu.dma_semaphore, #tpu.memory_space<semaphore_mem>>) src(%arg19 : memref<128x16xf32, #tpu.memory_space<vmem>>) dst(%dma_wait3A_276 : memref<128x16xf32, #tpu.memory_space<hbm>>)
      tpu.yield
    }) : () -> ()
    %add3A_261 = arith.constant 384 : i32
    %add3A_262 = arith.addi %mul3A_0, %add3A_261 : i32
    "tpu.region"() ({
      %run_scoped3A = tpu.sem_alloc : memref<!tpu.dma_semaphore, #tpu.memory_space<semaphore_mem>>
      %dma_start3A_265 = arith.constant 0 : i32
      %dma_start3A_266 = tpu.memref_slice %arg11[%add3A_262, %dma_start3A_265] : memref<10240x16xf32, #tpu.memory_space<vmem_shared>> -> memref<128x16xf32, #tpu.memory_space<vmem_shared>>
      %dma_start3A_267 = arith.constant 0 : i32
      %dma_start3A_268 = tpu.memref_slice %arg11[%add3A_262, %dma_start3A_267] : memref<10240x16xf32, #tpu.memory_space<vmem_shared>> -> memref<128x16xf32, #tpu.memory_space<vmem_shared>>
      tpu.enqueue_dma source(%dma_start3A_268 : memref<128x16xf32, #tpu.memory_space<vmem_shared>>) target(%arg19 : memref<128x16xf32, #tpu.memory_space<vmem>>) target_semaphore(%run_scoped3A : memref<!tpu.dma_semaphore, #tpu.memory_space<semaphore_mem>>)
      %dma_wait3A_269 = arith.constant 0 : i32
      %dma_wait3A_270 = tpu.memref_slice %arg11[%add3A_262, %dma_wait3A_269] : memref<10240x16xf32, #tpu.memory_space<vmem_shared>> -> memref<128x16xf32, #tpu.memory_space<vmem_shared>>
      %dma_wait3A_271 = arith.constant 0 : i32
      %dma_wait3A_272 = tpu.memref_slice %arg11[%add3A_262, %dma_wait3A_271] : memref<10240x16xf32, #tpu.memory_space<vmem_shared>> -> memref<128x16xf32, #tpu.memory_space<vmem_shared>>
      tpu.wait_dma2 semaphore(%run_scoped3A : memref<!tpu.dma_semaphore, #tpu.memory_space<semaphore_mem>>) src(%dma_wait3A_272 : memref<128x16xf32, #tpu.memory_space<vmem_shared>>) dst(%arg19 : memref<128x16xf32, #tpu.memory_space<vmem>>)
      tpu.yield
    }) : () -> ()
    "tpu.region"() ({
      %run_scoped3A = tpu.sem_alloc : memref<!tpu.dma_semaphore, #tpu.memory_space<semaphore_mem>>
      %dma_start3A_265 = arith.constant 0 : i32
      %dma_start3A_266 = tpu.memref_slice %arg9[%arg0, %add3A_262, %dma_start3A_265] : memref<2x10240x16xf32, #tpu.memory_space<hbm>> -> memref<1x128x16xf32, #tpu.memory_space<hbm>>
      %dma_start3A_267 = tpu.memref_squeeze %dma_start3A_266 : memref<1x128x16xf32, #tpu.memory_space<hbm>> -> memref<128x16xf32, #tpu.memory_space<hbm>>
      %dma_start3A_268 = arith.constant 0 : i32
      %dma_start3A_269 = tpu.memref_slice %arg9[%arg0, %add3A_262, %dma_start3A_268] : memref<2x10240x16xf32, #tpu.memory_space<hbm>> -> memref<1x128x16xf32, #tpu.memory_space<hbm>>
      %dma_start3A_270 = tpu.memref_squeeze %dma_start3A_269 : memref<1x128x16xf32, #tpu.memory_space<hbm>> -> memref<128x16xf32, #tpu.memory_space<hbm>>
      tpu.enqueue_dma source(%arg19 : memref<128x16xf32, #tpu.memory_space<vmem>>) target(%dma_start3A_270 : memref<128x16xf32, #tpu.memory_space<hbm>>) target_semaphore(%run_scoped3A : memref<!tpu.dma_semaphore, #tpu.memory_space<semaphore_mem>>)
      %dma_wait3A_271 = arith.constant 0 : i32
      %dma_wait3A_272 = tpu.memref_slice %arg9[%arg0, %add3A_262, %dma_wait3A_271] : memref<2x10240x16xf32, #tpu.memory_space<hbm>> -> memref<1x128x16xf32, #tpu.memory_space<hbm>>
      %dma_wait3A_273 = tpu.memref_squeeze %dma_wait3A_272 : memref<1x128x16xf32, #tpu.memory_space<hbm>> -> memref<128x16xf32, #tpu.memory_space<hbm>>
      %dma_wait3A_274 = arith.constant 0 : i32
      %dma_wait3A_275 = tpu.memref_slice %arg9[%arg0, %add3A_262, %dma_wait3A_274] : memref<2x10240x16xf32, #tpu.memory_space<hbm>> -> memref<1x128x16xf32, #tpu.memory_space<hbm>>
      %dma_wait3A_276 = tpu.memref_squeeze %dma_wait3A_275 : memref<1x128x16xf32, #tpu.memory_space<hbm>> -> memref<128x16xf32, #tpu.memory_space<hbm>>
      tpu.wait_dma2 semaphore(%run_scoped3A : memref<!tpu.dma_semaphore, #tpu.memory_space<semaphore_mem>>) src(%arg19 : memref<128x16xf32, #tpu.memory_space<vmem>>) dst(%dma_wait3A_276 : memref<128x16xf32, #tpu.memory_space<hbm>>)
      tpu.yield
    }) : () -> ()
    %add3A_263 = arith.constant 512 : i32
    %add3A_264 = arith.addi %mul3A_0, %add3A_263 : i32
    "tpu.region"() ({
      %run_scoped3A = tpu.sem_alloc : memref<!tpu.dma_semaphore, #tpu.memory_space<semaphore_mem>>
      %dma_start3A_265 = arith.constant 0 : i32
      %dma_start3A_266 = tpu.memref_slice %arg11[%add3A_264, %dma_start3A_265] : memref<10240x16xf32, #tpu.memory_space<vmem_shared>> -> memref<128x16xf32, #tpu.memory_space<vmem_shared>>
      %dma_start3A_267 = arith.constant 0 : i32
      %dma_start3A_268 = tpu.memref_slice %arg11[%add3A_264, %dma_start3A_267] : memref<10240x16xf32, #tpu.memory_space<vmem_shared>> -> memref<128x16xf32, #tpu.memory_space<vmem_shared>>
      tpu.enqueue_dma source(%dma_start3A_268 : memref<128x16xf32, #tpu.memory_space<vmem_shared>>) target(%arg19 : memref<128x16xf32, #tpu.memory_space<vmem>>) target_semaphore(%run_scoped3A : memref<!tpu.dma_semaphore, #tpu.memory_space<semaphore_mem>>)
      %dma_wait3A_269 = arith.constant 0 : i32
      %dma_wait3A_270 = tpu.memref_slice %arg11[%add3A_264, %dma_wait3A_269] : memref<10240x16xf32, #tpu.memory_space<vmem_shared>> -> memref<128x16xf32, #tpu.memory_space<vmem_shared>>
      %dma_wait3A_271 = arith.constant 0 : i32
      %dma_wait3A_272 = tpu.memref_slice %arg11[%add3A_264, %dma_wait3A_271] : memref<10240x16xf32, #tpu.memory_space<vmem_shared>> -> memref<128x16xf32, #tpu.memory_space<vmem_shared>>
      tpu.wait_dma2 semaphore(%run_scoped3A : memref<!tpu.dma_semaphore, #tpu.memory_space<semaphore_mem>>) src(%dma_wait3A_272 : memref<128x16xf32, #tpu.memory_space<vmem_shared>>) dst(%arg19 : memref<128x16xf32, #tpu.memory_space<vmem>>)
      tpu.yield
    }) : () -> ()
    "tpu.region"() ({
      %run_scoped3A = tpu.sem_alloc : memref<!tpu.dma_semaphore, #tpu.memory_space<semaphore_mem>>
      %dma_start3A_265 = arith.constant 0 : i32
      %dma_start3A_266 = tpu.memref_slice %arg9[%arg0, %add3A_264, %dma_start3A_265] : memref<2x10240x16xf32, #tpu.memory_space<hbm>> -> memref<1x128x16xf32, #tpu.memory_space<hbm>>
      %dma_start3A_267 = tpu.memref_squeeze %dma_start3A_266 : memref<1x128x16xf32, #tpu.memory_space<hbm>> -> memref<128x16xf32, #tpu.memory_space<hbm>>
      %dma_start3A_268 = arith.constant 0 : i32
      %dma_start3A_269 = tpu.memref_slice %arg9[%arg0, %add3A_264, %dma_start3A_268] : memref<2x10240x16xf32, #tpu.memory_space<hbm>> -> memref<1x128x16xf32, #tpu.memory_space<hbm>>
      %dma_start3A_270 = tpu.memref_squeeze %dma_start3A_269 : memref<1x128x16xf32, #tpu.memory_space<hbm>> -> memref<128x16xf32, #tpu.memory_space<hbm>>
      tpu.enqueue_dma source(%arg19 : memref<128x16xf32, #tpu.memory_space<vmem>>) target(%dma_start3A_270 : memref<128x16xf32, #tpu.memory_space<hbm>>) target_semaphore(%run_scoped3A : memref<!tpu.dma_semaphore, #tpu.memory_space<semaphore_mem>>)
      %dma_wait3A_271 = arith.constant 0 : i32
      %dma_wait3A_272 = tpu.memref_slice %arg9[%arg0, %add3A_264, %dma_wait3A_271] : memref<2x10240x16xf32, #tpu.memory_space<hbm>> -> memref<1x128x16xf32, #tpu.memory_space<hbm>>
      %dma_wait3A_273 = tpu.memref_squeeze %dma_wait3A_272 : memref<1x128x16xf32, #tpu.memory_space<hbm>> -> memref<128x16xf32, #tpu.memory_space<hbm>>
      %dma_wait3A_274 = arith.constant 0 : i32
      %dma_wait3A_275 = tpu.memref_slice %arg9[%arg0, %add3A_264, %dma_wait3A_274] : memref<2x10240x16xf32, #tpu.memory_space<hbm>> -> memref<1x128x16xf32, #tpu.memory_space<hbm>>
      %dma_wait3A_276 = tpu.memref_squeeze %dma_wait3A_275 : memref<1x128x16xf32, #tpu.memory_space<hbm>> -> memref<128x16xf32, #tpu.memory_space<hbm>>
      tpu.wait_dma2 semaphore(%run_scoped3A : memref<!tpu.dma_semaphore, #tpu.memory_space<semaphore_mem>>) src(%arg19 : memref<128x16xf32, #tpu.memory_space<vmem>>) dst(%dma_wait3A_276 : memref<128x16xf32, #tpu.memory_space<hbm>>)
      tpu.yield
    }) : () -> ()
    return
  }
}

module attributes {stable_mosaic.version = 14 : i64} {
  func.func @_tc_layer_body(%arg0: i32, %arg1: memref<640x128xf32, #tpu.memory_space<vmem>>, %arg2: memref<2x640x16xf32, #tpu.memory_space<vmem>>, %arg3: memref<640x128xf32, #tpu.memory_space<vmem>>, %arg4: memref<128x128xf32, #tpu.memory_space<vmem>>, %arg5: memref<128x128xf32, #tpu.memory_space<vmem>>, %arg6: memref<1x128xf32, #tpu.memory_space<vmem>>, %arg7: memref<640x128xf32, #tpu.memory_space<vmem>>, %arg8: memref<2x640x64xf32, #tpu.memory_space<vmem>>) attributes {dimension_semantics = [#tpu.dimension_semantics<arbitrary>], iteration_bounds = array<i64: 16>, scalar_prefetch = 0 : i64, scratch_operands = 0 : i64, tpu.core_type = #tpu.core_type<tc>, window_params = [{transform_indices = @transform_0, window_bounds = array<i64: 640, 128>}, {transform_indices = @transform_1, window_bounds = array<i64: 2, 640, 16>}, {transform_indices = @transform_2, window_bounds = array<i64: 640, 128>}, {pipeline_mode = #tpu.pipeline_mode<synchronous>, transform_indices = @transform_3, window_bounds = array<i64: 128, 128>}, {pipeline_mode = #tpu.pipeline_mode<synchronous>, transform_indices = @transform_4, window_bounds = array<i64: 128, 128>}, {pipeline_mode = #tpu.pipeline_mode<synchronous>, transform_indices = @transform_5, window_bounds = array<i64: 1, 128>}, {transform_indices = @transform_6, window_bounds = array<i64: 640, 128>}, {transform_indices = @transform_7, window_bounds = array<i64: 2, 640, 64>}]} {
    %get3A = arith.constant 0 : index
    %get3A_0 = arith.constant 0 : index
    %get3A_1 = arith.constant 0 : index
    %get3A_2 = vector.load %arg2[%get3A, %get3A_0, %get3A_1] : memref<2x640x16xf32, #tpu.memory_space<vmem>>, vector<1x640x1xf32>
    %get3A_3 = vector.shape_cast %get3A_2 : vector<1x640x1xf32> to vector<640xf32>
    %get3A_4 = arith.constant 1 : index
    %get3A_5 = arith.constant 0 : index
    %get3A_6 = arith.constant 0 : index
    %get3A_7 = vector.load %arg2[%get3A_4, %get3A_5, %get3A_6] : memref<2x640x16xf32, #tpu.memory_space<vmem>>, vector<1x640x1xf32>
    %get3A_8 = vector.shape_cast %get3A_7 : vector<1x640x1xf32> to vector<640xf32>
    %add3A = arith.addf %get3A_3, %get3A_8 : vector<640xf32>
    %get3A_9 = arith.constant 0 : index
    %get3A_10 = arith.constant 0 : index
    %get3A_11 = vector.load %arg1[%get3A_9, %get3A_10] : memref<640x128xf32, #tpu.memory_space<vmem>>, vector<640x128xf32>
    %max3A = arith.constant 1.000000e+00 : f32
    %max3A_12 = vector.broadcast %max3A : f32 to vector<640xf32>
    %max3A_13 = arith.maximumf %add3A, %max3A_12 : vector<640xf32>
    %broadcast_in_dim3A = vector.shape_cast %max3A_13 : vector<640xf32> to vector<640x1xf32>
    %div3A = vector.broadcast %broadcast_in_dim3A : vector<640x1xf32> to vector<640x128xf32>
    %div3A_14 = arith.divf %get3A_11, %div3A : vector<640x128xf32>
    %get3A_15 = arith.constant 0 : index
    %get3A_16 = arith.constant 0 : index
    %get3A_17 = vector.load %arg4[%get3A_15, %get3A_16] : memref<128x128xf32, #tpu.memory_space<vmem>>, vector<128x128xf32>
    %dot_general3A = arith.constant dense<0.000000e+00> : vector<640x128xf32>
    %dot_general3A_18 = tpu.matmul %div3A_14, %get3A_17, %dot_general3A {dimension_numbers = #tpu.dot_dimension_numbers<[1], [0], [0], [1], [0, 0, 1, 1], [], []>, transpose_lhs_hint = false} : vector<640x128xf32>, vector<128x128xf32>, vector<640x128xf32> -> vector<640x128xf32>
    %get3A_19 = arith.constant 0 : index
    %get3A_20 = arith.constant 0 : index
    %get3A_21 = vector.load %arg3[%get3A_19, %get3A_20] : memref<640x128xf32, #tpu.memory_space<vmem>>, vector<640x128xf32>
    %get3A_22 = arith.constant 0 : index
    %get3A_23 = arith.constant 0 : index
    %get3A_24 = vector.load %arg5[%get3A_22, %get3A_23] : memref<128x128xf32, #tpu.memory_space<vmem>>, vector<128x128xf32>
    %dot_general3A_25 = arith.constant dense<0.000000e+00> : vector<640x128xf32>
    %dot_general3A_26 = tpu.matmul %get3A_21, %get3A_24, %dot_general3A_25 {dimension_numbers = #tpu.dot_dimension_numbers<[1], [0], [0], [1], [0, 0, 1, 1], [], []>, transpose_lhs_hint = false} : vector<640x128xf32>, vector<128x128xf32>, vector<640x128xf32> -> vector<640x128xf32>
    %add3A_27 = arith.addf %dot_general3A_18, %dot_general3A_26 : vector<640x128xf32>
    %get3A_28 = arith.constant 0 : index
    %get3A_29 = arith.constant 0 : index
    %get3A_30 = vector.load %arg6[%get3A_28, %get3A_29] : memref<1x128xf32, #tpu.memory_space<vmem>>, vector<1x128xf32>
    %add3A_31 = vector.broadcast %get3A_30 : vector<1x128xf32> to vector<640x128xf32>
    %add3A_32 = arith.addf %add3A_27, %add3A_31 : vector<640x128xf32>
    %max3A_33 = arith.constant 0.000000e+00 : f32
    %max3A_34 = vector.broadcast %max3A_33 : f32 to vector<640x128xf32>
    %max3A_35 = arith.maximumf %add3A_32, %max3A_34 : vector<640x128xf32>
    %swap3A = arith.constant 0 : index
    %swap3A_36 = arith.constant 0 : index
    %swap3A_37 = vector.load %arg7[%swap3A, %swap3A_36] : memref<640x128xf32, #tpu.memory_space<vmem>>, vector<640x128xf32>
    tpu.vector_store %arg7[%swap3A, %swap3A_36], %max3A_35 {strides = array<i32>} : memref<640x128xf32, #tpu.memory_space<vmem>>, vector<640x128xf32>,
    %slice3A = vector.extract_strided_slice %max3A_35 {offsets = [0, 0], sizes = [640, 64], strides = [1, 1]} : vector<640x128xf32> to vector<640x64xf32>
    %swap3A_38 = arith.constant 0 : index
    %swap3A_39 = arith.constant 0 : index
    %swap3A_40 = arith.constant 0 : index
    %swap3A_41 = vector.load %arg8[%swap3A_38, %swap3A_39, %swap3A_40] : memref<2x640x64xf32, #tpu.memory_space<vmem>>, vector<1x640x64xf32>
    %swap3A_42 = vector.shape_cast %swap3A_41 : vector<1x640x64xf32> to vector<640x64xf32>
    %swap3A_43 = vector.shape_cast %slice3A : vector<640x64xf32> to vector<1x640x64xf32>
    tpu.vector_store %arg8[%swap3A_38, %swap3A_39, %swap3A_40], %swap3A_43 {strides = array<i32>} : memref<2x640x64xf32, #tpu.memory_space<vmem>>, vector<1x640x64xf32>,
    %slice3A_44 = vector.extract_strided_slice %max3A_35 {offsets = [0, 64], sizes = [640, 64], strides = [1, 1]} : vector<640x128xf32> to vector<640x64xf32>
    %swap3A_45 = arith.constant 1 : index
    %swap3A_46 = arith.constant 0 : index
    %swap3A_47 = arith.constant 0 : index
    %swap3A_48 = vector.load %arg8[%swap3A_45, %swap3A_46, %swap3A_47] : memref<2x640x64xf32, #tpu.memory_space<vmem>>, vector<1x640x64xf32>
    %swap3A_49 = vector.shape_cast %swap3A_48 : vector<1x640x64xf32> to vector<640x64xf32>
    %swap3A_50 = vector.shape_cast %slice3A_44 : vector<640x64xf32> to vector<1x640x64xf32>
    tpu.vector_store %arg8[%swap3A_45, %swap3A_46, %swap3A_47], %swap3A_50 {strides = array<i32>} : memref<2x640x64xf32, #tpu.memory_space<vmem>>, vector<1x640x64xf32>,
    return
  }
  func.func @transform_0(%arg0: i32) -> (i32, i32) {
    %c0_i32 = arith.constant 0 : i32
    %c0_i32_0 = arith.constant 0 : i32
    return %arg0, %c0_i32 : i32, i32
  }
  func.func @transform_1(%arg0: i32) -> (i32, i32, i32) {
    %c0_i32 = arith.constant 0 : i32
    %c0_i32_0 = arith.constant 0 : i32
    %c0_i32_1 = arith.constant 0 : i32
    return %c0_i32, %arg0, %c0_i32_0 : i32, i32, i32
  }
  func.func @transform_2(%arg0: i32) -> (i32, i32) {
    %c0_i32 = arith.constant 0 : i32
    %c0_i32_0 = arith.constant 0 : i32
    return %arg0, %c0_i32 : i32, i32
  }
  func.func @transform_3(%arg0: i32) -> (i32, i32) {
    %c0_i32 = arith.constant 0 : i32
    %c0_i32_0 = arith.constant 0 : i32
    %c0_i32_1 = arith.constant 0 : i32
    return %c0_i32, %c0_i32_0 : i32, i32
  }
  func.func @transform_4(%arg0: i32) -> (i32, i32) {
    %c0_i32 = arith.constant 0 : i32
    %c0_i32_0 = arith.constant 0 : i32
    %c0_i32_1 = arith.constant 0 : i32
    return %c0_i32, %c0_i32_0 : i32, i32
  }
  func.func @transform_5(%arg0: i32) -> (i32, i32) {
    %c0_i32 = arith.constant 0 : i32
    %c0_i32_0 = arith.constant 0 : i32
    %c0_i32_1 = arith.constant 0 : i32
    return %c0_i32, %c0_i32_0 : i32, i32
  }
  func.func @transform_6(%arg0: i32) -> (i32, i32) {
    %c0_i32 = arith.constant 0 : i32
    %c0_i32_0 = arith.constant 0 : i32
    return %arg0, %c0_i32 : i32, i32
  }
  func.func @transform_7(%arg0: i32) -> (i32, i32, i32) {
    %c0_i32 = arith.constant 0 : i32
    %c0_i32_0 = arith.constant 0 : i32
    %c0_i32_1 = arith.constant 0 : i32
    return %c0_i32, %arg0, %c0_i32_0 : i32, i32, i32
  }
}

module attributes {stable_mosaic.version = 14 : i64} {
  func.func @_tc_final_body(%arg0: i32, %arg1: memref<640x128xf32, #tpu.memory_space<vmem>>, %arg2: memref<2x640x16xf32, #tpu.memory_space<vmem>>, %arg3: memref<640x128xf32, #tpu.memory_space<vmem>>, %arg4: memref<128x128xf32, #tpu.memory_space<vmem>>, %arg5: memref<128x128xf32, #tpu.memory_space<vmem>>, %arg6: memref<1x128xf32, #tpu.memory_space<vmem>>, %arg7: memref<128x128xf32, #tpu.memory_space<vmem>>, %arg8: memref<1x128xf32, #tpu.memory_space<vmem>>, %arg9: memref<640x128xf32, #tpu.memory_space<vmem>>) attributes {dimension_semantics = [#tpu.dimension_semantics<arbitrary>], iteration_bounds = array<i64: 16>, scalar_prefetch = 0 : i64, scratch_operands = 0 : i64, tpu.core_type = #tpu.core_type<tc>, window_params = [{transform_indices = @transform_0, window_bounds = array<i64: 640, 128>}, {transform_indices = @transform_1, window_bounds = array<i64: 2, 640, 16>}, {transform_indices = @transform_2, window_bounds = array<i64: 640, 128>}, {pipeline_mode = #tpu.pipeline_mode<synchronous>, transform_indices = @transform_3, window_bounds = array<i64: 128, 128>}, {pipeline_mode = #tpu.pipeline_mode<synchronous>, transform_indices = @transform_4, window_bounds = array<i64: 128, 128>}, {pipeline_mode = #tpu.pipeline_mode<synchronous>, transform_indices = @transform_5, window_bounds = array<i64: 1, 128>}, {pipeline_mode = #tpu.pipeline_mode<synchronous>, transform_indices = @transform_6, window_bounds = array<i64: 128, 128>}, {pipeline_mode = #tpu.pipeline_mode<synchronous>, transform_indices = @transform_7, window_bounds = array<i64: 1, 128>}, {transform_indices = @transform_8, window_bounds = array<i64: 640, 128>}]} {
    %get3A = arith.constant 0 : index
    %get3A_0 = arith.constant 0 : index
    %get3A_1 = arith.constant 0 : index
    %get3A_2 = vector.load %arg2[%get3A, %get3A_0, %get3A_1] : memref<2x640x16xf32, #tpu.memory_space<vmem>>, vector<1x640x1xf32>
    %get3A_3 = vector.shape_cast %get3A_2 : vector<1x640x1xf32> to vector<640xf32>
    %get3A_4 = arith.constant 1 : index
    %get3A_5 = arith.constant 0 : index
    %get3A_6 = arith.constant 0 : index
    %get3A_7 = vector.load %arg2[%get3A_4, %get3A_5, %get3A_6] : memref<2x640x16xf32, #tpu.memory_space<vmem>>, vector<1x640x1xf32>
    %get3A_8 = vector.shape_cast %get3A_7 : vector<1x640x1xf32> to vector<640xf32>
    %add3A = arith.addf %get3A_3, %get3A_8 : vector<640xf32>
    %get3A_9 = arith.constant 0 : index
    %get3A_10 = arith.constant 0 : index
    %get3A_11 = vector.load %arg1[%get3A_9, %get3A_10] : memref<640x128xf32, #tpu.memory_space<vmem>>, vector<640x128xf32>
    %max3A = arith.constant 1.000000e+00 : f32
    %max3A_12 = vector.broadcast %max3A : f32 to vector<640xf32>
    %max3A_13 = arith.maximumf %add3A, %max3A_12 : vector<640xf32>
    %broadcast_in_dim3A = vector.shape_cast %max3A_13 : vector<640xf32> to vector<640x1xf32>
    %div3A = vector.broadcast %broadcast_in_dim3A : vector<640x1xf32> to vector<640x128xf32>
    %div3A_14 = arith.divf %get3A_11, %div3A : vector<640x128xf32>
    %get3A_15 = arith.constant 0 : index
    %get3A_16 = arith.constant 0 : index
    %get3A_17 = vector.load %arg4[%get3A_15, %get3A_16] : memref<128x128xf32, #tpu.memory_space<vmem>>, vector<128x128xf32>
    %dot_general3A = arith.constant dense<0.000000e+00> : vector<640x128xf32>
    %dot_general3A_18 = tpu.matmul %div3A_14, %get3A_17, %dot_general3A {dimension_numbers = #tpu.dot_dimension_numbers<[1], [0], [0], [1], [0, 0, 1, 1], [], []>, transpose_lhs_hint = false} : vector<640x128xf32>, vector<128x128xf32>, vector<640x128xf32> -> vector<640x128xf32>
    %get3A_19 = arith.constant 0 : index
    %get3A_20 = arith.constant 0 : index
    %get3A_21 = vector.load %arg3[%get3A_19, %get3A_20] : memref<640x128xf32, #tpu.memory_space<vmem>>, vector<640x128xf32>
    %get3A_22 = arith.constant 0 : index
    %get3A_23 = arith.constant 0 : index
    %get3A_24 = vector.load %arg5[%get3A_22, %get3A_23] : memref<128x128xf32, #tpu.memory_space<vmem>>, vector<128x128xf32>
    %dot_general3A_25 = arith.constant dense<0.000000e+00> : vector<640x128xf32>
    %dot_general3A_26 = tpu.matmul %get3A_21, %get3A_24, %dot_general3A_25 {dimension_numbers = #tpu.dot_dimension_numbers<[1], [0], [0], [1], [0, 0, 1, 1], [], []>, transpose_lhs_hint = false} : vector<640x128xf32>, vector<128x128xf32>, vector<640x128xf32> -> vector<640x128xf32>
    %add3A_27 = arith.addf %dot_general3A_18, %dot_general3A_26 : vector<640x128xf32>
    %get3A_28 = arith.constant 0 : index
    %get3A_29 = arith.constant 0 : index
    %get3A_30 = vector.load %arg6[%get3A_28, %get3A_29] : memref<1x128xf32, #tpu.memory_space<vmem>>, vector<1x128xf32>
    %add3A_31 = vector.broadcast %get3A_30 : vector<1x128xf32> to vector<640x128xf32>
    %add3A_32 = arith.addf %add3A_27, %add3A_31 : vector<640x128xf32>
    %max3A_33 = arith.constant 0.000000e+00 : f32
    %max3A_34 = vector.broadcast %max3A_33 : f32 to vector<640x128xf32>
    %max3A_35 = arith.maximumf %add3A_32, %max3A_34 : vector<640x128xf32>
    %get3A_36 = arith.constant 0 : index
    %get3A_37 = arith.constant 0 : index
    %get3A_38 = vector.load %arg7[%get3A_36, %get3A_37] : memref<128x128xf32, #tpu.memory_space<vmem>>, vector<128x128xf32>
    %dot_general3A_39 = arith.constant dense<0.000000e+00> : vector<640x128xf32>
    %dot_general3A_40 = tpu.matmul %max3A_35, %get3A_38, %dot_general3A_39 {dimension_numbers = #tpu.dot_dimension_numbers<[1], [0], [0], [1], [0, 0, 1, 1], [], []>, transpose_lhs_hint = false} : vector<640x128xf32>, vector<128x128xf32>, vector<640x128xf32> -> vector<640x128xf32>
    %get3A_41 = arith.constant 0 : index
    %get3A_42 = arith.constant 0 : index
    %get3A_43 = vector.load %arg8[%get3A_41, %get3A_42] : memref<1x128xf32, #tpu.memory_space<vmem>>, vector<1x128xf32>
    %add3A_44 = vector.broadcast %get3A_43 : vector<1x128xf32> to vector<640x128xf32>
    %add3A_45 = arith.addf %dot_general3A_40, %add3A_44 : vector<640x128xf32>
    %swap3A = arith.constant 0 : index
    %swap3A_46 = arith.constant 0 : index
    %swap3A_47 = vector.load %arg9[%swap3A, %swap3A_46] : memref<640x128xf32, #tpu.memory_space<vmem>>, vector<640x128xf32>
    tpu.vector_store %arg9[%swap3A, %swap3A_46], %add3A_45 {strides = array<i32>} : memref<640x128xf32, #tpu.memory_space<vmem>>, vector<640x128xf32>,
    return
  }
  func.func @transform_0(%arg0: i32) -> (i32, i32) {
    %c0_i32 = arith.constant 0 : i32
    %c0_i32_0 = arith.constant 0 : i32
    return %arg0, %c0_i32 : i32, i32
  }
  func.func @transform_1(%arg0: i32) -> (i32, i32, i32) {
    %c0_i32 = arith.constant 0 : i32
    %c0_i32_0 = arith.constant 0 : i32
    %c0_i32_1 = arith.constant 0 : i32
    return %c0_i32, %arg0, %c0_i32_0 : i32, i32, i32
  }
  func.func @transform_2(%arg0: i32) -> (i32, i32) {
    %c0_i32 = arith.constant 0 : i32
    %c0_i32_0 = arith.constant 0 : i32
    return %arg0, %c0_i32 : i32, i32
  }
  func.func @transform_3(%arg0: i32) -> (i32, i32) {
    %c0_i32 = arith.constant 0 : i32
    %c0_i32_0 = arith.constant 0 : i32
    %c0_i32_1 = arith.constant 0 : i32
    return %c0_i32, %c0_i32_0 : i32, i32
  }
  func.func @transform_4(%arg0: i32) -> (i32, i32) {
    %c0_i32 = arith.constant 0 : i32
    %c0_i32_0 = arith.constant 0 : i32
    %c0_i32_1 = arith.constant 0 : i32
    return %c0_i32, %c0_i32_0 : i32, i32
  }
  func.func @transform_5(%arg0: i32) -> (i32, i32) {
    %c0_i32 = arith.constant 0 : i32
    %c0_i32_0 = arith.constant 0 : i32
    %c0_i32_1 = arith.constant 0 : i32
    return %c0_i32, %c0_i32_0 : i32, i32
  }
  func.func @transform_6(%arg0: i32) -> (i32, i32) {
    %c0_i32 = arith.constant 0 : i32
    %c0_i32_0 = arith.constant 0 : i32
    %c0_i32_1 = arith.constant 0 : i32
    return %c0_i32, %c0_i32_0 : i32, i32
  }
  func.func @transform_7(%arg0: i32) -> (i32, i32) {
    %c0_i32 = arith.constant 0 : i32
    %c0_i32_0 = arith.constant 0 : i32
    %c0_i32_1 = arith.constant 0 : i32
    return %c0_i32, %c0_i32_0 : i32, i32
  }
  func.func @transform_8(%arg0: i32) -> (i32, i32) {
    %c0_i32 = arith.constant 0 : i32
    %c0_i32_0 = arith.constant 0 : i32
    return %arg0, %c0_i32 : i32, i32
  }
}

</mosaic_0001>

<sc_bundles>
// kernel: kernel.6.cloned.1.call-start
scs
__scs_entry_jumppad:
0x0: {  	(pc) =	sbr.rel $0x88, $3  }
0x1: {  	(tag) =	ssettag $0x0;
	lr =	simm.s32 $0x1  }
0x2: {  	[smem:$0x3F97] =	sst lr;
	_ =	strace $0xD0000000  }
0x3: {  	_ = 	snop  }
0x4: {  	_ = 	snop  }
0x5: {  	_ = 	snop  }
0x6: {  	_ = 	snop  }
0x7: {  	_ = 	snop  }
__scs_overlays_trampoline_lowered:
0x8: {  	[smem:$0x3FA6] =	sst s0  }
0x9: {  	[smem:$0x3FA7] =	sst s1  }
0xa: {  	[smem:$0x3FA8] =	sst s2  }
0xb: {  	[smem:$0x3FA9] =	sst s3  }
0xc: {  	[smem:$0x3FAA] =	sst s4  }
0xd: {  	[smem:$0x3FAB] =	sst s5  }
0xe: {  	[smem:$0x3FAC] =	sst s6  }
0xf: {  	[smem:$0x3FAD] =	sst s7  }
0x10: {  	[smem:$0x3FAE] =	sst s8  }
0x11: {  	[smem:$0x3FAF] =	sst s9;
	s0 =	simm.s32 @!p0 $0x0  }
0x12: {  	s1 =	sld [smem:$0x3F95];
	s0 =	simm.s32 @p0 $0x1  }
0x13: {  	[smem:$0x3FB0] =	sst s0;
	s0 =	simm.s32 @!p1 $0x0  }
0x14: {  	s2 =	sld [smem:$0x3F94];
	s0 =	simm.s32 @p1 $0x1  }
0x15: {  	[smem:$0x3FB1] =	sst s0;
	s0 =	simm.s32 @!p2 $0x0  }
0x16: {  	s3 =	sld [smem:$0x3FDB];
	s0 =	simm.s32 @p2 $0x1  }
0x17: {  	s4 =	simm.s32 $0x1BF5;
	[smem:$0x3FB3] =	sst s0  }
0x18: {  	s0 =	sld [smem:$0x3F96];
	_ =	swait.ge [sflag:s4], $0x0  }
0x19: {  	s7 =	sld [smem:$0x3F97]  }
0x1a: {  	s8 =	sadd.s32 $0xFFFFE003, lr  }
0x1b: {  	s9 =	sadd.s32 $0xFFFFFEF7, lr;
	s5 =	simm.s32 $0xFFFFFFFF;
	p2 =	slt.u32 s8, $0xFFFFF086  }
0x1c: {  	p1 =	slt.u32 s9, $0xF7A;
	s5 =	simm.s32 @!p2 $0x0  }
0x1d: {  	s5 =	simm.s32 @p1 $0x1;
	p0 =	seq.s32 s7, s2  }
0x1e: {  	s7 =	smul.u32 @!p0 $0xF7A, s2;
	p2 =	seq.s32 @!p0 s5, $0x0  }
0x1f: {  	s9 =	smul.u32 $0xF7A, s1;
	s8 =	simm.s32 @!p0 $0x1BF5;
	p2 =	por !p2, p0  }
0x20: {  	[sflag:s8] =	ssyncset.s32 @!p0 $0xFFFFF086;
	s6 =	sadd.s32 @!p0 s3, s7;
	s7 =	simm.s32 @!p0 $0x108  }
0x21: {  	s3 =	sadd.s32 s3, s9;
	s6 =	sadd.s32 @!p0 $0x88, s6;
	s7 =	simm.s32 @p2 $0x1082  }
0x22: {  	[simem:s7], [sflag:s8] =	dma.local @!p0 [hbm:s6], $0xF7A  }
0x23: {  	s9 =	sor.u32 $0xD0000000, s2;
	s6 =	simm.s32 $0x108;
	_ =	swait.ge @!p0 [sflag:s8], $0x0  }
0x24: {  	s3 =	sadd.s32 $0x88, s3;
	s6 =	simm.s32 @!p1 $0x1082;
	[sflag:s4] =	ssyncset.s32 $0xFFFFF086  }
0x25: {  	[simem:s6], [sflag:s4] =	dma.local [hbm:s3], $0xF7A  }
0x26: {  	[smem:$0x3F97] =	sst s1;
	(tag) =	ssettag s2;
	_ =	strace s9  }
0x27: {  	s1 =	sld [smem:$0x3FA7]  }
0x28: {  	s2 =	sld [smem:$0x3FA8]  }
0x29: {  	s4 =	sld [smem:$0x3FAA]  }
0x2a: {  	p0 =	seq.s32 s5, $0x0;
	s5 =	sld [smem:$0x3FAB]  }
0x2b: {  	s6 =	sld [smem:$0x3FAC]  }
0x2c: {  	s7 =	sld [smem:$0x3FAD]  }
0x2d: {  	s3 =	simm.s32 $0x108;
	s8 =	sld [smem:$0x3FAE]  }
0x2e: {  	s3 =	simm.s32 @!p0 $0x1082;
	s9 =	sld [smem:$0x3FAF]  }
0x2f: {  	lr =	sadd.s32 s0, s3;
	s0 =	sld [smem:$0x3FA6]  }
0x30: {  	s3 =	sld [smem:$0x3FA9]  }
0x31: {  	[smem:$0x3FB2] =	sst s10  }
0x32: {  	s10 =	sld [smem:$0x3FB0];
	_ =	sdelay $0x3  }
0x33: {  	p0 =	seq.s32 s10, $0x1;
	s10 =	sld [smem:$0x3FB2];
	_ =	sdelay $0x3  }
0x34: {  	[smem:$0x3FB2] =	sst s10  }
0x35: {  	s10 =	sld [smem:$0x3FB1];
	_ =	sdelay $0x3  }
0x36: {  	p1 =	seq.s32 s10, $0x1;
	s10 =	sld [smem:$0x3FB2];
	_ =	sdelay $0x3  }
0x37: {  	[smem:$0x3FB2] =	sst s10  }
0x38: {  	s10 =	sld [smem:$0x3FB3]  }
0x39: {  	_ = 	snop;
	(pc) =	sbr.ind lr, $3  }
0x3a: {  	_ = 	snop  }
0x3b: {  	_ = 	snop  }
0x3c: {  	p2 =	seq.s32 s10, $0x1;
	s10 =	sld [smem:$0x3FB2]  }
0x3d: {  	_ =	shalt  }
0x3e: {  	_ =	shalt  }
0x3f: {  	_ =	shalt  }
0x40: {  	_ =	shalt  }
0x41: {  	_ =	shalt  }
0x42: {  	_ =	shalt  }
0x43: {  	_ =	shalt  }
0x44: {  	_ =	shalt  }
0x45: {  	_ =	shalt  }
0x46: {  	_ =	shalt  }
0x47: {  	_ =	shalt  }
0x48: {  	_ =	shalt  }
0x49: {  	_ =	shalt  }
0x4a: {  	_ =	shalt  }
0x4b: {  	_ =	shalt  }
0x4c: {  	_ =	shalt  }
0x4d: {  	_ =	shalt  }
0x4e: {  	_ =	shalt  }
0x4f: {  	_ =	shalt  }
0x50: {  	_ =	shalt  }
0x51: {  	_ =	shalt  }
0x52: {  	_ =	shalt  }
0x53: {  	_ =	shalt  }
0x54: {  	_ =	shalt  }
0x55: {  	_ =	shalt  }
0x56: {  	_ =	shalt  }
0x57: {  	_ =	shalt  }
0x58: {  	_ =	shalt  }
0x59: {  	_ =	shalt  }
0x5a: {  	_ =	shalt  }
0x5b: {  	_ =	shalt  }
0x5c: {  	_ =	shalt  }
0x5d: {  	_ =	shalt  }
0x5e: {  	_ =	shalt  }
0x5f: {  	_ =	shalt  }
0x60: {  	_ =	shalt  }
0x61: {  	_ =	shalt  }
0x62: {  	_ =	shalt  }
0x63: {  	_ =	shalt  }
0x64: {  	_ =	shalt  }
0x65: {  	_ =	shalt  }
0x66: {  	_ =	shalt  }
0x67: {  	_ =	shalt  }
0x68: {  	_ =	shalt  }
0x69: {  	_ =	shalt  }
0x6a: {  	_ =	shalt  }
0x6b: {  	_ =	shalt  }
0x6c: {  	_ =	shalt  }
0x6d: {  	_ =	shalt  }
0x6e: {  	_ =	shalt  }
0x6f: {  	_ =	shalt  }
0x70: {  	_ =	shalt  }
0x71: {  	_ =	shalt  }
0x72: {  	_ =	shalt  }
0x73: {  	_ =	shalt  }
0x74: {  	_ =	shalt  }
0x75: {  	_ =	shalt  }
0x76: {  	_ =	shalt  }
0x77: {  	_ =	shalt  }
0x78: {  	_ =	shalt  }
0x79: {  	_ =	shalt  }
0x7a: {  	_ =	shalt  }
0x7b: {  	_ =	shalt  }
0x7c: {  	_ =	shalt  }
0x7d: {  	_ =	shalt  }
0x7e: {  	_ =	shalt  }
0x7f: {  	_ =	shalt  }
0x80: {  	_ =	shalt  }
0x81: {  	_ =	shalt  }
0x82: {  	_ =	shalt  }
0x83: {  	_ =	shalt  }
0x84: {  	_ =	shalt  }
0x85: {  	_ =	shalt  }
0x86: {  	_ =	shalt  }
0x87: {  	_ =	shalt  }
.Lfunc_end0:
.L_simem_size_0:
called_computation_lowered:
.L_overlay_start_0:
0x88: {  	s2 =	sld [smem:$0x3FD9]  }
0x89: {  	s3 =	sld [smem:$0x3FFE];
	_ =	sdelay $0x1  }
0x8a: {  	s1 =	srdreg.scid  }
0x8b: {  	s0 =	sand.u32 $0x1, s1  }
0x8c: {  	s17 =	sshll.u32 s0, $0xA;
	s2 =	sadd.s32 s3, s2  }
0x8d: {  	s2 =	sadd.s32 s2, s17  }
0x8e: {  	[smem:$0x3FBE] =	sst s2  }
0x8f: {  	_ = 	snop  }
0x90: {  	s2 =	sld [smem:$0x3FD0];
	(tm) =	ssettm $0x1  }
0x91: {  	s18 =	sld [smem:$0x3FFB];
	_ =	sdelay $0x3  }
0x92: {  	_ =	strace s18  }
0x93: {  	s3 =	sld [smem:$0x3FFC];
	_ =	sdelay $0x3  }
0x94: {  	_ =	strace s3  }
0x95: {  	s3 =	sld [smem:$0x3FFD];
	_ =	sdelay $0x3  }
0x96: {  	_ =	strace s3  }
0x97: {  	_ =	strace $0x8FFFFFFF  }
0x98: {  	s19 =	sld [smem:$0x3FDB];
	_ =	sdelay $0x1  }
0x99: {  	s4 =	simm.s32 $_scs_section_size  }
0x9a: {  	s5 =	simm.s32 $_size__tile_overlayer_lowered;
	s6 =	simm.s32 $_tile_overlayer_lowered  }
0x9b: {  	s22 =	simm.s32 $0x1BFF;
	s21 =	sshll.u32 s6, $0x1;
	s3 =	sadd.s32 s4, s19  }
0x9c: {  	s7 =	simm.s32 $0x0;
	s20 =	sshll.u32 s5, $0x1;
	s5 =	sadd.s32 s21, s3  }
0x9d: {  	[timem:s7], [sflag:s22] =	dma.local [hbm:s5], s20  }
0x9e: {  	_ =	swait.ge [sflag:s22], s20  }
0x9f: {  	s4 =	ssub.s32 $0x0, s20;
	[sflag:s22] =	ssyncset.done $0x0  }
0xa0: {  	[sflag:s22] =	ssyncadd.s32 s4;
	_ =	sdelay $0x1  }
0xa1: {  	s23 =	simm.s32 $0x1B8B  }
0xa2: {  	_ =	swait.ge [sflag:s23], $0x1  }
0xa3: {  	[sflag:s23] =	ssyncset.done $0x0  }
0xa4: {  	s25 =	simm.s32 $0x1B8E;
	s24 =	sld [smem:$0x3FFE];
	[sflag:s23] =	ssyncadd.s32 $0xFFFFFFFF  }
0xa5: {  	s26 =	simm.s32 $execute0_lowered;
	[smem:$0x3FD2] =	sst s25  }
0xa6: {  	s5 =	sshll.u32 s26, $0x1;
	_ =	strace $0x80000046;
	[dreg:$0x1] =	wrdreg $0xFFFFFFFF  }
0xa7: {  	s28 =	simm.s32 $_size_execute0_lowered;
	s3 =	sadd.s32 s3, s5;
	[dreg:$0x0] =	wrdreg $0x0  }
0xa8: {  	s5 =	sshll.u32 s28, $0x1;
	[dreg:$0x2] =	wrdreg s3  }
0xa9: {  	[dreg:$0x3] =	wrdreg s5  }
0xaa: {  	[dreg:$0x4] =	wrdreg $0xC0  }
0xab: {  	_ =	task [dreg:s7], $0x5FFFF  }
0xac: {  	[dreg:$0x1] =	wrdreg $0xFFFFFFFF  }
0xad: {  	[dreg:$0x0] =	wrdreg $0x60  }
0xae: {  	[dreg:$0x2] =	wrdreg s24  }
0xaf: {  	[dreg:$0x3] =	wrdreg s2  }
0xb0: {  	[dreg:$0x4] =	wrdreg $0x0  }
0xb1: {  	[dreg:$0x5] =	wrdreg $0xA0000  }
0xb2: {  	[dreg:$0x6] =	wrdreg $0x9  }
0xb3: {  	_ =	task.clear_ibuf [dreg:s7], $0x7FFFF;
	_ =	strace $0x90000046  }
0xb4: {  	s29 =	simm.s32 $0x9;
	_ =	strace $0x80000048  }
0xb5: {  	_ =	swait.ge [sflag:s29], $0x1  }
0xb6: {  	[sflag:s29] =	ssyncadd.s32 $0xFFFFFFFF  }
0xb7: {  	_ =	strace $0x90000048  }
0xb8: {  	_ =	sfence  }
0xb9: {  	s30 =	sld [smem:$0x0];
	_ =	sdelay $0x2  }
0xba: {  	s31 =	sshll.u32 s1, $0xD;
	s1 =	sshrl.u32 s1, $0x2  }
0xbb: {  	s3 =	sand.u32 $0x4000, s31;
	s1 =	sadd.s32 s1, s30  }
0xbc: {  	s0 =	sor.u32 s3, s0;
	s1 =	sshll.u32 s1, $0x11  }
0xbd: {  	s0 =	sor.u32 s1, s0  }
0xbe: {  	s0 =	sadd.s32 $0x8F2B, s0  }
0xbf: {  	[sflag:s0] =	ssyncadd.remote.s32 $0x1  }
0xc0: {  	_ =	sfence.sel $0xFFFF  }
0xc1: {  	[dreg:$0x0] =	wrdreg $0xFFFFFFFF;
	(pc) =	sbr.abs _section_cstart, $3  }
0xc2: {  	[dreg:$0x1] =	wrdreg $0xFFFFFFFF  }
0xc3: {  	_ =	task.clear_ibuf [dreg:s7], $0x2FFFF;
	_ =	strace $0x9FFFFFFF  }
0xc4: {  	(tm) =	ssettm $0x7FFFFFFF  }
0xc5: {  	_ =	shalt  }
tec
execute0_lowered:
.L_overlay_start_1:
0x0: {  	(tag) =	ssettag $0x1  }
0x1: {  	s1 =	rddreg [dreg:$0x0];
	s0 =	srdreg.scid  }
0x2: {  	s20 =	stileid.u32;
	s2 =	simm.s32 $0x0;
	s31 =	simm.s32 $0x0  }
0x3: {  	s12 =	sand.u32 $0x1, s0;
	s10 =	smul.u32 $0x5000, s20;
	[smem:$0x7FF] =	sst s2  }
0x4: {  	s4 =	smul.u32 $0x280, s20;
	s11 =	sadd.s32 $0x52800, s1;
	s13 =	sadd.s32 $0x48800, s1  }
0x5: {  	s14 =	smul.u32 $0x14000, s20;
	s0 =	ssub.s32 $0x2, s12;
	s16 =	sshll.u32 s12, $0x6  }
0x6: {  	s19 =	smul.u32 $0x28000, s12;
	p0 =	seq.s32 s12, $0x0;
	s3 =	sshrl.u32 s0, $0x1  }
0x7: {  	s15 =	sadd.s32 $0x80, s4;
	s7 =	sadd.s32 $0x100, s4;
	s8 =	sadd.s32 $0x180, s4  }
0x8: {  	s9 =	sadd.s32 $0x200, s4;
	s14 =	sor.u32 s16, s14;
	s0 =	ssub.s32 s0, s3  }
0x9: {  	s3 =	smul.u32 $0x2800, s20;
	s4 =	sshll.u32 s15, $0x4;
	s5 =	sshll.u32 s7, $0x4  }
0xa: {  	s6 =	sshll.u32 s8, $0x4;
	s17 =	sshll.u32 s15, $0x7;
	s14 =	sshrl.u32 s14, $0x3  }
0xb: {  	s18 =	sshll.u32 s7, $0x7;
	s21 =	sshll.u32 s8, $0x7;
	s22 =	sshll.u32 s9, $0x7  }
0xc: {  	s7 =	sshll.u32 s7, $0x6;
	s17 =	sor.u32 s16, s17;
	s14 =	sadd.s32 s11, s14  }
0xd: {  	s30 =	sor.u32 s16, s18;
	s0 =	smax.u32 s0, $0x1;
	[dreg:$0x5] =	wrdreg s14  }
0xe: {  	s26 =	sshrl.u32 s17, $0x3;
	s18 =	sshrl.u32 s30, $0x3;
	s17 =	sor.u32 s16, s21  }
0xf: {  	s16 =	sor.u32 s16, s22;
	s25 =	sadd.s32 s3, s19;
	s30 =	sadd.s32 s19, s4  }
0x10: {  	s21 =	smul.u32 $0x50000, s12;
	s14 =	sadd.s32 s11, s26;
	s23 =	sshrl.u32 s17, $0x3  }
0x11: {  	s24 =	sshrl.u32 s16, $0x3;
	s26 =	sshrl.u32 s25, $0x3;
	s16 =	sadd.s32 s19, s5  }
0x12: {  	s25 =	sadd.s32 $0x48600, s1;
	[dreg:$0x6] =	wrdreg s14;
	s14 =	sadd.s32 s11, s18  }
0x13: {  	s17 =	sshrl.u32 s16, $0x3;
	s18 =	sadd.s32 s19, s6;
	s22 =	sadd.s32 s10, s21  }
0x14: {  	s10 =	sshrl.u32 s10, $0x3;
	[dreg:$0x7] =	wrdreg s14;
	s14 =	sadd.s32 s11, s23  }
0x15: {  	s11 =	sadd.s32 s11, s24;
	s23 =	sshrl.u32 s22, $0x3;
	[dreg:$0x8] =	wrdreg s14  }
0x16: {  	[dreg:$0x9] =	wrdreg s11;
	s11 =	sadd.s32 s13, s26;
	s14 =	sshrl.u32 s30, $0x3  }
0x17: {  	s24 =	smul.u32 $0x28000, s20;
	[dreg:$0xa] =	wrdreg s11;
	s11 =	sadd.s32 s13, s14  }
0x18: {  	s10 =	sadd.s32 s10, s1;
	[dreg:$0xb] =	wrdreg s11;
	s11 =	sadd.s32 s13, s17  }
0x19: {  	s14 =	sshrl.u32 s18, $0x3;
	s17 =	sshll.u32 s9, $0x4;
	[dreg:$0xc] =	wrdreg s11  }
0x1a: {  	s14 =	sadd.s32 s13, s14;
	s19 =	sadd.s32 s19, s17;
	s11 =	rddreg [dreg:$0x2]  }
0x1b: {  	s12 =	sadd.s32 s23, s1;
	[dreg:$0xd] =	wrdreg s14;
	s16 =	sshrl.u32 s19, $0x3  }
0x1c: {  	s30 =	sshll.u32 s15, $0x6;
	s14 =	rddreg [dreg:$0x3];
	s13 =	sadd.s32 s13, s16  }
0x1d: {  	s15 =	sshll.u32 s9, $0x6;
	s16 =	sadd.s32 $0x20400, s1;
	[dreg:$0xe] =	wrdreg s13  }
0x1e: {  	s1 =	sadd.s32 $0x48400, s1;
	_ =	strace $0x80000047;
	[dreg:$0xf] =	wrdreg s25  }
0x1f: {  	s26 =	sshrl.u32 s24, $0x2;
	s18 =	sadd.s32 $0xC400, s12;
	[dreg:$0x10] =	wrdreg s1  }
0x20: {  	s20 =	sadd.s32 s30, s11;
	s30 =	sadd.s32 $0x2400, s10;
	[dreg:$0x1b] =	wrdreg s18  }
0x21: {  	s9 =	simm.s32 $0x1;
	s19 =	sadd.s32 s26, s11;
	[dreg:$0x1c] =	wrdreg s30  }
0x22: {  	s21 =	sadd.s32 s7, s11;
	s23 =	sadd.s32 s15, s11;
	[dreg:$0x1d] =	wrdreg s0  }
0x23: {  	s24 =	sadd.s32 s3, s14;
	s26 =	sadd.s32 s5, s14;
	[dreg:$0x11] =	wrdreg s19  }
0x24: {  	s28 =	sadd.s32 s6, s14;
	s29 =	sadd.s32 s17, s14;
	[dreg:$0x12] =	wrdreg s20  }
0x25: {  	s3 =	simm.s32 $0x1F000;
	s5 =	simm.s32 $0x80;
	[dreg:$0x13] =	wrdreg s21  }
0x26: {  	s6 =	simm.s32 $0x18800;
	s7 =	simm.s32 $0x1A800;
	[dreg:$0x15] =	wrdreg s23  }
0x27: {  	s10 =	simm.s32 $0x3;
	s15 =	simm.s32 $0x6;
	[dreg:$0x16] =	wrdreg s24  }
0x28: {  	s17 =	simm.s32 $0x7;
	s13 =	sshll.u32 s8, $0x6;
	[dreg:$0x18] =	wrdreg s26  }
0x29: {  	s8 =	simm.s32 $0x1C800;
	s22 =	sadd.s32 s13, s11;
	[dreg:$0x19] =	wrdreg s28  }
0x2a: {  	s25 =	sadd.s32 s4, s14;
	s0 =	simm.s32 $0x16800;
	[dreg:$0x1a] =	wrdreg s29  }
0x2b: {  	s1 =	simm.s32 $0xA;
	s13 =	simm.s32 $0x5;
	[dreg:$0x14] =	wrdreg s22  }
0x2c: {  	s18 =	simm.s32 $0x8;
	s4 =	simm.s32 $0x9;
	[dreg:$0x17] =	wrdreg s25  }
.LBB2_1:
0x2d: {  	s12 =	rddreg [dreg:$0x1]  }
0x2e: {  	[tilespmem:s0], [sflag:$0xA] =	stream.linear.gather [hbm4b:s12+s2], $0x2000, $0x38;
	[tilespmem:$0x1F800] =	vst v63  }
0x2f: {  	_ =	swait.ge [sflag:s1], $0x2000  }
0x30: {  	[sflag:s1] =	ssyncset.done $0x0  }
0x31: {  	[sflag:s1] =	ssyncadd.s32 $0xFFFFE000  }
0x32: {  	[spmem:s19] =	stream.linear.scatter [tilespmem:s0], [sflag:$0xA], $0x2000, $0x38;
	[tilespmem:$0x1F800] =	vst v63  }
0x33: {  	_ =	swait.ge [sflag:s1], $0x2000  }
0x34: {  	[sflag:s1] =	ssyncset.done $0x0  }
0x35: {  	[sflag:s1] =	ssyncadd.s32 $0xFFFFE000  }
0x36: {  	[spmem:s20] =	stream.linear.scatter [tilespmem:s0], [sflag:$0xA], $0x2000, $0x38;
	[tilespmem:$0x1F800] =	vst v63  }
0x37: {  	_ =	swait.ge [sflag:s1], $0x2000  }
0x38: {  	[sflag:s1] =	ssyncset.done $0x0  }
0x39: {  	[sflag:s1] =	ssyncadd.s32 $0xFFFFE000  }
0x3a: {  	[spmem:s21] =	stream.linear.scatter [tilespmem:s0], [sflag:$0xA], $0x2000, $0x38;
	[tilespmem:$0x1F800] =	vst v63  }
0x3b: {  	_ =	swait.ge [sflag:s1], $0x2000  }
0x3c: {  	[sflag:s1] =	ssyncset.done $0x0  }
0x3d: {  	[sflag:s1] =	ssyncadd.s32 $0xFFFFE000  }
0x3e: {  	[spmem:s22] =	stream.linear.scatter [tilespmem:s0], [sflag:$0xA], $0x2000, $0x38;
	[tilespmem:$0x1F800] =	vst v63  }
0x3f: {  	_ =	swait.ge [sflag:s1], $0x2000  }
0x40: {  	[sflag:s1] =	ssyncset.done $0x0  }
0x41: {  	[sflag:s1] =	ssyncadd.s32 $0xFFFFE000  }
0x42: {  	[spmem:s23] =	stream.linear.scatter [tilespmem:s0], [sflag:$0xA], $0x2000, $0x38;
	[tilespmem:$0x1F800] =	vst v63  }
0x43: {  	_ =	swait.ge [sflag:s1], $0x2000  }
0x44: {  	[sflag:s1] =	ssyncset.done $0x0  }
0x45: {  	s23 =	rddreg [dreg:$0xf];
	[sflag:s1] =	ssyncadd.s32 $0xFFFFE000  }
0x46: {  	[tilespmem:s3], [sflag:$0xA] =	stream.linear.gather [hbm4b:s23+s2], $0x800, $0x38;
	[tilespmem:$0x1F800] =	vst v63  }
0x47: {  	_ =	swait.ge [sflag:s1], $0x800  }
0x48: {  	[sflag:s1] =	ssyncset.done $0x0  }
0x49: {  	[sflag:s1] =	ssyncadd.s32 $0xFFFFF800  }
0x4a: {  	[spmem:s24] =	stream.linear.scatter [tilespmem:s3], [sflag:$0xA], $0x800, $0x38;
	[tilespmem:$0x1F800] =	vst v63  }
0x4b: {  	_ =	swait.ge [sflag:s1], $0x800  }
0x4c: {  	[sflag:s1] =	ssyncset.done $0x0  }
0x4d: {  	[sflag:s1] =	ssyncadd.s32 $0xFFFFF800  }
0x4e: {  	[spmem:s25] =	stream.linear.scatter [tilespmem:s3], [sflag:$0xA], $0x800, $0x38;
	[tilespmem:$0x1F800] =	vst v63  }
0x4f: {  	_ =	swait.ge [sflag:s1], $0x800  }
0x50: {  	[sflag:s1] =	ssyncset.done $0x0  }
0x51: {  	[sflag:s1] =	ssyncadd.s32 $0xFFFFF800  }
0x52: {  	[spmem:s26] =	stream.linear.scatter [tilespmem:s3], [sflag:$0xA], $0x800, $0x38;
	[tilespmem:$0x1F800] =	vst v63  }
0x53: {  	_ =	swait.ge [sflag:s1], $0x800  }
0x54: {  	[sflag:s1] =	ssyncset.done $0x0  }
0x55: {  	[sflag:s1] =	ssyncadd.s32 $0xFFFFF800  }
0x56: {  	[spmem:s28] =	stream.linear.scatter [tilespmem:s3], [sflag:$0xA], $0x800, $0x38;
	[tilespmem:$0x1F800] =	vst v63  }
0x57: {  	_ =	swait.ge [sflag:s1], $0x800  }
0x58: {  	[sflag:s1] =	ssyncset.done $0x0  }
0x59: {  	[sflag:s1] =	ssyncadd.s32 $0xFFFFF800  }
0x5a: {  	[spmem:s29] =	stream.linear.scatter [tilespmem:s3], [sflag:$0xA], $0x800, $0x38;
	[tilespmem:$0x1F800] =	vst v63  }
0x5b: {  	_ =	swait.ge [sflag:s1], $0x800  }
0x5c: {  	[sflag:s1] =	ssyncset.done $0x0  }
0x5d: {  	s30 =	simm.s32 $0x1E800;
	s29 =	rddreg [dreg:$0x10];
	[sflag:s1] =	ssyncadd.s32 $0xFFFFF800  }
0x5e: {  	[tilespmem:s30], [sflag:$0xA] =	stream.linear.gather [hbm4b:s29+s2], $0x800, $0x38;
	[tilespmem:$0x1F800] =	vst v63  }
0x5f: {  	_ =	swait.ge [sflag:s1], $0x800  }
0x60: {  	[sflag:s1] =	ssyncset.done $0x0  }
0x61: {  	s21 =	simm.s32 $0xC800;
	s20 =	rddreg [dreg:$0x1b];
	[sflag:s1] =	ssyncadd.s32 $0xFFFFF800  }
0x62: {  	[tilespmem:s21], [sflag:$0xA] =	stream.linear.gather [hbm4b:s20+s2], $0x5000, $0x38;
	[tilespmem:$0x1F800] =	vst v63  }
0x63: {  	_ =	swait.ge [sflag:s1], $0x5000  }
0x64: {  	[sflag:s1] =	ssyncset.done $0x0  }
0x65: {  	s23 =	simm.s32 $0x11800;
	s22 =	rddreg [dreg:$0x1c];
	[sflag:s1] =	ssyncadd.s32 $0xFFFFB000  }
0x66: {  	[tilespmem:s23], [sflag:$0xA] =	stream.linear.gather [hbm4b:s22+s2], $0x5000, $0x38;
	[tilespmem:$0x1F800] =	vst v63  }
0x67: {  	_ =	swait.ge [sflag:s1], $0x5000  }
0x68: {  	[sflag:s1] =	ssyncset.done $0x0  }
0x69: {  	[sflag:s1] =	ssyncadd.s32 $0xFFFFB000  }
0x6a: {  	[bflag:$0x0] =	sbarrier.arrive $0xFFFF  }
0x6b: {  	[tilespmem:s0], [sflag:$0x1] =	stream.indirect.gather [hbm4b:s16+s5], $0x40, s21, s5, $0xb8;
	[tilespmem:$0x1F800] =	vst v63  }
0x6c: {  	s24 =	simm.s32 $0xC880  }
0x6d: {  	[tilespmem:s6], [sflag:$0x2] =	stream.indirect.gather [hbm4b:s16+s5], $0x40, s24, s5, $0xb8;
	[tilespmem:$0x1F800] =	vst v63  }
0x6e: {  	p1 =	por $0x0, $0x0;
	s25 =	simm.s32 $0xC900  }
0x6f: {  	[tilespmem:s7], [sflag:$0x3] =	stream.indirect.gather [hbm4b:s16+s5], $0x40, s25, s5, $0xb8;
	[tilespmem:$0x1F800] =	vst v63  }
0x70: {  	s12 =	simm.s32 $0x1;
	s19 =	simm.s32 $0x1;
	s26 =	simm.s32 $0xC980  }
0x71: {  	[tilespmem:s8], [sflag:$0x4] =	stream.indirect.gather [hbm4b:s16+s5], $0x40, s26, s5, $0xb8;
	[tilespmem:$0x1F800] =	vst v63  }
0x72: {  	s12 =	simm.s32 @!p0 $0x0;
	s19 =	simm.s32 @!p1 $0x0;
	_ =	swait.ge [sflag:s9], $0x2000  }
0x73: {  	p2 =	seq.s32 s12, s19;
	[sflag:s9] =	ssyncset.done $0x0  }
0x74: {  	s19 =	simm.s32 $0x11800;
	s20 =	simm.s32 @p2 $0x2;
	[sflag:s9] =	ssyncadd.s32 $0xFFFFE000  }
0x75: {  	[spmem:s11] =	stream.indirect.scatter.add.f32 [tilespmem:s0], [sflag:$0x5], $0x40, s19, s5, $0xb8;
	[tilespmem:$0x1F800] =	vst v63  }
0x76: {  	_ =	swait.ge @p2 [sflag:s20], $0x2000  }
0x77: {  	s22 =	simm.s32 @p2 $0x80;
	[sflag:s20] =	ssyncset.done @p2 $0x0  }
0x78: {  	s21 =	simm.s32 @p2 $0x11880;
	[sflag:s20] =	ssyncadd.s32 @p2 $0xFFFFE000;
	s20 =	simm.s32 @p2 $0x18800  }
0x79: {  	[spmem:s11] =	stream.indirect.scatter.add.f32 @p2 [tilespmem:s20], [sflag:$0x6], $0x40, s21, s22, $0xb8;
	[tilespmem:$0x1F800] =	vst v63  }
0x7a: {  	s20 =	simm.s32 @!p2 $0x80;
	s21 =	simm.s32 @!p2 $0x1E800;
	s22 =	simm.s32 @!p2 $0x2  }
0x7b: {  	[spmem:s14] =	stream.indirect.scatter.add.f32 @!p2 [tilespmem:s21], [sflag:$0x9], $0x10, s19, s20, $0xb8;
	[tilespmem:$0x1F800] =	vst v63  }
0x7c: {  	_ =	swait.ge @!p2 [sflag:s22], $0x2000  }
0x7d: {  	[sflag:s22] =	ssyncset.done @!p2 $0x0  }
0x7e: {  	s19 =	simm.s32 @!p2 $0x11880;
	[sflag:s22] =	ssyncadd.s32 @!p2 $0xFFFFE000;
	s22 =	simm.s32 @!p2 $0x18800  }
0x7f: {  	[spmem:s11] =	stream.indirect.scatter.add.f32 @!p2 [tilespmem:s22], [sflag:$0x6], $0x40, s19, s20, $0xb8;
	[tilespmem:$0x1F800] =	vst v63  }
0x80: {  	_ = 	snop  }
0x81: {  	[spmem:s14] =	stream.indirect.scatter.add.f32 @!p2 [tilespmem:s21], [sflag:$0x9], $0x10, s19, s20, $0xb8;
	[tilespmem:$0x1F800] =	vst v63  }
0x82: {  	p2 =	por !p1, !p1;
	_ =	swait.ge [sflag:s10], $0x2000  }
0x83: {  	p2 =	por @!p0 p1, p1;
	[sflag:s10] =	ssyncset.done $0x0  }
0x84: {  	s19 =	simm.s32 $0x11900;
	s20 =	simm.s32 @!p2 $0x4;
	[sflag:s10] =	ssyncadd.s32 $0xFFFFE000  }
0x85: {  	[spmem:s11] =	stream.indirect.scatter.add.f32 [tilespmem:s7], [sflag:$0x7], $0x40, s19, s5, $0xb8;
	[tilespmem:$0x1F800] =	vst v63  }
0x86: {  	_ =	swait.ge @!p2 [sflag:s20], $0x2000  }
0x87: {  	s21 =	simm.s32 @!p2 $0x1C800;
	[sflag:s20] =	ssyncset.done @!p2 $0x0  }
0x88: {  	s22 =	simm.s32 @!p2 $0x11980;
	[sflag:s20] =	ssyncadd.s32 @!p2 $0xFFFFE000;
	s20 =	simm.s32 @!p2 $0x80  }
0x89: {  	[spmem:s11] =	stream.indirect.scatter.add.f32 @!p2 [tilespmem:s21], [sflag:$0x8], $0x40, s22, s20, $0xb8;
	[tilespmem:$0x1F800] =	vst v63  }
0x8a: {  	s20 =	simm.s32 @p2 $0x80;
	s21 =	simm.s32 @p2 $0x1E800;
	s22 =	simm.s32 @p2 $0x4  }
0x8b: {  	[spmem:s14] =	stream.indirect.scatter.add.f32 @p2 [tilespmem:s21], [sflag:$0x9], $0x10, s19, s20, $0xb8;
	[tilespmem:$0x1F800] =	vst v63  }
0x8c: {  	_ =	swait.ge @p2 [sflag:s22], $0x2000  }
0x8d: {  	[sflag:s22] =	ssyncset.done @p2 $0x0  }
0x8e: {  	s19 =	simm.s32 @p2 $0x11980;
	[sflag:s22] =	ssyncadd.s32 @p2 $0xFFFFE000;
	s22 =	simm.s32 @p2 $0x1C800  }
0x8f: {  	[spmem:s11] =	stream.indirect.scatter.add.f32 @p2 [tilespmem:s22], [sflag:$0x8], $0x40, s19, s20, $0xb8;
	[tilespmem:$0x1F800] =	vst v63  }
0x90: {  	_ = 	snop  }
0x91: {  	[spmem:s14] =	stream.indirect.scatter.add.f32 @p2 [tilespmem:s21], [sflag:$0x9], $0x10, s19, s20, $0xb8;
	[tilespmem:$0x1F800] =	vst v63  }
0x92: {  	_ =	swait.ge [sflag:s13], $0x2000  }
0x93: {  	[sflag:s13] =	ssyncset.done $0x0  }
0x94: {  	s28 =	simm.s32 $0xCA00;
	[sflag:s13] =	ssyncadd.s32 $0xFFFFE000  }
0x95: {  	[tilespmem:s0], [sflag:$0x1] =	stream.indirect.gather [hbm4b:s16+s5], $0x40, s28, s5, $0xb8;
	[tilespmem:$0x1F800] =	vst v63  }
0x96: {  	_ =	swait.ge [sflag:s15], $0x2000  }
0x97: {  	[sflag:s15] =	ssyncset.done $0x0  }
0x98: {  	s29 =	simm.s32 $0xCA80;
	[sflag:s15] =	ssyncadd.s32 $0xFFFFE000  }
0x99: {  	[tilespmem:s6], [sflag:$0x2] =	stream.indirect.gather [hbm4b:s16+s5], $0x40, s29, s5, $0xb8;
	[tilespmem:$0x1F800] =	vst v63  }
0x9a: {  	_ =	swait.ge [sflag:s17], $0x2000  }
0x9b: {  	[sflag:s17] =	ssyncset.done $0x0  }
0x9c: {  	s30 =	simm.s32 $0xCB00;
	[sflag:s17] =	ssyncadd.s32 $0xFFFFE000  }
0x9d: {  	[tilespmem:s7], [sflag:$0x3] =	stream.indirect.gather [hbm4b:s16+s5], $0x40, s30, s5, $0xb8;
	[tilespmem:$0x1F800] =	vst v63  }
0x9e: {  	s19 =	simm.s32 $0x800;
	_ =	swait.ge [sflag:s18], $0x2000  }
0x9f: {  	s21 =	simm.s32 $0xCB80;
	s20 =	simm.s32 $0x1;
	[sflag:s18] =	ssyncset.done $0x0  }
.LBB2_2:
0xa0: {  	p3 =	sgt.u32 s20, $0x13  }
0xa1: {  	[sflag:s18] =	ssyncadd.s32 $0xFFFFE000;
	s22 =	smov.u32 s19;
	s23 =	simm.s32 $0x1  }
0xa2: {  	[tilespmem:s8], [sflag:$0x4] =	stream.indirect.gather [hbm4b:s16+s5], $0x40, s21, s5, $0xb8;
	[tilespmem:$0x1F800] =	vst v63  }
0xa3: {  	s21 =	sshra.s32 s19, $0x2;
	s23 =	simm.s32 @!p3 $0x0;
	_ =	swait.ge [sflag:s9], $0x2000  }
0xa4: {  	s24 =	sadd.s32 $0x11800, s21;
	p4 =	seq.s32 s12, s23;
	[sflag:s9] =	ssyncset.done $0x0  }
0xa5: {  	s23 =	simm.s32 @p4 $0x2;
	s25 =	sshra.s32 @p4 s19, $0x2;
	[sflag:s9] =	ssyncadd.s32 $0xFFFFE000  }
0xa6: {  	[spmem:s11] =	stream.indirect.scatter.add.f32 [tilespmem:s0], [sflag:$0x5], $0x40, s24, s5, $0xb8;
	[tilespmem:$0x1F800] =	vst v63  }
0xa7: {  	s26 =	sshra.s32 @!p4 s19, $0x2;
	s25 =	sadd.s32 @p4 $0x11880, s25;
	_ =	swait.ge @p4 [sflag:s23], $0x2000  }
0xa8: {  	s28 =	simm.s32 @p4 $0x80;
	s29 =	simm.s32 @p4 $0x18800;
	[sflag:s23] =	ssyncset.done @p4 $0x0  }
0xa9: {  	s30 =	simm.s32 @!p4 $0x1E800;
	[sflag:s23] =	ssyncadd.s32 @p4 $0xFFFFE000;
	s23 =	simm.s32 @!p4 $0x80  }
0xaa: {  	[spmem:s11] =	stream.indirect.scatter.add.f32 @p4 [tilespmem:s29], [sflag:$0x6], $0x40, s25, s28, $0xb8;
	[tilespmem:$0x1F800] =	vst v63  }
0xab: {  	p2 =	por !p3, !p3;
	s19 =	sadd.s32 $0x800, s19;
	s25 =	simm.s32 @!p4 $0x2  }
0xac: {  	[spmem:s14] =	stream.indirect.scatter.add.f32 @!p4 [tilespmem:s30], [sflag:$0x9], $0x10, s24, s23, $0xb8;
	[tilespmem:$0x1F800] =	vst v63  }
0xad: {  	p1 =	sne.s32 s19, $0x13800;
	_ =	swait.ge @!p4 [sflag:s25], $0x2000  }
0xae: {  	s24 =	sadd.s32 @!p4 $0x11880, s26;
	s26 =	simm.s32 @!p4 $0x18800;
	[sflag:s25] =	ssyncset.done @!p4 $0x0  }
0xaf: {  	[sflag:s25] =	ssyncadd.s32 @!p4 $0xFFFFE000  }
0xb0: {  	[spmem:s11] =	stream.indirect.scatter.add.f32 @!p4 [tilespmem:s26], [sflag:$0x6], $0x40, s24, s23, $0xb8;
	[tilespmem:$0x1F800] =	vst v63  }
0xb1: {  	_ = 	snop  }
0xb2: {  	[spmem:s14] =	stream.indirect.scatter.add.f32 @!p4 [tilespmem:s30], [sflag:$0x9], $0x10, s24, s23, $0xb8;
	[tilespmem:$0x1F800] =	vst v63  }
0xb3: {  	_ =	swait.ge [sflag:s10], $0x2000  }
0xb4: {  	p2 =	por @!p0 p3, p3;
	s23 =	sadd.s32 $0x11900, s21;
	[sflag:s10] =	ssyncset.done $0x0  }
0xb5: {  	s25 =	sshra.s32 @p2 s22, $0x2;
	s24 =	simm.s32 @!p2 $0x4;
	[sflag:s10] =	ssyncadd.s32 $0xFFFFE000  }
0xb6: {  	[spmem:s11] =	stream.indirect.scatter.add.f32 [tilespmem:s7], [sflag:$0x7], $0x40, s23, s5, $0xb8;
	[tilespmem:$0x1F800] =	vst v63  }
0xb7: {  	s22 =	sshra.s32 @!p2 s22, $0x2;
	s26 =	simm.s32 @!p2 $0x1C800;
	_ =	swait.ge @!p2 [sflag:s24], $0x2000  }
0xb8: {  	s28 =	simm.s32 @!p2 $0x80;
	s22 =	sadd.s32 @!p2 $0x11980, s22;
	[sflag:s24] =	ssyncset.done @!p2 $0x0  }
0xb9: {  	s29 =	simm.s32 @p2 $0x1E800;
	[sflag:s24] =	ssyncadd.s32 @!p2 $0xFFFFE000;
	s24 =	simm.s32 @p2 $0x80  }
0xba: {  	[spmem:s11] =	stream.indirect.scatter.add.f32 @!p2 [tilespmem:s26], [sflag:$0x8], $0x40, s22, s28, $0xb8;
	[tilespmem:$0x1F800] =	vst v63  }
0xbb: {  	s22 =	simm.s32 @p2 $0x4  }
0xbc: {  	[spmem:s14] =	stream.indirect.scatter.add.f32 @p2 [tilespmem:s29], [sflag:$0x9], $0x10, s23, s24, $0xb8;
	[tilespmem:$0x1F800] =	vst v63  }
0xbd: {  	_ =	swait.ge @p2 [sflag:s22], $0x2000  }
0xbe: {  	s23 =	sadd.s32 @p2 $0x11980, s25;
	s25 =	simm.s32 @p2 $0x1C800;
	[sflag:s22] =	ssyncset.done @p2 $0x0  }
0xbf: {  	[sflag:s22] =	ssyncadd.s32 @p2 $0xFFFFE000  }
0xc0: {  	[spmem:s11] =	stream.indirect.scatter.add.f32 @p2 [tilespmem:s25], [sflag:$0x8], $0x40, s23, s24, $0xb8;
	[tilespmem:$0x1F800] =	vst v63  }
0xc1: {  	_ = 	snop  }
0xc2: {  	[spmem:s14] =	stream.indirect.scatter.add.f32 @p2 [tilespmem:s29], [sflag:$0x9], $0x10, s23, s24, $0xb8;
	[tilespmem:$0x1F800] =	vst v63  }
0xc3: {  	_ =	swait.ge [sflag:s13], $0x2000  }
0xc4: {  	s22 =	sadd.s32 $0xCA00, s21;
	[sflag:s13] =	ssyncset.done $0x0  }
0xc5: {  	[sflag:s13] =	ssyncadd.s32 $0xFFFFE000  }
0xc6: {  	[tilespmem:s0], [sflag:$0x1] =	stream.indirect.gather [hbm4b:s16+s5], $0x40, s22, s5, $0xb8;
	[tilespmem:$0x1F800] =	vst v63  }
0xc7: {  	_ =	swait.ge [sflag:s15], $0x2000  }
0xc8: {  	s22 =	sadd.s32 $0xCA80, s21;
	[sflag:s15] =	ssyncset.done $0x0  }
0xc9: {  	[sflag:s15] =	ssyncadd.s32 $0xFFFFE000  }
0xca: {  	[tilespmem:s6], [sflag:$0x2] =	stream.indirect.gather [hbm4b:s16+s5], $0x40, s22, s5, $0xb8;
	[tilespmem:$0x1F800] =	vst v63  }
0xcb: {  	_ =	swait.ge [sflag:s17], $0x2000  }
.Ltmp0:
0xcc: {  	s22 =	sadd.s32 $0xCB00, s21;
	[sflag:s17] =	ssyncset.done $0x0;
	(pc) =	sbr.rel @p1 .LBB2_2-.Ltmp0, $4  }
0xcd: {  	[sflag:s17] =	ssyncadd.s32 $0xFFFFE000  }
0xce: {  	[tilespmem:s7], [sflag:$0x3] =	stream.indirect.gather [hbm4b:s16+s5], $0x40, s22, s5, $0xb8;
	[tilespmem:$0x1F800] =	vst v63  }
0xcf: {  	_ =	swait.ge [sflag:s18], $0x2000  }
0xd0: {  	s20 =	sadd.s32 $0x1, s20;
	s21 =	sadd.s32 $0xCB80, s21;
	[sflag:s18] =	ssyncset.done $0x0  }
0xd1: {  	[sflag:s18] =	ssyncadd.s32 $0xFFFFE000  }
0xd2: {  	[tilespmem:s8], [sflag:$0x4] =	stream.indirect.gather [hbm4b:s16+s5], $0x40, s21, s5, $0xb8;
	[tilespmem:$0x1F800] =	vst v63  }
0xd3: {  	_ =	swait.ge [sflag:s9], $0x2000  }
0xd4: {  	[sflag:s9] =	ssyncset.done $0x0  }
0xd5: {  	s12 =	simm.s32 $0x16600;
	[sflag:s9] =	ssyncadd.s32 $0xFFFFE000  }
0xd6: {  	[spmem:s11] =	stream.indirect.scatter.add.f32 [tilespmem:s0], [sflag:$0x5], $0x40, s12, s5, $0xb8;
	[tilespmem:$0x1F800] =	vst v63  }
0xd7: {  	s12 =	simm.s32 @p0 $0x2  }
0xd8: {  	_ =	swait.ge @p0 [sflag:s12], $0x2000  }
0xd9: {  	s19 =	simm.s32 @p0 $0x16680;
	[sflag:s12] =	ssyncset.done @p0 $0x0  }
0xda: {  	s20 =	simm.s32 @p0 $0x18800;
	[sflag:s12] =	ssyncadd.s32 @p0 $0xFFFFE000;
	s12 =	simm.s32 @p0 $0x80  }
0xdb: {  	[spmem:s11] =	stream.indirect.scatter.add.f32 @p0 [tilespmem:s20], [sflag:$0x6], $0x40, s19, s12, $0xb8;
	[tilespmem:$0x1F800] =	vst v63  }
0xdc: {  	s21 =	simm.s32 @!p0 $0x1E800;
	s19 =	simm.s32 @!p0 $0x80;
	s20 =	simm.s32 @!p0 $0x16600  }
0xdd: {  	[spmem:s14] =	stream.indirect.scatter.add.f32 @!p0 [tilespmem:s21], [sflag:$0x9], $0x10, s20, s19, $0xb8;
	[tilespmem:$0x1F800] =	vst v63  }
0xde: {  	s20 =	simm.s32 @!p0 $0x2  }
0xdf: {  	_ =	swait.ge @!p0 [sflag:s20], $0x2000  }
0xe0: {  	[sflag:s20] =	ssyncset.done @!p0 $0x0  }
0xe1: {  	s22 =	simm.s32 @!p0 $0x18800;
	[sflag:s20] =	ssyncadd.s32 @!p0 $0xFFFFE000;
	s20 =	simm.s32 @!p0 $0x16680  }
0xe2: {  	[spmem:s11] =	stream.indirect.scatter.add.f32 @!p0 [tilespmem:s22], [sflag:$0x6], $0x40, s20, s19, $0xb8;
	[tilespmem:$0x1F800] =	vst v63  }
0xe3: {  	_ = 	snop  }
0xe4: {  	[spmem:s14] =	stream.indirect.scatter.add.f32 @!p0 [tilespmem:s21], [sflag:$0x9], $0x10, s20, s19, $0xb8;
	[tilespmem:$0x1F800] =	vst v63  }
0xe5: {  	_ =	swait.ge [sflag:s10], $0x2000  }
0xe6: {  	[sflag:s10] =	ssyncset.done $0x0  }
0xe7: {  	s30 =	simm.s32 $0x16700;
	s20 =	simm.s32 @p0 $0x4;
	[sflag:s10] =	ssyncadd.s32 $0xFFFFE000  }
0xe8: {  	[spmem:s11] =	stream.indirect.scatter.add.f32 [tilespmem:s7], [sflag:$0x7], $0x40, s30, s5, $0xb8;
	[tilespmem:$0x1F800] =	vst v63  }
0xe9: {  	_ =	swait.ge @p0 [sflag:s20], $0x2000  }
0xea: {  	[sflag:s20] =	ssyncset.done @p0 $0x0  }
0xeb: {  	s22 =	simm.s32 @p0 $0x1C800;
	[sflag:s20] =	ssyncadd.s32 @p0 $0xFFFFE000;
	s20 =	simm.s32 @p0 $0x16780  }
0xec: {  	[spmem:s11] =	stream.indirect.scatter.add.f32 @p0 [tilespmem:s22], [sflag:$0x8], $0x40, s20, s12, $0xb8;
	[tilespmem:$0x1F800] =	vst v63  }
0xed: {  	s12 =	simm.s32 @!p0 $0x16700  }
0xee: {  	[spmem:s14] =	stream.indirect.scatter.add.f32 @!p0 [tilespmem:s21], [sflag:$0x9], $0x10, s12, s19, $0xb8;
	[tilespmem:$0x1F800] =	vst v63  }
0xef: {  	s12 =	simm.s32 @!p0 $0x4  }
0xf0: {  	_ =	swait.ge @!p0 [sflag:s12], $0x2000  }
0xf1: {  	[sflag:s12] =	ssyncset.done @!p0 $0x0  }
0xf2: {  	s20 =	simm.s32 @!p0 $0x1C800;
	[sflag:s12] =	ssyncadd.s32 @!p0 $0xFFFFE000;
	s12 =	simm.s32 @!p0 $0x16780  }
0xf3: {  	[spmem:s11] =	stream.indirect.scatter.add.f32 @!p0 [tilespmem:s20], [sflag:$0x8], $0x40, s12, s19, $0xb8;
	[tilespmem:$0x1F800] =	vst v63  }
0xf4: {  	_ = 	snop  }
0xf5: {  	[spmem:s14] =	stream.indirect.scatter.add.f32 @!p0 [tilespmem:s21], [sflag:$0x9], $0x10, s12, s19, $0xb8;
	[tilespmem:$0x1F800] =	vst v63  }
0xf6: {  	_ =	swait.ge [sflag:s13], $0x2000  }
0xf7: {  	[sflag:s13] =	ssyncset.done $0x0  }
0xf8: {  	[sflag:s13] =	ssyncadd.s32 $0xFFFFE000  }
0xf9: {  	_ =	swait.ge [sflag:s15], $0x2000  }
0xfa: {  	[sflag:s15] =	ssyncset.done $0x0  }
0xfb: {  	[sflag:s15] =	ssyncadd.s32 $0xFFFFE000  }
0xfc: {  	_ =	swait.ge [sflag:s17], $0x2000  }
0xfd: {  	[sflag:s17] =	ssyncset.done $0x0  }
0xfe: {  	[sflag:s17] =	ssyncadd.s32 $0xFFFFE000  }
0xff: {  	_ =	swait.ge [sflag:s18], $0x2000  }
0x100: {  	[sflag:s18] =	ssyncset.done $0x0  }
0x101: {  	[sflag:s18] =	ssyncadd.s32 $0xFFFFE000  }
0x102: {  	_ =	swait.ge [sflag:s4], $0x800  }
0x103: {  	s12 =	simm.s32 $0x4F;
	[sflag:s4] =	ssyncset.done $0x0  }
.LBB2_4:
0x104: {  	p1 =	sne.s32 s12, $0x1;
	s12 =	sadd.s32 $0xFFFFFFFF, s12;
	[sflag:s4] =	ssyncadd.s32 $0xFFFFF800  }
.Ltmp1:
0x105: {  	(pc) =	sbr.rel @p1 .LBB2_4-.Ltmp1, $3  }
0x106: {  	_ =	sdelay $0x1  }
0x107: {  	_ =	swait.ge [sflag:s4], $0x800  }
0x108: {  	[sflag:s4] =	ssyncset.done $0x0  }
0x109: {  	[sflag:s4] =	ssyncadd.s32 $0xFFFFF800  }
0x10a: {  	[bflag:$0x0] =	sbarrier.arrive $0xFFFF  }
0x10b: {  	s19 =	rddreg [dreg:$0x11]  }
0x10c: {  	[tilespmem:s0], [sflag:$0xA] =	stream.linear.gather [spmem:s19], $0x2000, $0x38;
	[tilespmem:$0x1F800] =	vst v63  }
0x10d: {  	_ =	swait.ge [sflag:s1], $0x2000  }
0x10e: {  	[sflag:s1] =	ssyncset.done $0x0  }
0x10f: {  	s24 =	simm.s32 $0x40;
	s12 =	rddreg [dreg:$0x5];
	[sflag:s1] =	ssyncadd.s32 $0xFFFFE000  }
0x110: {  	[hbm4b:s12+s24] =	stream.strided.scatter [tilespmem:s0], [sflag:$0x1], $0x2000, s5, s24, $0x38;
	[tilespmem:$0x1F800] =	vst v63  }
0x111: {  	s20 =	rddreg [dreg:$0x12]  }
0x112: {  	[tilespmem:s6], [sflag:$0xA] =	stream.linear.gather [spmem:s20], $0x2000, $0x38;
	[tilespmem:$0x1F800] =	vst v63  }
0x113: {  	_ =	swait.ge [sflag:s1], $0x2000  }
0x114: {  	[sflag:s1] =	ssyncset.done $0x0  }
0x115: {  	s22 =	rddreg [dreg:$0x6];
	[sflag:s1] =	ssyncadd.s32 $0xFFFFE000  }
0x116: {  	[hbm4b:s22+s24] =	stream.strided.scatter [tilespmem:s6], [sflag:$0x2], $0x2000, s5, s24, $0x38;
	[tilespmem:$0x1F800] =	vst v63  }
0x117: {  	s21 =	rddreg [dreg:$0x13]  }
0x118: {  	[tilespmem:s7], [sflag:$0xA] =	stream.linear.gather [spmem:s21], $0x2000, $0x38;
	[tilespmem:$0x1F800] =	vst v63  }
0x119: {  	_ =	swait.ge [sflag:s1], $0x2000  }
0x11a: {  	[sflag:s1] =	ssyncset.done $0x0  }
0x11b: {  	s23 =	rddreg [dreg:$0x7];
	[sflag:s1] =	ssyncadd.s32 $0xFFFFE000  }
0x11c: {  	[hbm4b:s23+s24] =	stream.strided.scatter [tilespmem:s7], [sflag:$0x3], $0x2000, s5, s24, $0x38;
	[tilespmem:$0x1F800] =	vst v63  }
0x11d: {  	s22 =	rddreg [dreg:$0x14]  }
0x11e: {  	[tilespmem:s8], [sflag:$0xA] =	stream.linear.gather [spmem:s22], $0x2000, $0x38;
	[tilespmem:$0x1F800] =	vst v63  }
0x11f: {  	_ =	swait.ge [sflag:s1], $0x2000  }
0x120: {  	[sflag:s1] =	ssyncset.done $0x0  }
0x121: {  	s25 =	rddreg [dreg:$0x8];
	[sflag:s1] =	ssyncadd.s32 $0xFFFFE000  }
0x122: {  	[hbm4b:s25+s24] =	stream.strided.scatter [tilespmem:s8], [sflag:$0x4], $0x2000, s5, s24, $0x38;
	[tilespmem:$0x1F800] =	vst v63  }
0x123: {  	_ =	swait.ge [sflag:s9], $0x2000  }
0x124: {  	[sflag:s9] =	ssyncset.done $0x0  }
0x125: {  	s23 =	rddreg [dreg:$0x15];
	[sflag:s9] =	ssyncadd.s32 $0xFFFFE000  }
0x126: {  	[tilespmem:s0], [sflag:$0xA] =	stream.linear.gather [spmem:s23], $0x2000, $0x38;
	[tilespmem:$0x1F800] =	vst v63  }
0x127: {  	_ =	swait.ge [sflag:s1], $0x2000  }
0x128: {  	[sflag:s1] =	ssyncset.done $0x0  }
0x129: {  	s30 =	simm.s32 $0x2;
	s26 =	rddreg [dreg:$0x9];
	[sflag:s1] =	ssyncadd.s32 $0xFFFFE000  }
0x12a: {  	[hbm4b:s26+s24] =	stream.strided.scatter [tilespmem:s0], [sflag:$0x1], $0x2000, s5, s24, $0x38;
	[tilespmem:$0x1F800] =	vst v63  }
0x12b: {  	_ =	swait.ge [sflag:s30], $0x2000  }
0x12c: {  	[sflag:s30] =	ssyncset.done $0x0  }
0x12d: {  	[sflag:s30] =	ssyncadd.s32 $0xFFFFE000  }
0x12e: {  	_ =	swait.ge [sflag:s10], $0x2000  }
0x12f: {  	[sflag:s10] =	ssyncset.done $0x0  }
0x130: {  	s24 =	simm.s32 $0x4;
	[sflag:s10] =	ssyncadd.s32 $0xFFFFE000  }
0x131: {  	_ =	swait.ge [sflag:s24], $0x2000  }
0x132: {  	[sflag:s24] =	ssyncset.done $0x0  }
0x133: {  	[sflag:s24] =	ssyncadd.s32 $0xFFFFE000  }
0x134: {  	_ =	swait.ge [sflag:s9], $0x2000  }
0x135: {  	[sflag:s9] =	ssyncset.done $0x0  }
0x136: {  	s24 =	rddreg [dreg:$0x16];
	[sflag:s9] =	ssyncadd.s32 $0xFFFFE000  }
0x137: {  	[tilespmem:s3], [sflag:$0xA] =	stream.linear.gather [spmem:s24], $0x800, $0x38;
	[tilespmem:$0x1F800] =	vst v63  }
0x138: {  	_ =	swait.ge [sflag:s1], $0x800  }
0x139: {  	[sflag:s1] =	ssyncset.done $0x0  }
0x13a: {  	s25 =	rddreg [dreg:$0xa];
	[sflag:s1] =	ssyncadd.s32 $0xFFFFF800  }
0x13b: {  	[hbm4b:s25+s2] =	stream.linear.scatter [tilespmem:s3], [sflag:$0xA], $0x800, $0x38;
	[tilespmem:$0x1F800] =	vst v63  }
0x13c: {  	_ =	swait.ge [sflag:s1], $0x800  }
0x13d: {  	[sflag:s1] =	ssyncset.done $0x0  }
0x13e: {  	s25 =	rddreg [dreg:$0x17];
	[sflag:s1] =	ssyncadd.s32 $0xFFFFF800  }
0x13f: {  	[tilespmem:s3], [sflag:$0xA] =	stream.linear.gather [spmem:s25], $0x800, $0x38;
	[tilespmem:$0x1F800] =	vst v63  }
0x140: {  	_ =	swait.ge [sflag:s1], $0x800  }
0x141: {  	[sflag:s1] =	ssyncset.done $0x0  }
0x142: {  	s26 =	rddreg [dreg:$0xb];
	[sflag:s1] =	ssyncadd.s32 $0xFFFFF800  }
0x143: {  	[hbm4b:s26+s2] =	stream.linear.scatter [tilespmem:s3], [sflag:$0xA], $0x800, $0x38;
	[tilespmem:$0x1F800] =	vst v63  }
0x144: {  	_ =	swait.ge [sflag:s1], $0x800  }
0x145: {  	[sflag:s1] =	ssyncset.done $0x0  }
0x146: {  	s26 =	rddreg [dreg:$0x18];
	[sflag:s1] =	ssyncadd.s32 $0xFFFFF800  }
0x147: {  	[tilespmem:s3], [sflag:$0xA] =	stream.linear.gather [spmem:s26], $0x800, $0x38;
	[tilespmem:$0x1F800] =	vst v63  }
0x148: {  	_ =	swait.ge [sflag:s1], $0x800  }
0x149: {  	[sflag:s1] =	ssyncset.done $0x0  }
0x14a: {  	s30 =	rddreg [dreg:$0xc];
	[sflag:s1] =	ssyncadd.s32 $0xFFFFF800  }
0x14b: {  	[hbm4b:s30+s2] =	stream.linear.scatter [tilespmem:s3], [sflag:$0xA], $0x800, $0x38;
	[tilespmem:$0x1F800] =	vst v63  }
0x14c: {  	_ =	swait.ge [sflag:s1], $0x800  }
0x14d: {  	[sflag:s1] =	ssyncset.done $0x0  }
0x14e: {  	s28 =	rddreg [dreg:$0x19];
	[sflag:s1] =	ssyncadd.s32 $0xFFFFF800  }
0x14f: {  	[tilespmem:s3], [sflag:$0xA] =	stream.linear.gather [spmem:s28], $0x800, $0x38;
	[tilespmem:$0x1F800] =	vst v63  }
0x150: {  	_ =	swait.ge [sflag:s1], $0x800  }
0x151: {  	[sflag:s1] =	ssyncset.done $0x0  }
0x152: {  	s30 =	rddreg [dreg:$0xd];
	[sflag:s1] =	ssyncadd.s32 $0xFFFFF800  }
0x153: {  	[hbm4b:s30+s2] =	stream.linear.scatter [tilespmem:s3], [sflag:$0xA], $0x800, $0x38;
	[tilespmem:$0x1F800] =	vst v63  }
0x154: {  	_ =	swait.ge [sflag:s1], $0x800  }
0x155: {  	[sflag:s1] =	ssyncset.done $0x0  }
0x156: {  	s29 =	rddreg [dreg:$0x1a];
	[sflag:s1] =	ssyncadd.s32 $0xFFFFF800  }
0x157: {  	[tilespmem:s3], [sflag:$0xA] =	stream.linear.gather [spmem:s29], $0x800, $0x38;
	[tilespmem:$0x1F800] =	vst v63  }
0x158: {  	_ =	swait.ge [sflag:s1], $0x800  }
0x159: {  	[sflag:s1] =	ssyncset.done $0x0  }
0x15a: {  	s30 =	rddreg [dreg:$0xe];
	[sflag:s1] =	ssyncadd.s32 $0xFFFFF800  }
0x15b: {  	[hbm4b:s30+s2] =	stream.linear.scatter [tilespmem:s3], [sflag:$0xA], $0x800, $0x38;
	[tilespmem:$0x1F800] =	vst v63  }
0x15c: {  	_ =	swait.ge [sflag:s1], $0x800  }
0x15d: {  	s31 =	sadd.s32 $0x1, s31;
	s30 =	rddreg [dreg:$0x1d]  }
0x15e: {  	p1 =	sne.s32 s31, s30  }
.Ltmp2:
0x15f: {  	_ = 	snop;
	(pc) =	sbr.rel @p1 .LBB2_1-.Ltmp2, $3  }
0x160: {  	_ =	sdelay $0x1  }
0x161: {  	[sflag:s1] =	ssyncset.done $0x0  }
0x162: {  	[sflag:s1] =	ssyncadd.s32 $0xFFFFF800  }
0x163: {  	_ =	sfence.sel $0x180000  }
0x164: {  	[bflag:$0x0] =	sbarrier.arrive $0xFFFF  }
0x165: {  	_ =	strace $0x90000047  }
0x166: {  	s0 =	stileid.u32;
	[bflag:$0x2] =	sbarrier.arrive $0xFFFF  }
0x167: {  	p0 =	sne.s32 s0, $0x0;
	s0 =	rddreg [dreg:$0x4]  }
0x168: {  	s0 =	sadd.s32 @!p0 $0x100000, s0  }
0x169: {  	[sflag:s0] =	ssyncadd.tile.s32 @!p0 $0x1;
	_ =	shalt  }
.Lfunc_end2:
_tile_overlayer_lowered:
.L_overlay_start_2:
0x16a: {  	(tag) =	ssettag $0x2  }
0x16b: {  	s0 =	rddreg [dreg:$0x0];
	s2 =	stileid.u32  }
0x16c: {  	s1 =	rddreg [dreg:$0x1];
	p0 =	sne.s32 s2, $0x0  }
0x16d: {  	s3 =	rddreg [dreg:$0x2];
	[bflag:$0x3] =	sbarrier.arrive $0xFFFF;
	s2 =	simm.s32 @!p0 $0x1C0A  }
0x16e: {  	[timem:s3], [sflag:s2] =	dma.local @!p0 [hbm:s0], s1  }
0x16f: {  	s0 =	simm.s32 @!p0 $0xA  }
0x170: {  	_ =	swait.ge @!p0 [sflag:s0], s1  }
0x171: {  	s1 =	ssub.s32 @!p0 $0x0, s1;
	[sflag:s0] =	ssyncset.done @!p0 $0x0  }
0x172: {  	[sflag:s0] =	ssyncadd.s32 @!p0 s1  }
0x173: {  	[bflag:$0x3] =	sbarrier.arrive $0xFFFF  }
0x174: {  	_ =	shalt  }

// kernel: kernel.9.cloned.1.call-start
scs
__scs_entry_jumppad:
0x0: {  	(pc) =	sbr.rel $0x88, $3  }
0x1: {  	(tag) =	ssettag $0x0;
	lr =	simm.s32 $0x1  }
0x2: {  	[smem:$0x3F97] =	sst lr;
	_ =	strace $0xD0000000  }
0x3: {  	_ = 	snop  }
0x4: {  	_ = 	snop  }
0x5: {  	_ = 	snop  }
0x6: {  	_ = 	snop  }
0x7: {  	_ = 	snop  }
__scs_overlays_trampoline_lowered:
0x8: {  	[smem:$0x3FA6] =	sst s0  }
0x9: {  	[smem:$0x3FA7] =	sst s1  }
0xa: {  	[smem:$0x3FA8] =	sst s2  }
0xb: {  	[smem:$0x3FA9] =	sst s3  }
0xc: {  	[smem:$0x3FAA] =	sst s4  }
0xd: {  	[smem:$0x3FAB] =	sst s5  }
0xe: {  	[smem:$0x3FAC] =	sst s6  }
0xf: {  	[smem:$0x3FAD] =	sst s7  }
0x10: {  	[smem:$0x3FAE] =	sst s8  }
0x11: {  	[smem:$0x3FAF] =	sst s9;
	s0 =	simm.s32 @!p0 $0x0  }
0x12: {  	s1 =	sld [smem:$0x3F95];
	s0 =	simm.s32 @p0 $0x1  }
0x13: {  	[smem:$0x3FB0] =	sst s0;
	s0 =	simm.s32 @!p1 $0x0  }
0x14: {  	s2 =	sld [smem:$0x3F94];
	s0 =	simm.s32 @p1 $0x1  }
0x15: {  	[smem:$0x3FB1] =	sst s0;
	s0 =	simm.s32 @!p2 $0x0  }
0x16: {  	s3 =	sld [smem:$0x3FDB];
	s0 =	simm.s32 @p2 $0x1  }
0x17: {  	s4 =	simm.s32 $0x1BF5;
	[smem:$0x3FB3] =	sst s0  }
0x18: {  	s0 =	sld [smem:$0x3F96];
	_ =	swait.ge [sflag:s4], $0x0  }
0x19: {  	s7 =	sld [smem:$0x3F97]  }
0x1a: {  	s8 =	sadd.s32 $0xFFFFE003, lr  }
0x1b: {  	s9 =	sadd.s32 $0xFFFFFEF7, lr;
	s5 =	simm.s32 $0xFFFFFFFF;
	p2 =	slt.u32 s8, $0xFFFFF086  }
0x1c: {  	p1 =	slt.u32 s9, $0xF7A;
	s5 =	simm.s32 @!p2 $0x0  }
0x1d: {  	s5 =	simm.s32 @p1 $0x1;
	p0 =	seq.s32 s7, s2  }
0x1e: {  	s7 =	smul.u32 @!p0 $0xF7A, s2;
	p2 =	seq.s32 @!p0 s5, $0x0  }
0x1f: {  	s9 =	smul.u32 $0xF7A, s1;
	s8 =	simm.s32 @!p0 $0x1BF5;
	p2 =	por !p2, p0  }
0x20: {  	[sflag:s8] =	ssyncset.s32 @!p0 $0xFFFFF086;
	s6 =	sadd.s32 @!p0 s3, s7;
	s7 =	simm.s32 @!p0 $0x108  }
0x21: {  	s3 =	sadd.s32 s3, s9;
	s6 =	sadd.s32 @!p0 $0x88, s6;
	s7 =	simm.s32 @p2 $0x1082  }
0x22: {  	[simem:s7], [sflag:s8] =	dma.local @!p0 [hbm:s6], $0xF7A  }
0x23: {  	s9 =	sor.u32 $0xD0000000, s2;
	s6 =	simm.s32 $0x108;
	_ =	swait.ge @!p0 [sflag:s8], $0x0  }
0x24: {  	s3 =	sadd.s32 $0x88, s3;
	s6 =	simm.s32 @!p1 $0x1082;
	[sflag:s4] =	ssyncset.s32 $0xFFFFF086  }
0x25: {  	[simem:s6], [sflag:s4] =	dma.local [hbm:s3], $0xF7A  }
0x26: {  	[smem:$0x3F97] =	sst s1;
	(tag) =	ssettag s2;
	_ =	strace s9  }
0x27: {  	s1 =	sld [smem:$0x3FA7]  }
0x28: {  	s2 =	sld [smem:$0x3FA8]  }
0x29: {  	s4 =	sld [smem:$0x3FAA]  }
0x2a: {  	p0 =	seq.s32 s5, $0x0;
	s5 =	sld [smem:$0x3FAB]  }
0x2b: {  	s6 =	sld [smem:$0x3FAC]  }
0x2c: {  	s7 =	sld [smem:$0x3FAD]  }
0x2d: {  	s3 =	simm.s32 $0x108;
	s8 =	sld [smem:$0x3FAE]  }
0x2e: {  	s3 =	simm.s32 @!p0 $0x1082;
	s9 =	sld [smem:$0x3FAF]  }
0x2f: {  	lr =	sadd.s32 s0, s3;
	s0 =	sld [smem:$0x3FA6]  }
0x30: {  	s3 =	sld [smem:$0x3FA9]  }
0x31: {  	[smem:$0x3FB2] =	sst s10  }
0x32: {  	s10 =	sld [smem:$0x3FB0];
	_ =	sdelay $0x3  }
0x33: {  	p0 =	seq.s32 s10, $0x1;
	s10 =	sld [smem:$0x3FB2];
	_ =	sdelay $0x3  }
0x34: {  	[smem:$0x3FB2] =	sst s10  }
0x35: {  	s10 =	sld [smem:$0x3FB1];
	_ =	sdelay $0x3  }
0x36: {  	p1 =	seq.s32 s10, $0x1;
	s10 =	sld [smem:$0x3FB2];
	_ =	sdelay $0x3  }
0x37: {  	[smem:$0x3FB2] =	sst s10  }
0x38: {  	s10 =	sld [smem:$0x3FB3]  }
0x39: {  	_ = 	snop;
	(pc) =	sbr.ind lr, $3  }
0x3a: {  	_ = 	snop  }
0x3b: {  	_ = 	snop  }
0x3c: {  	p2 =	seq.s32 s10, $0x1;
	s10 =	sld [smem:$0x3FB2]  }
0x3d: {  	_ =	shalt  }
0x3e: {  	_ =	shalt  }
0x3f: {  	_ =	shalt  }
0x40: {  	_ =	shalt  }
0x41: {  	_ =	shalt  }
0x42: {  	_ =	shalt  }
0x43: {  	_ =	shalt  }
0x44: {  	_ =	shalt  }
0x45: {  	_ =	shalt  }
0x46: {  	_ =	shalt  }
0x47: {  	_ =	shalt  }
0x48: {  	_ =	shalt  }
0x49: {  	_ =	shalt  }
0x4a: {  	_ =	shalt  }
0x4b: {  	_ =	shalt  }
0x4c: {  	_ =	shalt  }
0x4d: {  	_ =	shalt  }
0x4e: {  	_ =	shalt  }
0x4f: {  	_ =	shalt  }
0x50: {  	_ =	shalt  }
0x51: {  	_ =	shalt  }
0x52: {  	_ =	shalt  }
0x53: {  	_ =	shalt  }
0x54: {  	_ =	shalt  }
0x55: {  	_ =	shalt  }
0x56: {  	_ =	shalt  }
0x57: {  	_ =	shalt  }
0x58: {  	_ =	shalt  }
0x59: {  	_ =	shalt  }
0x5a: {  	_ =	shalt  }
0x5b: {  	_ =	shalt  }
0x5c: {  	_ =	shalt  }
0x5d: {  	_ =	shalt  }
0x5e: {  	_ =	shalt  }
0x5f: {  	_ =	shalt  }
0x60: {  	_ =	shalt  }
0x61: {  	_ =	shalt  }
0x62: {  	_ =	shalt  }
0x63: {  	_ =	shalt  }
0x64: {  	_ =	shalt  }
0x65: {  	_ =	shalt  }
0x66: {  	_ =	shalt  }
0x67: {  	_ =	shalt  }
0x68: {  	_ =	shalt  }
0x69: {  	_ =	shalt  }
0x6a: {  	_ =	shalt  }
0x6b: {  	_ =	shalt  }
0x6c: {  	_ =	shalt  }
0x6d: {  	_ =	shalt  }
0x6e: {  	_ =	shalt  }
0x6f: {  	_ =	shalt  }
0x70: {  	_ =	shalt  }
0x71: {  	_ =	shalt  }
0x72: {  	_ =	shalt  }
0x73: {  	_ =	shalt  }
0x74: {  	_ =	shalt  }
0x75: {  	_ =	shalt  }
0x76: {  	_ =	shalt  }
0x77: {  	_ =	shalt  }
0x78: {  	_ =	shalt  }
0x79: {  	_ =	shalt  }
0x7a: {  	_ =	shalt  }
0x7b: {  	_ =	shalt  }
0x7c: {  	_ =	shalt  }
0x7d: {  	_ =	shalt  }
0x7e: {  	_ =	shalt  }
0x7f: {  	_ =	shalt  }
0x80: {  	_ =	shalt  }
0x81: {  	_ =	shalt  }
0x82: {  	_ =	shalt  }
0x83: {  	_ =	shalt  }
0x84: {  	_ =	shalt  }
0x85: {  	_ =	shalt  }
0x86: {  	_ =	shalt  }
0x87: {  	_ =	shalt  }
.Lfunc_end0:
.L_simem_size_0:
called_computation.1_lowered:
.L_overlay_start_0:
0x88: {  	s2 =	sld [smem:$0x3FD9]  }
0x89: {  	s3 =	sld [smem:$0x3FFE];
	_ =	sdelay $0x1  }
0x8a: {  	s1 =	srdreg.scid  }
0x8b: {  	s0 =	sand.u32 $0x1, s1  }
0x8c: {  	s17 =	sshll.u32 s0, $0xA;
	s2 =	sadd.s32 s3, s2  }
0x8d: {  	s2 =	sadd.s32 s2, s17  }
0x8e: {  	[smem:$0x3FBE] =	sst s2  }
0x8f: {  	_ = 	snop  }
0x90: {  	s2 =	sld [smem:$0x3FD0];
	(tm) =	ssettm $0x1  }
0x91: {  	s18 =	sld [smem:$0x3FFB];
	_ =	sdelay $0x3  }
0x92: {  	_ =	strace s18  }
0x93: {  	s3 =	sld [smem:$0x3FFC];
	_ =	sdelay $0x3  }
0x94: {  	_ =	strace s3  }
0x95: {  	s3 =	sld [smem:$0x3FFD];
	_ =	sdelay $0x3  }
0x96: {  	_ =	strace s3  }
0x97: {  	_ =	strace $0x8FFFFFFF  }
0x98: {  	s19 =	sld [smem:$0x3FDB];
	_ =	sdelay $0x1  }
0x99: {  	s4 =	simm.s32 $_scs_section_size  }
0x9a: {  	s5 =	simm.s32 $_size__tile_overlayer_lowered;
	s6 =	simm.s32 $_tile_overlayer_lowered  }
0x9b: {  	s22 =	simm.s32 $0x1BFF;
	s21 =	sshll.u32 s6, $0x1;
	s3 =	sadd.s32 s4, s19  }
0x9c: {  	s7 =	simm.s32 $0x0;
	s20 =	sshll.u32 s5, $0x1;
	s5 =	sadd.s32 s21, s3  }
0x9d: {  	[timem:s7], [sflag:s22] =	dma.local [hbm:s5], s20  }
0x9e: {  	_ =	swait.ge [sflag:s22], s20  }
0x9f: {  	s4 =	ssub.s32 $0x0, s20;
	[sflag:s22] =	ssyncset.done $0x0  }
0xa0: {  	[sflag:s22] =	ssyncadd.s32 s4;
	_ =	sdelay $0x1  }
0xa1: {  	s23 =	simm.s32 $0x1B8B  }
0xa2: {  	_ =	swait.ge [sflag:s23], $0x1  }
0xa3: {  	[sflag:s23] =	ssyncset.done $0x0  }
0xa4: {  	s25 =	simm.s32 $0x1B8E;
	s24 =	sld [smem:$0x3FFE];
	[sflag:s23] =	ssyncadd.s32 $0xFFFFFFFF  }
0xa5: {  	s26 =	simm.s32 $execute0_lowered;
	[smem:$0x3FD2] =	sst s25  }
0xa6: {  	s5 =	sshll.u32 s26, $0x1;
	_ =	strace $0x80000049;
	[dreg:$0x1] =	wrdreg $0xFFFFFFFF  }
0xa7: {  	s28 =	simm.s32 $_size_execute0_lowered;
	s3 =	sadd.s32 s3, s5;
	[dreg:$0x0] =	wrdreg $0x0  }
0xa8: {  	s5 =	sshll.u32 s28, $0x1;
	[dreg:$0x2] =	wrdreg s3  }
0xa9: {  	[dreg:$0x3] =	wrdreg s5  }
0xaa: {  	[dreg:$0x4] =	wrdreg $0xC0  }
0xab: {  	_ =	task [dreg:s7], $0x5FFFF  }
0xac: {  	[dreg:$0x1] =	wrdreg $0xFFFFFFFF  }
0xad: {  	[dreg:$0x0] =	wrdreg $0x60  }
0xae: {  	[dreg:$0x2] =	wrdreg s24  }
0xaf: {  	[dreg:$0x3] =	wrdreg s2  }
0xb0: {  	[dreg:$0x4] =	wrdreg $0xA0000  }
0xb1: {  	[dreg:$0x5] =	wrdreg $0x0  }
0xb2: {  	[dreg:$0x6] =	wrdreg $0x9  }
0xb3: {  	_ =	task.clear_ibuf [dreg:s7], $0x7FFFF;
	_ =	strace $0x90000049  }
0xb4: {  	s29 =	simm.s32 $0x9;
	_ =	strace $0x8000004B  }
0xb5: {  	_ =	swait.ge [sflag:s29], $0x1  }
0xb6: {  	[sflag:s29] =	ssyncadd.s32 $0xFFFFFFFF  }
0xb7: {  	_ =	strace $0x9000004B  }
0xb8: {  	_ =	sfence  }
0xb9: {  	s30 =	sld [smem:$0x0];
	_ =	sdelay $0x2  }
0xba: {  	s31 =	sshll.u32 s1, $0xD;
	s1 =	sshrl.u32 s1, $0x2  }
0xbb: {  	s3 =	sand.u32 $0x4000, s31;
	s1 =	sadd.s32 s1, s30  }
0xbc: {  	s0 =	sor.u32 s3, s0;
	s1 =	sshll.u32 s1, $0x11  }
0xbd: {  	s0 =	sor.u32 s1, s0  }
0xbe: {  	s0 =	sadd.s32 $0x8F2B, s0  }
0xbf: {  	[sflag:s0] =	ssyncadd.remote.s32 $0x1  }
0xc0: {  	_ =	sfence.sel $0xFFFF  }
0xc1: {  	[dreg:$0x0] =	wrdreg $0xFFFFFFFF;
	(pc) =	sbr.abs _section_cstart, $3  }
0xc2: {  	[dreg:$0x1] =	wrdreg $0xFFFFFFFF  }
0xc3: {  	_ =	task.clear_ibuf [dreg:s7], $0x2FFFF;
	_ =	strace $0x9FFFFFFF  }
0xc4: {  	(tm) =	ssettm $0x7FFFFFFF  }
0xc5: {  	_ =	shalt  }
tec
execute0_lowered:
.L_overlay_start_1:
0x0: {  	(tag) =	ssettag $0x1  }
0x1: {  	s0 =	srdreg.scid  }
0x2: {  	s25 =	stileid.u32;
	s9 =	rddreg [dreg:$0x0]  }
0x3: {  	s11 =	sand.u32 $0x1, s0;
	s7 =	smul.u32 $0x280, s25;
	s12 =	sadd.s32 $0x52400, s9  }
0x4: {  	s0 =	ssub.s32 $0x2, s11;
	s19 =	smul.u32 $0xA0000, s11;
	s11 =	sshll.u32 s11, $0x6  }
0x5: {  	s1 =	sshrl.u32 s0, $0x1;
	s14 =	sor.u32 $0x40, s7;
	s15 =	sadd.s32 $0x80, s7  }
0x6: {  	s16 =	sadd.s32 $0xC0, s7;
	s17 =	sadd.s32 $0x100, s7;
	s18 =	sadd.s32 $0x140, s7  }
0x7: {  	s20 =	sadd.s32 $0x180, s7;
	s21 =	sadd.s32 $0x1C0, s7;
	s22 =	sadd.s32 $0x200, s7  }
0x8: {  	s23 =	sadd.s32 $0x240, s7;
	s2 =	ssub.s32 s0, s1;
	s0 =	smul.u32 $0xA000, s25  }
0x9: {  	s5 =	sshll.u32 s14, $0x6;
	s3 =	sshll.u32 s15, $0x6;
	s1 =	sshll.u32 s16, $0x6  }
0xa: {  	s6 =	sshll.u32 s17, $0x6;
	s4 =	sshll.u32 s18, $0x6;
	s14 =	sshll.u32 s14, $0x7  }
0xb: {  	s15 =	sshll.u32 s15, $0x7;
	s16 =	sshll.u32 s16, $0x7;
	s17 =	sshll.u32 s17, $0x7  }
0xc: {  	s18 =	sshll.u32 s18, $0x7;
	s13 =	sadd.s32 s19, s5;
	s26 =	sadd.s32 s19, s3  }
0xd: {  	s14 =	sor.u32 s11, s14;
	s15 =	sor.u32 s11, s15;
	s16 =	sor.u32 s11, s16  }
0xe: {  	s17 =	sor.u32 s11, s17;
	s18 =	sor.u32 s11, s18;
	s8 =	sadd.s32 s0, s19  }
0xf: {  	s24 =	sshrl.u32 s13, $0x3;
	s13 =	sadd.s32 s19, s1;
	s10 =	sshrl.u32 s8, $0x3  }
0x10: {  	s14 =	sshrl.u32 s14, $0x3;
	s7 =	sadd.s32 s12, s10;
	s10 =	sshrl.u32 s26, $0x3  }
0x11: {  	s26 =	sadd.s32 s19, s6;
	[dreg:$0x5] =	wrdreg s7;
	s7 =	sadd.s32 s12, s24  }
0x12: {  	s24 =	sshrl.u32 s13, $0x3;
	[dreg:$0x6] =	wrdreg s7;
	s7 =	sadd.s32 s12, s10  }
0x13: {  	s10 =	sshrl.u32 s26, $0x3;
	[dreg:$0x7] =	wrdreg s7;
	s7 =	sadd.s32 s12, s24  }
0x14: {  	s13 =	sadd.s32 s19, s4;
	[dreg:$0x8] =	wrdreg s7;
	s7 =	sadd.s32 s12, s10  }
0x15: {  	s8 =	sshrl.u32 s13, $0x3;
	[dreg:$0x9] =	wrdreg s7;
	s7 =	sshll.u32 s20, $0x6  }
0x16: {  	s15 =	sshrl.u32 s15, $0x3;
	s8 =	sadd.s32 s12, s8;
	s10 =	sadd.s32 s19, s7  }
0x17: {  	[dreg:$0xa] =	wrdreg s8;
	s8 =	sshll.u32 s21, $0x6;
	s13 =	sshrl.u32 s10, $0x3  }
0x18: {  	s24 =	sadd.s32 s19, s8;
	s10 =	sshll.u32 s22, $0x6;
	s13 =	sadd.s32 s12, s13  }
0x19: {  	s24 =	sshrl.u32 s24, $0x3;
	s26 =	sadd.s32 s19, s10;
	[dreg:$0xb] =	wrdreg s13  }
0x1a: {  	s13 =	sadd.s32 s12, s24;
	s24 =	sshrl.u32 s26, $0x3;
	s26 =	smul.u32 $0x14000, s25  }
0x1b: {  	s21 =	sshll.u32 s21, $0x7;
	s20 =	sshll.u32 s20, $0x7;
	s25 =	smul.u32 $0x9F0, s25  }
0x1c: {  	[dreg:$0xc] =	wrdreg s13;
	s13 =	sshll.u32 s23, $0x6;
	s24 =	sadd.s32 s12, s24  }
0x1d: {  	s22 =	sshll.u32 s22, $0x7;
	[dreg:$0xd] =	wrdreg s24;
	s19 =	sadd.s32 s19, s13  }
0x1e: {  	s26 =	sor.u32 s11, s26;
	s24 =	sshll.u32 s23, $0x7;
	s25 =	sadd.s32 s25, s9  }
0x1f: {  	s9 =	sadd.s32 $0x2400, s9;
	s19 =	sshrl.u32 s19, $0x3;
	s24 =	sor.u32 s11, s24  }
0x20: {  	s12 =	sadd.s32 s12, s19;
	s19 =	sor.u32 s11, s20;
	s20 =	sor.u32 s11, s21  }
0x21: {  	s21 =	sor.u32 s11, s22;
	s11 =	simm.s32 $0x0;
	[dreg:$0xe] =	wrdreg s12  }
0x22: {  	[smem:$0x7FF] =	sst s11;
	s12 =	sshrl.u32 s26, $0x3;
	s26 =	sadd.s32 s9, s14  }
0x23: {  	s14 =	sadd.s32 s9, s15;
	s15 =	sshrl.u32 s16, $0x3;
	[dreg:$0x10] =	wrdreg s26  }
0x24: {  	s16 =	sshrl.u32 s17, $0x3;
	s12 =	sadd.s32 s9, s12;
	[dreg:$0x11] =	wrdreg s14  }
0x25: {  	s17 =	sshrl.u32 s18, $0x3;
	s18 =	sadd.s32 s9, s16;
	[dreg:$0xf] =	wrdreg s12  }
0x26: {  	s28 =	simm.s32 $0x1;
	s22 =	sadd.s32 s9, s17;
	[dreg:$0x13] =	wrdreg s18  }
0x27: {  	s30 =	simm.s32 $0x2;
	s23 =	sshrl.u32 s19, $0x3;
	[dreg:$0x14] =	wrdreg s22  }
0x28: {  	s26 =	sshrl.u32 s20, $0x3;
	s12 =	sadd.s32 s9, s15;
	s22 =	rddreg [dreg:$0x2]  }
0x29: {  	s16 =	sshrl.u32 s24, $0x3;
	s14 =	sadd.s32 s9, s26;
	[dreg:$0x12] =	wrdreg s12  }
0x2a: {  	s15 =	sshrl.u32 s21, $0x3;
	s12 =	sadd.s32 s9, s23;
	[dreg:$0x16] =	wrdreg s14  }
0x2b: {  	s23 =	rddreg [dreg:$0x3];
	s26 =	sadd.s32 s0, s22;
	s29 =	sadd.s32 s5, s22  }
0x2c: {  	s31 =	sadd.s32 s3, s22;
	s14 =	sadd.s32 $0x7A800, s25;
	[dreg:$0x15] =	wrdreg s12  }
0x2d: {  	s12 =	sadd.s32 s9, s15;
	s9 =	sadd.s32 s9, s16;
	s0 =	sadd.s32 s0, s23  }
0x2e: {  	s17 =	sadd.s32 s5, s23;
	s18 =	sadd.s32 s3, s23;
	[dreg:$0x17] =	wrdreg s12  }
0x2f: {  	s19 =	sadd.s32 s6, s23;
	s3 =	sadd.s32 s4, s22;
	[dreg:$0x18] =	wrdreg s9  }
0x30: {  	s4 =	sadd.s32 s4, s23;
	_ =	strace $0x8000004A;
	[dreg:$0x19] =	wrdreg s0  }
0x31: {  	s5 =	sadd.s32 s7, s22;
	s20 =	sadd.s32 s7, s23;
	[dreg:$0x1a] =	wrdreg s17  }
0x32: {  	s7 =	sadd.s32 s8, s22;
	s21 =	sadd.s32 s8, s23;
	[dreg:$0x1b] =	wrdreg s18  }
0x33: {  	s24 =	sadd.s32 s10, s23;
	s15 =	sadd.s32 $0x84800, s25;
	[dreg:$0x1d] =	wrdreg s19  }
0x34: {  	s16 =	smax.u32 s2, $0x1;
	s25 =	simm.s32 $0x40;
	[dreg:$0x1e] =	wrdreg s4  }
0x35: {  	s2 =	simm.s32 $0x80;
	s9 =	sadd.s32 s10, s22;
	[dreg:$0x1f] =	wrdreg s20  }
0x36: {  	s12 =	sadd.s32 s13, s22;
	s13 =	sadd.s32 s13, s23;
	[smem:$0x7FC] =	sst s21  }
0x37: {  	s0 =	sadd.s32 s1, s22;
	s1 =	sadd.s32 s1, s23;
	[smem:$0x7FD] =	sst s24  }
0x38: {  	s17 =	simm.s32 $0x1DF00;
	s19 =	simm.s32 $0x5;
	s20 =	simm.s32 $0x1EF00  }
0x39: {  	s24 =	simm.s32 $0x14000;
	s21 =	simm.s32 $0x3;
	s18 =	simm.s32 $0x4  }
0x3a: {  	s4 =	simm.s32 $0x0;
	[dreg:$0x1c] =	wrdreg s1;
	s1 =	sadd.s32 s6, s22  }
.LBB2_1:
0x3b: {  	s6 =	rddreg [dreg:$0x1]  }
0x3c: {  	[tilespmem:s17], [sflag:$0x5] =	stream.linear.gather [hbm4b:s6+s11], $0x1000, $0x38;
	[tilespmem:$0x1FF00] =	vst v63  }
0x3d: {  	_ =	swait.ge [sflag:s19], $0x1000  }
0x3e: {  	[sflag:s19] =	ssyncset.done $0x0  }
0x3f: {  	[sflag:s19] =	ssyncadd.s32 $0xFFFFF000  }
0x40: {  	[spmem:s26] =	stream.linear.scatter [tilespmem:s17], [sflag:$0x5], $0x1000, $0x38;
	[tilespmem:$0x1FF00] =	vst v63  }
0x41: {  	_ =	swait.ge [sflag:s19], $0x1000  }
0x42: {  	[sflag:s19] =	ssyncset.done $0x0  }
0x43: {  	[sflag:s19] =	ssyncadd.s32 $0xFFFFF000  }
0x44: {  	[spmem:s29] =	stream.linear.scatter [tilespmem:s17], [sflag:$0x5], $0x1000, $0x38;
	[tilespmem:$0x1FF00] =	vst v63  }
0x45: {  	_ =	swait.ge [sflag:s19], $0x1000  }
0x46: {  	[sflag:s19] =	ssyncset.done $0x0  }
0x47: {  	[sflag:s19] =	ssyncadd.s32 $0xFFFFF000  }
0x48: {  	[spmem:s31] =	stream.linear.scatter [tilespmem:s17], [sflag:$0x5], $0x1000, $0x38;
	[tilespmem:$0x1FF00] =	vst v63  }
0x49: {  	_ =	swait.ge [sflag:s19], $0x1000  }
0x4a: {  	[sflag:s19] =	ssyncset.done $0x0  }
0x4b: {  	[sflag:s19] =	ssyncadd.s32 $0xFFFFF000  }
0x4c: {  	[spmem:s0] =	stream.linear.scatter [tilespmem:s17], [sflag:$0x5], $0x1000, $0x38;
	[tilespmem:$0x1FF00] =	vst v63  }
0x4d: {  	_ =	swait.ge [sflag:s19], $0x1000  }
0x4e: {  	[sflag:s19] =	ssyncset.done $0x0  }
0x4f: {  	[sflag:s19] =	ssyncadd.s32 $0xFFFFF000  }
0x50: {  	[spmem:s1] =	stream.linear.scatter [tilespmem:s17], [sflag:$0x5], $0x1000, $0x38;
	[tilespmem:$0x1FF00] =	vst v63  }
0x51: {  	_ =	swait.ge [sflag:s19], $0x1000  }
0x52: {  	[sflag:s19] =	ssyncset.done $0x0  }
0x53: {  	[sflag:s19] =	ssyncadd.s32 $0xFFFFF000  }
0x54: {  	[spmem:s3] =	stream.linear.scatter [tilespmem:s17], [sflag:$0x5], $0x1000, $0x38;
	[tilespmem:$0x1FF00] =	vst v63  }
0x55: {  	_ =	swait.ge [sflag:s19], $0x1000  }
0x56: {  	[sflag:s19] =	ssyncset.done $0x0  }
0x57: {  	[sflag:s19] =	ssyncadd.s32 $0xFFFFF000  }
0x58: {  	[spmem:s5] =	stream.linear.scatter [tilespmem:s17], [sflag:$0x5], $0x1000, $0x38;
	[tilespmem:$0x1FF00] =	vst v63  }
0x59: {  	_ =	swait.ge [sflag:s19], $0x1000  }
0x5a: {  	[sflag:s19] =	ssyncset.done $0x0  }
0x5b: {  	[sflag:s19] =	ssyncadd.s32 $0xFFFFF000  }
0x5c: {  	[spmem:s7] =	stream.linear.scatter [tilespmem:s17], [sflag:$0x5], $0x1000, $0x38;
	[tilespmem:$0x1FF00] =	vst v63  }
0x5d: {  	_ =	swait.ge [sflag:s19], $0x1000  }
0x5e: {  	[sflag:s19] =	ssyncset.done $0x0  }
0x5f: {  	[sflag:s19] =	ssyncadd.s32 $0xFFFFF000  }
0x60: {  	[spmem:s9] =	stream.linear.scatter [tilespmem:s17], [sflag:$0x5], $0x1000, $0x38;
	[tilespmem:$0x1FF00] =	vst v63  }
0x61: {  	_ =	swait.ge [sflag:s19], $0x1000  }
0x62: {  	[sflag:s19] =	ssyncset.done $0x0  }
0x63: {  	[sflag:s19] =	ssyncadd.s32 $0xFFFFF000  }
0x64: {  	[spmem:s12] =	stream.linear.scatter [tilespmem:s17], [sflag:$0x5], $0x1000, $0x38;
	[tilespmem:$0x1FF00] =	vst v63  }
0x65: {  	_ =	swait.ge [sflag:s19], $0x1000  }
0x66: {  	[sflag:s19] =	ssyncset.done $0x0  }
0x67: {  	s8 =	rddreg [dreg:$0x5];
	[sflag:s19] =	ssyncadd.s32 $0xFFFFF000  }
0x68: {  	[tilespmem:s20], [sflag:$0x5] =	stream.linear.gather [hbm4b:s8+s11], $0x1000, $0x38;
	[tilespmem:$0x1FF00] =	vst v63  }
0x69: {  	_ =	swait.ge [sflag:s19], $0x1000  }
0x6a: {  	[sflag:s19] =	ssyncset.done $0x0  }
0x6b: {  	s10 =	rddreg [dreg:$0x19];
	[sflag:s19] =	ssyncadd.s32 $0xFFFFF000  }
0x6c: {  	[spmem:s10] =	stream.linear.scatter [tilespmem:s20], [sflag:$0x5], $0x1000, $0x38;
	[tilespmem:$0x1FF00] =	vst v63  }
0x6d: {  	_ =	swait.ge [sflag:s19], $0x1000  }
0x6e: {  	[sflag:s19] =	ssyncset.done $0x0  }
0x6f: {  	s8 =	rddreg [dreg:$0x6];
	[sflag:s19] =	ssyncadd.s32 $0xFFFFF000  }
0x70: {  	[tilespmem:s20], [sflag:$0x5] =	stream.linear.gather [hbm4b:s8+s11], $0x1000, $0x38;
	[tilespmem:$0x1FF00] =	vst v63  }
0x71: {  	_ =	swait.ge [sflag:s19], $0x1000  }
0x72: {  	[sflag:s19] =	ssyncset.done $0x0  }
0x73: {  	s10 =	rddreg [dreg:$0x1a];
	[sflag:s19] =	ssyncadd.s32 $0xFFFFF000  }
0x74: {  	[spmem:s10] =	stream.linear.scatter [tilespmem:s20], [sflag:$0x5], $0x1000, $0x38;
	[tilespmem:$0x1FF00] =	vst v63  }
0x75: {  	_ =	swait.ge [sflag:s19], $0x1000  }
0x76: {  	[sflag:s19] =	ssyncset.done $0x0  }
0x77: {  	s8 =	rddreg [dreg:$0x7];
	[sflag:s19] =	ssyncadd.s32 $0xFFFFF000  }
0x78: {  	[tilespmem:s20], [sflag:$0x5] =	stream.linear.gather [hbm4b:s8+s11], $0x1000, $0x38;
	[tilespmem:$0x1FF00] =	vst v63  }
0x79: {  	_ =	swait.ge [sflag:s19], $0x1000  }
0x7a: {  	[sflag:s19] =	ssyncset.done $0x0  }
0x7b: {  	s10 =	rddreg [dreg:$0x1b];
	[sflag:s19] =	ssyncadd.s32 $0xFFFFF000  }
0x7c: {  	[spmem:s10] =	stream.linear.scatter [tilespmem:s20], [sflag:$0x5], $0x1000, $0x38;
	[tilespmem:$0x1FF00] =	vst v63  }
0x7d: {  	_ =	swait.ge [sflag:s19], $0x1000  }
0x7e: {  	[sflag:s19] =	ssyncset.done $0x0  }
0x7f: {  	s8 =	rddreg [dreg:$0x8];
	[sflag:s19] =	ssyncadd.s32 $0xFFFFF000  }
0x80: {  	[tilespmem:s20], [sflag:$0x5] =	stream.linear.gather [hbm4b:s8+s11], $0x1000, $0x38;
	[tilespmem:$0x1FF00] =	vst v63  }
0x81: {  	_ =	swait.ge [sflag:s19], $0x1000  }
0x82: {  	[sflag:s19] =	ssyncset.done $0x0  }
0x83: {  	s10 =	rddreg [dreg:$0x1c];
	[sflag:s19] =	ssyncadd.s32 $0xFFFFF000  }
0x84: {  	[spmem:s10] =	stream.linear.scatter [tilespmem:s20], [sflag:$0x5], $0x1000, $0x38;
	[tilespmem:$0x1FF00] =	vst v63  }
0x85: {  	_ =	swait.ge [sflag:s19], $0x1000  }
0x86: {  	[sflag:s19] =	ssyncset.done $0x0  }
0x87: {  	s8 =	rddreg [dreg:$0x9];
	[sflag:s19] =	ssyncadd.s32 $0xFFFFF000  }
0x88: {  	[tilespmem:s20], [sflag:$0x5] =	stream.linear.gather [hbm4b:s8+s11], $0x1000, $0x38;
	[tilespmem:$0x1FF00] =	vst v63  }
0x89: {  	_ =	swait.ge [sflag:s19], $0x1000  }
0x8a: {  	[sflag:s19] =	ssyncset.done $0x0  }
0x8b: {  	s10 =	rddreg [dreg:$0x1d];
	[sflag:s19] =	ssyncadd.s32 $0xFFFFF000  }
0x8c: {  	[spmem:s10] =	stream.linear.scatter [tilespmem:s20], [sflag:$0x5], $0x1000, $0x38;
	[tilespmem:$0x1FF00] =	vst v63  }
0x8d: {  	_ =	swait.ge [sflag:s19], $0x1000  }
0x8e: {  	[sflag:s19] =	ssyncset.done $0x0  }
0x8f: {  	s8 =	rddreg [dreg:$0xa];
	[sflag:s19] =	ssyncadd.s32 $0xFFFFF000  }
0x90: {  	[tilespmem:s20], [sflag:$0x5] =	stream.linear.gather [hbm4b:s8+s11], $0x1000, $0x38;
	[tilespmem:$0x1FF00] =	vst v63  }
0x91: {  	_ =	swait.ge [sflag:s19], $0x1000  }
0x92: {  	[sflag:s19] =	ssyncset.done $0x0  }
0x93: {  	s10 =	rddreg [dreg:$0x1e];
	[sflag:s19] =	ssyncadd.s32 $0xFFFFF000  }
0x94: {  	[spmem:s10] =	stream.linear.scatter [tilespmem:s20], [sflag:$0x5], $0x1000, $0x38;
	[tilespmem:$0x1FF00] =	vst v63  }
0x95: {  	_ =	swait.ge [sflag:s19], $0x1000  }
0x96: {  	[sflag:s19] =	ssyncset.done $0x0  }
0x97: {  	s8 =	rddreg [dreg:$0xb];
	[sflag:s19] =	ssyncadd.s32 $0xFFFFF000  }
0x98: {  	[tilespmem:s20], [sflag:$0x5] =	stream.linear.gather [hbm4b:s8+s11], $0x1000, $0x38;
	[tilespmem:$0x1FF00] =	vst v63  }
0x99: {  	_ =	swait.ge [sflag:s19], $0x1000  }
0x9a: {  	[sflag:s19] =	ssyncset.done $0x0  }
0x9b: {  	s10 =	rddreg [dreg:$0x1f];
	[sflag:s19] =	ssyncadd.s32 $0xFFFFF000  }
0x9c: {  	[spmem:s10] =	stream.linear.scatter [tilespmem:s20], [sflag:$0x5], $0x1000, $0x38;
	[tilespmem:$0x1FF00] =	vst v63  }
0x9d: {  	_ =	swait.ge [sflag:s19], $0x1000  }
0x9e: {  	[sflag:s19] =	ssyncset.done $0x0  }
0x9f: {  	s8 =	rddreg [dreg:$0xc];
	[sflag:s19] =	ssyncadd.s32 $0xFFFFF000  }
0xa0: {  	[tilespmem:s20], [sflag:$0x5] =	stream.linear.gather [hbm4b:s8+s11], $0x1000, $0x38;
	[tilespmem:$0x1FF00] =	vst v63  }
0xa1: {  	_ =	swait.ge [sflag:s19], $0x1000  }
0xa2: {  	s10 =	sld [smem:$0x7FC]  }
0xa3: {  	[sflag:s19] =	ssyncset.done $0x0  }
0xa4: {  	[sflag:s19] =	ssyncadd.s32 $0xFFFFF000  }
0xa5: {  	[spmem:s10] =	stream.linear.scatter [tilespmem:s20], [sflag:$0x5], $0x1000, $0x38;
	[tilespmem:$0x1FF00] =	vst v63  }
0xa6: {  	_ =	swait.ge [sflag:s19], $0x1000  }
0xa7: {  	[sflag:s19] =	ssyncset.done $0x0  }
0xa8: {  	s8 =	rddreg [dreg:$0xd];
	[sflag:s19] =	ssyncadd.s32 $0xFFFFF000  }
0xa9: {  	[tilespmem:s20], [sflag:$0x5] =	stream.linear.gather [hbm4b:s8+s11], $0x1000, $0x38;
	[tilespmem:$0x1FF00] =	vst v63  }
0xaa: {  	_ =	swait.ge [sflag:s19], $0x1000  }
0xab: {  	s10 =	sld [smem:$0x7FD]  }
0xac: {  	[sflag:s19] =	ssyncset.done $0x0  }
0xad: {  	[sflag:s19] =	ssyncadd.s32 $0xFFFFF000  }
0xae: {  	[spmem:s10] =	stream.linear.scatter [tilespmem:s20], [sflag:$0x5], $0x1000, $0x38;
	[tilespmem:$0x1FF00] =	vst v63  }
0xaf: {  	_ =	swait.ge [sflag:s19], $0x1000  }
0xb0: {  	[sflag:s19] =	ssyncset.done $0x0  }
0xb1: {  	s8 =	rddreg [dreg:$0xe];
	[sflag:s19] =	ssyncadd.s32 $0xFFFFF000  }
0xb2: {  	[tilespmem:s20], [sflag:$0x5] =	stream.linear.gather [hbm4b:s8+s11], $0x1000, $0x38;
	[tilespmem:$0x1FF00] =	vst v63  }
0xb3: {  	_ =	swait.ge [sflag:s19], $0x1000  }
0xb4: {  	[sflag:s19] =	ssyncset.done $0x0  }
0xb5: {  	[sflag:s19] =	ssyncadd.s32 $0xFFFFF000  }
0xb6: {  	[spmem:s13] =	stream.linear.scatter [tilespmem:s20], [sflag:$0x5], $0x1000, $0x38;
	[tilespmem:$0x1FF00] =	vst v63  }
0xb7: {  	_ =	swait.ge [sflag:s19], $0x1000  }
0xb8: {  	[sflag:s19] =	ssyncset.done $0x0  }
0xb9: {  	[sflag:s19] =	ssyncadd.s32 $0xFFFFF000  }
0xba: {  	[tilespmem:s24], [sflag:$0x5] =	stream.linear.gather [hbm4b:s14+s11], $0x4F80, $0x38;
	[tilespmem:$0x1FF00] =	vst v63  }
0xbb: {  	_ =	swait.ge [sflag:s19], $0x4F80  }
0xbc: {  	[sflag:s19] =	ssyncset.done $0x0  }
0xbd: {  	s10 =	simm.s32 $0x18F80;
	[sflag:s19] =	ssyncadd.s32 $0xFFFFB080  }
0xbe: {  	[tilespmem:s10], [sflag:$0x5] =	stream.linear.gather [hbm4b:s15+s11], $0x4F80, $0x38;
	[tilespmem:$0x1FF00] =	vst v63  }
0xbf: {  	_ =	swait.ge [sflag:s19], $0x4F80  }
0xc0: {  	[sflag:s19] =	ssyncset.done $0x0  }
0xc1: {  	[sflag:s19] =	ssyncadd.s32 $0xFFFFB080  }
0xc2: {  	[bflag:$0x0] =	sbarrier.arrive $0xFFFF  }
0xc3: {  	[tilespmem:s17], [sflag:$0x1] =	stream.indirect.gather [spmem:s23], $0x40, s24, s25, $0xb8;
	[tilespmem:$0x1FF00] =	vst v63  }
0xc4: {  	s8 =	simm.s32 $0x14040  }
0xc5: {  	[tilespmem:s20], [sflag:$0x2] =	stream.indirect.gather [spmem:s23], $0x40, s8, s25, $0xb8;
	[tilespmem:$0x1FF00] =	vst v63  }
0xc6: {  	_ =	swait.ge [sflag:s28], $0x1000  }
0xc7: {  	[sflag:s28] =	ssyncset.done $0x0  }
0xc8: {  	s10 =	simm.s32 $0x18F80;
	[sflag:s28] =	ssyncadd.s32 $0xFFFFF000  }
0xc9: {  	[spmem:s22] =	stream.indirect.scatter.add.f32 [tilespmem:s17], [sflag:$0x3], $0x40, s10, s25, $0xb8;
	[tilespmem:$0x1FF00] =	vst v63  }
0xca: {  	_ =	swait.ge [sflag:s30], $0x1000  }
0xcb: {  	[sflag:s30] =	ssyncset.done $0x0  }
0xcc: {  	s8 =	simm.s32 $0x18FC0;
	[sflag:s30] =	ssyncadd.s32 $0xFFFFF000  }
0xcd: {  	[spmem:s22] =	stream.indirect.scatter.add.f32 [tilespmem:s20], [sflag:$0x4], $0x40, s8, s25, $0xb8;
	[tilespmem:$0x1FF00] =	vst v63  }
0xce: {  	_ =	swait.ge [sflag:s21], $0x1000  }
0xcf: {  	[sflag:s21] =	ssyncset.done $0x0  }
0xd0: {  	s10 =	simm.s32 $0x14080;
	[sflag:s21] =	ssyncadd.s32 $0xFFFFF000  }
0xd1: {  	[tilespmem:s17], [sflag:$0x1] =	stream.indirect.gather [spmem:s23], $0x40, s10, s25, $0xb8;
	[tilespmem:$0x1FF00] =	vst v63  }
0xd2: {  	_ =	swait.ge [sflag:s18], $0x1000  }
0xd3: {  	[sflag:s18] =	ssyncset.done $0x0  }
0xd4: {  	s6 =	simm.s32 $0x200;
	s8 =	simm.s32 $0x140C0;
	[sflag:s18] =	ssyncadd.s32 $0xFFFFF000  }
.LBB2_2:
0xd5: {  	[tilespmem:s20], [sflag:$0x2] =	stream.indirect.gather [spmem:s23], $0x40, s8, s25, $0xb8;
	[tilespmem:$0x1FF00] =	vst v63  }
0xd6: {  	s8 =	smov.u32 s6  }
0xd7: {  	p0 =	sne.s32 s6, $0x13A00;
	s6 =	sadd.s32 $0x200, s6;
	_ =	swait.ge [sflag:s28], $0x1000  }
0xd8: {  	s8 =	sshra.s32 s8, $0x2;
	[sflag:s28] =	ssyncset.done $0x0  }
0xd9: {  	s10 =	sadd.s32 $0x18F80, s8;
	[sflag:s28] =	ssyncadd.s32 $0xFFFFF000  }
0xda: {  	[spmem:s22] =	stream.indirect.scatter.add.f32 [tilespmem:s17], [sflag:$0x3], $0x40, s10, s25, $0xb8;
	[tilespmem:$0x1FF00] =	vst v63  }
0xdb: {  	_ =	swait.ge [sflag:s30], $0x1000  }
0xdc: {  	[sflag:s30] =	ssyncset.done $0x0  }
0xdd: {  	s10 =	sadd.s32 $0x18FC0, s8;
	[sflag:s30] =	ssyncadd.s32 $0xFFFFF000  }
0xde: {  	[spmem:s22] =	stream.indirect.scatter.add.f32 [tilespmem:s20], [sflag:$0x4], $0x40, s10, s25, $0xb8;
	[tilespmem:$0x1FF00] =	vst v63  }
0xdf: {  	_ =	swait.ge [sflag:s21], $0x1000  }
0xe0: {  	[sflag:s21] =	ssyncset.done $0x0  }
.Ltmp0:
0xe1: {  	s10 =	sadd.s32 $0x14080, s8;
	[sflag:s21] =	ssyncadd.s32 $0xFFFFF000;
	(pc) =	sbr.rel @p0 .LBB2_2-.Ltmp0, $4  }
0xe2: {  	[tilespmem:s17], [sflag:$0x1] =	stream.indirect.gather [spmem:s23], $0x40, s10, s25, $0xb8;
	[tilespmem:$0x1FF00] =	vst v63  }
0xe3: {  	_ =	swait.ge [sflag:s18], $0x1000  }
0xe4: {  	[sflag:s18] =	ssyncset.done $0x0  }
0xe5: {  	s8 =	sadd.s32 $0x140C0, s8;
	[sflag:s18] =	ssyncadd.s32 $0xFFFFF000  }
0xe6: {  	[tilespmem:s20], [sflag:$0x2] =	stream.indirect.gather [spmem:s23], $0x40, s8, s25, $0xb8;
	[tilespmem:$0x1FF00] =	vst v63  }
0xe7: {  	_ =	swait.ge [sflag:s28], $0x1000  }
0xe8: {  	[sflag:s28] =	ssyncset.done $0x0  }
0xe9: {  	s6 =	simm.s32 $0x1DE80;
	[sflag:s28] =	ssyncadd.s32 $0xFFFFF000  }
0xea: {  	[spmem:s22] =	stream.indirect.scatter.add.f32 [tilespmem:s17], [sflag:$0x3], $0x40, s6, s25, $0xb8;
	[tilespmem:$0x1FF00] =	vst v63  }
0xeb: {  	_ =	swait.ge [sflag:s30], $0x1000  }
0xec: {  	[sflag:s30] =	ssyncset.done $0x0  }
0xed: {  	s10 =	simm.s32 $0x1DEC0;
	[sflag:s30] =	ssyncadd.s32 $0xFFFFF000  }
0xee: {  	[spmem:s22] =	stream.indirect.scatter.add.f32 [tilespmem:s20], [sflag:$0x4], $0x40, s10, s25, $0xb8;
	[tilespmem:$0x1FF00] =	vst v63  }
0xef: {  	_ =	swait.ge [sflag:s21], $0x1000  }
0xf0: {  	[sflag:s21] =	ssyncset.done $0x0  }
0xf1: {  	[sflag:s21] =	ssyncadd.s32 $0xFFFFF000  }
0xf2: {  	_ =	swait.ge [sflag:s18], $0x1000  }
0xf3: {  	[sflag:s18] =	ssyncset.done $0x0  }
0xf4: {  	[sflag:s18] =	ssyncadd.s32 $0xFFFFF000  }
0xf5: {  	[bflag:$0x0] =	sbarrier.arrive $0xFFFF  }
0xf6: {  	[tilespmem:s17], [sflag:$0x5] =	stream.linear.gather [spmem:s26], $0x1000, $0x38;
	[tilespmem:$0x1FF00] =	vst v63  }
0xf7: {  	_ =	swait.ge [sflag:s19], $0x1000  }
0xf8: {  	[sflag:s19] =	ssyncset.done $0x0  }
0xf9: {  	s8 =	rddreg [dreg:$0xf];
	[sflag:s19] =	ssyncadd.s32 $0xFFFFF000  }
0xfa: {  	[hbm4b:s8+s25] =	stream.strided.scatter [tilespmem:s17], [sflag:$0x1], $0x1000, s2, s25, $0x38;
	[tilespmem:$0x1FF00] =	vst v63  }
0xfb: {  	_ = 	snop  }
0xfc: {  	[tilespmem:s20], [sflag:$0x5] =	stream.linear.gather [spmem:s29], $0x1000, $0x38;
	[tilespmem:$0x1FF00] =	vst v63  }
0xfd: {  	_ =	swait.ge [sflag:s19], $0x1000  }
0xfe: {  	[sflag:s19] =	ssyncset.done $0x0  }
0xff: {  	s10 =	rddreg [dreg:$0x10];
	[sflag:s19] =	ssyncadd.s32 $0xFFFFF000  }
0x100: {  	[hbm4b:s10+s25] =	stream.strided.scatter [tilespmem:s20], [sflag:$0x2], $0x1000, s2, s25, $0x38;
	[tilespmem:$0x1FF00] =	vst v63  }
0x101: {  	_ =	swait.ge [sflag:s28], $0x1000  }
0x102: {  	[sflag:s28] =	ssyncset.done $0x0  }
0x103: {  	[sflag:s28] =	ssyncadd.s32 $0xFFFFF000  }
0x104: {  	[tilespmem:s17], [sflag:$0x5] =	stream.linear.gather [spmem:s31], $0x1000, $0x38;
	[tilespmem:$0x1FF00] =	vst v63  }
0x105: {  	_ =	swait.ge [sflag:s19], $0x1000  }
0x106: {  	[sflag:s19] =	ssyncset.done $0x0  }
0x107: {  	s8 =	rddreg [dreg:$0x11];
	[sflag:s19] =	ssyncadd.s32 $0xFFFFF000  }
0x108: {  	[hbm4b:s8+s25] =	stream.strided.scatter [tilespmem:s17], [sflag:$0x1], $0x1000, s2, s25, $0x38;
	[tilespmem:$0x1FF00] =	vst v63  }
0x109: {  	_ =	swait.ge [sflag:s30], $0x1000  }
0x10a: {  	[sflag:s30] =	ssyncset.done $0x0  }
0x10b: {  	[sflag:s30] =	ssyncadd.s32 $0xFFFFF000  }
0x10c: {  	[tilespmem:s20], [sflag:$0x5] =	stream.linear.gather [spmem:s0], $0x1000, $0x38;
	[tilespmem:$0x1FF00] =	vst v63  }
0x10d: {  	_ =	swait.ge [sflag:s19], $0x1000  }
0x10e: {  	[sflag:s19] =	ssyncset.done $0x0  }
0x10f: {  	s10 =	rddreg [dreg:$0x12];
	[sflag:s19] =	ssyncadd.s32 $0xFFFFF000  }
0x110: {  	[hbm4b:s10+s25] =	stream.strided.scatter [tilespmem:s20], [sflag:$0x2], $0x1000, s2, s25, $0x38;
	[tilespmem:$0x1FF00] =	vst v63  }
0x111: {  	_ =	swait.ge [sflag:s28], $0x1000  }
0x112: {  	[sflag:s28] =	ssyncset.done $0x0  }
0x113: {  	[sflag:s28] =	ssyncadd.s32 $0xFFFFF000  }
0x114: {  	[tilespmem:s17], [sflag:$0x5] =	stream.linear.gather [spmem:s1], $0x1000, $0x38;
	[tilespmem:$0x1FF00] =	vst v63  }
0x115: {  	_ =	swait.ge [sflag:s19], $0x1000  }
0x116: {  	[sflag:s19] =	ssyncset.done $0x0  }
0x117: {  	s8 =	rddreg [dreg:$0x13];
	[sflag:s19] =	ssyncadd.s32 $0xFFFFF000  }
0x118: {  	[hbm4b:s8+s25] =	stream.strided.scatter [tilespmem:s17], [sflag:$0x1], $0x1000, s2, s25, $0x38;
	[tilespmem:$0x1FF00] =	vst v63  }
0x119: {  	_ =	swait.ge [sflag:s30], $0x1000  }
0x11a: {  	[sflag:s30] =	ssyncset.done $0x0  }
0x11b: {  	[sflag:s30] =	ssyncadd.s32 $0xFFFFF000  }
0x11c: {  	[tilespmem:s20], [sflag:$0x5] =	stream.linear.gather [spmem:s3], $0x1000, $0x38;
	[tilespmem:$0x1FF00] =	vst v63  }
0x11d: {  	_ =	swait.ge [sflag:s19], $0x1000  }
0x11e: {  	[sflag:s19] =	ssyncset.done $0x0  }
0x11f: {  	s10 =	rddreg [dreg:$0x14];
	[sflag:s19] =	ssyncadd.s32 $0xFFFFF000  }
0x120: {  	[hbm4b:s10+s25] =	stream.strided.scatter [tilespmem:s20], [sflag:$0x2], $0x1000, s2, s25, $0x38;
	[tilespmem:$0x1FF00] =	vst v63  }
0x121: {  	_ =	swait.ge [sflag:s28], $0x1000  }
0x122: {  	[sflag:s28] =	ssyncset.done $0x0  }
0x123: {  	[sflag:s28] =	ssyncadd.s32 $0xFFFFF000  }
0x124: {  	[tilespmem:s17], [sflag:$0x5] =	stream.linear.gather [spmem:s5], $0x1000, $0x38;
	[tilespmem:$0x1FF00] =	vst v63  }
0x125: {  	_ =	swait.ge [sflag:s19], $0x1000  }
0x126: {  	[sflag:s19] =	ssyncset.done $0x0  }
0x127: {  	s8 =	rddreg [dreg:$0x15];
	[sflag:s19] =	ssyncadd.s32 $0xFFFFF000  }
0x128: {  	[hbm4b:s8+s25] =	stream.strided.scatter [tilespmem:s17], [sflag:$0x1], $0x1000, s2, s25, $0x38;
	[tilespmem:$0x1FF00] =	vst v63  }
0x129: {  	_ =	swait.ge [sflag:s30], $0x1000  }
0x12a: {  	[sflag:s30] =	ssyncset.done $0x0  }
0x12b: {  	[sflag:s30] =	ssyncadd.s32 $0xFFFFF000  }
0x12c: {  	[tilespmem:s20], [sflag:$0x5] =	stream.linear.gather [spmem:s7], $0x1000, $0x38;
	[tilespmem:$0x1FF00] =	vst v63  }
0x12d: {  	_ =	swait.ge [sflag:s19], $0x1000  }
0x12e: {  	[sflag:s19] =	ssyncset.done $0x0  }
0x12f: {  	s10 =	rddreg [dreg:$0x16];
	[sflag:s19] =	ssyncadd.s32 $0xFFFFF000  }
0x130: {  	[hbm4b:s10+s25] =	stream.strided.scatter [tilespmem:s20], [sflag:$0x2], $0x1000, s2, s25, $0x38;
	[tilespmem:$0x1FF00] =	vst v63  }
0x131: {  	_ =	swait.ge [sflag:s28], $0x1000  }
0x132: {  	[sflag:s28] =	ssyncset.done $0x0  }
0x133: {  	[sflag:s28] =	ssyncadd.s32 $0xFFFFF000  }
0x134: {  	[tilespmem:s17], [sflag:$0x5] =	stream.linear.gather [spmem:s9], $0x1000, $0x38;
	[tilespmem:$0x1FF00] =	vst v63  }
0x135: {  	_ =	swait.ge [sflag:s19], $0x1000  }
0x136: {  	[sflag:s19] =	ssyncset.done $0x0  }
0x137: {  	s8 =	rddreg [dreg:$0x17];
	[sflag:s19] =	ssyncadd.s32 $0xFFFFF000  }
0x138: {  	[hbm4b:s8+s25] =	stream.strided.scatter [tilespmem:s17], [sflag:$0x1], $0x1000, s2, s25, $0x38;
	[tilespmem:$0x1FF00] =	vst v63  }
0x139: {  	_ =	swait.ge [sflag:s30], $0x1000  }
0x13a: {  	[sflag:s30] =	ssyncset.done $0x0  }
0x13b: {  	[sflag:s30] =	ssyncadd.s32 $0xFFFFF000  }
0x13c: {  	[tilespmem:s20], [sflag:$0x5] =	stream.linear.gather [spmem:s12], $0x1000, $0x38;
	[tilespmem:$0x1FF00] =	vst v63  }
0x13d: {  	_ =	swait.ge [sflag:s19], $0x1000  }
0x13e: {  	[sflag:s19] =	ssyncset.done $0x0  }
0x13f: {  	s4 =	sadd.s32 $0x1, s4;
	s10 =	rddreg [dreg:$0x18];
	[sflag:s19] =	ssyncadd.s32 $0xFFFFF000  }
0x140: {  	[hbm4b:s10+s25] =	stream.strided.scatter [tilespmem:s20], [sflag:$0x2], $0x1000, s2, s25, $0x38;
	[tilespmem:$0x1FF00] =	vst v63  }
0x141: {  	p0 =	sne.s32 s4, s16;
	_ =	swait.ge [sflag:s28], $0x1000  }
.Ltmp1:
0x142: {  	[sflag:s28] =	ssyncset.done $0x0;
	(pc) =	sbr.rel @p0 .LBB2_1-.Ltmp1, $4  }
0x143: {  	[sflag:s28] =	ssyncadd.s32 $0xFFFFF000  }
0x144: {  	_ =	swait.ge [sflag:s30], $0x1000  }
0x145: {  	[sflag:s30] =	ssyncset.done $0x0  }
0x146: {  	[sflag:s30] =	ssyncadd.s32 $0xFFFFF000  }
0x147: {  	_ =	sfence.sel $0x180000  }
0x148: {  	[bflag:$0x0] =	sbarrier.arrive $0xFFFF  }
0x149: {  	_ =	strace $0x9000004A  }
0x14a: {  	s0 =	stileid.u32;
	[bflag:$0x2] =	sbarrier.arrive $0xFFFF  }
0x14b: {  	p0 =	sne.s32 s0, $0x0;
	s0 =	rddreg [dreg:$0x4]  }
0x14c: {  	s0 =	sadd.s32 @!p0 $0x100000, s0  }
0x14d: {  	[sflag:s0] =	ssyncadd.tile.s32 @!p0 $0x1;
	_ =	shalt  }
.Lfunc_end2:
_tile_overlayer_lowered:
.L_overlay_start_2:
0x14e: {  	(tag) =	ssettag $0x2  }
0x14f: {  	s0 =	rddreg [dreg:$0x0];
	s2 =	stileid.u32  }
0x150: {  	s1 =	rddreg [dreg:$0x1];
	p0 =	sne.s32 s2, $0x0  }
0x151: {  	s3 =	rddreg [dreg:$0x2];
	[bflag:$0x3] =	sbarrier.arrive $0xFFFF;
	s2 =	simm.s32 @!p0 $0x1C05  }
0x152: {  	[timem:s3], [sflag:s2] =	dma.local @!p0 [hbm:s0], s1  }
0x153: {  	s0 =	simm.s32 @!p0 $0x5  }
0x154: {  	_ =	swait.ge @!p0 [sflag:s0], s1  }
0x155: {  	s1 =	ssub.s32 @!p0 $0x0, s1;
	[sflag:s0] =	ssyncset.done @!p0 $0x0  }
0x156: {  	[sflag:s0] =	ssyncadd.s32 @!p0 s1  }
0x157: {  	[bflag:$0x3] =	sbarrier.arrive $0xFFFF  }
0x158: {  	_ =	shalt  }

</sc_bundles>
